<compile_context>
chip_gen: v7x
topology: tpu7x:2x2x1
jax: 0.10.2.dev20260603
libtpu: 0.0.44.dev20260713+nightly
codegen_flags: <defaults>
</compile_context>

<pallas_src>
import jax
import jax.numpy as jnp
from jax import lax
from jax.experimental import pallas as pl
from jax.experimental.pallas import tpu as pltpu
from jax.experimental.pallas import tpu_sc as plsc

NC = 2
NS = 16
NW = NC * NS
LANES = 16

N_VERT = 1_000_000
BATCH = 16384
OUT_DIM = 32
PACK = 128 // OUT_DIM
L_STEP = 65536
N_STEP = -(-N_VERT // L_STEP)
N_BLK = N_STEP * (L_STEP // PACK)
B_PER_W = BATCH // NW
CHUNK = 128
N_CHUNKS = B_PER_W // CHUNK
NBUF = 2

Q = L_STEP // PACK
LOG_L = L_STEP.bit_length() - 1
LOG_Q = Q.bit_length() - 1


def _relayout_body(in_ref, out_ref):
    x = in_ref[...]
    x4 = jnp.concatenate([x[:, Q * a:Q * a + Q] for a in range(PACK)], axis=0)
    out_ref[...] = x4.T


def _relayout(tT):
    return pl.pallas_call(
        _relayout_body,
        grid=(N_STEP,),
        in_specs=[pl.BlockSpec((32, L_STEP), lambda s: (0, s))],
        out_specs=pl.BlockSpec((Q, 128), lambda s: (s, 0)),
        out_shape=jax.ShapeDtypeStruct((N_BLK, 128), jnp.float32),
    )(tT)


def _sc_kernel(i_hbm, j_hbm, u_hbm, v_hbm, out_hbm,
               raw_u, raw_v, blk_u, blk_v, u_buf, v_buf, out_v, sem):
    wid = lax.axis_index("s") * NC + lax.axis_index("c")
    base = wid * B_PER_W

    pltpu.sync_copy(i_hbm.at[wid], raw_u)
    pltpu.sync_copy(j_hbm.at[wid], raw_v)
    for k in range(N_CHUNKS):
        for t in range(CHUNK // LANES):
            s = pl.ds(t * LANES, LANES)
            ru = raw_u[k, s]
            rv = raw_v[k, s]
            blk_u[k, s] = ((ru >> LOG_L) << LOG_Q) | (ru & (Q - 1))
            blk_v[k, s] = ((rv >> LOG_L) << LOG_Q) | (rv & (Q - 1))

    def fire(k, buf):
        cu = pltpu.async_copy(u_hbm.at[blk_u.at[k]], u_buf.at[buf], sem)
        cv = pltpu.async_copy(v_hbm.at[blk_v.at[k]], v_buf.at[buf], sem)
        return cu, cv

    def compute(k, buf):
        def gbody(g, _):
            s = pl.ds(g * LANES, LANES)
            ru = raw_u[k, s]
            rv = raw_v[k, s]
            cu0 = ((ru >> LOG_Q) & (PACK - 1)) << 5
            cv0 = ((rv >> LOG_Q) & (PACK - 1)) << 5
            rows = g * LANES + lax.iota(jnp.int32, LANES)
            acc = jnp.zeros((LANES,), jnp.float32)
            for d in range(OUT_DIM):
                ud = plsc.load_gather(u_buf.at[buf], [rows, cu0 + d])
                vd = plsc.load_gather(v_buf.at[buf], [rows, cv0 + d])
                acc = acc + ud * vd
            out_v[pl.ds(k * CHUNK + g * LANES, LANES)] = acc
            return 0

        lax.fori_loop(0, CHUNK // LANES, gbody, 0)

    copies = [None] * N_CHUNKS
    copies[0] = fire(0, 0)
    for k in range(N_CHUNKS):
        if k + 1 < N_CHUNKS:
            copies[k + 1] = fire(k + 1, (k + 1) % NBUF)
        cu, cv = copies[k]
        cu.wait()
        cv.wait()
        compute(k, k % NBUF)

    pltpu.sync_copy(out_v, out_hbm.at[pl.ds(base, B_PER_W)])


@jax.jit
def _run(i3, j3, u_emb, v_emb):
    u2 = _relayout(u_emb.T)
    v2 = _relayout(v_emb.T)
    mesh = plsc.VectorSubcoreMesh(
        core_axis_name="c", subcore_axis_name="s",
        num_cores=NC, num_subcores=NS)
    f = pl.kernel(
        _sc_kernel,
        out_type=jax.ShapeDtypeStruct((BATCH,), jnp.float32),
        mesh=mesh,
        compiler_params=pltpu.CompilerParams(needs_layout_passes=False),
        scratch_types=[
            pltpu.VMEM((N_CHUNKS, CHUNK), jnp.int32),
            pltpu.VMEM((N_CHUNKS, CHUNK), jnp.int32),
            pltpu.VMEM((N_CHUNKS, CHUNK), jnp.int32),
            pltpu.VMEM((N_CHUNKS, CHUNK), jnp.int32),
            pltpu.VMEM((NBUF, CHUNK, 128), jnp.float32),
            pltpu.VMEM((NBUF, CHUNK, 128), jnp.float32),
            pltpu.VMEM((B_PER_W,), jnp.float32),
            pltpu.SemaphoreType.DMA,
        ],
    )
    return f(i3, j3, u2, v2)


def kernel(i, j, u_emb, v_emb):
    i3 = i.astype(jnp.int32).reshape(NW, N_CHUNKS, CHUNK)
    j3 = j.astype(jnp.int32).reshape(NW, N_CHUNKS, CHUNK)
    return _run(i3, j3, u_emb, v_emb)

# --- scband reference (transcript-rebuilt; emitter-appended) ---
"""Pipeline reference for scband-matrix-factorization-45689862095369 (READ-ONLY COPY).

The authoritative reference and input builder live on the scoring server;
editing this copy changes nothing except your own understanding.
"""

import jax, jax.numpy as jnp
import numpy as np

N_VERTEX = 1000000
OUT_DIM = 32
BATCH = 16384

def setup_inputs(seed: int = 0) -> dict:
    key = jax.random.key(seed)
    k1, k2, k3, k4 = jax.random.split(key, 4)
    i = jax.random.randint(k1, (BATCH,), 0, N_VERTEX, dtype=jnp.int64) if jax.config.jax_enable_x64 else jax.random.randint(k1, (BATCH,), 0, N_VERTEX, dtype=jnp.int32)
    j = jax.random.randint(k2, (BATCH,), 0, N_VERTEX, dtype=jnp.int32)
    i = i.astype(jnp.int32)
    u_emb = jax.random.normal(k3, (N_VERTEX, OUT_DIM), dtype=jnp.float32)
    v_emb = jax.random.normal(k4, (N_VERTEX, OUT_DIM), dtype=jnp.float32)
    return {"i": i, "j": j, "u_emb": u_emb, "v_emb": v_emb}

def reference(i, j, u_emb, v_emb):
    # u = self.u_emb(i); v = self.v_emb(j); return (u * v).sum(-1)
    u = jnp.take(u_emb, i, axis=0)
    v = jnp.take(v_emb, j, axis=0)
    return (u * v).sum(-1)

if __name__ == "__main__":
    import jax
    _d = setup_inputs()
    print(jax.jit(kernel)(*tuple(_d.values())))

</pallas_src>

<mosaic_0001>
#map = affine_map<(d0, d1) -> (0, 0, 0)>
#map1 = affine_map<(d0, d1) -> (0, 0)>
#map2 = affine_map<(d0, d1) -> (0)>
module attributes {stable_mosaic.version = 14 : i64} {
  func.func @_sc_kernel(%arg0: i32, %arg1: i32, %arg2: memref<32x4x128xi32, #tpu.memory_space<hbm>>, %arg3: memref<32x4x128xi32, #tpu.memory_space<hbm>>, %arg4: memref<262144x128xf32, #tpu.memory_space<hbm>>, %arg5: memref<262144x128xf32, #tpu.memory_space<hbm>>, %arg6: memref<16384xf32, #tpu.memory_space<hbm>>, %arg7: memref<4x128xi32, #tpu.memory_space<vmem>>, %arg8: memref<4x128xi32, #tpu.memory_space<vmem>>, %arg9: memref<4x128xi32, #tpu.memory_space<vmem>>, %arg10: memref<4x128xi32, #tpu.memory_space<vmem>>, %arg11: memref<2x128x128xf32, #tpu.memory_space<vmem>>, %arg12: memref<2x128x128xf32, #tpu.memory_space<vmem>>, %arg13: memref<512xf32, #tpu.memory_space<vmem>>, %arg14: memref<!tpu.dma_semaphore, #tpu.memory_space<semaphore_mem>>) attributes {dimension_semantics = [#tpu.dimension_semantics<core_parallel>, #tpu.dimension_semantics<subcore_parallel>], iteration_bounds = array<i64: 2, 16>, scalar_prefetch = 0 : i64, scratch_operands = 8 : i64, tpu.core_type = #tpu.core_type<sc_vector_subcore>, window_params = [{transform_indices = #map}, {transform_indices = #map}, {transform_indices = #map1}, {transform_indices = #map1}, {transform_indices = #map2}]} {
    %mul3A = arith.constant 2 : i32
    %mul3A_0 = arith.muli %arg1, %mul3A : i32
    %add3A = arith.addi %mul3A_0, %arg0 : i32
    %mul3A_1 = arith.constant 512 : i32
    %mul3A_2 = arith.muli %add3A, %mul3A_1 : i32
    "tpu.region"() ({
      %run_scoped3A = tpu.sem_alloc : memref<!tpu.dma_semaphore, #tpu.memory_space<semaphore_mem>>
      %dma_start3A_1366 = arith.constant 0 : i32
      %dma_start3A_1367 = arith.constant 0 : i32
      %dma_start3A_1368 = tpu.memref_slice %arg2[%add3A, %dma_start3A_1366, %dma_start3A_1367] : memref<32x4x128xi32, #tpu.memory_space<hbm>> -> memref<1x4x128xi32, #tpu.memory_space<hbm>>
      %dma_start3A_1369 = tpu.memref_squeeze %dma_start3A_1368 : memref<1x4x128xi32, #tpu.memory_space<hbm>> -> memref<4x128xi32, #tpu.memory_space<hbm>>
      %dma_start3A_1370 = arith.constant 0 : i32
      %dma_start3A_1371 = arith.constant 0 : i32
      %dma_start3A_1372 = tpu.memref_slice %arg2[%add3A, %dma_start3A_1370, %dma_start3A_1371] : memref<32x4x128xi32, #tpu.memory_space<hbm>> -> memref<1x4x128xi32, #tpu.memory_space<hbm>>
      %dma_start3A_1373 = tpu.memref_squeeze %dma_start3A_1372 : memref<1x4x128xi32, #tpu.memory_space<hbm>> -> memref<4x128xi32, #tpu.memory_space<hbm>>
      tpu.enqueue_dma source(%dma_start3A_1373 : memref<4x128xi32, #tpu.memory_space<hbm>>) target(%arg7 : memref<4x128xi32, #tpu.memory_space<vmem>>) target_semaphore(%run_scoped3A : memref<!tpu.dma_semaphore, #tpu.memory_space<semaphore_mem>>)
      %dma_wait3A_1374 = arith.constant 0 : i32
      %dma_wait3A_1375 = arith.constant 0 : i32
      %dma_wait3A_1376 = tpu.memref_slice %arg2[%add3A, %dma_wait3A_1374, %dma_wait3A_1375] : memref<32x4x128xi32, #tpu.memory_space<hbm>> -> memref<1x4x128xi32, #tpu.memory_space<hbm>>
      %dma_wait3A_1377 = tpu.memref_squeeze %dma_wait3A_1376 : memref<1x4x128xi32, #tpu.memory_space<hbm>> -> memref<4x128xi32, #tpu.memory_space<hbm>>
      %dma_wait3A_1378 = arith.constant 0 : i32
      %dma_wait3A_1379 = arith.constant 0 : i32
      %dma_wait3A_1380 = tpu.memref_slice %arg2[%add3A, %dma_wait3A_1378, %dma_wait3A_1379] : memref<32x4x128xi32, #tpu.memory_space<hbm>> -> memref<1x4x128xi32, #tpu.memory_space<hbm>>
      %dma_wait3A_1381 = tpu.memref_squeeze %dma_wait3A_1380 : memref<1x4x128xi32, #tpu.memory_space<hbm>> -> memref<4x128xi32, #tpu.memory_space<hbm>>
      tpu.wait_dma2 semaphore(%run_scoped3A : memref<!tpu.dma_semaphore, #tpu.memory_space<semaphore_mem>>) src(%dma_wait3A_1381 : memref<4x128xi32, #tpu.memory_space<hbm>>) dst(%arg7 : memref<4x128xi32, #tpu.memory_space<vmem>>)
      tpu.yield
    }) : () -> ()
    "tpu.region"() ({
      %run_scoped3A = tpu.sem_alloc : memref<!tpu.dma_semaphore, #tpu.memory_space<semaphore_mem>>
      %dma_start3A_1366 = arith.constant 0 : i32
      %dma_start3A_1367 = arith.constant 0 : i32
      %dma_start3A_1368 = tpu.memref_slice %arg3[%add3A, %dma_start3A_1366, %dma_start3A_1367] : memref<32x4x128xi32, #tpu.memory_space<hbm>> -> memref<1x4x128xi32, #tpu.memory_space<hbm>>
      %dma_start3A_1369 = tpu.memref_squeeze %dma_start3A_1368 : memref<1x4x128xi32, #tpu.memory_space<hbm>> -> memref<4x128xi32, #tpu.memory_space<hbm>>
      %dma_start3A_1370 = arith.constant 0 : i32
      %dma_start3A_1371 = arith.constant 0 : i32
      %dma_start3A_1372 = tpu.memref_slice %arg3[%add3A, %dma_start3A_1370, %dma_start3A_1371] : memref<32x4x128xi32, #tpu.memory_space<hbm>> -> memref<1x4x128xi32, #tpu.memory_space<hbm>>
      %dma_start3A_1373 = tpu.memref_squeeze %dma_start3A_1372 : memref<1x4x128xi32, #tpu.memory_space<hbm>> -> memref<4x128xi32, #tpu.memory_space<hbm>>
      tpu.enqueue_dma source(%dma_start3A_1373 : memref<4x128xi32, #tpu.memory_space<hbm>>) target(%arg8 : memref<4x128xi32, #tpu.memory_space<vmem>>) target_semaphore(%run_scoped3A : memref<!tpu.dma_semaphore, #tpu.memory_space<semaphore_mem>>)
      %dma_wait3A_1374 = arith.constant 0 : i32
      %dma_wait3A_1375 = arith.constant 0 : i32
      %dma_wait3A_1376 = tpu.memref_slice %arg3[%add3A, %dma_wait3A_1374, %dma_wait3A_1375] : memref<32x4x128xi32, #tpu.memory_space<hbm>> -> memref<1x4x128xi32, #tpu.memory_space<hbm>>
      %dma_wait3A_1377 = tpu.memref_squeeze %dma_wait3A_1376 : memref<1x4x128xi32, #tpu.memory_space<hbm>> -> memref<4x128xi32, #tpu.memory_space<hbm>>
      %dma_wait3A_1378 = arith.constant 0 : i32
      %dma_wait3A_1379 = arith.constant 0 : i32
      %dma_wait3A_1380 = tpu.memref_slice %arg3[%add3A, %dma_wait3A_1378, %dma_wait3A_1379] : memref<32x4x128xi32, #tpu.memory_space<hbm>> -> memref<1x4x128xi32, #tpu.memory_space<hbm>>
      %dma_wait3A_1381 = tpu.memref_squeeze %dma_wait3A_1380 : memref<1x4x128xi32, #tpu.memory_space<hbm>> -> memref<4x128xi32, #tpu.memory_space<hbm>>
      tpu.wait_dma2 semaphore(%run_scoped3A : memref<!tpu.dma_semaphore, #tpu.memory_space<semaphore_mem>>) src(%dma_wait3A_1381 : memref<4x128xi32, #tpu.memory_space<hbm>>) dst(%arg8 : memref<4x128xi32, #tpu.memory_space<vmem>>)
      tpu.yield
    }) : () -> ()
    %get3A = arith.constant 0 : i32
    %get3A_3 = arith.index_cast %get3A : i32 to index
    %get3A_4 = arith.constant 0 : index
    %get3A_5 = tpu.vector_load %arg7[%get3A_3, %get3A_4] {strides = array<i32>} : memref<4x128xi32, #tpu.memory_space<vmem>>, vector<16xi32>,
    %get3A_6 = arith.constant 0 : i32
    %get3A_7 = arith.index_cast %get3A_6 : i32 to index
    %get3A_8 = arith.constant 0 : index
    %get3A_9 = tpu.vector_load %arg8[%get3A_7, %get3A_8] {strides = array<i32>} : memref<4x128xi32, #tpu.memory_space<vmem>>, vector<16xi32>,
    %shift_right_arithmetic3A = arith.constant 16 : i32
    %shift_right_arithmetic3A_10 = vector.broadcast %shift_right_arithmetic3A : i32 to vector<16xi32>
    %shift_right_arithmetic3A_11 = arith.shrsi %get3A_5, %shift_right_arithmetic3A_10 : vector<16xi32>
    %shift_left3A = arith.constant 14 : i32
    %shift_left3A_12 = vector.broadcast %shift_left3A : i32 to vector<16xi32>
    %shift_left3A_13 = arith.shli %shift_right_arithmetic3A_11, %shift_left3A_12 : vector<16xi32>
    %and3A = arith.constant 16383 : i32
    %and3A_14 = vector.broadcast %and3A : i32 to vector<16xi32>
    %and3A_15 = arith.andi %get3A_5, %and3A_14 : vector<16xi32>
    %or3A = arith.ori %shift_left3A_13, %and3A_15 : vector<16xi32>
    %swap3A = arith.constant 0 : i32
    %swap3A_16 = arith.index_cast %swap3A : i32 to index
    %swap3A_17 = arith.constant 0 : index
    %swap3A_18 = tpu.vector_load %arg9[%swap3A_16, %swap3A_17] {strides = array<i32>} : memref<4x128xi32, #tpu.memory_space<vmem>>, vector<16xi32>,
    tpu.vector_store %arg9[%swap3A_16, %swap3A_17], %or3A {strides = array<i32>} : memref<4x128xi32, #tpu.memory_space<vmem>>, vector<16xi32>,
    %shift_right_arithmetic3A_19 = arith.constant 16 : i32
    %shift_right_arithmetic3A_20 = vector.broadcast %shift_right_arithmetic3A_19 : i32 to vector<16xi32>
    %shift_right_arithmetic3A_21 = arith.shrsi %get3A_9, %shift_right_arithmetic3A_20 : vector<16xi32>
    %shift_left3A_22 = arith.constant 14 : i32
    %shift_left3A_23 = vector.broadcast %shift_left3A_22 : i32 to vector<16xi32>
    %shift_left3A_24 = arith.shli %shift_right_arithmetic3A_21, %shift_left3A_23 : vector<16xi32>
    %and3A_25 = arith.constant 16383 : i32
    %and3A_26 = vector.broadcast %and3A_25 : i32 to vector<16xi32>
    %and3A_27 = arith.andi %get3A_9, %and3A_26 : vector<16xi32>
    %or3A_28 = arith.ori %shift_left3A_24, %and3A_27 : vector<16xi32>
    %swap3A_29 = arith.constant 0 : i32
    %swap3A_30 = arith.index_cast %swap3A_29 : i32 to index
    %swap3A_31 = arith.constant 0 : index
    %swap3A_32 = tpu.vector_load %arg10[%swap3A_30, %swap3A_31] {strides = array<i32>} : memref<4x128xi32, #tpu.memory_space<vmem>>, vector<16xi32>,
    tpu.vector_store %arg10[%swap3A_30, %swap3A_31], %or3A_28 {strides = array<i32>} : memref<4x128xi32, #tpu.memory_space<vmem>>, vector<16xi32>,
    %get3A_33 = arith.constant 0 : i32
    %get3A_34 = arith.index_cast %get3A_33 : i32 to index
    %get3A_35 = arith.constant 16 : index
    %get3A_36 = tpu.vector_load %arg7[%get3A_34, %get3A_35] {strides = array<i32>} : memref<4x128xi32, #tpu.memory_space<vmem>>, vector<16xi32>,
    %get3A_37 = arith.constant 0 : i32
    %get3A_38 = arith.index_cast %get3A_37 : i32 to index
    %get3A_39 = arith.constant 16 : index
    %get3A_40 = tpu.vector_load %arg8[%get3A_38, %get3A_39] {strides = array<i32>} : memref<4x128xi32, #tpu.memory_space<vmem>>, vector<16xi32>,
    %shift_right_arithmetic3A_41 = arith.constant 16 : i32
    %shift_right_arithmetic3A_42 = vector.broadcast %shift_right_arithmetic3A_41 : i32 to vector<16xi32>
    %shift_right_arithmetic3A_43 = arith.shrsi %get3A_36, %shift_right_arithmetic3A_42 : vector<16xi32>
    %shift_left3A_44 = arith.constant 14 : i32
    %shift_left3A_45 = vector.broadcast %shift_left3A_44 : i32 to vector<16xi32>
    %shift_left3A_46 = arith.shli %shift_right_arithmetic3A_43, %shift_left3A_45 : vector<16xi32>
    %and3A_47 = arith.constant 16383 : i32
    %and3A_48 = vector.broadcast %and3A_47 : i32 to vector<16xi32>
    %and3A_49 = arith.andi %get3A_36, %and3A_48 : vector<16xi32>
    %or3A_50 = arith.ori %shift_left3A_46, %and3A_49 : vector<16xi32>
    %swap3A_51 = arith.constant 0 : i32
    %swap3A_52 = arith.index_cast %swap3A_51 : i32 to index
    %swap3A_53 = arith.constant 16 : index
    %swap3A_54 = tpu.vector_load %arg9[%swap3A_52, %swap3A_53] {strides = array<i32>} : memref<4x128xi32, #tpu.memory_space<vmem>>, vector<16xi32>,
    tpu.vector_store %arg9[%swap3A_52, %swap3A_53], %or3A_50 {strides = array<i32>} : memref<4x128xi32, #tpu.memory_space<vmem>>, vector<16xi32>,
    %shift_right_arithmetic3A_55 = arith.constant 16 : i32
    %shift_right_arithmetic3A_56 = vector.broadcast %shift_right_arithmetic3A_55 : i32 to vector<16xi32>
    %shift_right_arithmetic3A_57 = arith.shrsi %get3A_40, %shift_right_arithmetic3A_56 : vector<16xi32>
    %shift_left3A_58 = arith.constant 14 : i32
    %shift_left3A_59 = vector.broadcast %shift_left3A_58 : i32 to vector<16xi32>
    %shift_left3A_60 = arith.shli %shift_right_arithmetic3A_57, %shift_left3A_59 : vector<16xi32>
    %and3A_61 = arith.constant 16383 : i32
    %and3A_62 = vector.broadcast %and3A_61 : i32 to vector<16xi32>
    %and3A_63 = arith.andi %get3A_40, %and3A_62 : vector<16xi32>
    %or3A_64 = arith.ori %shift_left3A_60, %and3A_63 : vector<16xi32>
    %swap3A_65 = arith.constant 0 : i32
    %swap3A_66 = arith.index_cast %swap3A_65 : i32 to index
    %swap3A_67 = arith.constant 16 : index
    %swap3A_68 = tpu.vector_load %arg10[%swap3A_66, %swap3A_67] {strides = array<i32>} : memref<4x128xi32, #tpu.memory_space<vmem>>, vector<16xi32>,
    tpu.vector_store %arg10[%swap3A_66, %swap3A_67], %or3A_64 {strides = array<i32>} : memref<4x128xi32, #tpu.memory_space<vmem>>, vector<16xi32>,
    %get3A_69 = arith.constant 0 : i32
    %get3A_70 = arith.index_cast %get3A_69 : i32 to index
    %get3A_71 = arith.constant 32 : index
    %get3A_72 = tpu.vector_load %arg7[%get3A_70, %get3A_71] {strides = array<i32>} : memref<4x128xi32, #tpu.memory_space<vmem>>, vector<16xi32>,
    %get3A_73 = arith.constant 0 : i32
    %get3A_74 = arith.index_cast %get3A_73 : i32 to index
    %get3A_75 = arith.constant 32 : index
    %get3A_76 = tpu.vector_load %arg8[%get3A_74, %get3A_75] {strides = array<i32>} : memref<4x128xi32, #tpu.memory_space<vmem>>, vector<16xi32>,
    %shift_right_arithmetic3A_77 = arith.constant 16 : i32
    %shift_right_arithmetic3A_78 = vector.broadcast %shift_right_arithmetic3A_77 : i32 to vector<16xi32>
    %shift_right_arithmetic3A_79 = arith.shrsi %get3A_72, %shift_right_arithmetic3A_78 : vector<16xi32>
    %shift_left3A_80 = arith.constant 14 : i32
    %shift_left3A_81 = vector.broadcast %shift_left3A_80 : i32 to vector<16xi32>
    %shift_left3A_82 = arith.shli %shift_right_arithmetic3A_79, %shift_left3A_81 : vector<16xi32>
    %and3A_83 = arith.constant 16383 : i32
    %and3A_84 = vector.broadcast %and3A_83 : i32 to vector<16xi32>
    %and3A_85 = arith.andi %get3A_72, %and3A_84 : vector<16xi32>
    %or3A_86 = arith.ori %shift_left3A_82, %and3A_85 : vector<16xi32>
    %swap3A_87 = arith.constant 0 : i32
    %swap3A_88 = arith.index_cast %swap3A_87 : i32 to index
    %swap3A_89 = arith.constant 32 : index
    %swap3A_90 = tpu.vector_load %arg9[%swap3A_88, %swap3A_89] {strides = array<i32>} : memref<4x128xi32, #tpu.memory_space<vmem>>, vector<16xi32>,
    tpu.vector_store %arg9[%swap3A_88, %swap3A_89], %or3A_86 {strides = array<i32>} : memref<4x128xi32, #tpu.memory_space<vmem>>, vector<16xi32>,
    %shift_right_arithmetic3A_91 = arith.constant 16 : i32
    %shift_right_arithmetic3A_92 = vector.broadcast %shift_right_arithmetic3A_91 : i32 to vector<16xi32>
    %shift_right_arithmetic3A_93 = arith.shrsi %get3A_76, %shift_right_arithmetic3A_92 : vector<16xi32>
    %shift_left3A_94 = arith.constant 14 : i32
    %shift_left3A_95 = vector.broadcast %shift_left3A_94 : i32 to vector<16xi32>
    %shift_left3A_96 = arith.shli %shift_right_arithmetic3A_93, %shift_left3A_95 : vector<16xi32>
    %and3A_97 = arith.constant 16383 : i32
    %and3A_98 = vector.broadcast %and3A_97 : i32 to vector<16xi32>
    %and3A_99 = arith.andi %get3A_76, %and3A_98 : vector<16xi32>
    %or3A_100 = arith.ori %shift_left3A_96, %and3A_99 : vector<16xi32>
    %swap3A_101 = arith.constant 0 : i32
    %swap3A_102 = arith.index_cast %swap3A_101 : i32 to index
    %swap3A_103 = arith.constant 32 : index
    %swap3A_104 = tpu.vector_load %arg10[%swap3A_102, %swap3A_103] {strides = array<i32>} : memref<4x128xi32, #tpu.memory_space<vmem>>, vector<16xi32>,
    tpu.vector_store %arg10[%swap3A_102, %swap3A_103], %or3A_100 {strides = array<i32>} : memref<4x128xi32, #tpu.memory_space<vmem>>, vector<16xi32>,
    %get3A_105 = arith.constant 0 : i32
    %get3A_106 = arith.index_cast %get3A_105 : i32 to index
    %get3A_107 = arith.constant 48 : index
    %get3A_108 = tpu.vector_load %arg7[%get3A_106, %get3A_107] {strides = array<i32>} : memref<4x128xi32, #tpu.memory_space<vmem>>, vector<16xi32>,
    %get3A_109 = arith.constant 0 : i32
    %get3A_110 = arith.index_cast %get3A_109 : i32 to index
    %get3A_111 = arith.constant 48 : index
    %get3A_112 = tpu.vector_load %arg8[%get3A_110, %get3A_111] {strides = array<i32>} : memref<4x128xi32, #tpu.memory_space<vmem>>, vector<16xi32>,
    %shift_right_arithmetic3A_113 = arith.constant 16 : i32
    %shift_right_arithmetic3A_114 = vector.broadcast %shift_right_arithmetic3A_113 : i32 to vector<16xi32>
    %shift_right_arithmetic3A_115 = arith.shrsi %get3A_108, %shift_right_arithmetic3A_114 : vector<16xi32>
    %shift_left3A_116 = arith.constant 14 : i32
    %shift_left3A_117 = vector.broadcast %shift_left3A_116 : i32 to vector<16xi32>
    %shift_left3A_118 = arith.shli %shift_right_arithmetic3A_115, %shift_left3A_117 : vector<16xi32>
    %and3A_119 = arith.constant 16383 : i32
    %and3A_120 = vector.broadcast %and3A_119 : i32 to vector<16xi32>
    %and3A_121 = arith.andi %get3A_108, %and3A_120 : vector<16xi32>
    %or3A_122 = arith.ori %shift_left3A_118, %and3A_121 : vector<16xi32>
    %swap3A_123 = arith.constant 0 : i32
    %swap3A_124 = arith.index_cast %swap3A_123 : i32 to index
    %swap3A_125 = arith.constant 48 : index
    %swap3A_126 = tpu.vector_load %arg9[%swap3A_124, %swap3A_125] {strides = array<i32>} : memref<4x128xi32, #tpu.memory_space<vmem>>, vector<16xi32>,
    tpu.vector_store %arg9[%swap3A_124, %swap3A_125], %or3A_122 {strides = array<i32>} : memref<4x128xi32, #tpu.memory_space<vmem>>, vector<16xi32>,
    %shift_right_arithmetic3A_127 = arith.constant 16 : i32
    %shift_right_arithmetic3A_128 = vector.broadcast %shift_right_arithmetic3A_127 : i32 to vector<16xi32>
    %shift_right_arithmetic3A_129 = arith.shrsi %get3A_112, %shift_right_arithmetic3A_128 : vector<16xi32>
    %shift_left3A_130 = arith.constant 14 : i32
    %shift_left3A_131 = vector.broadcast %shift_left3A_130 : i32 to vector<16xi32>
    %shift_left3A_132 = arith.shli %shift_right_arithmetic3A_129, %shift_left3A_131 : vector<16xi32>
    %and3A_133 = arith.constant 16383 : i32
    %and3A_134 = vector.broadcast %and3A_133 : i32 to vector<16xi32>
    %and3A_135 = arith.andi %get3A_112, %and3A_134 : vector<16xi32>
    %or3A_136 = arith.ori %shift_left3A_132, %and3A_135 : vector<16xi32>
    %swap3A_137 = arith.constant 0 : i32
    %swap3A_138 = arith.index_cast %swap3A_137 : i32 to index
    %swap3A_139 = arith.constant 48 : index
    %swap3A_140 = tpu.vector_load %arg10[%swap3A_138, %swap3A_139] {strides = array<i32>} : memref<4x128xi32, #tpu.memory_space<vmem>>, vector<16xi32>,
    tpu.vector_store %arg10[%swap3A_138, %swap3A_139], %or3A_136 {strides = array<i32>} : memref<4x128xi32, #tpu.memory_space<vmem>>, vector<16xi32>,
    %get3A_141 = arith.constant 0 : i32
    %get3A_142 = arith.index_cast %get3A_141 : i32 to index
    %get3A_143 = arith.constant 64 : index
    %get3A_144 = tpu.vector_load %arg7[%get3A_142, %get3A_143] {strides = array<i32>} : memref<4x128xi32, #tpu.memory_space<vmem>>, vector<16xi32>,
    %get3A_145 = arith.constant 0 : i32
    %get3A_146 = arith.index_cast %get3A_145 : i32 to index
    %get3A_147 = arith.constant 64 : index
    %get3A_148 = tpu.vector_load %arg8[%get3A_146, %get3A_147] {strides = array<i32>} : memref<4x128xi32, #tpu.memory_space<vmem>>, vector<16xi32>,
    %shift_right_arithmetic3A_149 = arith.constant 16 : i32
    %shift_right_arithmetic3A_150 = vector.broadcast %shift_right_arithmetic3A_149 : i32 to vector<16xi32>
    %shift_right_arithmetic3A_151 = arith.shrsi %get3A_144, %shift_right_arithmetic3A_150 : vector<16xi32>
    %shift_left3A_152 = arith.constant 14 : i32
    %shift_left3A_153 = vector.broadcast %shift_left3A_152 : i32 to vector<16xi32>
    %shift_left3A_154 = arith.shli %shift_right_arithmetic3A_151, %shift_left3A_153 : vector<16xi32>
    %and3A_155 = arith.constant 16383 : i32
    %and3A_156 = vector.broadcast %and3A_155 : i32 to vector<16xi32>
    %and3A_157 = arith.andi %get3A_144, %and3A_156 : vector<16xi32>
    %or3A_158 = arith.ori %shift_left3A_154, %and3A_157 : vector<16xi32>
    %swap3A_159 = arith.constant 0 : i32
    %swap3A_160 = arith.index_cast %swap3A_159 : i32 to index
    %swap3A_161 = arith.constant 64 : index
    %swap3A_162 = tpu.vector_load %arg9[%swap3A_160, %swap3A_161] {strides = array<i32>} : memref<4x128xi32, #tpu.memory_space<vmem>>, vector<16xi32>,
    tpu.vector_store %arg9[%swap3A_160, %swap3A_161], %or3A_158 {strides = array<i32>} : memref<4x128xi32, #tpu.memory_space<vmem>>, vector<16xi32>,
    %shift_right_arithmetic3A_163 = arith.constant 16 : i32
    %shift_right_arithmetic3A_164 = vector.broadcast %shift_right_arithmetic3A_163 : i32 to vector<16xi32>
    %shift_right_arithmetic3A_165 = arith.shrsi %get3A_148, %shift_right_arithmetic3A_164 : vector<16xi32>
    %shift_left3A_166 = arith.constant 14 : i32
    %shift_left3A_167 = vector.broadcast %shift_left3A_166 : i32 to vector<16xi32>
    %shift_left3A_168 = arith.shli %shift_right_arithmetic3A_165, %shift_left3A_167 : vector<16xi32>
    %and3A_169 = arith.constant 16383 : i32
    %and3A_170 = vector.broadcast %and3A_169 : i32 to vector<16xi32>
    %and3A_171 = arith.andi %get3A_148, %and3A_170 : vector<16xi32>
    %or3A_172 = arith.ori %shift_left3A_168, %and3A_171 : vector<16xi32>
    %swap3A_173 = arith.constant 0 : i32
    %swap3A_174 = arith.index_cast %swap3A_173 : i32 to index
    %swap3A_175 = arith.constant 64 : index
    %swap3A_176 = tpu.vector_load %arg10[%swap3A_174, %swap3A_175] {strides = array<i32>} : memref<4x128xi32, #tpu.memory_space<vmem>>, vector<16xi32>,
    tpu.vector_store %arg10[%swap3A_174, %swap3A_175], %or3A_172 {strides = array<i32>} : memref<4x128xi32, #tpu.memory_space<vmem>>, vector<16xi32>,
    %get3A_177 = arith.constant 0 : i32
    %get3A_178 = arith.index_cast %get3A_177 : i32 to index
    %get3A_179 = arith.constant 80 : index
    %get3A_180 = tpu.vector_load %arg7[%get3A_178, %get3A_179] {strides = array<i32>} : memref<4x128xi32, #tpu.memory_space<vmem>>, vector<16xi32>,
    %get3A_181 = arith.constant 0 : i32
    %get3A_182 = arith.index_cast %get3A_181 : i32 to index
    %get3A_183 = arith.constant 80 : index
    %get3A_184 = tpu.vector_load %arg8[%get3A_182, %get3A_183] {strides = array<i32>} : memref<4x128xi32, #tpu.memory_space<vmem>>, vector<16xi32>,
    %shift_right_arithmetic3A_185 = arith.constant 16 : i32
    %shift_right_arithmetic3A_186 = vector.broadcast %shift_right_arithmetic3A_185 : i32 to vector<16xi32>
    %shift_right_arithmetic3A_187 = arith.shrsi %get3A_180, %shift_right_arithmetic3A_186 : vector<16xi32>
    %shift_left3A_188 = arith.constant 14 : i32
    %shift_left3A_189 = vector.broadcast %shift_left3A_188 : i32 to vector<16xi32>
    %shift_left3A_190 = arith.shli %shift_right_arithmetic3A_187, %shift_left3A_189 : vector<16xi32>
    %and3A_191 = arith.constant 16383 : i32
    %and3A_192 = vector.broadcast %and3A_191 : i32 to vector<16xi32>
    %and3A_193 = arith.andi %get3A_180, %and3A_192 : vector<16xi32>
    %or3A_194 = arith.ori %shift_left3A_190, %and3A_193 : vector<16xi32>
    %swap3A_195 = arith.constant 0 : i32
    %swap3A_196 = arith.index_cast %swap3A_195 : i32 to index
    %swap3A_197 = arith.constant 80 : index
    %swap3A_198 = tpu.vector_load %arg9[%swap3A_196, %swap3A_197] {strides = array<i32>} : memref<4x128xi32, #tpu.memory_space<vmem>>, vector<16xi32>,
    tpu.vector_store %arg9[%swap3A_196, %swap3A_197], %or3A_194 {strides = array<i32>} : memref<4x128xi32, #tpu.memory_space<vmem>>, vector<16xi32>,
    %shift_right_arithmetic3A_199 = arith.constant 16 : i32
    %shift_right_arithmetic3A_200 = vector.broadcast %shift_right_arithmetic3A_199 : i32 to vector<16xi32>
    %shift_right_arithmetic3A_201 = arith.shrsi %get3A_184, %shift_right_arithmetic3A_200 : vector<16xi32>
    %shift_left3A_202 = arith.constant 14 : i32
    %shift_left3A_203 = vector.broadcast %shift_left3A_202 : i32 to vector<16xi32>
    %shift_left3A_204 = arith.shli %shift_right_arithmetic3A_201, %shift_left3A_203 : vector<16xi32>
    %and3A_205 = arith.constant 16383 : i32
    %and3A_206 = vector.broadcast %and3A_205 : i32 to vector<16xi32>
    %and3A_207 = arith.andi %get3A_184, %and3A_206 : vector<16xi32>
    %or3A_208 = arith.ori %shift_left3A_204, %and3A_207 : vector<16xi32>
    %swap3A_209 = arith.constant 0 : i32
    %swap3A_210 = arith.index_cast %swap3A_209 : i32 to index
    %swap3A_211 = arith.constant 80 : index
    %swap3A_212 = tpu.vector_load %arg10[%swap3A_210, %swap3A_211] {strides = array<i32>} : memref<4x128xi32, #tpu.memory_space<vmem>>, vector<16xi32>,
    tpu.vector_store %arg10[%swap3A_210, %swap3A_211], %or3A_208 {strides = array<i32>} : memref<4x128xi32, #tpu.memory_space<vmem>>, vector<16xi32>,
    %get3A_213 = arith.constant 0 : i32
    %get3A_214 = arith.index_cast %get3A_213 : i32 to index
    %get3A_215 = arith.constant 96 : index
    %get3A_216 = tpu.vector_load %arg7[%get3A_214, %get3A_215] {strides = array<i32>} : memref<4x128xi32, #tpu.memory_space<vmem>>, vector<16xi32>,
    %get3A_217 = arith.constant 0 : i32
    %get3A_218 = arith.index_cast %get3A_217 : i32 to index
    %get3A_219 = arith.constant 96 : index
    %get3A_220 = tpu.vector_load %arg8[%get3A_218, %get3A_219] {strides = array<i32>} : memref<4x128xi32, #tpu.memory_space<vmem>>, vector<16xi32>,
    %shift_right_arithmetic3A_221 = arith.constant 16 : i32
    %shift_right_arithmetic3A_222 = vector.broadcast %shift_right_arithmetic3A_221 : i32 to vector<16xi32>
    %shift_right_arithmetic3A_223 = arith.shrsi %get3A_216, %shift_right_arithmetic3A_222 : vector<16xi32>
    %shift_left3A_224 = arith.constant 14 : i32
    %shift_left3A_225 = vector.broadcast %shift_left3A_224 : i32 to vector<16xi32>
    %shift_left3A_226 = arith.shli %shift_right_arithmetic3A_223, %shift_left3A_225 : vector<16xi32>
    %and3A_227 = arith.constant 16383 : i32
    %and3A_228 = vector.broadcast %and3A_227 : i32 to vector<16xi32>
    %and3A_229 = arith.andi %get3A_216, %and3A_228 : vector<16xi32>
    %or3A_230 = arith.ori %shift_left3A_226, %and3A_229 : vector<16xi32>
    %swap3A_231 = arith.constant 0 : i32
    %swap3A_232 = arith.index_cast %swap3A_231 : i32 to index
    %swap3A_233 = arith.constant 96 : index
    %swap3A_234 = tpu.vector_load %arg9[%swap3A_232, %swap3A_233] {strides = array<i32>} : memref<4x128xi32, #tpu.memory_space<vmem>>, vector<16xi32>,
    tpu.vector_store %arg9[%swap3A_232, %swap3A_233], %or3A_230 {strides = array<i32>} : memref<4x128xi32, #tpu.memory_space<vmem>>, vector<16xi32>,
    %shift_right_arithmetic3A_235 = arith.constant 16 : i32
    %shift_right_arithmetic3A_236 = vector.broadcast %shift_right_arithmetic3A_235 : i32 to vector<16xi32>
    %shift_right_arithmetic3A_237 = arith.shrsi %get3A_220, %shift_right_arithmetic3A_236 : vector<16xi32>
    %shift_left3A_238 = arith.constant 14 : i32
    %shift_left3A_239 = vector.broadcast %shift_left3A_238 : i32 to vector<16xi32>
    %shift_left3A_240 = arith.shli %shift_right_arithmetic3A_237, %shift_left3A_239 : vector<16xi32>
    %and3A_241 = arith.constant 16383 : i32
    %and3A_242 = vector.broadcast %and3A_241 : i32 to vector<16xi32>
    %and3A_243 = arith.andi %get3A_220, %and3A_242 : vector<16xi32>
    %or3A_244 = arith.ori %shift_left3A_240, %and3A_243 : vector<16xi32>
    %swap3A_245 = arith.constant 0 : i32
    %swap3A_246 = arith.index_cast %swap3A_245 : i32 to index
    %swap3A_247 = arith.constant 96 : index
    %swap3A_248 = tpu.vector_load %arg10[%swap3A_246, %swap3A_247] {strides = array<i32>} : memref<4x128xi32, #tpu.memory_space<vmem>>, vector<16xi32>,
    tpu.vector_store %arg10[%swap3A_246, %swap3A_247], %or3A_244 {strides = array<i32>} : memref<4x128xi32, #tpu.memory_space<vmem>>, vector<16xi32>,
    %get3A_249 = arith.constant 0 : i32
    %get3A_250 = arith.index_cast %get3A_249 : i32 to index
    %get3A_251 = arith.constant 112 : index
    %get3A_252 = tpu.vector_load %arg7[%get3A_250, %get3A_251] {strides = array<i32>} : memref<4x128xi32, #tpu.memory_space<vmem>>, vector<16xi32>,
    %get3A_253 = arith.constant 0 : i32
    %get3A_254 = arith.index_cast %get3A_253 : i32 to index
    %get3A_255 = arith.constant 112 : index
    %get3A_256 = tpu.vector_load %arg8[%get3A_254, %get3A_255] {strides = array<i32>} : memref<4x128xi32, #tpu.memory_space<vmem>>, vector<16xi32>,
    %shift_right_arithmetic3A_257 = arith.constant 16 : i32
    %shift_right_arithmetic3A_258 = vector.broadcast %shift_right_arithmetic3A_257 : i32 to vector<16xi32>
    %shift_right_arithmetic3A_259 = arith.shrsi %get3A_252, %shift_right_arithmetic3A_258 : vector<16xi32>
    %shift_left3A_260 = arith.constant 14 : i32
    %shift_left3A_261 = vector.broadcast %shift_left3A_260 : i32 to vector<16xi32>
    %shift_left3A_262 = arith.shli %shift_right_arithmetic3A_259, %shift_left3A_261 : vector<16xi32>
    %and3A_263 = arith.constant 16383 : i32
    %and3A_264 = vector.broadcast %and3A_263 : i32 to vector<16xi32>
    %and3A_265 = arith.andi %get3A_252, %and3A_264 : vector<16xi32>
    %or3A_266 = arith.ori %shift_left3A_262, %and3A_265 : vector<16xi32>
    %swap3A_267 = arith.constant 0 : i32
    %swap3A_268 = arith.index_cast %swap3A_267 : i32 to index
    %swap3A_269 = arith.constant 112 : index
    %swap3A_270 = tpu.vector_load %arg9[%swap3A_268, %swap3A_269] {strides = array<i32>} : memref<4x128xi32, #tpu.memory_space<vmem>>, vector<16xi32>,
    tpu.vector_store %arg9[%swap3A_268, %swap3A_269], %or3A_266 {strides = array<i32>} : memref<4x128xi32, #tpu.memory_space<vmem>>, vector<16xi32>,
    %shift_right_arithmetic3A_271 = arith.constant 16 : i32
    %shift_right_arithmetic3A_272 = vector.broadcast %shift_right_arithmetic3A_271 : i32 to vector<16xi32>
    %shift_right_arithmetic3A_273 = arith.shrsi %get3A_256, %shift_right_arithmetic3A_272 : vector<16xi32>
    %shift_left3A_274 = arith.constant 14 : i32
    %shift_left3A_275 = vector.broadcast %shift_left3A_274 : i32 to vector<16xi32>
    %shift_left3A_276 = arith.shli %shift_right_arithmetic3A_273, %shift_left3A_275 : vector<16xi32>
    %and3A_277 = arith.constant 16383 : i32
    %and3A_278 = vector.broadcast %and3A_277 : i32 to vector<16xi32>
    %and3A_279 = arith.andi %get3A_256, %and3A_278 : vector<16xi32>
    %or3A_280 = arith.ori %shift_left3A_276, %and3A_279 : vector<16xi32>
    %swap3A_281 = arith.constant 0 : i32
    %swap3A_282 = arith.index_cast %swap3A_281 : i32 to index
    %swap3A_283 = arith.constant 112 : index
    %swap3A_284 = tpu.vector_load %arg10[%swap3A_282, %swap3A_283] {strides = array<i32>} : memref<4x128xi32, #tpu.memory_space<vmem>>, vector<16xi32>,
    tpu.vector_store %arg10[%swap3A_282, %swap3A_283], %or3A_280 {strides = array<i32>} : memref<4x128xi32, #tpu.memory_space<vmem>>, vector<16xi32>,
    %get3A_285 = arith.constant 1 : i32
    %get3A_286 = arith.index_cast %get3A_285 : i32 to index
    %get3A_287 = arith.constant 0 : index
    %get3A_288 = tpu.vector_load %arg7[%get3A_286, %get3A_287] {strides = array<i32>} : memref<4x128xi32, #tpu.memory_space<vmem>>, vector<16xi32>,
    %get3A_289 = arith.constant 1 : i32
    %get3A_290 = arith.index_cast %get3A_289 : i32 to index
    %get3A_291 = arith.constant 0 : index
    %get3A_292 = tpu.vector_load %arg8[%get3A_290, %get3A_291] {strides = array<i32>} : memref<4x128xi32, #tpu.memory_space<vmem>>, vector<16xi32>,
    %shift_right_arithmetic3A_293 = arith.constant 16 : i32
    %shift_right_arithmetic3A_294 = vector.broadcast %shift_right_arithmetic3A_293 : i32 to vector<16xi32>
    %shift_right_arithmetic3A_295 = arith.shrsi %get3A_288, %shift_right_arithmetic3A_294 : vector<16xi32>
    %shift_left3A_296 = arith.constant 14 : i32
    %shift_left3A_297 = vector.broadcast %shift_left3A_296 : i32 to vector<16xi32>
    %shift_left3A_298 = arith.shli %shift_right_arithmetic3A_295, %shift_left3A_297 : vector<16xi32>
    %and3A_299 = arith.constant 16383 : i32
    %and3A_300 = vector.broadcast %and3A_299 : i32 to vector<16xi32>
    %and3A_301 = arith.andi %get3A_288, %and3A_300 : vector<16xi32>
    %or3A_302 = arith.ori %shift_left3A_298, %and3A_301 : vector<16xi32>
    %swap3A_303 = arith.constant 1 : i32
    %swap3A_304 = arith.index_cast %swap3A_303 : i32 to index
    %swap3A_305 = arith.constant 0 : index
    %swap3A_306 = tpu.vector_load %arg9[%swap3A_304, %swap3A_305] {strides = array<i32>} : memref<4x128xi32, #tpu.memory_space<vmem>>, vector<16xi32>,
    tpu.vector_store %arg9[%swap3A_304, %swap3A_305], %or3A_302 {strides = array<i32>} : memref<4x128xi32, #tpu.memory_space<vmem>>, vector<16xi32>,
    %shift_right_arithmetic3A_307 = arith.constant 16 : i32
    %shift_right_arithmetic3A_308 = vector.broadcast %shift_right_arithmetic3A_307 : i32 to vector<16xi32>
    %shift_right_arithmetic3A_309 = arith.shrsi %get3A_292, %shift_right_arithmetic3A_308 : vector<16xi32>
    %shift_left3A_310 = arith.constant 14 : i32
    %shift_left3A_311 = vector.broadcast %shift_left3A_310 : i32 to vector<16xi32>
    %shift_left3A_312 = arith.shli %shift_right_arithmetic3A_309, %shift_left3A_311 : vector<16xi32>
    %and3A_313 = arith.constant 16383 : i32
    %and3A_314 = vector.broadcast %and3A_313 : i32 to vector<16xi32>
    %and3A_315 = arith.andi %get3A_292, %and3A_314 : vector<16xi32>
    %or3A_316 = arith.ori %shift_left3A_312, %and3A_315 : vector<16xi32>
    %swap3A_317 = arith.constant 1 : i32
    %swap3A_318 = arith.index_cast %swap3A_317 : i32 to index
    %swap3A_319 = arith.constant 0 : index
    %swap3A_320 = tpu.vector_load %arg10[%swap3A_318, %swap3A_319] {strides = array<i32>} : memref<4x128xi32, #tpu.memory_space<vmem>>, vector<16xi32>,
    tpu.vector_store %arg10[%swap3A_318, %swap3A_319], %or3A_316 {strides = array<i32>} : memref<4x128xi32, #tpu.memory_space<vmem>>, vector<16xi32>,
    %get3A_321 = arith.constant 1 : i32
    %get3A_322 = arith.index_cast %get3A_321 : i32 to index
    %get3A_323 = arith.constant 16 : index
    %get3A_324 = tpu.vector_load %arg7[%get3A_322, %get3A_323] {strides = array<i32>} : memref<4x128xi32, #tpu.memory_space<vmem>>, vector<16xi32>,
    %get3A_325 = arith.constant 1 : i32
    %get3A_326 = arith.index_cast %get3A_325 : i32 to index
    %get3A_327 = arith.constant 16 : index
    %get3A_328 = tpu.vector_load %arg8[%get3A_326, %get3A_327] {strides = array<i32>} : memref<4x128xi32, #tpu.memory_space<vmem>>, vector<16xi32>,
    %shift_right_arithmetic3A_329 = arith.constant 16 : i32
    %shift_right_arithmetic3A_330 = vector.broadcast %shift_right_arithmetic3A_329 : i32 to vector<16xi32>
    %shift_right_arithmetic3A_331 = arith.shrsi %get3A_324, %shift_right_arithmetic3A_330 : vector<16xi32>
    %shift_left3A_332 = arith.constant 14 : i32
    %shift_left3A_333 = vector.broadcast %shift_left3A_332 : i32 to vector<16xi32>
    %shift_left3A_334 = arith.shli %shift_right_arithmetic3A_331, %shift_left3A_333 : vector<16xi32>
    %and3A_335 = arith.constant 16383 : i32
    %and3A_336 = vector.broadcast %and3A_335 : i32 to vector<16xi32>
    %and3A_337 = arith.andi %get3A_324, %and3A_336 : vector<16xi32>
    %or3A_338 = arith.ori %shift_left3A_334, %and3A_337 : vector<16xi32>
    %swap3A_339 = arith.constant 1 : i32
    %swap3A_340 = arith.index_cast %swap3A_339 : i32 to index
    %swap3A_341 = arith.constant 16 : index
    %swap3A_342 = tpu.vector_load %arg9[%swap3A_340, %swap3A_341] {strides = array<i32>} : memref<4x128xi32, #tpu.memory_space<vmem>>, vector<16xi32>,
    tpu.vector_store %arg9[%swap3A_340, %swap3A_341], %or3A_338 {strides = array<i32>} : memref<4x128xi32, #tpu.memory_space<vmem>>, vector<16xi32>,
    %shift_right_arithmetic3A_343 = arith.constant 16 : i32
    %shift_right_arithmetic3A_344 = vector.broadcast %shift_right_arithmetic3A_343 : i32 to vector<16xi32>
    %shift_right_arithmetic3A_345 = arith.shrsi %get3A_328, %shift_right_arithmetic3A_344 : vector<16xi32>
    %shift_left3A_346 = arith.constant 14 : i32
    %shift_left3A_347 = vector.broadcast %shift_left3A_346 : i32 to vector<16xi32>
    %shift_left3A_348 = arith.shli %shift_right_arithmetic3A_345, %shift_left3A_347 : vector<16xi32>
    %and3A_349 = arith.constant 16383 : i32
    %and3A_350 = vector.broadcast %and3A_349 : i32 to vector<16xi32>
    %and3A_351 = arith.andi %get3A_328, %and3A_350 : vector<16xi32>
    %or3A_352 = arith.ori %shift_left3A_348, %and3A_351 : vector<16xi32>
    %swap3A_353 = arith.constant 1 : i32
    %swap3A_354 = arith.index_cast %swap3A_353 : i32 to index
    %swap3A_355 = arith.constant 16 : index
    %swap3A_356 = tpu.vector_load %arg10[%swap3A_354, %swap3A_355] {strides = array<i32>} : memref<4x128xi32, #tpu.memory_space<vmem>>, vector<16xi32>,
    tpu.vector_store %arg10[%swap3A_354, %swap3A_355], %or3A_352 {strides = array<i32>} : memref<4x128xi32, #tpu.memory_space<vmem>>, vector<16xi32>,
    %get3A_357 = arith.constant 1 : i32
    %get3A_358 = arith.index_cast %get3A_357 : i32 to index
    %get3A_359 = arith.constant 32 : index
    %get3A_360 = tpu.vector_load %arg7[%get3A_358, %get3A_359] {strides = array<i32>} : memref<4x128xi32, #tpu.memory_space<vmem>>, vector<16xi32>,
    %get3A_361 = arith.constant 1 : i32
    %get3A_362 = arith.index_cast %get3A_361 : i32 to index
    %get3A_363 = arith.constant 32 : index
    %get3A_364 = tpu.vector_load %arg8[%get3A_362, %get3A_363] {strides = array<i32>} : memref<4x128xi32, #tpu.memory_space<vmem>>, vector<16xi32>,
    %shift_right_arithmetic3A_365 = arith.constant 16 : i32
    %shift_right_arithmetic3A_366 = vector.broadcast %shift_right_arithmetic3A_365 : i32 to vector<16xi32>
    %shift_right_arithmetic3A_367 = arith.shrsi %get3A_360, %shift_right_arithmetic3A_366 : vector<16xi32>
    %shift_left3A_368 = arith.constant 14 : i32
    %shift_left3A_369 = vector.broadcast %shift_left3A_368 : i32 to vector<16xi32>
    %shift_left3A_370 = arith.shli %shift_right_arithmetic3A_367, %shift_left3A_369 : vector<16xi32>
    %and3A_371 = arith.constant 16383 : i32
    %and3A_372 = vector.broadcast %and3A_371 : i32 to vector<16xi32>
    %and3A_373 = arith.andi %get3A_360, %and3A_372 : vector<16xi32>
    %or3A_374 = arith.ori %shift_left3A_370, %and3A_373 : vector<16xi32>
    %swap3A_375 = arith.constant 1 : i32
    %swap3A_376 = arith.index_cast %swap3A_375 : i32 to index
    %swap3A_377 = arith.constant 32 : index
    %swap3A_378 = tpu.vector_load %arg9[%swap3A_376, %swap3A_377] {strides = array<i32>} : memref<4x128xi32, #tpu.memory_space<vmem>>, vector<16xi32>,
    tpu.vector_store %arg9[%swap3A_376, %swap3A_377], %or3A_374 {strides = array<i32>} : memref<4x128xi32, #tpu.memory_space<vmem>>, vector<16xi32>,
    %shift_right_arithmetic3A_379 = arith.constant 16 : i32
    %shift_right_arithmetic3A_380 = vector.broadcast %shift_right_arithmetic3A_379 : i32 to vector<16xi32>
    %shift_right_arithmetic3A_381 = arith.shrsi %get3A_364, %shift_right_arithmetic3A_380 : vector<16xi32>
    %shift_left3A_382 = arith.constant 14 : i32
    %shift_left3A_383 = vector.broadcast %shift_left3A_382 : i32 to vector<16xi32>
    %shift_left3A_384 = arith.shli %shift_right_arithmetic3A_381, %shift_left3A_383 : vector<16xi32>
    %and3A_385 = arith.constant 16383 : i32
    %and3A_386 = vector.broadcast %and3A_385 : i32 to vector<16xi32>
    %and3A_387 = arith.andi %get3A_364, %and3A_386 : vector<16xi32>
    %or3A_388 = arith.ori %shift_left3A_384, %and3A_387 : vector<16xi32>
    %swap3A_389 = arith.constant 1 : i32
    %swap3A_390 = arith.index_cast %swap3A_389 : i32 to index
    %swap3A_391 = arith.constant 32 : index
    %swap3A_392 = tpu.vector_load %arg10[%swap3A_390, %swap3A_391] {strides = array<i32>} : memref<4x128xi32, #tpu.memory_space<vmem>>, vector<16xi32>,
    tpu.vector_store %arg10[%swap3A_390, %swap3A_391], %or3A_388 {strides = array<i32>} : memref<4x128xi32, #tpu.memory_space<vmem>>, vector<16xi32>,
    %get3A_393 = arith.constant 1 : i32
    %get3A_394 = arith.index_cast %get3A_393 : i32 to index
    %get3A_395 = arith.constant 48 : index
    %get3A_396 = tpu.vector_load %arg7[%get3A_394, %get3A_395] {strides = array<i32>} : memref<4x128xi32, #tpu.memory_space<vmem>>, vector<16xi32>,
    %get3A_397 = arith.constant 1 : i32
    %get3A_398 = arith.index_cast %get3A_397 : i32 to index
    %get3A_399 = arith.constant 48 : index
    %get3A_400 = tpu.vector_load %arg8[%get3A_398, %get3A_399] {strides = array<i32>} : memref<4x128xi32, #tpu.memory_space<vmem>>, vector<16xi32>,
    %shift_right_arithmetic3A_401 = arith.constant 16 : i32
    %shift_right_arithmetic3A_402 = vector.broadcast %shift_right_arithmetic3A_401 : i32 to vector<16xi32>
    %shift_right_arithmetic3A_403 = arith.shrsi %get3A_396, %shift_right_arithmetic3A_402 : vector<16xi32>
    %shift_left3A_404 = arith.constant 14 : i32
    %shift_left3A_405 = vector.broadcast %shift_left3A_404 : i32 to vector<16xi32>
    %shift_left3A_406 = arith.shli %shift_right_arithmetic3A_403, %shift_left3A_405 : vector<16xi32>
    %and3A_407 = arith.constant 16383 : i32
    %and3A_408 = vector.broadcast %and3A_407 : i32 to vector<16xi32>
    %and3A_409 = arith.andi %get3A_396, %and3A_408 : vector<16xi32>
    %or3A_410 = arith.ori %shift_left3A_406, %and3A_409 : vector<16xi32>
    %swap3A_411 = arith.constant 1 : i32
    %swap3A_412 = arith.index_cast %swap3A_411 : i32 to index
    %swap3A_413 = arith.constant 48 : index
    %swap3A_414 = tpu.vector_load %arg9[%swap3A_412, %swap3A_413] {strides = array<i32>} : memref<4x128xi32, #tpu.memory_space<vmem>>, vector<16xi32>,
    tpu.vector_store %arg9[%swap3A_412, %swap3A_413], %or3A_410 {strides = array<i32>} : memref<4x128xi32, #tpu.memory_space<vmem>>, vector<16xi32>,
    %shift_right_arithmetic3A_415 = arith.constant 16 : i32
    %shift_right_arithmetic3A_416 = vector.broadcast %shift_right_arithmetic3A_415 : i32 to vector<16xi32>
    %shift_right_arithmetic3A_417 = arith.shrsi %get3A_400, %shift_right_arithmetic3A_416 : vector<16xi32>
    %shift_left3A_418 = arith.constant 14 : i32
    %shift_left3A_419 = vector.broadcast %shift_left3A_418 : i32 to vector<16xi32>
    %shift_left3A_420 = arith.shli %shift_right_arithmetic3A_417, %shift_left3A_419 : vector<16xi32>
    %and3A_421 = arith.constant 16383 : i32
    %and3A_422 = vector.broadcast %and3A_421 : i32 to vector<16xi32>
    %and3A_423 = arith.andi %get3A_400, %and3A_422 : vector<16xi32>
    %or3A_424 = arith.ori %shift_left3A_420, %and3A_423 : vector<16xi32>
    %swap3A_425 = arith.constant 1 : i32
    %swap3A_426 = arith.index_cast %swap3A_425 : i32 to index
    %swap3A_427 = arith.constant 48 : index
    %swap3A_428 = tpu.vector_load %arg10[%swap3A_426, %swap3A_427] {strides = array<i32>} : memref<4x128xi32, #tpu.memory_space<vmem>>, vector<16xi32>,
    tpu.vector_store %arg10[%swap3A_426, %swap3A_427], %or3A_424 {strides = array<i32>} : memref<4x128xi32, #tpu.memory_space<vmem>>, vector<16xi32>,
    %get3A_429 = arith.constant 1 : i32
    %get3A_430 = arith.index_cast %get3A_429 : i32 to index
    %get3A_431 = arith.constant 64 : index
    %get3A_432 = tpu.vector_load %arg7[%get3A_430, %get3A_431] {strides = array<i32>} : memref<4x128xi32, #tpu.memory_space<vmem>>, vector<16xi32>,
    %get3A_433 = arith.constant 1 : i32
    %get3A_434 = arith.index_cast %get3A_433 : i32 to index
    %get3A_435 = arith.constant 64 : index
    %get3A_436 = tpu.vector_load %arg8[%get3A_434, %get3A_435] {strides = array<i32>} : memref<4x128xi32, #tpu.memory_space<vmem>>, vector<16xi32>,
    %shift_right_arithmetic3A_437 = arith.constant 16 : i32
    %shift_right_arithmetic3A_438 = vector.broadcast %shift_right_arithmetic3A_437 : i32 to vector<16xi32>
    %shift_right_arithmetic3A_439 = arith.shrsi %get3A_432, %shift_right_arithmetic3A_438 : vector<16xi32>
    %shift_left3A_440 = arith.constant 14 : i32
    %shift_left3A_441 = vector.broadcast %shift_left3A_440 : i32 to vector<16xi32>
    %shift_left3A_442 = arith.shli %shift_right_arithmetic3A_439, %shift_left3A_441 : vector<16xi32>
    %and3A_443 = arith.constant 16383 : i32
    %and3A_444 = vector.broadcast %and3A_443 : i32 to vector<16xi32>
    %and3A_445 = arith.andi %get3A_432, %and3A_444 : vector<16xi32>
    %or3A_446 = arith.ori %shift_left3A_442, %and3A_445 : vector<16xi32>
    %swap3A_447 = arith.constant 1 : i32
    %swap3A_448 = arith.index_cast %swap3A_447 : i32 to index
    %swap3A_449 = arith.constant 64 : index
    %swap3A_450 = tpu.vector_load %arg9[%swap3A_448, %swap3A_449] {strides = array<i32>} : memref<4x128xi32, #tpu.memory_space<vmem>>, vector<16xi32>,
    tpu.vector_store %arg9[%swap3A_448, %swap3A_449], %or3A_446 {strides = array<i32>} : memref<4x128xi32, #tpu.memory_space<vmem>>, vector<16xi32>,
    %shift_right_arithmetic3A_451 = arith.constant 16 : i32
    %shift_right_arithmetic3A_452 = vector.broadcast %shift_right_arithmetic3A_451 : i32 to vector<16xi32>
    %shift_right_arithmetic3A_453 = arith.shrsi %get3A_436, %shift_right_arithmetic3A_452 : vector<16xi32>
    %shift_left3A_454 = arith.constant 14 : i32
    %shift_left3A_455 = vector.broadcast %shift_left3A_454 : i32 to vector<16xi32>
    %shift_left3A_456 = arith.shli %shift_right_arithmetic3A_453, %shift_left3A_455 : vector<16xi32>
    %and3A_457 = arith.constant 16383 : i32
    %and3A_458 = vector.broadcast %and3A_457 : i32 to vector<16xi32>
    %and3A_459 = arith.andi %get3A_436, %and3A_458 : vector<16xi32>
    %or3A_460 = arith.ori %shift_left3A_456, %and3A_459 : vector<16xi32>
    %swap3A_461 = arith.constant 1 : i32
    %swap3A_462 = arith.index_cast %swap3A_461 : i32 to index
    %swap3A_463 = arith.constant 64 : index
    %swap3A_464 = tpu.vector_load %arg10[%swap3A_462, %swap3A_463] {strides = array<i32>} : memref<4x128xi32, #tpu.memory_space<vmem>>, vector<16xi32>,
    tpu.vector_store %arg10[%swap3A_462, %swap3A_463], %or3A_460 {strides = array<i32>} : memref<4x128xi32, #tpu.memory_space<vmem>>, vector<16xi32>,
    %get3A_465 = arith.constant 1 : i32
    %get3A_466 = arith.index_cast %get3A_465 : i32 to index
    %get3A_467 = arith.constant 80 : index
    %get3A_468 = tpu.vector_load %arg7[%get3A_466, %get3A_467] {strides = array<i32>} : memref<4x128xi32, #tpu.memory_space<vmem>>, vector<16xi32>,
    %get3A_469 = arith.constant 1 : i32
    %get3A_470 = arith.index_cast %get3A_469 : i32 to index
    %get3A_471 = arith.constant 80 : index
    %get3A_472 = tpu.vector_load %arg8[%get3A_470, %get3A_471] {strides = array<i32>} : memref<4x128xi32, #tpu.memory_space<vmem>>, vector<16xi32>,
    %shift_right_arithmetic3A_473 = arith.constant 16 : i32
    %shift_right_arithmetic3A_474 = vector.broadcast %shift_right_arithmetic3A_473 : i32 to vector<16xi32>
    %shift_right_arithmetic3A_475 = arith.shrsi %get3A_468, %shift_right_arithmetic3A_474 : vector<16xi32>
    %shift_left3A_476 = arith.constant 14 : i32
    %shift_left3A_477 = vector.broadcast %shift_left3A_476 : i32 to vector<16xi32>
    %shift_left3A_478 = arith.shli %shift_right_arithmetic3A_475, %shift_left3A_477 : vector<16xi32>
    %and3A_479 = arith.constant 16383 : i32
    %and3A_480 = vector.broadcast %and3A_479 : i32 to vector<16xi32>
    %and3A_481 = arith.andi %get3A_468, %and3A_480 : vector<16xi32>
    %or3A_482 = arith.ori %shift_left3A_478, %and3A_481 : vector<16xi32>
    %swap3A_483 = arith.constant 1 : i32
    %swap3A_484 = arith.index_cast %swap3A_483 : i32 to index
    %swap3A_485 = arith.constant 80 : index
    %swap3A_486 = tpu.vector_load %arg9[%swap3A_484, %swap3A_485] {strides = array<i32>} : memref<4x128xi32, #tpu.memory_space<vmem>>, vector<16xi32>,
    tpu.vector_store %arg9[%swap3A_484, %swap3A_485], %or3A_482 {strides = array<i32>} : memref<4x128xi32, #tpu.memory_space<vmem>>, vector<16xi32>,
    %shift_right_arithmetic3A_487 = arith.constant 16 : i32
    %shift_right_arithmetic3A_488 = vector.broadcast %shift_right_arithmetic3A_487 : i32 to vector<16xi32>
    %shift_right_arithmetic3A_489 = arith.shrsi %get3A_472, %shift_right_arithmetic3A_488 : vector<16xi32>
    %shift_left3A_490 = arith.constant 14 : i32
    %shift_left3A_491 = vector.broadcast %shift_left3A_490 : i32 to vector<16xi32>
    %shift_left3A_492 = arith.shli %shift_right_arithmetic3A_489, %shift_left3A_491 : vector<16xi32>
    %and3A_493 = arith.constant 16383 : i32
    %and3A_494 = vector.broadcast %and3A_493 : i32 to vector<16xi32>
    %and3A_495 = arith.andi %get3A_472, %and3A_494 : vector<16xi32>
    %or3A_496 = arith.ori %shift_left3A_492, %and3A_495 : vector<16xi32>
    %swap3A_497 = arith.constant 1 : i32
    %swap3A_498 = arith.index_cast %swap3A_497 : i32 to index
    %swap3A_499 = arith.constant 80 : index
    %swap3A_500 = tpu.vector_load %arg10[%swap3A_498, %swap3A_499] {strides = array<i32>} : memref<4x128xi32, #tpu.memory_space<vmem>>, vector<16xi32>,
    tpu.vector_store %arg10[%swap3A_498, %swap3A_499], %or3A_496 {strides = array<i32>} : memref<4x128xi32, #tpu.memory_space<vmem>>, vector<16xi32>,
    %get3A_501 = arith.constant 1 : i32
    %get3A_502 = arith.index_cast %get3A_501 : i32 to index
    %get3A_503 = arith.constant 96 : index
    %get3A_504 = tpu.vector_load %arg7[%get3A_502, %get3A_503] {strides = array<i32>} : memref<4x128xi32, #tpu.memory_space<vmem>>, vector<16xi32>,
    %get3A_505 = arith.constant 1 : i32
    %get3A_506 = arith.index_cast %get3A_505 : i32 to index
    %get3A_507 = arith.constant 96 : index
    %get3A_508 = tpu.vector_load %arg8[%get3A_506, %get3A_507] {strides = array<i32>} : memref<4x128xi32, #tpu.memory_space<vmem>>, vector<16xi32>,
    %shift_right_arithmetic3A_509 = arith.constant 16 : i32
    %shift_right_arithmetic3A_510 = vector.broadcast %shift_right_arithmetic3A_509 : i32 to vector<16xi32>
    %shift_right_arithmetic3A_511 = arith.shrsi %get3A_504, %shift_right_arithmetic3A_510 : vector<16xi32>
    %shift_left3A_512 = arith.constant 14 : i32
    %shift_left3A_513 = vector.broadcast %shift_left3A_512 : i32 to vector<16xi32>
    %shift_left3A_514 = arith.shli %shift_right_arithmetic3A_511, %shift_left3A_513 : vector<16xi32>
    %and3A_515 = arith.constant 16383 : i32
    %and3A_516 = vector.broadcast %and3A_515 : i32 to vector<16xi32>
    %and3A_517 = arith.andi %get3A_504, %and3A_516 : vector<16xi32>
    %or3A_518 = arith.ori %shift_left3A_514, %and3A_517 : vector<16xi32>
    %swap3A_519 = arith.constant 1 : i32
    %swap3A_520 = arith.index_cast %swap3A_519 : i32 to index
    %swap3A_521 = arith.constant 96 : index
    %swap3A_522 = tpu.vector_load %arg9[%swap3A_520, %swap3A_521] {strides = array<i32>} : memref<4x128xi32, #tpu.memory_space<vmem>>, vector<16xi32>,
    tpu.vector_store %arg9[%swap3A_520, %swap3A_521], %or3A_518 {strides = array<i32>} : memref<4x128xi32, #tpu.memory_space<vmem>>, vector<16xi32>,
    %shift_right_arithmetic3A_523 = arith.constant 16 : i32
    %shift_right_arithmetic3A_524 = vector.broadcast %shift_right_arithmetic3A_523 : i32 to vector<16xi32>
    %shift_right_arithmetic3A_525 = arith.shrsi %get3A_508, %shift_right_arithmetic3A_524 : vector<16xi32>
    %shift_left3A_526 = arith.constant 14 : i32
    %shift_left3A_527 = vector.broadcast %shift_left3A_526 : i32 to vector<16xi32>
    %shift_left3A_528 = arith.shli %shift_right_arithmetic3A_525, %shift_left3A_527 : vector<16xi32>
    %and3A_529 = arith.constant 16383 : i32
    %and3A_530 = vector.broadcast %and3A_529 : i32 to vector<16xi32>
    %and3A_531 = arith.andi %get3A_508, %and3A_530 : vector<16xi32>
    %or3A_532 = arith.ori %shift_left3A_528, %and3A_531 : vector<16xi32>
    %swap3A_533 = arith.constant 1 : i32
    %swap3A_534 = arith.index_cast %swap3A_533 : i32 to index
    %swap3A_535 = arith.constant 96 : index
    %swap3A_536 = tpu.vector_load %arg10[%swap3A_534, %swap3A_535] {strides = array<i32>} : memref<4x128xi32, #tpu.memory_space<vmem>>, vector<16xi32>,
    tpu.vector_store %arg10[%swap3A_534, %swap3A_535], %or3A_532 {strides = array<i32>} : memref<4x128xi32, #tpu.memory_space<vmem>>, vector<16xi32>,
    %get3A_537 = arith.constant 1 : i32
    %get3A_538 = arith.index_cast %get3A_537 : i32 to index
    %get3A_539 = arith.constant 112 : index
    %get3A_540 = tpu.vector_load %arg7[%get3A_538, %get3A_539] {strides = array<i32>} : memref<4x128xi32, #tpu.memory_space<vmem>>, vector<16xi32>,
    %get3A_541 = arith.constant 1 : i32
    %get3A_542 = arith.index_cast %get3A_541 : i32 to index
    %get3A_543 = arith.constant 112 : index
    %get3A_544 = tpu.vector_load %arg8[%get3A_542, %get3A_543] {strides = array<i32>} : memref<4x128xi32, #tpu.memory_space<vmem>>, vector<16xi32>,
    %shift_right_arithmetic3A_545 = arith.constant 16 : i32
    %shift_right_arithmetic3A_546 = vector.broadcast %shift_right_arithmetic3A_545 : i32 to vector<16xi32>
    %shift_right_arithmetic3A_547 = arith.shrsi %get3A_540, %shift_right_arithmetic3A_546 : vector<16xi32>
    %shift_left3A_548 = arith.constant 14 : i32
    %shift_left3A_549 = vector.broadcast %shift_left3A_548 : i32 to vector<16xi32>
    %shift_left3A_550 = arith.shli %shift_right_arithmetic3A_547, %shift_left3A_549 : vector<16xi32>
    %and3A_551 = arith.constant 16383 : i32
    %and3A_552 = vector.broadcast %and3A_551 : i32 to vector<16xi32>
    %and3A_553 = arith.andi %get3A_540, %and3A_552 : vector<16xi32>
    %or3A_554 = arith.ori %shift_left3A_550, %and3A_553 : vector<16xi32>
    %swap3A_555 = arith.constant 1 : i32
    %swap3A_556 = arith.index_cast %swap3A_555 : i32 to index
    %swap3A_557 = arith.constant 112 : index
    %swap3A_558 = tpu.vector_load %arg9[%swap3A_556, %swap3A_557] {strides = array<i32>} : memref<4x128xi32, #tpu.memory_space<vmem>>, vector<16xi32>,
    tpu.vector_store %arg9[%swap3A_556, %swap3A_557], %or3A_554 {strides = array<i32>} : memref<4x128xi32, #tpu.memory_space<vmem>>, vector<16xi32>,
    %shift_right_arithmetic3A_559 = arith.constant 16 : i32
    %shift_right_arithmetic3A_560 = vector.broadcast %shift_right_arithmetic3A_559 : i32 to vector<16xi32>
    %shift_right_arithmetic3A_561 = arith.shrsi %get3A_544, %shift_right_arithmetic3A_560 : vector<16xi32>
    %shift_left3A_562 = arith.constant 14 : i32
    %shift_left3A_563 = vector.broadcast %shift_left3A_562 : i32 to vector<16xi32>
    %shift_left3A_564 = arith.shli %shift_right_arithmetic3A_561, %shift_left3A_563 : vector<16xi32>
    %and3A_565 = arith.constant 16383 : i32
    %and3A_566 = vector.broadcast %and3A_565 : i32 to vector<16xi32>
    %and3A_567 = arith.andi %get3A_544, %and3A_566 : vector<16xi32>
    %or3A_568 = arith.ori %shift_left3A_564, %and3A_567 : vector<16xi32>
    %swap3A_569 = arith.constant 1 : i32
    %swap3A_570 = arith.index_cast %swap3A_569 : i32 to index
    %swap3A_571 = arith.constant 112 : index
    %swap3A_572 = tpu.vector_load %arg10[%swap3A_570, %swap3A_571] {strides = array<i32>} : memref<4x128xi32, #tpu.memory_space<vmem>>, vector<16xi32>,
    tpu.vector_store %arg10[%swap3A_570, %swap3A_571], %or3A_568 {strides = array<i32>} : memref<4x128xi32, #tpu.memory_space<vmem>>, vector<16xi32>,
    %get3A_573 = arith.constant 2 : i32
    %get3A_574 = arith.index_cast %get3A_573 : i32 to index
    %get3A_575 = arith.constant 0 : index
    %get3A_576 = tpu.vector_load %arg7[%get3A_574, %get3A_575] {strides = array<i32>} : memref<4x128xi32, #tpu.memory_space<vmem>>, vector<16xi32>,
    %get3A_577 = arith.constant 2 : i32
    %get3A_578 = arith.index_cast %get3A_577 : i32 to index
    %get3A_579 = arith.constant 0 : index
    %get3A_580 = tpu.vector_load %arg8[%get3A_578, %get3A_579] {strides = array<i32>} : memref<4x128xi32, #tpu.memory_space<vmem>>, vector<16xi32>,
    %shift_right_arithmetic3A_581 = arith.constant 16 : i32
    %shift_right_arithmetic3A_582 = vector.broadcast %shift_right_arithmetic3A_581 : i32 to vector<16xi32>
    %shift_right_arithmetic3A_583 = arith.shrsi %get3A_576, %shift_right_arithmetic3A_582 : vector<16xi32>
    %shift_left3A_584 = arith.constant 14 : i32
    %shift_left3A_585 = vector.broadcast %shift_left3A_584 : i32 to vector<16xi32>
    %shift_left3A_586 = arith.shli %shift_right_arithmetic3A_583, %shift_left3A_585 : vector<16xi32>
    %and3A_587 = arith.constant 16383 : i32
    %and3A_588 = vector.broadcast %and3A_587 : i32 to vector<16xi32>
    %and3A_589 = arith.andi %get3A_576, %and3A_588 : vector<16xi32>
    %or3A_590 = arith.ori %shift_left3A_586, %and3A_589 : vector<16xi32>
    %swap3A_591 = arith.constant 2 : i32
    %swap3A_592 = arith.index_cast %swap3A_591 : i32 to index
    %swap3A_593 = arith.constant 0 : index
    %swap3A_594 = tpu.vector_load %arg9[%swap3A_592, %swap3A_593] {strides = array<i32>} : memref<4x128xi32, #tpu.memory_space<vmem>>, vector<16xi32>,
    tpu.vector_store %arg9[%swap3A_592, %swap3A_593], %or3A_590 {strides = array<i32>} : memref<4x128xi32, #tpu.memory_space<vmem>>, vector<16xi32>,
    %shift_right_arithmetic3A_595 = arith.constant 16 : i32
    %shift_right_arithmetic3A_596 = vector.broadcast %shift_right_arithmetic3A_595 : i32 to vector<16xi32>
    %shift_right_arithmetic3A_597 = arith.shrsi %get3A_580, %shift_right_arithmetic3A_596 : vector<16xi32>
    %shift_left3A_598 = arith.constant 14 : i32
    %shift_left3A_599 = vector.broadcast %shift_left3A_598 : i32 to vector<16xi32>
    %shift_left3A_600 = arith.shli %shift_right_arithmetic3A_597, %shift_left3A_599 : vector<16xi32>
    %and3A_601 = arith.constant 16383 : i32
    %and3A_602 = vector.broadcast %and3A_601 : i32 to vector<16xi32>
    %and3A_603 = arith.andi %get3A_580, %and3A_602 : vector<16xi32>
    %or3A_604 = arith.ori %shift_left3A_600, %and3A_603 : vector<16xi32>
    %swap3A_605 = arith.constant 2 : i32
    %swap3A_606 = arith.index_cast %swap3A_605 : i32 to index
    %swap3A_607 = arith.constant 0 : index
    %swap3A_608 = tpu.vector_load %arg10[%swap3A_606, %swap3A_607] {strides = array<i32>} : memref<4x128xi32, #tpu.memory_space<vmem>>, vector<16xi32>,
    tpu.vector_store %arg10[%swap3A_606, %swap3A_607], %or3A_604 {strides = array<i32>} : memref<4x128xi32, #tpu.memory_space<vmem>>, vector<16xi32>,
    %get3A_609 = arith.constant 2 : i32
    %get3A_610 = arith.index_cast %get3A_609 : i32 to index
    %get3A_611 = arith.constant 16 : index
    %get3A_612 = tpu.vector_load %arg7[%get3A_610, %get3A_611] {strides = array<i32>} : memref<4x128xi32, #tpu.memory_space<vmem>>, vector<16xi32>,
    %get3A_613 = arith.constant 2 : i32
    %get3A_614 = arith.index_cast %get3A_613 : i32 to index
    %get3A_615 = arith.constant 16 : index
    %get3A_616 = tpu.vector_load %arg8[%get3A_614, %get3A_615] {strides = array<i32>} : memref<4x128xi32, #tpu.memory_space<vmem>>, vector<16xi32>,
    %shift_right_arithmetic3A_617 = arith.constant 16 : i32
    %shift_right_arithmetic3A_618 = vector.broadcast %shift_right_arithmetic3A_617 : i32 to vector<16xi32>
    %shift_right_arithmetic3A_619 = arith.shrsi %get3A_612, %shift_right_arithmetic3A_618 : vector<16xi32>
    %shift_left3A_620 = arith.constant 14 : i32
    %shift_left3A_621 = vector.broadcast %shift_left3A_620 : i32 to vector<16xi32>
    %shift_left3A_622 = arith.shli %shift_right_arithmetic3A_619, %shift_left3A_621 : vector<16xi32>
    %and3A_623 = arith.constant 16383 : i32
    %and3A_624 = vector.broadcast %and3A_623 : i32 to vector<16xi32>
    %and3A_625 = arith.andi %get3A_612, %and3A_624 : vector<16xi32>
    %or3A_626 = arith.ori %shift_left3A_622, %and3A_625 : vector<16xi32>
    %swap3A_627 = arith.constant 2 : i32
    %swap3A_628 = arith.index_cast %swap3A_627 : i32 to index
    %swap3A_629 = arith.constant 16 : index
    %swap3A_630 = tpu.vector_load %arg9[%swap3A_628, %swap3A_629] {strides = array<i32>} : memref<4x128xi32, #tpu.memory_space<vmem>>, vector<16xi32>,
    tpu.vector_store %arg9[%swap3A_628, %swap3A_629], %or3A_626 {strides = array<i32>} : memref<4x128xi32, #tpu.memory_space<vmem>>, vector<16xi32>,
    %shift_right_arithmetic3A_631 = arith.constant 16 : i32
    %shift_right_arithmetic3A_632 = vector.broadcast %shift_right_arithmetic3A_631 : i32 to vector<16xi32>
    %shift_right_arithmetic3A_633 = arith.shrsi %get3A_616, %shift_right_arithmetic3A_632 : vector<16xi32>
    %shift_left3A_634 = arith.constant 14 : i32
    %shift_left3A_635 = vector.broadcast %shift_left3A_634 : i32 to vector<16xi32>
    %shift_left3A_636 = arith.shli %shift_right_arithmetic3A_633, %shift_left3A_635 : vector<16xi32>
    %and3A_637 = arith.constant 16383 : i32
    %and3A_638 = vector.broadcast %and3A_637 : i32 to vector<16xi32>
    %and3A_639 = arith.andi %get3A_616, %and3A_638 : vector<16xi32>
    %or3A_640 = arith.ori %shift_left3A_636, %and3A_639 : vector<16xi32>
    %swap3A_641 = arith.constant 2 : i32
    %swap3A_642 = arith.index_cast %swap3A_641 : i32 to index
    %swap3A_643 = arith.constant 16 : index
    %swap3A_644 = tpu.vector_load %arg10[%swap3A_642, %swap3A_643] {strides = array<i32>} : memref<4x128xi32, #tpu.memory_space<vmem>>, vector<16xi32>,
    tpu.vector_store %arg10[%swap3A_642, %swap3A_643], %or3A_640 {strides = array<i32>} : memref<4x128xi32, #tpu.memory_space<vmem>>, vector<16xi32>,
    %get3A_645 = arith.constant 2 : i32
    %get3A_646 = arith.index_cast %get3A_645 : i32 to index
    %get3A_647 = arith.constant 32 : index
    %get3A_648 = tpu.vector_load %arg7[%get3A_646, %get3A_647] {strides = array<i32>} : memref<4x128xi32, #tpu.memory_space<vmem>>, vector<16xi32>,
    %get3A_649 = arith.constant 2 : i32
    %get3A_650 = arith.index_cast %get3A_649 : i32 to index
    %get3A_651 = arith.constant 32 : index
    %get3A_652 = tpu.vector_load %arg8[%get3A_650, %get3A_651] {strides = array<i32>} : memref<4x128xi32, #tpu.memory_space<vmem>>, vector<16xi32>,
    %shift_right_arithmetic3A_653 = arith.constant 16 : i32
    %shift_right_arithmetic3A_654 = vector.broadcast %shift_right_arithmetic3A_653 : i32 to vector<16xi32>
    %shift_right_arithmetic3A_655 = arith.shrsi %get3A_648, %shift_right_arithmetic3A_654 : vector<16xi32>
    %shift_left3A_656 = arith.constant 14 : i32
    %shift_left3A_657 = vector.broadcast %shift_left3A_656 : i32 to vector<16xi32>
    %shift_left3A_658 = arith.shli %shift_right_arithmetic3A_655, %shift_left3A_657 : vector<16xi32>
    %and3A_659 = arith.constant 16383 : i32
    %and3A_660 = vector.broadcast %and3A_659 : i32 to vector<16xi32>
    %and3A_661 = arith.andi %get3A_648, %and3A_660 : vector<16xi32>
    %or3A_662 = arith.ori %shift_left3A_658, %and3A_661 : vector<16xi32>
    %swap3A_663 = arith.constant 2 : i32
    %swap3A_664 = arith.index_cast %swap3A_663 : i32 to index
    %swap3A_665 = arith.constant 32 : index
    %swap3A_666 = tpu.vector_load %arg9[%swap3A_664, %swap3A_665] {strides = array<i32>} : memref<4x128xi32, #tpu.memory_space<vmem>>, vector<16xi32>,
    tpu.vector_store %arg9[%swap3A_664, %swap3A_665], %or3A_662 {strides = array<i32>} : memref<4x128xi32, #tpu.memory_space<vmem>>, vector<16xi32>,
    %shift_right_arithmetic3A_667 = arith.constant 16 : i32
    %shift_right_arithmetic3A_668 = vector.broadcast %shift_right_arithmetic3A_667 : i32 to vector<16xi32>
    %shift_right_arithmetic3A_669 = arith.shrsi %get3A_652, %shift_right_arithmetic3A_668 : vector<16xi32>
    %shift_left3A_670 = arith.constant 14 : i32
    %shift_left3A_671 = vector.broadcast %shift_left3A_670 : i32 to vector<16xi32>
    %shift_left3A_672 = arith.shli %shift_right_arithmetic3A_669, %shift_left3A_671 : vector<16xi32>
    %and3A_673 = arith.constant 16383 : i32
    %and3A_674 = vector.broadcast %and3A_673 : i32 to vector<16xi32>
    %and3A_675 = arith.andi %get3A_652, %and3A_674 : vector<16xi32>
    %or3A_676 = arith.ori %shift_left3A_672, %and3A_675 : vector<16xi32>
    %swap3A_677 = arith.constant 2 : i32
    %swap3A_678 = arith.index_cast %swap3A_677 : i32 to index
    %swap3A_679 = arith.constant 32 : index
    %swap3A_680 = tpu.vector_load %arg10[%swap3A_678, %swap3A_679] {strides = array<i32>} : memref<4x128xi32, #tpu.memory_space<vmem>>, vector<16xi32>,
    tpu.vector_store %arg10[%swap3A_678, %swap3A_679], %or3A_676 {strides = array<i32>} : memref<4x128xi32, #tpu.memory_space<vmem>>, vector<16xi32>,
    %get3A_681 = arith.constant 2 : i32
    %get3A_682 = arith.index_cast %get3A_681 : i32 to index
    %get3A_683 = arith.constant 48 : index
    %get3A_684 = tpu.vector_load %arg7[%get3A_682, %get3A_683] {strides = array<i32>} : memref<4x128xi32, #tpu.memory_space<vmem>>, vector<16xi32>,
    %get3A_685 = arith.constant 2 : i32
    %get3A_686 = arith.index_cast %get3A_685 : i32 to index
    %get3A_687 = arith.constant 48 : index
    %get3A_688 = tpu.vector_load %arg8[%get3A_686, %get3A_687] {strides = array<i32>} : memref<4x128xi32, #tpu.memory_space<vmem>>, vector<16xi32>,
    %shift_right_arithmetic3A_689 = arith.constant 16 : i32
    %shift_right_arithmetic3A_690 = vector.broadcast %shift_right_arithmetic3A_689 : i32 to vector<16xi32>
    %shift_right_arithmetic3A_691 = arith.shrsi %get3A_684, %shift_right_arithmetic3A_690 : vector<16xi32>
    %shift_left3A_692 = arith.constant 14 : i32
    %shift_left3A_693 = vector.broadcast %shift_left3A_692 : i32 to vector<16xi32>
    %shift_left3A_694 = arith.shli %shift_right_arithmetic3A_691, %shift_left3A_693 : vector<16xi32>
    %and3A_695 = arith.constant 16383 : i32
    %and3A_696 = vector.broadcast %and3A_695 : i32 to vector<16xi32>
    %and3A_697 = arith.andi %get3A_684, %and3A_696 : vector<16xi32>
    %or3A_698 = arith.ori %shift_left3A_694, %and3A_697 : vector<16xi32>
    %swap3A_699 = arith.constant 2 : i32
    %swap3A_700 = arith.index_cast %swap3A_699 : i32 to index
    %swap3A_701 = arith.constant 48 : index
    %swap3A_702 = tpu.vector_load %arg9[%swap3A_700, %swap3A_701] {strides = array<i32>} : memref<4x128xi32, #tpu.memory_space<vmem>>, vector<16xi32>,
    tpu.vector_store %arg9[%swap3A_700, %swap3A_701], %or3A_698 {strides = array<i32>} : memref<4x128xi32, #tpu.memory_space<vmem>>, vector<16xi32>,
    %shift_right_arithmetic3A_703 = arith.constant 16 : i32
    %shift_right_arithmetic3A_704 = vector.broadcast %shift_right_arithmetic3A_703 : i32 to vector<16xi32>
    %shift_right_arithmetic3A_705 = arith.shrsi %get3A_688, %shift_right_arithmetic3A_704 : vector<16xi32>
    %shift_left3A_706 = arith.constant 14 : i32
    %shift_left3A_707 = vector.broadcast %shift_left3A_706 : i32 to vector<16xi32>
    %shift_left3A_708 = arith.shli %shift_right_arithmetic3A_705, %shift_left3A_707 : vector<16xi32>
    %and3A_709 = arith.constant 16383 : i32
    %and3A_710 = vector.broadcast %and3A_709 : i32 to vector<16xi32>
    %and3A_711 = arith.andi %get3A_688, %and3A_710 : vector<16xi32>
    %or3A_712 = arith.ori %shift_left3A_708, %and3A_711 : vector<16xi32>
    %swap3A_713 = arith.constant 2 : i32
    %swap3A_714 = arith.index_cast %swap3A_713 : i32 to index
    %swap3A_715 = arith.constant 48 : index
    %swap3A_716 = tpu.vector_load %arg10[%swap3A_714, %swap3A_715] {strides = array<i32>} : memref<4x128xi32, #tpu.memory_space<vmem>>, vector<16xi32>,
    tpu.vector_store %arg10[%swap3A_714, %swap3A_715], %or3A_712 {strides = array<i32>} : memref<4x128xi32, #tpu.memory_space<vmem>>, vector<16xi32>,
    %get3A_717 = arith.constant 2 : i32
    %get3A_718 = arith.index_cast %get3A_717 : i32 to index
    %get3A_719 = arith.constant 64 : index
    %get3A_720 = tpu.vector_load %arg7[%get3A_718, %get3A_719] {strides = array<i32>} : memref<4x128xi32, #tpu.memory_space<vmem>>, vector<16xi32>,
    %get3A_721 = arith.constant 2 : i32
    %get3A_722 = arith.index_cast %get3A_721 : i32 to index
    %get3A_723 = arith.constant 64 : index
    %get3A_724 = tpu.vector_load %arg8[%get3A_722, %get3A_723] {strides = array<i32>} : memref<4x128xi32, #tpu.memory_space<vmem>>, vector<16xi32>,
    %shift_right_arithmetic3A_725 = arith.constant 16 : i32
    %shift_right_arithmetic3A_726 = vector.broadcast %shift_right_arithmetic3A_725 : i32 to vector<16xi32>
    %shift_right_arithmetic3A_727 = arith.shrsi %get3A_720, %shift_right_arithmetic3A_726 : vector<16xi32>
    %shift_left3A_728 = arith.constant 14 : i32
    %shift_left3A_729 = vector.broadcast %shift_left3A_728 : i32 to vector<16xi32>
    %shift_left3A_730 = arith.shli %shift_right_arithmetic3A_727, %shift_left3A_729 : vector<16xi32>
    %and3A_731 = arith.constant 16383 : i32
    %and3A_732 = vector.broadcast %and3A_731 : i32 to vector<16xi32>
    %and3A_733 = arith.andi %get3A_720, %and3A_732 : vector<16xi32>
    %or3A_734 = arith.ori %shift_left3A_730, %and3A_733 : vector<16xi32>
    %swap3A_735 = arith.constant 2 : i32
    %swap3A_736 = arith.index_cast %swap3A_735 : i32 to index
    %swap3A_737 = arith.constant 64 : index
    %swap3A_738 = tpu.vector_load %arg9[%swap3A_736, %swap3A_737] {strides = array<i32>} : memref<4x128xi32, #tpu.memory_space<vmem>>, vector<16xi32>,
    tpu.vector_store %arg9[%swap3A_736, %swap3A_737], %or3A_734 {strides = array<i32>} : memref<4x128xi32, #tpu.memory_space<vmem>>, vector<16xi32>,
    %shift_right_arithmetic3A_739 = arith.constant 16 : i32
    %shift_right_arithmetic3A_740 = vector.broadcast %shift_right_arithmetic3A_739 : i32 to vector<16xi32>
    %shift_right_arithmetic3A_741 = arith.shrsi %get3A_724, %shift_right_arithmetic3A_740 : vector<16xi32>
    %shift_left3A_742 = arith.constant 14 : i32
    %shift_left3A_743 = vector.broadcast %shift_left3A_742 : i32 to vector<16xi32>
    %shift_left3A_744 = arith.shli %shift_right_arithmetic3A_741, %shift_left3A_743 : vector<16xi32>
    %and3A_745 = arith.constant 16383 : i32
    %and3A_746 = vector.broadcast %and3A_745 : i32 to vector<16xi32>
    %and3A_747 = arith.andi %get3A_724, %and3A_746 : vector<16xi32>
    %or3A_748 = arith.ori %shift_left3A_744, %and3A_747 : vector<16xi32>
    %swap3A_749 = arith.constant 2 : i32
    %swap3A_750 = arith.index_cast %swap3A_749 : i32 to index
    %swap3A_751 = arith.constant 64 : index
    %swap3A_752 = tpu.vector_load %arg10[%swap3A_750, %swap3A_751] {strides = array<i32>} : memref<4x128xi32, #tpu.memory_space<vmem>>, vector<16xi32>,
    tpu.vector_store %arg10[%swap3A_750, %swap3A_751], %or3A_748 {strides = array<i32>} : memref<4x128xi32, #tpu.memory_space<vmem>>, vector<16xi32>,
    %get3A_753 = arith.constant 2 : i32
    %get3A_754 = arith.index_cast %get3A_753 : i32 to index
    %get3A_755 = arith.constant 80 : index
    %get3A_756 = tpu.vector_load %arg7[%get3A_754, %get3A_755] {strides = array<i32>} : memref<4x128xi32, #tpu.memory_space<vmem>>, vector<16xi32>,
    %get3A_757 = arith.constant 2 : i32
    %get3A_758 = arith.index_cast %get3A_757 : i32 to index
    %get3A_759 = arith.constant 80 : index
    %get3A_760 = tpu.vector_load %arg8[%get3A_758, %get3A_759] {strides = array<i32>} : memref<4x128xi32, #tpu.memory_space<vmem>>, vector<16xi32>,
    %shift_right_arithmetic3A_761 = arith.constant 16 : i32
    %shift_right_arithmetic3A_762 = vector.broadcast %shift_right_arithmetic3A_761 : i32 to vector<16xi32>
    %shift_right_arithmetic3A_763 = arith.shrsi %get3A_756, %shift_right_arithmetic3A_762 : vector<16xi32>
    %shift_left3A_764 = arith.constant 14 : i32
    %shift_left3A_765 = vector.broadcast %shift_left3A_764 : i32 to vector<16xi32>
    %shift_left3A_766 = arith.shli %shift_right_arithmetic3A_763, %shift_left3A_765 : vector<16xi32>
    %and3A_767 = arith.constant 16383 : i32
    %and3A_768 = vector.broadcast %and3A_767 : i32 to vector<16xi32>
    %and3A_769 = arith.andi %get3A_756, %and3A_768 : vector<16xi32>
    %or3A_770 = arith.ori %shift_left3A_766, %and3A_769 : vector<16xi32>
    %swap3A_771 = arith.constant 2 : i32
    %swap3A_772 = arith.index_cast %swap3A_771 : i32 to index
    %swap3A_773 = arith.constant 80 : index
    %swap3A_774 = tpu.vector_load %arg9[%swap3A_772, %swap3A_773] {strides = array<i32>} : memref<4x128xi32, #tpu.memory_space<vmem>>, vector<16xi32>,
    tpu.vector_store %arg9[%swap3A_772, %swap3A_773], %or3A_770 {strides = array<i32>} : memref<4x128xi32, #tpu.memory_space<vmem>>, vector<16xi32>,
    %shift_right_arithmetic3A_775 = arith.constant 16 : i32
    %shift_right_arithmetic3A_776 = vector.broadcast %shift_right_arithmetic3A_775 : i32 to vector<16xi32>
    %shift_right_arithmetic3A_777 = arith.shrsi %get3A_760, %shift_right_arithmetic3A_776 : vector<16xi32>
    %shift_left3A_778 = arith.constant 14 : i32
    %shift_left3A_779 = vector.broadcast %shift_left3A_778 : i32 to vector<16xi32>
    %shift_left3A_780 = arith.shli %shift_right_arithmetic3A_777, %shift_left3A_779 : vector<16xi32>
    %and3A_781 = arith.constant 16383 : i32
    %and3A_782 = vector.broadcast %and3A_781 : i32 to vector<16xi32>
    %and3A_783 = arith.andi %get3A_760, %and3A_782 : vector<16xi32>
    %or3A_784 = arith.ori %shift_left3A_780, %and3A_783 : vector<16xi32>
    %swap3A_785 = arith.constant 2 : i32
    %swap3A_786 = arith.index_cast %swap3A_785 : i32 to index
    %swap3A_787 = arith.constant 80 : index
    %swap3A_788 = tpu.vector_load %arg10[%swap3A_786, %swap3A_787] {strides = array<i32>} : memref<4x128xi32, #tpu.memory_space<vmem>>, vector<16xi32>,
    tpu.vector_store %arg10[%swap3A_786, %swap3A_787], %or3A_784 {strides = array<i32>} : memref<4x128xi32, #tpu.memory_space<vmem>>, vector<16xi32>,
    %get3A_789 = arith.constant 2 : i32
    %get3A_790 = arith.index_cast %get3A_789 : i32 to index
    %get3A_791 = arith.constant 96 : index
    %get3A_792 = tpu.vector_load %arg7[%get3A_790, %get3A_791] {strides = array<i32>} : memref<4x128xi32, #tpu.memory_space<vmem>>, vector<16xi32>,
    %get3A_793 = arith.constant 2 : i32
    %get3A_794 = arith.index_cast %get3A_793 : i32 to index
    %get3A_795 = arith.constant 96 : index
    %get3A_796 = tpu.vector_load %arg8[%get3A_794, %get3A_795] {strides = array<i32>} : memref<4x128xi32, #tpu.memory_space<vmem>>, vector<16xi32>,
    %shift_right_arithmetic3A_797 = arith.constant 16 : i32
    %shift_right_arithmetic3A_798 = vector.broadcast %shift_right_arithmetic3A_797 : i32 to vector<16xi32>
    %shift_right_arithmetic3A_799 = arith.shrsi %get3A_792, %shift_right_arithmetic3A_798 : vector<16xi32>
    %shift_left3A_800 = arith.constant 14 : i32
    %shift_left3A_801 = vector.broadcast %shift_left3A_800 : i32 to vector<16xi32>
    %shift_left3A_802 = arith.shli %shift_right_arithmetic3A_799, %shift_left3A_801 : vector<16xi32>
    %and3A_803 = arith.constant 16383 : i32
    %and3A_804 = vector.broadcast %and3A_803 : i32 to vector<16xi32>
    %and3A_805 = arith.andi %get3A_792, %and3A_804 : vector<16xi32>
    %or3A_806 = arith.ori %shift_left3A_802, %and3A_805 : vector<16xi32>
    %swap3A_807 = arith.constant 2 : i32
    %swap3A_808 = arith.index_cast %swap3A_807 : i32 to index
    %swap3A_809 = arith.constant 96 : index
    %swap3A_810 = tpu.vector_load %arg9[%swap3A_808, %swap3A_809] {strides = array<i32>} : memref<4x128xi32, #tpu.memory_space<vmem>>, vector<16xi32>,
    tpu.vector_store %arg9[%swap3A_808, %swap3A_809], %or3A_806 {strides = array<i32>} : memref<4x128xi32, #tpu.memory_space<vmem>>, vector<16xi32>,
    %shift_right_arithmetic3A_811 = arith.constant 16 : i32
    %shift_right_arithmetic3A_812 = vector.broadcast %shift_right_arithmetic3A_811 : i32 to vector<16xi32>
    %shift_right_arithmetic3A_813 = arith.shrsi %get3A_796, %shift_right_arithmetic3A_812 : vector<16xi32>
    %shift_left3A_814 = arith.constant 14 : i32
    %shift_left3A_815 = vector.broadcast %shift_left3A_814 : i32 to vector<16xi32>
    %shift_left3A_816 = arith.shli %shift_right_arithmetic3A_813, %shift_left3A_815 : vector<16xi32>
    %and3A_817 = arith.constant 16383 : i32
    %and3A_818 = vector.broadcast %and3A_817 : i32 to vector<16xi32>
    %and3A_819 = arith.andi %get3A_796, %and3A_818 : vector<16xi32>
    %or3A_820 = arith.ori %shift_left3A_816, %and3A_819 : vector<16xi32>
    %swap3A_821 = arith.constant 2 : i32
    %swap3A_822 = arith.index_cast %swap3A_821 : i32 to index
    %swap3A_823 = arith.constant 96 : index
    %swap3A_824 = tpu.vector_load %arg10[%swap3A_822, %swap3A_823] {strides = array<i32>} : memref<4x128xi32, #tpu.memory_space<vmem>>, vector<16xi32>,
    tpu.vector_store %arg10[%swap3A_822, %swap3A_823], %or3A_820 {strides = array<i32>} : memref<4x128xi32, #tpu.memory_space<vmem>>, vector<16xi32>,
    %get3A_825 = arith.constant 2 : i32
    %get3A_826 = arith.index_cast %get3A_825 : i32 to index
    %get3A_827 = arith.constant 112 : index
    %get3A_828 = tpu.vector_load %arg7[%get3A_826, %get3A_827] {strides = array<i32>} : memref<4x128xi32, #tpu.memory_space<vmem>>, vector<16xi32>,
    %get3A_829 = arith.constant 2 : i32
    %get3A_830 = arith.index_cast %get3A_829 : i32 to index
    %get3A_831 = arith.constant 112 : index
    %get3A_832 = tpu.vector_load %arg8[%get3A_830, %get3A_831] {strides = array<i32>} : memref<4x128xi32, #tpu.memory_space<vmem>>, vector<16xi32>,
    %shift_right_arithmetic3A_833 = arith.constant 16 : i32
    %shift_right_arithmetic3A_834 = vector.broadcast %shift_right_arithmetic3A_833 : i32 to vector<16xi32>
    %shift_right_arithmetic3A_835 = arith.shrsi %get3A_828, %shift_right_arithmetic3A_834 : vector<16xi32>
    %shift_left3A_836 = arith.constant 14 : i32
    %shift_left3A_837 = vector.broadcast %shift_left3A_836 : i32 to vector<16xi32>
    %shift_left3A_838 = arith.shli %shift_right_arithmetic3A_835, %shift_left3A_837 : vector<16xi32>
    %and3A_839 = arith.constant 16383 : i32
    %and3A_840 = vector.broadcast %and3A_839 : i32 to vector<16xi32>
    %and3A_841 = arith.andi %get3A_828, %and3A_840 : vector<16xi32>
    %or3A_842 = arith.ori %shift_left3A_838, %and3A_841 : vector<16xi32>
    %swap3A_843 = arith.constant 2 : i32
    %swap3A_844 = arith.index_cast %swap3A_843 : i32 to index
    %swap3A_845 = arith.constant 112 : index
    %swap3A_846 = tpu.vector_load %arg9[%swap3A_844, %swap3A_845] {strides = array<i32>} : memref<4x128xi32, #tpu.memory_space<vmem>>, vector<16xi32>,
    tpu.vector_store %arg9[%swap3A_844, %swap3A_845], %or3A_842 {strides = array<i32>} : memref<4x128xi32, #tpu.memory_space<vmem>>, vector<16xi32>,
    %shift_right_arithmetic3A_847 = arith.constant 16 : i32
    %shift_right_arithmetic3A_848 = vector.broadcast %shift_right_arithmetic3A_847 : i32 to vector<16xi32>
    %shift_right_arithmetic3A_849 = arith.shrsi %get3A_832, %shift_right_arithmetic3A_848 : vector<16xi32>
    %shift_left3A_850 = arith.constant 14 : i32
    %shift_left3A_851 = vector.broadcast %shift_left3A_850 : i32 to vector<16xi32>
    %shift_left3A_852 = arith.shli %shift_right_arithmetic3A_849, %shift_left3A_851 : vector<16xi32>
    %and3A_853 = arith.constant 16383 : i32
    %and3A_854 = vector.broadcast %and3A_853 : i32 to vector<16xi32>
    %and3A_855 = arith.andi %get3A_832, %and3A_854 : vector<16xi32>
    %or3A_856 = arith.ori %shift_left3A_852, %and3A_855 : vector<16xi32>
    %swap3A_857 = arith.constant 2 : i32
    %swap3A_858 = arith.index_cast %swap3A_857 : i32 to index
    %swap3A_859 = arith.constant 112 : index
    %swap3A_860 = tpu.vector_load %arg10[%swap3A_858, %swap3A_859] {strides = array<i32>} : memref<4x128xi32, #tpu.memory_space<vmem>>, vector<16xi32>,
    tpu.vector_store %arg10[%swap3A_858, %swap3A_859], %or3A_856 {strides = array<i32>} : memref<4x128xi32, #tpu.memory_space<vmem>>, vector<16xi32>,
    %get3A_861 = arith.constant 3 : i32
    %get3A_862 = arith.index_cast %get3A_861 : i32 to index
    %get3A_863 = arith.constant 0 : index
    %get3A_864 = tpu.vector_load %arg7[%get3A_862, %get3A_863] {strides = array<i32>} : memref<4x128xi32, #tpu.memory_space<vmem>>, vector<16xi32>,
    %get3A_865 = arith.constant 3 : i32
    %get3A_866 = arith.index_cast %get3A_865 : i32 to index
    %get3A_867 = arith.constant 0 : index
    %get3A_868 = tpu.vector_load %arg8[%get3A_866, %get3A_867] {strides = array<i32>} : memref<4x128xi32, #tpu.memory_space<vmem>>, vector<16xi32>,
    %shift_right_arithmetic3A_869 = arith.constant 16 : i32
    %shift_right_arithmetic3A_870 = vector.broadcast %shift_right_arithmetic3A_869 : i32 to vector<16xi32>
    %shift_right_arithmetic3A_871 = arith.shrsi %get3A_864, %shift_right_arithmetic3A_870 : vector<16xi32>
    %shift_left3A_872 = arith.constant 14 : i32
    %shift_left3A_873 = vector.broadcast %shift_left3A_872 : i32 to vector<16xi32>
    %shift_left3A_874 = arith.shli %shift_right_arithmetic3A_871, %shift_left3A_873 : vector<16xi32>
    %and3A_875 = arith.constant 16383 : i32
    %and3A_876 = vector.broadcast %and3A_875 : i32 to vector<16xi32>
    %and3A_877 = arith.andi %get3A_864, %and3A_876 : vector<16xi32>
    %or3A_878 = arith.ori %shift_left3A_874, %and3A_877 : vector<16xi32>
    %swap3A_879 = arith.constant 3 : i32
    %swap3A_880 = arith.index_cast %swap3A_879 : i32 to index
    %swap3A_881 = arith.constant 0 : index
    %swap3A_882 = tpu.vector_load %arg9[%swap3A_880, %swap3A_881] {strides = array<i32>} : memref<4x128xi32, #tpu.memory_space<vmem>>, vector<16xi32>,
    tpu.vector_store %arg9[%swap3A_880, %swap3A_881], %or3A_878 {strides = array<i32>} : memref<4x128xi32, #tpu.memory_space<vmem>>, vector<16xi32>,
    %shift_right_arithmetic3A_883 = arith.constant 16 : i32
    %shift_right_arithmetic3A_884 = vector.broadcast %shift_right_arithmetic3A_883 : i32 to vector<16xi32>
    %shift_right_arithmetic3A_885 = arith.shrsi %get3A_868, %shift_right_arithmetic3A_884 : vector<16xi32>
    %shift_left3A_886 = arith.constant 14 : i32
    %shift_left3A_887 = vector.broadcast %shift_left3A_886 : i32 to vector<16xi32>
    %shift_left3A_888 = arith.shli %shift_right_arithmetic3A_885, %shift_left3A_887 : vector<16xi32>
    %and3A_889 = arith.constant 16383 : i32
    %and3A_890 = vector.broadcast %and3A_889 : i32 to vector<16xi32>
    %and3A_891 = arith.andi %get3A_868, %and3A_890 : vector<16xi32>
    %or3A_892 = arith.ori %shift_left3A_888, %and3A_891 : vector<16xi32>
    %swap3A_893 = arith.constant 3 : i32
    %swap3A_894 = arith.index_cast %swap3A_893 : i32 to index
    %swap3A_895 = arith.constant 0 : index
    %swap3A_896 = tpu.vector_load %arg10[%swap3A_894, %swap3A_895] {strides = array<i32>} : memref<4x128xi32, #tpu.memory_space<vmem>>, vector<16xi32>,
    tpu.vector_store %arg10[%swap3A_894, %swap3A_895], %or3A_892 {strides = array<i32>} : memref<4x128xi32, #tpu.memory_space<vmem>>, vector<16xi32>,
    %get3A_897 = arith.constant 3 : i32
    %get3A_898 = arith.index_cast %get3A_897 : i32 to index
    %get3A_899 = arith.constant 16 : index
    %get3A_900 = tpu.vector_load %arg7[%get3A_898, %get3A_899] {strides = array<i32>} : memref<4x128xi32, #tpu.memory_space<vmem>>, vector<16xi32>,
    %get3A_901 = arith.constant 3 : i32
    %get3A_902 = arith.index_cast %get3A_901 : i32 to index
    %get3A_903 = arith.constant 16 : index
    %get3A_904 = tpu.vector_load %arg8[%get3A_902, %get3A_903] {strides = array<i32>} : memref<4x128xi32, #tpu.memory_space<vmem>>, vector<16xi32>,
    %shift_right_arithmetic3A_905 = arith.constant 16 : i32
    %shift_right_arithmetic3A_906 = vector.broadcast %shift_right_arithmetic3A_905 : i32 to vector<16xi32>
    %shift_right_arithmetic3A_907 = arith.shrsi %get3A_900, %shift_right_arithmetic3A_906 : vector<16xi32>
    %shift_left3A_908 = arith.constant 14 : i32
    %shift_left3A_909 = vector.broadcast %shift_left3A_908 : i32 to vector<16xi32>
    %shift_left3A_910 = arith.shli %shift_right_arithmetic3A_907, %shift_left3A_909 : vector<16xi32>
    %and3A_911 = arith.constant 16383 : i32
    %and3A_912 = vector.broadcast %and3A_911 : i32 to vector<16xi32>
    %and3A_913 = arith.andi %get3A_900, %and3A_912 : vector<16xi32>
    %or3A_914 = arith.ori %shift_left3A_910, %and3A_913 : vector<16xi32>
    %swap3A_915 = arith.constant 3 : i32
    %swap3A_916 = arith.index_cast %swap3A_915 : i32 to index
    %swap3A_917 = arith.constant 16 : index
    %swap3A_918 = tpu.vector_load %arg9[%swap3A_916, %swap3A_917] {strides = array<i32>} : memref<4x128xi32, #tpu.memory_space<vmem>>, vector<16xi32>,
    tpu.vector_store %arg9[%swap3A_916, %swap3A_917], %or3A_914 {strides = array<i32>} : memref<4x128xi32, #tpu.memory_space<vmem>>, vector<16xi32>,
    %shift_right_arithmetic3A_919 = arith.constant 16 : i32
    %shift_right_arithmetic3A_920 = vector.broadcast %shift_right_arithmetic3A_919 : i32 to vector<16xi32>
    %shift_right_arithmetic3A_921 = arith.shrsi %get3A_904, %shift_right_arithmetic3A_920 : vector<16xi32>
    %shift_left3A_922 = arith.constant 14 : i32
    %shift_left3A_923 = vector.broadcast %shift_left3A_922 : i32 to vector<16xi32>
    %shift_left3A_924 = arith.shli %shift_right_arithmetic3A_921, %shift_left3A_923 : vector<16xi32>
    %and3A_925 = arith.constant 16383 : i32
    %and3A_926 = vector.broadcast %and3A_925 : i32 to vector<16xi32>
    %and3A_927 = arith.andi %get3A_904, %and3A_926 : vector<16xi32>
    %or3A_928 = arith.ori %shift_left3A_924, %and3A_927 : vector<16xi32>
    %swap3A_929 = arith.constant 3 : i32
    %swap3A_930 = arith.index_cast %swap3A_929 : i32 to index
    %swap3A_931 = arith.constant 16 : index
    %swap3A_932 = tpu.vector_load %arg10[%swap3A_930, %swap3A_931] {strides = array<i32>} : memref<4x128xi32, #tpu.memory_space<vmem>>, vector<16xi32>,
    tpu.vector_store %arg10[%swap3A_930, %swap3A_931], %or3A_928 {strides = array<i32>} : memref<4x128xi32, #tpu.memory_space<vmem>>, vector<16xi32>,
    %get3A_933 = arith.constant 3 : i32
    %get3A_934 = arith.index_cast %get3A_933 : i32 to index
    %get3A_935 = arith.constant 32 : index
    %get3A_936 = tpu.vector_load %arg7[%get3A_934, %get3A_935] {strides = array<i32>} : memref<4x128xi32, #tpu.memory_space<vmem>>, vector<16xi32>,
    %get3A_937 = arith.constant 3 : i32
    %get3A_938 = arith.index_cast %get3A_937 : i32 to index
    %get3A_939 = arith.constant 32 : index
    %get3A_940 = tpu.vector_load %arg8[%get3A_938, %get3A_939] {strides = array<i32>} : memref<4x128xi32, #tpu.memory_space<vmem>>, vector<16xi32>,
    %shift_right_arithmetic3A_941 = arith.constant 16 : i32
    %shift_right_arithmetic3A_942 = vector.broadcast %shift_right_arithmetic3A_941 : i32 to vector<16xi32>
    %shift_right_arithmetic3A_943 = arith.shrsi %get3A_936, %shift_right_arithmetic3A_942 : vector<16xi32>
    %shift_left3A_944 = arith.constant 14 : i32
    %shift_left3A_945 = vector.broadcast %shift_left3A_944 : i32 to vector<16xi32>
    %shift_left3A_946 = arith.shli %shift_right_arithmetic3A_943, %shift_left3A_945 : vector<16xi32>
    %and3A_947 = arith.constant 16383 : i32
    %and3A_948 = vector.broadcast %and3A_947 : i32 to vector<16xi32>
    %and3A_949 = arith.andi %get3A_936, %and3A_948 : vector<16xi32>
    %or3A_950 = arith.ori %shift_left3A_946, %and3A_949 : vector<16xi32>
    %swap3A_951 = arith.constant 3 : i32
    %swap3A_952 = arith.index_cast %swap3A_951 : i32 to index
    %swap3A_953 = arith.constant 32 : index
    %swap3A_954 = tpu.vector_load %arg9[%swap3A_952, %swap3A_953] {strides = array<i32>} : memref<4x128xi32, #tpu.memory_space<vmem>>, vector<16xi32>,
    tpu.vector_store %arg9[%swap3A_952, %swap3A_953], %or3A_950 {strides = array<i32>} : memref<4x128xi32, #tpu.memory_space<vmem>>, vector<16xi32>,
    %shift_right_arithmetic3A_955 = arith.constant 16 : i32
    %shift_right_arithmetic3A_956 = vector.broadcast %shift_right_arithmetic3A_955 : i32 to vector<16xi32>
    %shift_right_arithmetic3A_957 = arith.shrsi %get3A_940, %shift_right_arithmetic3A_956 : vector<16xi32>
    %shift_left3A_958 = arith.constant 14 : i32
    %shift_left3A_959 = vector.broadcast %shift_left3A_958 : i32 to vector<16xi32>
    %shift_left3A_960 = arith.shli %shift_right_arithmetic3A_957, %shift_left3A_959 : vector<16xi32>
    %and3A_961 = arith.constant 16383 : i32
    %and3A_962 = vector.broadcast %and3A_961 : i32 to vector<16xi32>
    %and3A_963 = arith.andi %get3A_940, %and3A_962 : vector<16xi32>
    %or3A_964 = arith.ori %shift_left3A_960, %and3A_963 : vector<16xi32>
    %swap3A_965 = arith.constant 3 : i32
    %swap3A_966 = arith.index_cast %swap3A_965 : i32 to index
    %swap3A_967 = arith.constant 32 : index
    %swap3A_968 = tpu.vector_load %arg10[%swap3A_966, %swap3A_967] {strides = array<i32>} : memref<4x128xi32, #tpu.memory_space<vmem>>, vector<16xi32>,
    tpu.vector_store %arg10[%swap3A_966, %swap3A_967], %or3A_964 {strides = array<i32>} : memref<4x128xi32, #tpu.memory_space<vmem>>, vector<16xi32>,
    %get3A_969 = arith.constant 3 : i32
    %get3A_970 = arith.index_cast %get3A_969 : i32 to index
    %get3A_971 = arith.constant 48 : index
    %get3A_972 = tpu.vector_load %arg7[%get3A_970, %get3A_971] {strides = array<i32>} : memref<4x128xi32, #tpu.memory_space<vmem>>, vector<16xi32>,
    %get3A_973 = arith.constant 3 : i32
    %get3A_974 = arith.index_cast %get3A_973 : i32 to index
    %get3A_975 = arith.constant 48 : index
    %get3A_976 = tpu.vector_load %arg8[%get3A_974, %get3A_975] {strides = array<i32>} : memref<4x128xi32, #tpu.memory_space<vmem>>, vector<16xi32>,
    %shift_right_arithmetic3A_977 = arith.constant 16 : i32
    %shift_right_arithmetic3A_978 = vector.broadcast %shift_right_arithmetic3A_977 : i32 to vector<16xi32>
    %shift_right_arithmetic3A_979 = arith.shrsi %get3A_972, %shift_right_arithmetic3A_978 : vector<16xi32>
    %shift_left3A_980 = arith.constant 14 : i32
    %shift_left3A_981 = vector.broadcast %shift_left3A_980 : i32 to vector<16xi32>
    %shift_left3A_982 = arith.shli %shift_right_arithmetic3A_979, %shift_left3A_981 : vector<16xi32>
    %and3A_983 = arith.constant 16383 : i32
    %and3A_984 = vector.broadcast %and3A_983 : i32 to vector<16xi32>
    %and3A_985 = arith.andi %get3A_972, %and3A_984 : vector<16xi32>
    %or3A_986 = arith.ori %shift_left3A_982, %and3A_985 : vector<16xi32>
    %swap3A_987 = arith.constant 3 : i32
    %swap3A_988 = arith.index_cast %swap3A_987 : i32 to index
    %swap3A_989 = arith.constant 48 : index
    %swap3A_990 = tpu.vector_load %arg9[%swap3A_988, %swap3A_989] {strides = array<i32>} : memref<4x128xi32, #tpu.memory_space<vmem>>, vector<16xi32>,
    tpu.vector_store %arg9[%swap3A_988, %swap3A_989], %or3A_986 {strides = array<i32>} : memref<4x128xi32, #tpu.memory_space<vmem>>, vector<16xi32>,
    %shift_right_arithmetic3A_991 = arith.constant 16 : i32
    %shift_right_arithmetic3A_992 = vector.broadcast %shift_right_arithmetic3A_991 : i32 to vector<16xi32>
    %shift_right_arithmetic3A_993 = arith.shrsi %get3A_976, %shift_right_arithmetic3A_992 : vector<16xi32>
    %shift_left3A_994 = arith.constant 14 : i32
    %shift_left3A_995 = vector.broadcast %shift_left3A_994 : i32 to vector<16xi32>
    %shift_left3A_996 = arith.shli %shift_right_arithmetic3A_993, %shift_left3A_995 : vector<16xi32>
    %and3A_997 = arith.constant 16383 : i32
    %and3A_998 = vector.broadcast %and3A_997 : i32 to vector<16xi32>
    %and3A_999 = arith.andi %get3A_976, %and3A_998 : vector<16xi32>
    %or3A_1000 = arith.ori %shift_left3A_996, %and3A_999 : vector<16xi32>
    %swap3A_1001 = arith.constant 3 : i32
    %swap3A_1002 = arith.index_cast %swap3A_1001 : i32 to index
    %swap3A_1003 = arith.constant 48 : index
    %swap3A_1004 = tpu.vector_load %arg10[%swap3A_1002, %swap3A_1003] {strides = array<i32>} : memref<4x128xi32, #tpu.memory_space<vmem>>, vector<16xi32>,
    tpu.vector_store %arg10[%swap3A_1002, %swap3A_1003], %or3A_1000 {strides = array<i32>} : memref<4x128xi32, #tpu.memory_space<vmem>>, vector<16xi32>,
    %get3A_1005 = arith.constant 3 : i32
    %get3A_1006 = arith.index_cast %get3A_1005 : i32 to index
    %get3A_1007 = arith.constant 64 : index
    %get3A_1008 = tpu.vector_load %arg7[%get3A_1006, %get3A_1007] {strides = array<i32>} : memref<4x128xi32, #tpu.memory_space<vmem>>, vector<16xi32>,
    %get3A_1009 = arith.constant 3 : i32
    %get3A_1010 = arith.index_cast %get3A_1009 : i32 to index
    %get3A_1011 = arith.constant 64 : index
    %get3A_1012 = tpu.vector_load %arg8[%get3A_1010, %get3A_1011] {strides = array<i32>} : memref<4x128xi32, #tpu.memory_space<vmem>>, vector<16xi32>,
    %shift_right_arithmetic3A_1013 = arith.constant 16 : i32
    %shift_right_arithmetic3A_1014 = vector.broadcast %shift_right_arithmetic3A_1013 : i32 to vector<16xi32>
    %shift_right_arithmetic3A_1015 = arith.shrsi %get3A_1008, %shift_right_arithmetic3A_1014 : vector<16xi32>
    %shift_left3A_1016 = arith.constant 14 : i32
    %shift_left3A_1017 = vector.broadcast %shift_left3A_1016 : i32 to vector<16xi32>
    %shift_left3A_1018 = arith.shli %shift_right_arithmetic3A_1015, %shift_left3A_1017 : vector<16xi32>
    %and3A_1019 = arith.constant 16383 : i32
    %and3A_1020 = vector.broadcast %and3A_1019 : i32 to vector<16xi32>
    %and3A_1021 = arith.andi %get3A_1008, %and3A_1020 : vector<16xi32>
    %or3A_1022 = arith.ori %shift_left3A_1018, %and3A_1021 : vector<16xi32>
    %swap3A_1023 = arith.constant 3 : i32
    %swap3A_1024 = arith.index_cast %swap3A_1023 : i32 to index
    %swap3A_1025 = arith.constant 64 : index
    %swap3A_1026 = tpu.vector_load %arg9[%swap3A_1024, %swap3A_1025] {strides = array<i32>} : memref<4x128xi32, #tpu.memory_space<vmem>>, vector<16xi32>,
    tpu.vector_store %arg9[%swap3A_1024, %swap3A_1025], %or3A_1022 {strides = array<i32>} : memref<4x128xi32, #tpu.memory_space<vmem>>, vector<16xi32>,
    %shift_right_arithmetic3A_1027 = arith.constant 16 : i32
    %shift_right_arithmetic3A_1028 = vector.broadcast %shift_right_arithmetic3A_1027 : i32 to vector<16xi32>
    %shift_right_arithmetic3A_1029 = arith.shrsi %get3A_1012, %shift_right_arithmetic3A_1028 : vector<16xi32>
    %shift_left3A_1030 = arith.constant 14 : i32
    %shift_left3A_1031 = vector.broadcast %shift_left3A_1030 : i32 to vector<16xi32>
    %shift_left3A_1032 = arith.shli %shift_right_arithmetic3A_1029, %shift_left3A_1031 : vector<16xi32>
    %and3A_1033 = arith.constant 16383 : i32
    %and3A_1034 = vector.broadcast %and3A_1033 : i32 to vector<16xi32>
    %and3A_1035 = arith.andi %get3A_1012, %and3A_1034 : vector<16xi32>
    %or3A_1036 = arith.ori %shift_left3A_1032, %and3A_1035 : vector<16xi32>
    %swap3A_1037 = arith.constant 3 : i32
    %swap3A_1038 = arith.index_cast %swap3A_1037 : i32 to index
    %swap3A_1039 = arith.constant 64 : index
    %swap3A_1040 = tpu.vector_load %arg10[%swap3A_1038, %swap3A_1039] {strides = array<i32>} : memref<4x128xi32, #tpu.memory_space<vmem>>, vector<16xi32>,
    tpu.vector_store %arg10[%swap3A_1038, %swap3A_1039], %or3A_1036 {strides = array<i32>} : memref<4x128xi32, #tpu.memory_space<vmem>>, vector<16xi32>,
    %get3A_1041 = arith.constant 3 : i32
    %get3A_1042 = arith.index_cast %get3A_1041 : i32 to index
    %get3A_1043 = arith.constant 80 : index
    %get3A_1044 = tpu.vector_load %arg7[%get3A_1042, %get3A_1043] {strides = array<i32>} : memref<4x128xi32, #tpu.memory_space<vmem>>, vector<16xi32>,
    %get3A_1045 = arith.constant 3 : i32
    %get3A_1046 = arith.index_cast %get3A_1045 : i32 to index
    %get3A_1047 = arith.constant 80 : index
    %get3A_1048 = tpu.vector_load %arg8[%get3A_1046, %get3A_1047] {strides = array<i32>} : memref<4x128xi32, #tpu.memory_space<vmem>>, vector<16xi32>,
    %shift_right_arithmetic3A_1049 = arith.constant 16 : i32
    %shift_right_arithmetic3A_1050 = vector.broadcast %shift_right_arithmetic3A_1049 : i32 to vector<16xi32>
    %shift_right_arithmetic3A_1051 = arith.shrsi %get3A_1044, %shift_right_arithmetic3A_1050 : vector<16xi32>
    %shift_left3A_1052 = arith.constant 14 : i32
    %shift_left3A_1053 = vector.broadcast %shift_left3A_1052 : i32 to vector<16xi32>
    %shift_left3A_1054 = arith.shli %shift_right_arithmetic3A_1051, %shift_left3A_1053 : vector<16xi32>
    %and3A_1055 = arith.constant 16383 : i32
    %and3A_1056 = vector.broadcast %and3A_1055 : i32 to vector<16xi32>
    %and3A_1057 = arith.andi %get3A_1044, %and3A_1056 : vector<16xi32>
    %or3A_1058 = arith.ori %shift_left3A_1054, %and3A_1057 : vector<16xi32>
    %swap3A_1059 = arith.constant 3 : i32
    %swap3A_1060 = arith.index_cast %swap3A_1059 : i32 to index
    %swap3A_1061 = arith.constant 80 : index
    %swap3A_1062 = tpu.vector_load %arg9[%swap3A_1060, %swap3A_1061] {strides = array<i32>} : memref<4x128xi32, #tpu.memory_space<vmem>>, vector<16xi32>,
    tpu.vector_store %arg9[%swap3A_1060, %swap3A_1061], %or3A_1058 {strides = array<i32>} : memref<4x128xi32, #tpu.memory_space<vmem>>, vector<16xi32>,
    %shift_right_arithmetic3A_1063 = arith.constant 16 : i32
    %shift_right_arithmetic3A_1064 = vector.broadcast %shift_right_arithmetic3A_1063 : i32 to vector<16xi32>
    %shift_right_arithmetic3A_1065 = arith.shrsi %get3A_1048, %shift_right_arithmetic3A_1064 : vector<16xi32>
    %shift_left3A_1066 = arith.constant 14 : i32
    %shift_left3A_1067 = vector.broadcast %shift_left3A_1066 : i32 to vector<16xi32>
    %shift_left3A_1068 = arith.shli %shift_right_arithmetic3A_1065, %shift_left3A_1067 : vector<16xi32>
    %and3A_1069 = arith.constant 16383 : i32
    %and3A_1070 = vector.broadcast %and3A_1069 : i32 to vector<16xi32>
    %and3A_1071 = arith.andi %get3A_1048, %and3A_1070 : vector<16xi32>
    %or3A_1072 = arith.ori %shift_left3A_1068, %and3A_1071 : vector<16xi32>
    %swap3A_1073 = arith.constant 3 : i32
    %swap3A_1074 = arith.index_cast %swap3A_1073 : i32 to index
    %swap3A_1075 = arith.constant 80 : index
    %swap3A_1076 = tpu.vector_load %arg10[%swap3A_1074, %swap3A_1075] {strides = array<i32>} : memref<4x128xi32, #tpu.memory_space<vmem>>, vector<16xi32>,
    tpu.vector_store %arg10[%swap3A_1074, %swap3A_1075], %or3A_1072 {strides = array<i32>} : memref<4x128xi32, #tpu.memory_space<vmem>>, vector<16xi32>,
    %get3A_1077 = arith.constant 3 : i32
    %get3A_1078 = arith.index_cast %get3A_1077 : i32 to index
    %get3A_1079 = arith.constant 96 : index
    %get3A_1080 = tpu.vector_load %arg7[%get3A_1078, %get3A_1079] {strides = array<i32>} : memref<4x128xi32, #tpu.memory_space<vmem>>, vector<16xi32>,
    %get3A_1081 = arith.constant 3 : i32
    %get3A_1082 = arith.index_cast %get3A_1081 : i32 to index
    %get3A_1083 = arith.constant 96 : index
    %get3A_1084 = tpu.vector_load %arg8[%get3A_1082, %get3A_1083] {strides = array<i32>} : memref<4x128xi32, #tpu.memory_space<vmem>>, vector<16xi32>,
    %shift_right_arithmetic3A_1085 = arith.constant 16 : i32
    %shift_right_arithmetic3A_1086 = vector.broadcast %shift_right_arithmetic3A_1085 : i32 to vector<16xi32>
    %shift_right_arithmetic3A_1087 = arith.shrsi %get3A_1080, %shift_right_arithmetic3A_1086 : vector<16xi32>
    %shift_left3A_1088 = arith.constant 14 : i32
    %shift_left3A_1089 = vector.broadcast %shift_left3A_1088 : i32 to vector<16xi32>
    %shift_left3A_1090 = arith.shli %shift_right_arithmetic3A_1087, %shift_left3A_1089 : vector<16xi32>
    %and3A_1091 = arith.constant 16383 : i32
    %and3A_1092 = vector.broadcast %and3A_1091 : i32 to vector<16xi32>
    %and3A_1093 = arith.andi %get3A_1080, %and3A_1092 : vector<16xi32>
    %or3A_1094 = arith.ori %shift_left3A_1090, %and3A_1093 : vector<16xi32>
    %swap3A_1095 = arith.constant 3 : i32
    %swap3A_1096 = arith.index_cast %swap3A_1095 : i32 to index
    %swap3A_1097 = arith.constant 96 : index
    %swap3A_1098 = tpu.vector_load %arg9[%swap3A_1096, %swap3A_1097] {strides = array<i32>} : memref<4x128xi32, #tpu.memory_space<vmem>>, vector<16xi32>,
    tpu.vector_store %arg9[%swap3A_1096, %swap3A_1097], %or3A_1094 {strides = array<i32>} : memref<4x128xi32, #tpu.memory_space<vmem>>, vector<16xi32>,
    %shift_right_arithmetic3A_1099 = arith.constant 16 : i32
    %shift_right_arithmetic3A_1100 = vector.broadcast %shift_right_arithmetic3A_1099 : i32 to vector<16xi32>
    %shift_right_arithmetic3A_1101 = arith.shrsi %get3A_1084, %shift_right_arithmetic3A_1100 : vector<16xi32>
    %shift_left3A_1102 = arith.constant 14 : i32
    %shift_left3A_1103 = vector.broadcast %shift_left3A_1102 : i32 to vector<16xi32>
    %shift_left3A_1104 = arith.shli %shift_right_arithmetic3A_1101, %shift_left3A_1103 : vector<16xi32>
    %and3A_1105 = arith.constant 16383 : i32
    %and3A_1106 = vector.broadcast %and3A_1105 : i32 to vector<16xi32>
    %and3A_1107 = arith.andi %get3A_1084, %and3A_1106 : vector<16xi32>
    %or3A_1108 = arith.ori %shift_left3A_1104, %and3A_1107 : vector<16xi32>
    %swap3A_1109 = arith.constant 3 : i32
    %swap3A_1110 = arith.index_cast %swap3A_1109 : i32 to index
    %swap3A_1111 = arith.constant 96 : index
    %swap3A_1112 = tpu.vector_load %arg10[%swap3A_1110, %swap3A_1111] {strides = array<i32>} : memref<4x128xi32, #tpu.memory_space<vmem>>, vector<16xi32>,
    tpu.vector_store %arg10[%swap3A_1110, %swap3A_1111], %or3A_1108 {strides = array<i32>} : memref<4x128xi32, #tpu.memory_space<vmem>>, vector<16xi32>,
    %get3A_1113 = arith.constant 3 : i32
    %get3A_1114 = arith.index_cast %get3A_1113 : i32 to index
    %get3A_1115 = arith.constant 112 : index
    %get3A_1116 = tpu.vector_load %arg7[%get3A_1114, %get3A_1115] {strides = array<i32>} : memref<4x128xi32, #tpu.memory_space<vmem>>, vector<16xi32>,
    %get3A_1117 = arith.constant 3 : i32
    %get3A_1118 = arith.index_cast %get3A_1117 : i32 to index
    %get3A_1119 = arith.constant 112 : index
    %get3A_1120 = tpu.vector_load %arg8[%get3A_1118, %get3A_1119] {strides = array<i32>} : memref<4x128xi32, #tpu.memory_space<vmem>>, vector<16xi32>,
    %shift_right_arithmetic3A_1121 = arith.constant 16 : i32
    %shift_right_arithmetic3A_1122 = vector.broadcast %shift_right_arithmetic3A_1121 : i32 to vector<16xi32>
    %shift_right_arithmetic3A_1123 = arith.shrsi %get3A_1116, %shift_right_arithmetic3A_1122 : vector<16xi32>
    %shift_left3A_1124 = arith.constant 14 : i32
    %shift_left3A_1125 = vector.broadcast %shift_left3A_1124 : i32 to vector<16xi32>
    %shift_left3A_1126 = arith.shli %shift_right_arithmetic3A_1123, %shift_left3A_1125 : vector<16xi32>
    %and3A_1127 = arith.constant 16383 : i32
    %and3A_1128 = vector.broadcast %and3A_1127 : i32 to vector<16xi32>
    %and3A_1129 = arith.andi %get3A_1116, %and3A_1128 : vector<16xi32>
    %or3A_1130 = arith.ori %shift_left3A_1126, %and3A_1129 : vector<16xi32>
    %swap3A_1131 = arith.constant 3 : i32
    %swap3A_1132 = arith.index_cast %swap3A_1131 : i32 to index
    %swap3A_1133 = arith.constant 112 : index
    %swap3A_1134 = tpu.vector_load %arg9[%swap3A_1132, %swap3A_1133] {strides = array<i32>} : memref<4x128xi32, #tpu.memory_space<vmem>>, vector<16xi32>,
    tpu.vector_store %arg9[%swap3A_1132, %swap3A_1133], %or3A_1130 {strides = array<i32>} : memref<4x128xi32, #tpu.memory_space<vmem>>, vector<16xi32>,
    %shift_right_arithmetic3A_1135 = arith.constant 16 : i32
    %shift_right_arithmetic3A_1136 = vector.broadcast %shift_right_arithmetic3A_1135 : i32 to vector<16xi32>
    %shift_right_arithmetic3A_1137 = arith.shrsi %get3A_1120, %shift_right_arithmetic3A_1136 : vector<16xi32>
    %shift_left3A_1138 = arith.constant 14 : i32
    %shift_left3A_1139 = vector.broadcast %shift_left3A_1138 : i32 to vector<16xi32>
    %shift_left3A_1140 = arith.shli %shift_right_arithmetic3A_1137, %shift_left3A_1139 : vector<16xi32>
    %and3A_1141 = arith.constant 16383 : i32
    %and3A_1142 = vector.broadcast %and3A_1141 : i32 to vector<16xi32>
    %and3A_1143 = arith.andi %get3A_1120, %and3A_1142 : vector<16xi32>
    %or3A_1144 = arith.ori %shift_left3A_1140, %and3A_1143 : vector<16xi32>
    %swap3A_1145 = arith.constant 3 : i32
    %swap3A_1146 = arith.index_cast %swap3A_1145 : i32 to index
    %swap3A_1147 = arith.constant 112 : index
    %swap3A_1148 = tpu.vector_load %arg10[%swap3A_1146, %swap3A_1147] {strides = array<i32>} : memref<4x128xi32, #tpu.memory_space<vmem>>, vector<16xi32>,
    tpu.vector_store %arg10[%swap3A_1146, %swap3A_1147], %or3A_1144 {strides = array<i32>} : memref<4x128xi32, #tpu.memory_space<vmem>>, vector<16xi32>,
    %dma_start3A = arith.constant 0 : i32
    %dma_start3A_1149 = arith.constant 0 : i32
    %dma_start3A_1150 = arith.constant 0 : i32
    %dma_start3A_1151 = arith.constant 0 : i32
    %dma_start3A_1152 = tpu.memref_slice %arg11[%dma_start3A_1149, %dma_start3A_1150, %dma_start3A_1151] : memref<2x128x128xf32, #tpu.memory_space<vmem>> -> memref<1x128x128xf32, #tpu.memory_space<vmem>>
    %dma_start3A_1153 = tpu.memref_squeeze %dma_start3A_1152 : memref<1x128x128xf32, #tpu.memory_space<vmem>> -> memref<128x128xf32, #tpu.memory_space<vmem>>
    %dma_start3A_1154 = arith.constant 0 : i32
    %dma_start3A_1155 = tpu.memref_slice %arg9[%dma_start3A, %dma_start3A_1154] : memref<4x128xi32, #tpu.memory_space<vmem>> -> memref<1x128xi32, #tpu.memory_space<vmem>>
    %dma_start3A_1156 = tpu.memref_squeeze %dma_start3A_1155 : memref<1x128xi32, #tpu.memory_space<vmem>> -> memref<128xi32, #tpu.memory_space<vmem>>
    %dma_start3A_1157 = arith.constant 0 : i32
    %dma_start3A_1158 = arith.constant 0 : i32
    %dma_start3A_1159 = tpu.memref_slice %arg4[%dma_start3A_1157, %dma_start3A_1158] : memref<262144x128xf32, #tpu.memory_space<hbm>> -> memref<262144x128xf32, #tpu.memory_space<hbm>>
    tpu.enqueue_indirect_dma source(%dma_start3A_1159 : memref<262144x128xf32, #tpu.memory_space<hbm>>) target(%dma_start3A_1153 : memref<128x128xf32, #tpu.memory_space<vmem>>) offsets(%dma_start3A_1156 : memref<128xi32, #tpu.memory_space<vmem>>) semaphore(%arg14 : memref<!tpu.dma_semaphore, #tpu.memory_space<semaphore_mem>>)
    %dma_start3A_1160 = arith.constant 0 : i32
    %dma_start3A_1161 = arith.constant 0 : i32
    %dma_start3A_1162 = arith.constant 0 : i32
    %dma_start3A_1163 = arith.constant 0 : i32
    %dma_start3A_1164 = tpu.memref_slice %arg12[%dma_start3A_1161, %dma_start3A_1162, %dma_start3A_1163] : memref<2x128x128xf32, #tpu.memory_space<vmem>> -> memref<1x128x128xf32, #tpu.memory_space<vmem>>
    %dma_start3A_1165 = tpu.memref_squeeze %dma_start3A_1164 : memref<1x128x128xf32, #tpu.memory_space<vmem>> -> memref<128x128xf32, #tpu.memory_space<vmem>>
    %dma_start3A_1166 = arith.constant 0 : i32
    %dma_start3A_1167 = tpu.memref_slice %arg10[%dma_start3A_1160, %dma_start3A_1166] : memref<4x128xi32, #tpu.memory_space<vmem>> -> memref<1x128xi32, #tpu.memory_space<vmem>>
    %dma_start3A_1168 = tpu.memref_squeeze %dma_start3A_1167 : memref<1x128xi32, #tpu.memory_space<vmem>> -> memref<128xi32, #tpu.memory_space<vmem>>
    %dma_start3A_1169 = arith.constant 0 : i32
    %dma_start3A_1170 = arith.constant 0 : i32
    %dma_start3A_1171 = tpu.memref_slice %arg5[%dma_start3A_1169, %dma_start3A_1170] : memref<262144x128xf32, #tpu.memory_space<hbm>> -> memref<262144x128xf32, #tpu.memory_space<hbm>>
    tpu.enqueue_indirect_dma source(%dma_start3A_1171 : memref<262144x128xf32, #tpu.memory_space<hbm>>) target(%dma_start3A_1165 : memref<128x128xf32, #tpu.memory_space<vmem>>) offsets(%dma_start3A_1168 : memref<128xi32, #tpu.memory_space<vmem>>) semaphore(%arg14 : memref<!tpu.dma_semaphore, #tpu.memory_space<semaphore_mem>>)
    %dma_start3A_1172 = arith.constant 1 : i32
    %dma_start3A_1173 = arith.constant 1 : i32
    %dma_start3A_1174 = arith.constant 0 : i32
    %dma_start3A_1175 = arith.constant 0 : i32
    %dma_start3A_1176 = tpu.memref_slice %arg11[%dma_start3A_1173, %dma_start3A_1174, %dma_start3A_1175] : memref<2x128x128xf32, #tpu.memory_space<vmem>> -> memref<1x128x128xf32, #tpu.memory_space<vmem>>
    %dma_start3A_1177 = tpu.memref_squeeze %dma_start3A_1176 : memref<1x128x128xf32, #tpu.memory_space<vmem>> -> memref<128x128xf32, #tpu.memory_space<vmem>>
    %dma_start3A_1178 = arith.constant 0 : i32
    %dma_start3A_1179 = tpu.memref_slice %arg9[%dma_start3A_1172, %dma_start3A_1178] : memref<4x128xi32, #tpu.memory_space<vmem>> -> memref<1x128xi32, #tpu.memory_space<vmem>>
    %dma_start3A_1180 = tpu.memref_squeeze %dma_start3A_1179 : memref<1x128xi32, #tpu.memory_space<vmem>> -> memref<128xi32, #tpu.memory_space<vmem>>
    %dma_start3A_1181 = arith.constant 0 : i32
    %dma_start3A_1182 = arith.constant 0 : i32
    %dma_start3A_1183 = tpu.memref_slice %arg4[%dma_start3A_1181, %dma_start3A_1182] : memref<262144x128xf32, #tpu.memory_space<hbm>> -> memref<262144x128xf32, #tpu.memory_space<hbm>>
    tpu.enqueue_indirect_dma source(%dma_start3A_1183 : memref<262144x128xf32, #tpu.memory_space<hbm>>) target(%dma_start3A_1177 : memref<128x128xf32, #tpu.memory_space<vmem>>) offsets(%dma_start3A_1180 : memref<128xi32, #tpu.memory_space<vmem>>) semaphore(%arg14 : memref<!tpu.dma_semaphore, #tpu.memory_space<semaphore_mem>>)
    %dma_start3A_1184 = arith.constant 1 : i32
    %dma_start3A_1185 = arith.constant 1 : i32
    %dma_start3A_1186 = arith.constant 0 : i32
    %dma_start3A_1187 = arith.constant 0 : i32
    %dma_start3A_1188 = tpu.memref_slice %arg12[%dma_start3A_1185, %dma_start3A_1186, %dma_start3A_1187] : memref<2x128x128xf32, #tpu.memory_space<vmem>> -> memref<1x128x128xf32, #tpu.memory_space<vmem>>
    %dma_start3A_1189 = tpu.memref_squeeze %dma_start3A_1188 : memref<1x128x128xf32, #tpu.memory_space<vmem>> -> memref<128x128xf32, #tpu.memory_space<vmem>>
    %dma_start3A_1190 = arith.constant 0 : i32
    %dma_start3A_1191 = tpu.memref_slice %arg10[%dma_start3A_1184, %dma_start3A_1190] : memref<4x128xi32, #tpu.memory_space<vmem>> -> memref<1x128xi32, #tpu.memory_space<vmem>>
    %dma_start3A_1192 = tpu.memref_squeeze %dma_start3A_1191 : memref<1x128xi32, #tpu.memory_space<vmem>> -> memref<128xi32, #tpu.memory_space<vmem>>
    %dma_start3A_1193 = arith.constant 0 : i32
    %dma_start3A_1194 = arith.constant 0 : i32
    %dma_start3A_1195 = tpu.memref_slice %arg5[%dma_start3A_1193, %dma_start3A_1194] : memref<262144x128xf32, #tpu.memory_space<hbm>> -> memref<262144x128xf32, #tpu.memory_space<hbm>>
    tpu.enqueue_indirect_dma source(%dma_start3A_1195 : memref<262144x128xf32, #tpu.memory_space<hbm>>) target(%dma_start3A_1189 : memref<128x128xf32, #tpu.memory_space<vmem>>) offsets(%dma_start3A_1192 : memref<128xi32, #tpu.memory_space<vmem>>) semaphore(%arg14 : memref<!tpu.dma_semaphore, #tpu.memory_space<semaphore_mem>>)
    %dma_wait3A = arith.constant 0 : i32
    %dma_wait3A_1196 = arith.constant 0 : i32
    %dma_wait3A_1197 = arith.constant 0 : i32
    %dma_wait3A_1198 = arith.constant 0 : i32
    %dma_wait3A_1199 = tpu.memref_slice %arg11[%dma_wait3A_1196, %dma_wait3A_1197, %dma_wait3A_1198] : memref<2x128x128xf32, #tpu.memory_space<vmem>> -> memref<1x128x128xf32, #tpu.memory_space<vmem>>
    %dma_wait3A_1200 = tpu.memref_squeeze %dma_wait3A_1199 : memref<1x128x128xf32, #tpu.memory_space<vmem>> -> memref<128x128xf32, #tpu.memory_space<vmem>>
    %dma_wait3A_1201 = arith.constant 0 : i32
    %dma_wait3A_1202 = tpu.memref_slice %arg9[%dma_wait3A, %dma_wait3A_1201] : memref<4x128xi32, #tpu.memory_space<vmem>> -> memref<1x128xi32, #tpu.memory_space<vmem>>
    %dma_wait3A_1203 = tpu.memref_squeeze %dma_wait3A_1202 : memref<1x128xi32, #tpu.memory_space<vmem>> -> memref<128xi32, #tpu.memory_space<vmem>>
    %dma_wait3A_1204 = arith.constant 0 : i32
    %dma_wait3A_1205 = arith.constant 0 : i32
    %dma_wait3A_1206 = tpu.memref_slice %arg4[%dma_wait3A_1204, %dma_wait3A_1205] : memref<262144x128xf32, #tpu.memory_space<hbm>> -> memref<262144x128xf32, #tpu.memory_space<hbm>>
    tpu.wait_indirect_dma semaphore(%arg14 : memref<!tpu.dma_semaphore, #tpu.memory_space<semaphore_mem>>) src(%dma_wait3A_1206 : memref<262144x128xf32, #tpu.memory_space<hbm>>) dst(%dma_wait3A_1200 : memref<128x128xf32, #tpu.memory_space<vmem>>)
    %dma_wait3A_1207 = arith.constant 0 : i32
    %dma_wait3A_1208 = arith.constant 0 : i32
    %dma_wait3A_1209 = arith.constant 0 : i32
    %dma_wait3A_1210 = arith.constant 0 : i32
    %dma_wait3A_1211 = tpu.memref_slice %arg12[%dma_wait3A_1208, %dma_wait3A_1209, %dma_wait3A_1210] : memref<2x128x128xf32, #tpu.memory_space<vmem>> -> memref<1x128x128xf32, #tpu.memory_space<vmem>>
    %dma_wait3A_1212 = tpu.memref_squeeze %dma_wait3A_1211 : memref<1x128x128xf32, #tpu.memory_space<vmem>> -> memref<128x128xf32, #tpu.memory_space<vmem>>
    %dma_wait3A_1213 = arith.constant 0 : i32
    %dma_wait3A_1214 = tpu.memref_slice %arg10[%dma_wait3A_1207, %dma_wait3A_1213] : memref<4x128xi32, #tpu.memory_space<vmem>> -> memref<1x128xi32, #tpu.memory_space<vmem>>
    %dma_wait3A_1215 = tpu.memref_squeeze %dma_wait3A_1214 : memref<1x128xi32, #tpu.memory_space<vmem>> -> memref<128xi32, #tpu.memory_space<vmem>>
    %dma_wait3A_1216 = arith.constant 0 : i32
    %dma_wait3A_1217 = arith.constant 0 : i32
    %dma_wait3A_1218 = tpu.memref_slice %arg5[%dma_wait3A_1216, %dma_wait3A_1217] : memref<262144x128xf32, #tpu.memory_space<hbm>> -> memref<262144x128xf32, #tpu.memory_space<hbm>>
    tpu.wait_indirect_dma semaphore(%arg14 : memref<!tpu.dma_semaphore, #tpu.memory_space<semaphore_mem>>) src(%dma_wait3A_1218 : memref<262144x128xf32, #tpu.memory_space<hbm>>) dst(%dma_wait3A_1212 : memref<128x128xf32, #tpu.memory_space<vmem>>)
    %scan3A = arith.constant 0 : i32
    %scan3A_1219 = arith.constant 0 : i32
    %scan3A_1220 = arith.constant 8 : i32
    %scan3A_1221 = arith.addi %scan3A_1219, %scan3A_1220 : i32
    %scan3A_1222 = arith.constant 1 : i32
    %scan3A_1223 = scf.for %scan3A_1366 = %scan3A_1219 to %scan3A_1221 step %scan3A_1222 iter_args(%scan3A_1367 = %scan3A) -> (i32)  : i32 {
      %mul3A_1368 = arith.constant 16 : i32
      %mul3A_1369 = arith.muli %scan3A_1366, %mul3A_1368 : i32
      %get3A_1370 = arith.constant 0 : i32
      %get3A_1371 = arith.index_cast %get3A_1370 : i32 to index
      %get3A_1372 = arith.index_cast %mul3A_1369 : i32 to index
      %get3A_1373 = tpu.vector_load %arg7[%get3A_1371, %get3A_1372] {strides = array<i32>} : memref<4x128xi32, #tpu.memory_space<vmem>>, vector<16xi32>,
      %get3A_1374 = arith.constant 0 : i32
      %get3A_1375 = arith.index_cast %get3A_1374 : i32 to index
      %get3A_1376 = arith.index_cast %mul3A_1369 : i32 to index
      %get3A_1377 = tpu.vector_load %arg8[%get3A_1375, %get3A_1376] {strides = array<i32>} : memref<4x128xi32, #tpu.memory_space<vmem>>, vector<16xi32>,
      %shift_right_arithmetic3A_1378 = arith.constant 14 : i32
      %shift_right_arithmetic3A_1379 = vector.broadcast %shift_right_arithmetic3A_1378 : i32 to vector<16xi32>
      %shift_right_arithmetic3A_1380 = arith.shrsi %get3A_1373, %shift_right_arithmetic3A_1379 : vector<16xi32>
      %and3A_1381 = arith.constant 3 : i32
      %and3A_1382 = vector.broadcast %and3A_1381 : i32 to vector<16xi32>
      %and3A_1383 = arith.andi %shift_right_arithmetic3A_1380, %and3A_1382 : vector<16xi32>
      %shift_left3A_1384 = arith.constant 5 : i32
      %shift_left3A_1385 = vector.broadcast %shift_left3A_1384 : i32 to vector<16xi32>
      %shift_left3A_1386 = arith.shli %and3A_1383, %shift_left3A_1385 : vector<16xi32>
      %shift_right_arithmetic3A_1387 = arith.constant 14 : i32
      %shift_right_arithmetic3A_1388 = vector.broadcast %shift_right_arithmetic3A_1387 : i32 to vector<16xi32>
      %shift_right_arithmetic3A_1389 = arith.shrsi %get3A_1377, %shift_right_arithmetic3A_1388 : vector<16xi32>
      %and3A_1390 = arith.constant 3 : i32
      %and3A_1391 = vector.broadcast %and3A_1390 : i32 to vector<16xi32>
      %and3A_1392 = arith.andi %shift_right_arithmetic3A_1389, %and3A_1391 : vector<16xi32>
      %shift_left3A_1393 = arith.constant 5 : i32
      %shift_left3A_1394 = vector.broadcast %shift_left3A_1393 : i32 to vector<16xi32>
      %shift_left3A_1395 = arith.shli %and3A_1392, %shift_left3A_1394 : vector<16xi32>
      %mul3A_1396 = arith.constant 16 : i32
      %mul3A_1397 = arith.muli %scan3A_1366, %mul3A_1396 : i32
      %iota3A = tpu.iota {dimensions = array<i32: 0>} : vector<16xi32>
      %add3A_1398 = vector.broadcast %mul3A_1397 : i32 to vector<16xi32>
      %add3A_1399 = arith.addi %add3A_1398, %iota3A : vector<16xi32>
      %broadcast_in_dim3A = arith.constant 0.000000e+00 : f32
      %broadcast_in_dim3A_1400 = vector.broadcast %broadcast_in_dim3A : f32 to vector<16xf32>
      %add3A_1401 = arith.constant 0 : i32
      %add3A_1402 = vector.broadcast %add3A_1401 : i32 to vector<16xi32>
      %add3A_1403 = arith.addi %shift_left3A_1386, %add3A_1402 : vector<16xi32>
      %gather3A = arith.constant 0 : i32
      %gather3A_1404 = arith.constant 0 : i32
      %gather3A_1405 = arith.constant 0 : i32
      %gather3A_1406 = tpu.memref_slice %arg11[%gather3A, %gather3A_1404, %gather3A_1405] : memref<2x128x128xf32, #tpu.memory_space<vmem>> -> memref<1x128x128xf32, #tpu.memory_space<vmem>>
      %gather3A_1407 = tpu.memref_squeeze %gather3A_1406 : memref<1x128x128xf32, #tpu.memory_space<vmem>> -> memref<128x128xf32, #tpu.memory_space<vmem>>
      %gather3A_1408 = tpu.vector_load_idx %gather3A_1407[%add3A_1399, %add3A_1403] : memref<128x128xf32, #tpu.memory_space<vmem>>[vector<16xi32>, vector<16xi32>], vector<16xf32>,
      %add3A_1409 = arith.constant 0 : i32
      %add3A_1410 = vector.broadcast %add3A_1409 : i32 to vector<16xi32>
      %add3A_1411 = arith.addi %shift_left3A_1395, %add3A_1410 : vector<16xi32>
      %gather3A_1412 = arith.constant 0 : i32
      %gather3A_1413 = arith.constant 0 : i32
      %gather3A_1414 = arith.constant 0 : i32
      %gather3A_1415 = tpu.memref_slice %arg12[%gather3A_1412, %gather3A_1413, %gather3A_1414] : memref<2x128x128xf32, #tpu.memory_space<vmem>> -> memref<1x128x128xf32, #tpu.memory_space<vmem>>
      %gather3A_1416 = tpu.memref_squeeze %gather3A_1415 : memref<1x128x128xf32, #tpu.memory_space<vmem>> -> memref<128x128xf32, #tpu.memory_space<vmem>>
      %gather3A_1417 = tpu.vector_load_idx %gather3A_1416[%add3A_1399, %add3A_1411] : memref<128x128xf32, #tpu.memory_space<vmem>>[vector<16xi32>, vector<16xi32>], vector<16xf32>,
      %mul3A_1418 = arith.mulf %gather3A_1408, %gather3A_1417 : vector<16xf32>
      %add3A_1419 = arith.addf %broadcast_in_dim3A_1400, %mul3A_1418 : vector<16xf32>
      %add3A_1420 = arith.constant 1 : i32
      %add3A_1421 = vector.broadcast %add3A_1420 : i32 to vector<16xi32>
      %add3A_1422 = arith.addi %shift_left3A_1386, %add3A_1421 : vector<16xi32>
      %gather3A_1423 = arith.constant 0 : i32
      %gather3A_1424 = arith.constant 0 : i32
      %gather3A_1425 = arith.constant 0 : i32
      %gather3A_1426 = tpu.memref_slice %arg11[%gather3A_1423, %gather3A_1424, %gather3A_1425] : memref<2x128x128xf32, #tpu.memory_space<vmem>> -> memref<1x128x128xf32, #tpu.memory_space<vmem>>
      %gather3A_1427 = tpu.memref_squeeze %gather3A_1426 : memref<1x128x128xf32, #tpu.memory_space<vmem>> -> memref<128x128xf32, #tpu.memory_space<vmem>>
      %gather3A_1428 = tpu.vector_load_idx %gather3A_1427[%add3A_1399, %add3A_1422] : memref<128x128xf32, #tpu.memory_space<vmem>>[vector<16xi32>, vector<16xi32>], vector<16xf32>,
      %add3A_1429 = arith.constant 1 : i32
      %add3A_1430 = vector.broadcast %add3A_1429 : i32 to vector<16xi32>
      %add3A_1431 = arith.addi %shift_left3A_1395, %add3A_1430 : vector<16xi32>
      %gather3A_1432 = arith.constant 0 : i32
      %gather3A_1433 = arith.constant 0 : i32
      %gather3A_1434 = arith.constant 0 : i32
      %gather3A_1435 = tpu.memref_slice %arg12[%gather3A_1432, %gather3A_1433, %gather3A_1434] : memref<2x128x128xf32, #tpu.memory_space<vmem>> -> memref<1x128x128xf32, #tpu.memory_space<vmem>>
      %gather3A_1436 = tpu.memref_squeeze %gather3A_1435 : memref<1x128x128xf32, #tpu.memory_space<vmem>> -> memref<128x128xf32, #tpu.memory_space<vmem>>
      %gather3A_1437 = tpu.vector_load_idx %gather3A_1436[%add3A_1399, %add3A_1431] : memref<128x128xf32, #tpu.memory_space<vmem>>[vector<16xi32>, vector<16xi32>], vector<16xf32>,
      %mul3A_1438 = arith.mulf %gather3A_1428, %gather3A_1437 : vector<16xf32>
      %add3A_1439 = arith.addf %add3A_1419, %mul3A_1438 : vector<16xf32>
      %add3A_1440 = arith.constant 2 : i32
      %add3A_1441 = vector.broadcast %add3A_1440 : i32 to vector<16xi32>
      %add3A_1442 = arith.addi %shift_left3A_1386, %add3A_1441 : vector<16xi32>
      %gather3A_1443 = arith.constant 0 : i32
      %gather3A_1444 = arith.constant 0 : i32
      %gather3A_1445 = arith.constant 0 : i32
      %gather3A_1446 = tpu.memref_slice %arg11[%gather3A_1443, %gather3A_1444, %gather3A_1445] : memref<2x128x128xf32, #tpu.memory_space<vmem>> -> memref<1x128x128xf32, #tpu.memory_space<vmem>>
      %gather3A_1447 = tpu.memref_squeeze %gather3A_1446 : memref<1x128x128xf32, #tpu.memory_space<vmem>> -> memref<128x128xf32, #tpu.memory_space<vmem>>
      %gather3A_1448 = tpu.vector_load_idx %gather3A_1447[%add3A_1399, %add3A_1442] : memref<128x128xf32, #tpu.memory_space<vmem>>[vector<16xi32>, vector<16xi32>], vector<16xf32>,
      %add3A_1449 = arith.constant 2 : i32
      %add3A_1450 = vector.broadcast %add3A_1449 : i32 to vector<16xi32>
      %add3A_1451 = arith.addi %shift_left3A_1395, %add3A_1450 : vector<16xi32>
      %gather3A_1452 = arith.constant 0 : i32
      %gather3A_1453 = arith.constant 0 : i32
      %gather3A_1454 = arith.constant 0 : i32
      %gather3A_1455 = tpu.memref_slice %arg12[%gather3A_1452, %gather3A_1453, %gather3A_1454] : memref<2x128x128xf32, #tpu.memory_space<vmem>> -> memref<1x128x128xf32, #tpu.memory_space<vmem>>
      %gather3A_1456 = tpu.memref_squeeze %gather3A_1455 : memref<1x128x128xf32, #tpu.memory_space<vmem>> -> memref<128x128xf32, #tpu.memory_space<vmem>>
      %gather3A_1457 = tpu.vector_load_idx %gather3A_1456[%add3A_1399, %add3A_1451] : memref<128x128xf32, #tpu.memory_space<vmem>>[vector<16xi32>, vector<16xi32>], vector<16xf32>,
      %mul3A_1458 = arith.mulf %gather3A_1448, %gather3A_1457 : vector<16xf32>
      %add3A_1459 = arith.addf %add3A_1439, %mul3A_1458 : vector<16xf32>
      %add3A_1460 = arith.constant 3 : i32
      %add3A_1461 = vector.broadcast %add3A_1460 : i32 to vector<16xi32>
      %add3A_1462 = arith.addi %shift_left3A_1386, %add3A_1461 : vector<16xi32>
      %gather3A_1463 = arith.constant 0 : i32
      %gather3A_1464 = arith.constant 0 : i32
      %gather3A_1465 = arith.constant 0 : i32
      %gather3A_1466 = tpu.memref_slice %arg11[%gather3A_1463, %gather3A_1464, %gather3A_1465] : memref<2x128x128xf32, #tpu.memory_space<vmem>> -> memref<1x128x128xf32, #tpu.memory_space<vmem>>
      %gather3A_1467 = tpu.memref_squeeze %gather3A_1466 : memref<1x128x128xf32, #tpu.memory_space<vmem>> -> memref<128x128xf32, #tpu.memory_space<vmem>>
      %gather3A_1468 = tpu.vector_load_idx %gather3A_1467[%add3A_1399, %add3A_1462] : memref<128x128xf32, #tpu.memory_space<vmem>>[vector<16xi32>, vector<16xi32>], vector<16xf32>,
      %add3A_1469 = arith.constant 3 : i32
      %add3A_1470 = vector.broadcast %add3A_1469 : i32 to vector<16xi32>
      %add3A_1471 = arith.addi %shift_left3A_1395, %add3A_1470 : vector<16xi32>
      %gather3A_1472 = arith.constant 0 : i32
      %gather3A_1473 = arith.constant 0 : i32
      %gather3A_1474 = arith.constant 0 : i32
      %gather3A_1475 = tpu.memref_slice %arg12[%gather3A_1472, %gather3A_1473, %gather3A_1474] : memref<2x128x128xf32, #tpu.memory_space<vmem>> -> memref<1x128x128xf32, #tpu.memory_space<vmem>>
      %gather3A_1476 = tpu.memref_squeeze %gather3A_1475 : memref<1x128x128xf32, #tpu.memory_space<vmem>> -> memref<128x128xf32, #tpu.memory_space<vmem>>
      %gather3A_1477 = tpu.vector_load_idx %gather3A_1476[%add3A_1399, %add3A_1471] : memref<128x128xf32, #tpu.memory_space<vmem>>[vector<16xi32>, vector<16xi32>], vector<16xf32>,
      %mul3A_1478 = arith.mulf %gather3A_1468, %gather3A_1477 : vector<16xf32>
      %add3A_1479 = arith.addf %add3A_1459, %mul3A_1478 : vector<16xf32>
      %add3A_1480 = arith.constant 4 : i32
      %add3A_1481 = vector.broadcast %add3A_1480 : i32 to vector<16xi32>
      %add3A_1482 = arith.addi %shift_left3A_1386, %add3A_1481 : vector<16xi32>
      %gather3A_1483 = arith.constant 0 : i32
      %gather3A_1484 = arith.constant 0 : i32
      %gather3A_1485 = arith.constant 0 : i32
      %gather3A_1486 = tpu.memref_slice %arg11[%gather3A_1483, %gather3A_1484, %gather3A_1485] : memref<2x128x128xf32, #tpu.memory_space<vmem>> -> memref<1x128x128xf32, #tpu.memory_space<vmem>>
      %gather3A_1487 = tpu.memref_squeeze %gather3A_1486 : memref<1x128x128xf32, #tpu.memory_space<vmem>> -> memref<128x128xf32, #tpu.memory_space<vmem>>
      %gather3A_1488 = tpu.vector_load_idx %gather3A_1487[%add3A_1399, %add3A_1482] : memref<128x128xf32, #tpu.memory_space<vmem>>[vector<16xi32>, vector<16xi32>], vector<16xf32>,
      %add3A_1489 = arith.constant 4 : i32
      %add3A_1490 = vector.broadcast %add3A_1489 : i32 to vector<16xi32>
      %add3A_1491 = arith.addi %shift_left3A_1395, %add3A_1490 : vector<16xi32>
      %gather3A_1492 = arith.constant 0 : i32
      %gather3A_1493 = arith.constant 0 : i32
      %gather3A_1494 = arith.constant 0 : i32
      %gather3A_1495 = tpu.memref_slice %arg12[%gather3A_1492, %gather3A_1493, %gather3A_1494] : memref<2x128x128xf32, #tpu.memory_space<vmem>> -> memref<1x128x128xf32, #tpu.memory_space<vmem>>
      %gather3A_1496 = tpu.memref_squeeze %gather3A_1495 : memref<1x128x128xf32, #tpu.memory_space<vmem>> -> memref<128x128xf32, #tpu.memory_space<vmem>>
      %gather3A_1497 = tpu.vector_load_idx %gather3A_1496[%add3A_1399, %add3A_1491] : memref<128x128xf32, #tpu.memory_space<vmem>>[vector<16xi32>, vector<16xi32>], vector<16xf32>,
      %mul3A_1498 = arith.mulf %gather3A_1488, %gather3A_1497 : vector<16xf32>
      %add3A_1499 = arith.addf %add3A_1479, %mul3A_1498 : vector<16xf32>
      %add3A_1500 = arith.constant 5 : i32
      %add3A_1501 = vector.broadcast %add3A_1500 : i32 to vector<16xi32>
      %add3A_1502 = arith.addi %shift_left3A_1386, %add3A_1501 : vector<16xi32>
      %gather3A_1503 = arith.constant 0 : i32
      %gather3A_1504 = arith.constant 0 : i32
      %gather3A_1505 = arith.constant 0 : i32
      %gather3A_1506 = tpu.memref_slice %arg11[%gather3A_1503, %gather3A_1504, %gather3A_1505] : memref<2x128x128xf32, #tpu.memory_space<vmem>> -> memref<1x128x128xf32, #tpu.memory_space<vmem>>
      %gather3A_1507 = tpu.memref_squeeze %gather3A_1506 : memref<1x128x128xf32, #tpu.memory_space<vmem>> -> memref<128x128xf32, #tpu.memory_space<vmem>>
      %gather3A_1508 = tpu.vector_load_idx %gather3A_1507[%add3A_1399, %add3A_1502] : memref<128x128xf32, #tpu.memory_space<vmem>>[vector<16xi32>, vector<16xi32>], vector<16xf32>,
      %add3A_1509 = arith.constant 5 : i32
      %add3A_1510 = vector.broadcast %add3A_1509 : i32 to vector<16xi32>
      %add3A_1511 = arith.addi %shift_left3A_1395, %add3A_1510 : vector<16xi32>
      %gather3A_1512 = arith.constant 0 : i32
      %gather3A_1513 = arith.constant 0 : i32
      %gather3A_1514 = arith.constant 0 : i32
      %gather3A_1515 = tpu.memref_slice %arg12[%gather3A_1512, %gather3A_1513, %gather3A_1514] : memref<2x128x128xf32, #tpu.memory_space<vmem>> -> memref<1x128x128xf32, #tpu.memory_space<vmem>>
      %gather3A_1516 = tpu.memref_squeeze %gather3A_1515 : memref<1x128x128xf32, #tpu.memory_space<vmem>> -> memref<128x128xf32, #tpu.memory_space<vmem>>
      %gather3A_1517 = tpu.vector_load_idx %gather3A_1516[%add3A_1399, %add3A_1511] : memref<128x128xf32, #tpu.memory_space<vmem>>[vector<16xi32>, vector<16xi32>], vector<16xf32>,
      %mul3A_1518 = arith.mulf %gather3A_1508, %gather3A_1517 : vector<16xf32>
      %add3A_1519 = arith.addf %add3A_1499, %mul3A_1518 : vector<16xf32>
      %add3A_1520 = arith.constant 6 : i32
      %add3A_1521 = vector.broadcast %add3A_1520 : i32 to vector<16xi32>
      %add3A_1522 = arith.addi %shift_left3A_1386, %add3A_1521 : vector<16xi32>
      %gather3A_1523 = arith.constant 0 : i32
      %gather3A_1524 = arith.constant 0 : i32
      %gather3A_1525 = arith.constant 0 : i32
      %gather3A_1526 = tpu.memref_slice %arg11[%gather3A_1523, %gather3A_1524, %gather3A_1525] : memref<2x128x128xf32, #tpu.memory_space<vmem>> -> memref<1x128x128xf32, #tpu.memory_space<vmem>>
      %gather3A_1527 = tpu.memref_squeeze %gather3A_1526 : memref<1x128x128xf32, #tpu.memory_space<vmem>> -> memref<128x128xf32, #tpu.memory_space<vmem>>
      %gather3A_1528 = tpu.vector_load_idx %gather3A_1527[%add3A_1399, %add3A_1522] : memref<128x128xf32, #tpu.memory_space<vmem>>[vector<16xi32>, vector<16xi32>], vector<16xf32>,
      %add3A_1529 = arith.constant 6 : i32
      %add3A_1530 = vector.broadcast %add3A_1529 : i32 to vector<16xi32>
      %add3A_1531 = arith.addi %shift_left3A_1395, %add3A_1530 : vector<16xi32>
      %gather3A_1532 = arith.constant 0 : i32
      %gather3A_1533 = arith.constant 0 : i32
      %gather3A_1534 = arith.constant 0 : i32
      %gather3A_1535 = tpu.memref_slice %arg12[%gather3A_1532, %gather3A_1533, %gather3A_1534] : memref<2x128x128xf32, #tpu.memory_space<vmem>> -> memref<1x128x128xf32, #tpu.memory_space<vmem>>
      %gather3A_1536 = tpu.memref_squeeze %gather3A_1535 : memref<1x128x128xf32, #tpu.memory_space<vmem>> -> memref<128x128xf32, #tpu.memory_space<vmem>>
      %gather3A_1537 = tpu.vector_load_idx %gather3A_1536[%add3A_1399, %add3A_1531] : memref<128x128xf32, #tpu.memory_space<vmem>>[vector<16xi32>, vector<16xi32>], vector<16xf32>,
      %mul3A_1538 = arith.mulf %gather3A_1528, %gather3A_1537 : vector<16xf32>
      %add3A_1539 = arith.addf %add3A_1519, %mul3A_1538 : vector<16xf32>
      %add3A_1540 = arith.constant 7 : i32
      %add3A_1541 = vector.broadcast %add3A_1540 : i32 to vector<16xi32>
      %add3A_1542 = arith.addi %shift_left3A_1386, %add3A_1541 : vector<16xi32>
      %gather3A_1543 = arith.constant 0 : i32
      %gather3A_1544 = arith.constant 0 : i32
      %gather3A_1545 = arith.constant 0 : i32
      %gather3A_1546 = tpu.memref_slice %arg11[%gather3A_1543, %gather3A_1544, %gather3A_1545] : memref<2x128x128xf32, #tpu.memory_space<vmem>> -> memref<1x128x128xf32, #tpu.memory_space<vmem>>
      %gather3A_1547 = tpu.memref_squeeze %gather3A_1546 : memref<1x128x128xf32, #tpu.memory_space<vmem>> -> memref<128x128xf32, #tpu.memory_space<vmem>>
      %gather3A_1548 = tpu.vector_load_idx %gather3A_1547[%add3A_1399, %add3A_1542] : memref<128x128xf32, #tpu.memory_space<vmem>>[vector<16xi32>, vector<16xi32>], vector<16xf32>,
      %add3A_1549 = arith.constant 7 : i32
      %add3A_1550 = vector.broadcast %add3A_1549 : i32 to vector<16xi32>
      %add3A_1551 = arith.addi %shift_left3A_1395, %add3A_1550 : vector<16xi32>
      %gather3A_1552 = arith.constant 0 : i32
      %gather3A_1553 = arith.constant 0 : i32
      %gather3A_1554 = arith.constant 0 : i32
      %gather3A_1555 = tpu.memref_slice %arg12[%gather3A_1552, %gather3A_1553, %gather3A_1554] : memref<2x128x128xf32, #tpu.memory_space<vmem>> -> memref<1x128x128xf32, #tpu.memory_space<vmem>>
      %gather3A_1556 = tpu.memref_squeeze %gather3A_1555 : memref<1x128x128xf32, #tpu.memory_space<vmem>> -> memref<128x128xf32, #tpu.memory_space<vmem>>
      %gather3A_1557 = tpu.vector_load_idx %gather3A_1556[%add3A_1399, %add3A_1551] : memref<128x128xf32, #tpu.memory_space<vmem>>[vector<16xi32>, vector<16xi32>], vector<16xf32>,
      %mul3A_1558 = arith.mulf %gather3A_1548, %gather3A_1557 : vector<16xf32>
      %add3A_1559 = arith.addf %add3A_1539, %mul3A_1558 : vector<16xf32>
      %add3A_1560 = arith.constant 8 : i32
      %add3A_1561 = vector.broadcast %add3A_1560 : i32 to vector<16xi32>
      %add3A_1562 = arith.addi %shift_left3A_1386, %add3A_1561 : vector<16xi32>
      %gather3A_1563 = arith.constant 0 : i32
      %gather3A_1564 = arith.constant 0 : i32
      %gather3A_1565 = arith.constant 0 : i32
      %gather3A_1566 = tpu.memref_slice %arg11[%gather3A_1563, %gather3A_1564, %gather3A_1565] : memref<2x128x128xf32, #tpu.memory_space<vmem>> -> memref<1x128x128xf32, #tpu.memory_space<vmem>>
      %gather3A_1567 = tpu.memref_squeeze %gather3A_1566 : memref<1x128x128xf32, #tpu.memory_space<vmem>> -> memref<128x128xf32, #tpu.memory_space<vmem>>
      %gather3A_1568 = tpu.vector_load_idx %gather3A_1567[%add3A_1399, %add3A_1562] : memref<128x128xf32, #tpu.memory_space<vmem>>[vector<16xi32>, vector<16xi32>], vector<16xf32>,
      %add3A_1569 = arith.constant 8 : i32
      %add3A_1570 = vector.broadcast %add3A_1569 : i32 to vector<16xi32>
      %add3A_1571 = arith.addi %shift_left3A_1395, %add3A_1570 : vector<16xi32>
      %gather3A_1572 = arith.constant 0 : i32
      %gather3A_1573 = arith.constant 0 : i32
      %gather3A_1574 = arith.constant 0 : i32
      %gather3A_1575 = tpu.memref_slice %arg12[%gather3A_1572, %gather3A_1573, %gather3A_1574] : memref<2x128x128xf32, #tpu.memory_space<vmem>> -> memref<1x128x128xf32, #tpu.memory_space<vmem>>
      %gather3A_1576 = tpu.memref_squeeze %gather3A_1575 : memref<1x128x128xf32, #tpu.memory_space<vmem>> -> memref<128x128xf32, #tpu.memory_space<vmem>>
      %gather3A_1577 = tpu.vector_load_idx %gather3A_1576[%add3A_1399, %add3A_1571] : memref<128x128xf32, #tpu.memory_space<vmem>>[vector<16xi32>, vector<16xi32>], vector<16xf32>,
      %mul3A_1578 = arith.mulf %gather3A_1568, %gather3A_1577 : vector<16xf32>
      %add3A_1579 = arith.addf %add3A_1559, %mul3A_1578 : vector<16xf32>
      %add3A_1580 = arith.constant 9 : i32
      %add3A_1581 = vector.broadcast %add3A_1580 : i32 to vector<16xi32>
      %add3A_1582 = arith.addi %shift_left3A_1386, %add3A_1581 : vector<16xi32>
      %gather3A_1583 = arith.constant 0 : i32
      %gather3A_1584 = arith.constant 0 : i32
      %gather3A_1585 = arith.constant 0 : i32
      %gather3A_1586 = tpu.memref_slice %arg11[%gather3A_1583, %gather3A_1584, %gather3A_1585] : memref<2x128x128xf32, #tpu.memory_space<vmem>> -> memref<1x128x128xf32, #tpu.memory_space<vmem>>
      %gather3A_1587 = tpu.memref_squeeze %gather3A_1586 : memref<1x128x128xf32, #tpu.memory_space<vmem>> -> memref<128x128xf32, #tpu.memory_space<vmem>>
      %gather3A_1588 = tpu.vector_load_idx %gather3A_1587[%add3A_1399, %add3A_1582] : memref<128x128xf32, #tpu.memory_space<vmem>>[vector<16xi32>, vector<16xi32>], vector<16xf32>,
      %add3A_1589 = arith.constant 9 : i32
      %add3A_1590 = vector.broadcast %add3A_1589 : i32 to vector<16xi32>
      %add3A_1591 = arith.addi %shift_left3A_1395, %add3A_1590 : vector<16xi32>
      %gather3A_1592 = arith.constant 0 : i32
      %gather3A_1593 = arith.constant 0 : i32
      %gather3A_1594 = arith.constant 0 : i32
      %gather3A_1595 = tpu.memref_slice %arg12[%gather3A_1592, %gather3A_1593, %gather3A_1594] : memref<2x128x128xf32, #tpu.memory_space<vmem>> -> memref<1x128x128xf32, #tpu.memory_space<vmem>>
      %gather3A_1596 = tpu.memref_squeeze %gather3A_1595 : memref<1x128x128xf32, #tpu.memory_space<vmem>> -> memref<128x128xf32, #tpu.memory_space<vmem>>
      %gather3A_1597 = tpu.vector_load_idx %gather3A_1596[%add3A_1399, %add3A_1591] : memref<128x128xf32, #tpu.memory_space<vmem>>[vector<16xi32>, vector<16xi32>], vector<16xf32>,
      %mul3A_1598 = arith.mulf %gather3A_1588, %gather3A_1597 : vector<16xf32>
      %add3A_1599 = arith.addf %add3A_1579, %mul3A_1598 : vector<16xf32>
      %add3A_1600 = arith.constant 10 : i32
      %add3A_1601 = vector.broadcast %add3A_1600 : i32 to vector<16xi32>
      %add3A_1602 = arith.addi %shift_left3A_1386, %add3A_1601 : vector<16xi32>
      %gather3A_1603 = arith.constant 0 : i32
      %gather3A_1604 = arith.constant 0 : i32
      %gather3A_1605 = arith.constant 0 : i32
      %gather3A_1606 = tpu.memref_slice %arg11[%gather3A_1603, %gather3A_1604, %gather3A_1605] : memref<2x128x128xf32, #tpu.memory_space<vmem>> -> memref<1x128x128xf32, #tpu.memory_space<vmem>>
      %gather3A_1607 = tpu.memref_squeeze %gather3A_1606 : memref<1x128x128xf32, #tpu.memory_space<vmem>> -> memref<128x128xf32, #tpu.memory_space<vmem>>
      %gather3A_1608 = tpu.vector_load_idx %gather3A_1607[%add3A_1399, %add3A_1602] : memref<128x128xf32, #tpu.memory_space<vmem>>[vector<16xi32>, vector<16xi32>], vector<16xf32>,
      %add3A_1609 = arith.constant 10 : i32
      %add3A_1610 = vector.broadcast %add3A_1609 : i32 to vector<16xi32>
      %add3A_1611 = arith.addi %shift_left3A_1395, %add3A_1610 : vector<16xi32>
      %gather3A_1612 = arith.constant 0 : i32
      %gather3A_1613 = arith.constant 0 : i32
      %gather3A_1614 = arith.constant 0 : i32
      %gather3A_1615 = tpu.memref_slice %arg12[%gather3A_1612, %gather3A_1613, %gather3A_1614] : memref<2x128x128xf32, #tpu.memory_space<vmem>> -> memref<1x128x128xf32, #tpu.memory_space<vmem>>
      %gather3A_1616 = tpu.memref_squeeze %gather3A_1615 : memref<1x128x128xf32, #tpu.memory_space<vmem>> -> memref<128x128xf32, #tpu.memory_space<vmem>>
      %gather3A_1617 = tpu.vector_load_idx %gather3A_1616[%add3A_1399, %add3A_1611] : memref<128x128xf32, #tpu.memory_space<vmem>>[vector<16xi32>, vector<16xi32>], vector<16xf32>,
      %mul3A_1618 = arith.mulf %gather3A_1608, %gather3A_1617 : vector<16xf32>
      %add3A_1619 = arith.addf %add3A_1599, %mul3A_1618 : vector<16xf32>
      %add3A_1620 = arith.constant 11 : i32
      %add3A_1621 = vector.broadcast %add3A_1620 : i32 to vector<16xi32>
      %add3A_1622 = arith.addi %shift_left3A_1386, %add3A_1621 : vector<16xi32>
      %gather3A_1623 = arith.constant 0 : i32
      %gather3A_1624 = arith.constant 0 : i32
      %gather3A_1625 = arith.constant 0 : i32
      %gather3A_1626 = tpu.memref_slice %arg11[%gather3A_1623, %gather3A_1624, %gather3A_1625] : memref<2x128x128xf32, #tpu.memory_space<vmem>> -> memref<1x128x128xf32, #tpu.memory_space<vmem>>
      %gather3A_1627 = tpu.memref_squeeze %gather3A_1626 : memref<1x128x128xf32, #tpu.memory_space<vmem>> -> memref<128x128xf32, #tpu.memory_space<vmem>>
      %gather3A_1628 = tpu.vector_load_idx %gather3A_1627[%add3A_1399, %add3A_1622] : memref<128x128xf32, #tpu.memory_space<vmem>>[vector<16xi32>, vector<16xi32>], vector<16xf32>,
      %add3A_1629 = arith.constant 11 : i32
      %add3A_1630 = vector.broadcast %add3A_1629 : i32 to vector<16xi32>
      %add3A_1631 = arith.addi %shift_left3A_1395, %add3A_1630 : vector<16xi32>
      %gather3A_1632 = arith.constant 0 : i32
      %gather3A_1633 = arith.constant 0 : i32
      %gather3A_1634 = arith.constant 0 : i32
      %gather3A_1635 = tpu.memref_slice %arg12[%gather3A_1632, %gather3A_1633, %gather3A_1634] : memref<2x128x128xf32, #tpu.memory_space<vmem>> -> memref<1x128x128xf32, #tpu.memory_space<vmem>>
      %gather3A_1636 = tpu.memref_squeeze %gather3A_1635 : memref<1x128x128xf32, #tpu.memory_space<vmem>> -> memref<128x128xf32, #tpu.memory_space<vmem>>
      %gather3A_1637 = tpu.vector_load_idx %gather3A_1636[%add3A_1399, %add3A_1631] : memref<128x128xf32, #tpu.memory_space<vmem>>[vector<16xi32>, vector<16xi32>], vector<16xf32>,
      %mul3A_1638 = arith.mulf %gather3A_1628, %gather3A_1637 : vector<16xf32>
      %add3A_1639 = arith.addf %add3A_1619, %mul3A_1638 : vector<16xf32>
      %add3A_1640 = arith.constant 12 : i32
      %add3A_1641 = vector.broadcast %add3A_1640 : i32 to vector<16xi32>
      %add3A_1642 = arith.addi %shift_left3A_1386, %add3A_1641 : vector<16xi32>
      %gather3A_1643 = arith.constant 0 : i32
      %gather3A_1644 = arith.constant 0 : i32
      %gather3A_1645 = arith.constant 0 : i32
      %gather3A_1646 = tpu.memref_slice %arg11[%gather3A_1643, %gather3A_1644, %gather3A_1645] : memref<2x128x128xf32, #tpu.memory_space<vmem>> -> memref<1x128x128xf32, #tpu.memory_space<vmem>>
      %gather3A_1647 = tpu.memref_squeeze %gather3A_1646 : memref<1x128x128xf32, #tpu.memory_space<vmem>> -> memref<128x128xf32, #tpu.memory_space<vmem>>
      %gather3A_1648 = tpu.vector_load_idx %gather3A_1647[%add3A_1399, %add3A_1642] : memref<128x128xf32, #tpu.memory_space<vmem>>[vector<16xi32>, vector<16xi32>], vector<16xf32>,
      %add3A_1649 = arith.constant 12 : i32
      %add3A_1650 = vector.broadcast %add3A_1649 : i32 to vector<16xi32>
      %add3A_1651 = arith.addi %shift_left3A_1395, %add3A_1650 : vector<16xi32>
      %gather3A_1652 = arith.constant 0 : i32
      %gather3A_1653 = arith.constant 0 : i32
      %gather3A_1654 = arith.constant 0 : i32
      %gather3A_1655 = tpu.memref_slice %arg12[%gather3A_1652, %gather3A_1653, %gather3A_1654] : memref<2x128x128xf32, #tpu.memory_space<vmem>> -> memref<1x128x128xf32, #tpu.memory_space<vmem>>
      %gather3A_1656 = tpu.memref_squeeze %gather3A_1655 : memref<1x128x128xf32, #tpu.memory_space<vmem>> -> memref<128x128xf32, #tpu.memory_space<vmem>>
      %gather3A_1657 = tpu.vector_load_idx %gather3A_1656[%add3A_1399, %add3A_1651] : memref<128x128xf32, #tpu.memory_space<vmem>>[vector<16xi32>, vector<16xi32>], vector<16xf32>,
      %mul3A_1658 = arith.mulf %gather3A_1648, %gather3A_1657 : vector<16xf32>
      %add3A_1659 = arith.addf %add3A_1639, %mul3A_1658 : vector<16xf32>
      %add3A_1660 = arith.constant 13 : i32
      %add3A_1661 = vector.broadcast %add3A_1660 : i32 to vector<16xi32>
      %add3A_1662 = arith.addi %shift_left3A_1386, %add3A_1661 : vector<16xi32>
      %gather3A_1663 = arith.constant 0 : i32
      %gather3A_1664 = arith.constant 0 : i32
      %gather3A_1665 = arith.constant 0 : i32
      %gather3A_1666 = tpu.memref_slice %arg11[%gather3A_1663, %gather3A_1664, %gather3A_1665] : memref<2x128x128xf32, #tpu.memory_space<vmem>> -> memref<1x128x128xf32, #tpu.memory_space<vmem>>
      %gather3A_1667 = tpu.memref_squeeze %gather3A_1666 : memref<1x128x128xf32, #tpu.memory_space<vmem>> -> memref<128x128xf32, #tpu.memory_space<vmem>>
      %gather3A_1668 = tpu.vector_load_idx %gather3A_1667[%add3A_1399, %add3A_1662] : memref<128x128xf32, #tpu.memory_space<vmem>>[vector<16xi32>, vector<16xi32>], vector<16xf32>,
      %add3A_1669 = arith.constant 13 : i32
      %add3A_1670 = vector.broadcast %add3A_1669 : i32 to vector<16xi32>
      %add3A_1671 = arith.addi %shift_left3A_1395, %add3A_1670 : vector<16xi32>
      %gather3A_1672 = arith.constant 0 : i32
      %gather3A_1673 = arith.constant 0 : i32
      %gather3A_1674 = arith.constant 0 : i32
      %gather3A_1675 = tpu.memref_slice %arg12[%gather3A_1672, %gather3A_1673, %gather3A_1674] : memref<2x128x128xf32, #tpu.memory_space<vmem>> -> memref<1x128x128xf32, #tpu.memory_space<vmem>>
      %gather3A_1676 = tpu.memref_squeeze %gather3A_1675 : memref<1x128x128xf32, #tpu.memory_space<vmem>> -> memref<128x128xf32, #tpu.memory_space<vmem>>
      %gather3A_1677 = tpu.vector_load_idx %gather3A_1676[%add3A_1399, %add3A_1671] : memref<128x128xf32, #tpu.memory_space<vmem>>[vector<16xi32>, vector<16xi32>], vector<16xf32>,
      %mul3A_1678 = arith.mulf %gather3A_1668, %gather3A_1677 : vector<16xf32>
      %add3A_1679 = arith.addf %add3A_1659, %mul3A_1678 : vector<16xf32>
      %add3A_1680 = arith.constant 14 : i32
      %add3A_1681 = vector.broadcast %add3A_1680 : i32 to vector<16xi32>
      %add3A_1682 = arith.addi %shift_left3A_1386, %add3A_1681 : vector<16xi32>
      %gather3A_1683 = arith.constant 0 : i32
      %gather3A_1684 = arith.constant 0 : i32
      %gather3A_1685 = arith.constant 0 : i32
      %gather3A_1686 = tpu.memref_slice %arg11[%gather3A_1683, %gather3A_1684, %gather3A_1685] : memref<2x128x128xf32, #tpu.memory_space<vmem>> -> memref<1x128x128xf32, #tpu.memory_space<vmem>>
      %gather3A_1687 = tpu.memref_squeeze %gather3A_1686 : memref<1x128x128xf32, #tpu.memory_space<vmem>> -> memref<128x128xf32, #tpu.memory_space<vmem>>
      %gather3A_1688 = tpu.vector_load_idx %gather3A_1687[%add3A_1399, %add3A_1682] : memref<128x128xf32, #tpu.memory_space<vmem>>[vector<16xi32>, vector<16xi32>], vector<16xf32>,
      %add3A_1689 = arith.constant 14 : i32
      %add3A_1690 = vector.broadcast %add3A_1689 : i32 to vector<16xi32>
      %add3A_1691 = arith.addi %shift_left3A_1395, %add3A_1690 : vector<16xi32>
      %gather3A_1692 = arith.constant 0 : i32
      %gather3A_1693 = arith.constant 0 : i32
      %gather3A_1694 = arith.constant 0 : i32
      %gather3A_1695 = tpu.memref_slice %arg12[%gather3A_1692, %gather3A_1693, %gather3A_1694] : memref<2x128x128xf32, #tpu.memory_space<vmem>> -> memref<1x128x128xf32, #tpu.memory_space<vmem>>
      %gather3A_1696 = tpu.memref_squeeze %gather3A_1695 : memref<1x128x128xf32, #tpu.memory_space<vmem>> -> memref<128x128xf32, #tpu.memory_space<vmem>>
      %gather3A_1697 = tpu.vector_load_idx %gather3A_1696[%add3A_1399, %add3A_1691] : memref<128x128xf32, #tpu.memory_space<vmem>>[vector<16xi32>, vector<16xi32>], vector<16xf32>,
      %mul3A_1698 = arith.mulf %gather3A_1688, %gather3A_1697 : vector<16xf32>
      %add3A_1699 = arith.addf %add3A_1679, %mul3A_1698 : vector<16xf32>
      %add3A_1700 = arith.constant 15 : i32
      %add3A_1701 = vector.broadcast %add3A_1700 : i32 to vector<16xi32>
      %add3A_1702 = arith.addi %shift_left3A_1386, %add3A_1701 : vector<16xi32>
      %gather3A_1703 = arith.constant 0 : i32
      %gather3A_1704 = arith.constant 0 : i32
      %gather3A_1705 = arith.constant 0 : i32
      %gather3A_1706 = tpu.memref_slice %arg11[%gather3A_1703, %gather3A_1704, %gather3A_1705] : memref<2x128x128xf32, #tpu.memory_space<vmem>> -> memref<1x128x128xf32, #tpu.memory_space<vmem>>
      %gather3A_1707 = tpu.memref_squeeze %gather3A_1706 : memref<1x128x128xf32, #tpu.memory_space<vmem>> -> memref<128x128xf32, #tpu.memory_space<vmem>>
      %gather3A_1708 = tpu.vector_load_idx %gather3A_1707[%add3A_1399, %add3A_1702] : memref<128x128xf32, #tpu.memory_space<vmem>>[vector<16xi32>, vector<16xi32>], vector<16xf32>,
      %add3A_1709 = arith.constant 15 : i32
      %add3A_1710 = vector.broadcast %add3A_1709 : i32 to vector<16xi32>
      %add3A_1711 = arith.addi %shift_left3A_1395, %add3A_1710 : vector<16xi32>
      %gather3A_1712 = arith.constant 0 : i32
      %gather3A_1713 = arith.constant 0 : i32
      %gather3A_1714 = arith.constant 0 : i32
      %gather3A_1715 = tpu.memref_slice %arg12[%gather3A_1712, %gather3A_1713, %gather3A_1714] : memref<2x128x128xf32, #tpu.memory_space<vmem>> -> memref<1x128x128xf32, #tpu.memory_space<vmem>>
      %gather3A_1716 = tpu.memref_squeeze %gather3A_1715 : memref<1x128x128xf32, #tpu.memory_space<vmem>> -> memref<128x128xf32, #tpu.memory_space<vmem>>
      %gather3A_1717 = tpu.vector_load_idx %gather3A_1716[%add3A_1399, %add3A_1711] : memref<128x128xf32, #tpu.memory_space<vmem>>[vector<16xi32>, vector<16xi32>], vector<16xf32>,
      %mul3A_1718 = arith.mulf %gather3A_1708, %gather3A_1717 : vector<16xf32>
      %add3A_1719 = arith.addf %add3A_1699, %mul3A_1718 : vector<16xf32>
      %add3A_1720 = arith.constant 16 : i32
      %add3A_1721 = vector.broadcast %add3A_1720 : i32 to vector<16xi32>
      %add3A_1722 = arith.addi %shift_left3A_1386, %add3A_1721 : vector<16xi32>
      %gather3A_1723 = arith.constant 0 : i32
      %gather3A_1724 = arith.constant 0 : i32
      %gather3A_1725 = arith.constant 0 : i32
      %gather3A_1726 = tpu.memref_slice %arg11[%gather3A_1723, %gather3A_1724, %gather3A_1725] : memref<2x128x128xf32, #tpu.memory_space<vmem>> -> memref<1x128x128xf32, #tpu.memory_space<vmem>>
      %gather3A_1727 = tpu.memref_squeeze %gather3A_1726 : memref<1x128x128xf32, #tpu.memory_space<vmem>> -> memref<128x128xf32, #tpu.memory_space<vmem>>
      %gather3A_1728 = tpu.vector_load_idx %gather3A_1727[%add3A_1399, %add3A_1722] : memref<128x128xf32, #tpu.memory_space<vmem>>[vector<16xi32>, vector<16xi32>], vector<16xf32>,
      %add3A_1729 = arith.constant 16 : i32
      %add3A_1730 = vector.broadcast %add3A_1729 : i32 to vector<16xi32>
      %add3A_1731 = arith.addi %shift_left3A_1395, %add3A_1730 : vector<16xi32>
      %gather3A_1732 = arith.constant 0 : i32
      %gather3A_1733 = arith.constant 0 : i32
      %gather3A_1734 = arith.constant 0 : i32
      %gather3A_1735 = tpu.memref_slice %arg12[%gather3A_1732, %gather3A_1733, %gather3A_1734] : memref<2x128x128xf32, #tpu.memory_space<vmem>> -> memref<1x128x128xf32, #tpu.memory_space<vmem>>
      %gather3A_1736 = tpu.memref_squeeze %gather3A_1735 : memref<1x128x128xf32, #tpu.memory_space<vmem>> -> memref<128x128xf32, #tpu.memory_space<vmem>>
      %gather3A_1737 = tpu.vector_load_idx %gather3A_1736[%add3A_1399, %add3A_1731] : memref<128x128xf32, #tpu.memory_space<vmem>>[vector<16xi32>, vector<16xi32>], vector<16xf32>,
      %mul3A_1738 = arith.mulf %gather3A_1728, %gather3A_1737 : vector<16xf32>
      %add3A_1739 = arith.addf %add3A_1719, %mul3A_1738 : vector<16xf32>
      %add3A_1740 = arith.constant 17 : i32
      %add3A_1741 = vector.broadcast %add3A_1740 : i32 to vector<16xi32>
      %add3A_1742 = arith.addi %shift_left3A_1386, %add3A_1741 : vector<16xi32>
      %gather3A_1743 = arith.constant 0 : i32
      %gather3A_1744 = arith.constant 0 : i32
      %gather3A_1745 = arith.constant 0 : i32
      %gather3A_1746 = tpu.memref_slice %arg11[%gather3A_1743, %gather3A_1744, %gather3A_1745] : memref<2x128x128xf32, #tpu.memory_space<vmem>> -> memref<1x128x128xf32, #tpu.memory_space<vmem>>
      %gather3A_1747 = tpu.memref_squeeze %gather3A_1746 : memref<1x128x128xf32, #tpu.memory_space<vmem>> -> memref<128x128xf32, #tpu.memory_space<vmem>>
      %gather3A_1748 = tpu.vector_load_idx %gather3A_1747[%add3A_1399, %add3A_1742] : memref<128x128xf32, #tpu.memory_space<vmem>>[vector<16xi32>, vector<16xi32>], vector<16xf32>,
      %add3A_1749 = arith.constant 17 : i32
      %add3A_1750 = vector.broadcast %add3A_1749 : i32 to vector<16xi32>
      %add3A_1751 = arith.addi %shift_left3A_1395, %add3A_1750 : vector<16xi32>
      %gather3A_1752 = arith.constant 0 : i32
      %gather3A_1753 = arith.constant 0 : i32
      %gather3A_1754 = arith.constant 0 : i32
      %gather3A_1755 = tpu.memref_slice %arg12[%gather3A_1752, %gather3A_1753, %gather3A_1754] : memref<2x128x128xf32, #tpu.memory_space<vmem>> -> memref<1x128x128xf32, #tpu.memory_space<vmem>>
      %gather3A_1756 = tpu.memref_squeeze %gather3A_1755 : memref<1x128x128xf32, #tpu.memory_space<vmem>> -> memref<128x128xf32, #tpu.memory_space<vmem>>
      %gather3A_1757 = tpu.vector_load_idx %gather3A_1756[%add3A_1399, %add3A_1751] : memref<128x128xf32, #tpu.memory_space<vmem>>[vector<16xi32>, vector<16xi32>], vector<16xf32>,
      %mul3A_1758 = arith.mulf %gather3A_1748, %gather3A_1757 : vector<16xf32>
      %add3A_1759 = arith.addf %add3A_1739, %mul3A_1758 : vector<16xf32>
      %add3A_1760 = arith.constant 18 : i32
      %add3A_1761 = vector.broadcast %add3A_1760 : i32 to vector<16xi32>
      %add3A_1762 = arith.addi %shift_left3A_1386, %add3A_1761 : vector<16xi32>
      %gather3A_1763 = arith.constant 0 : i32
      %gather3A_1764 = arith.constant 0 : i32
      %gather3A_1765 = arith.constant 0 : i32
      %gather3A_1766 = tpu.memref_slice %arg11[%gather3A_1763, %gather3A_1764, %gather3A_1765] : memref<2x128x128xf32, #tpu.memory_space<vmem>> -> memref<1x128x128xf32, #tpu.memory_space<vmem>>
      %gather3A_1767 = tpu.memref_squeeze %gather3A_1766 : memref<1x128x128xf32, #tpu.memory_space<vmem>> -> memref<128x128xf32, #tpu.memory_space<vmem>>
      %gather3A_1768 = tpu.vector_load_idx %gather3A_1767[%add3A_1399, %add3A_1762] : memref<128x128xf32, #tpu.memory_space<vmem>>[vector<16xi32>, vector<16xi32>], vector<16xf32>,
      %add3A_1769 = arith.constant 18 : i32
      %add3A_1770 = vector.broadcast %add3A_1769 : i32 to vector<16xi32>
      %add3A_1771 = arith.addi %shift_left3A_1395, %add3A_1770 : vector<16xi32>
      %gather3A_1772 = arith.constant 0 : i32
      %gather3A_1773 = arith.constant 0 : i32
      %gather3A_1774 = arith.constant 0 : i32
      %gather3A_1775 = tpu.memref_slice %arg12[%gather3A_1772, %gather3A_1773, %gather3A_1774] : memref<2x128x128xf32, #tpu.memory_space<vmem>> -> memref<1x128x128xf32, #tpu.memory_space<vmem>>
      %gather3A_1776 = tpu.memref_squeeze %gather3A_1775 : memref<1x128x128xf32, #tpu.memory_space<vmem>> -> memref<128x128xf32, #tpu.memory_space<vmem>>
      %gather3A_1777 = tpu.vector_load_idx %gather3A_1776[%add3A_1399, %add3A_1771] : memref<128x128xf32, #tpu.memory_space<vmem>>[vector<16xi32>, vector<16xi32>], vector<16xf32>,
      %mul3A_1778 = arith.mulf %gather3A_1768, %gather3A_1777 : vector<16xf32>
      %add3A_1779 = arith.addf %add3A_1759, %mul3A_1778 : vector<16xf32>
      %add3A_1780 = arith.constant 19 : i32
      %add3A_1781 = vector.broadcast %add3A_1780 : i32 to vector<16xi32>
      %add3A_1782 = arith.addi %shift_left3A_1386, %add3A_1781 : vector<16xi32>
      %gather3A_1783 = arith.constant 0 : i32
      %gather3A_1784 = arith.constant 0 : i32
      %gather3A_1785 = arith.constant 0 : i32
      %gather3A_1786 = tpu.memref_slice %arg11[%gather3A_1783, %gather3A_1784, %gather3A_1785] : memref<2x128x128xf32, #tpu.memory_space<vmem>> -> memref<1x128x128xf32, #tpu.memory_space<vmem>>
      %gather3A_1787 = tpu.memref_squeeze %gather3A_1786 : memref<1x128x128xf32, #tpu.memory_space<vmem>> -> memref<128x128xf32, #tpu.memory_space<vmem>>
      %gather3A_1788 = tpu.vector_load_idx %gather3A_1787[%add3A_1399, %add3A_1782] : memref<128x128xf32, #tpu.memory_space<vmem>>[vector<16xi32>, vector<16xi32>], vector<16xf32>,
      %add3A_1789 = arith.constant 19 : i32
      %add3A_1790 = vector.broadcast %add3A_1789 : i32 to vector<16xi32>
      %add3A_1791 = arith.addi %shift_left3A_1395, %add3A_1790 : vector<16xi32>
      %gather3A_1792 = arith.constant 0 : i32
      %gather3A_1793 = arith.constant 0 : i32
      %gather3A_1794 = arith.constant 0 : i32
      %gather3A_1795 = tpu.memref_slice %arg12[%gather3A_1792, %gather3A_1793, %gather3A_1794] : memref<2x128x128xf32, #tpu.memory_space<vmem>> -> memref<1x128x128xf32, #tpu.memory_space<vmem>>
      %gather3A_1796 = tpu.memref_squeeze %gather3A_1795 : memref<1x128x128xf32, #tpu.memory_space<vmem>> -> memref<128x128xf32, #tpu.memory_space<vmem>>
      %gather3A_1797 = tpu.vector_load_idx %gather3A_1796[%add3A_1399, %add3A_1791] : memref<128x128xf32, #tpu.memory_space<vmem>>[vector<16xi32>, vector<16xi32>], vector<16xf32>,
      %mul3A_1798 = arith.mulf %gather3A_1788, %gather3A_1797 : vector<16xf32>
      %add3A_1799 = arith.addf %add3A_1779, %mul3A_1798 : vector<16xf32>
      %add3A_1800 = arith.constant 20 : i32
      %add3A_1801 = vector.broadcast %add3A_1800 : i32 to vector<16xi32>
      %add3A_1802 = arith.addi %shift_left3A_1386, %add3A_1801 : vector<16xi32>
      %gather3A_1803 = arith.constant 0 : i32
      %gather3A_1804 = arith.constant 0 : i32
      %gather3A_1805 = arith.constant 0 : i32
      %gather3A_1806 = tpu.memref_slice %arg11[%gather3A_1803, %gather3A_1804, %gather3A_1805] : memref<2x128x128xf32, #tpu.memory_space<vmem>> -> memref<1x128x128xf32, #tpu.memory_space<vmem>>
      %gather3A_1807 = tpu.memref_squeeze %gather3A_1806 : memref<1x128x128xf32, #tpu.memory_space<vmem>> -> memref<128x128xf32, #tpu.memory_space<vmem>>
      %gather3A_1808 = tpu.vector_load_idx %gather3A_1807[%add3A_1399, %add3A_1802] : memref<128x128xf32, #tpu.memory_space<vmem>>[vector<16xi32>, vector<16xi32>], vector<16xf32>,
      %add3A_1809 = arith.constant 20 : i32
      %add3A_1810 = vector.broadcast %add3A_1809 : i32 to vector<16xi32>
      %add3A_1811 = arith.addi %shift_left3A_1395, %add3A_1810 : vector<16xi32>
      %gather3A_1812 = arith.constant 0 : i32
      %gather3A_1813 = arith.constant 0 : i32
      %gather3A_1814 = arith.constant 0 : i32
      %gather3A_1815 = tpu.memref_slice %arg12[%gather3A_1812, %gather3A_1813, %gather3A_1814] : memref<2x128x128xf32, #tpu.memory_space<vmem>> -> memref<1x128x128xf32, #tpu.memory_space<vmem>>
      %gather3A_1816 = tpu.memref_squeeze %gather3A_1815 : memref<1x128x128xf32, #tpu.memory_space<vmem>> -> memref<128x128xf32, #tpu.memory_space<vmem>>
      %gather3A_1817 = tpu.vector_load_idx %gather3A_1816[%add3A_1399, %add3A_1811] : memref<128x128xf32, #tpu.memory_space<vmem>>[vector<16xi32>, vector<16xi32>], vector<16xf32>,
      %mul3A_1818 = arith.mulf %gather3A_1808, %gather3A_1817 : vector<16xf32>
      %add3A_1819 = arith.addf %add3A_1799, %mul3A_1818 : vector<16xf32>
      %add3A_1820 = arith.constant 21 : i32
      %add3A_1821 = vector.broadcast %add3A_1820 : i32 to vector<16xi32>
      %add3A_1822 = arith.addi %shift_left3A_1386, %add3A_1821 : vector<16xi32>
      %gather3A_1823 = arith.constant 0 : i32
      %gather3A_1824 = arith.constant 0 : i32
      %gather3A_1825 = arith.constant 0 : i32
      %gather3A_1826 = tpu.memref_slice %arg11[%gather3A_1823, %gather3A_1824, %gather3A_1825] : memref<2x128x128xf32, #tpu.memory_space<vmem>> -> memref<1x128x128xf32, #tpu.memory_space<vmem>>
      %gather3A_1827 = tpu.memref_squeeze %gather3A_1826 : memref<1x128x128xf32, #tpu.memory_space<vmem>> -> memref<128x128xf32, #tpu.memory_space<vmem>>
      %gather3A_1828 = tpu.vector_load_idx %gather3A_1827[%add3A_1399, %add3A_1822] : memref<128x128xf32, #tpu.memory_space<vmem>>[vector<16xi32>, vector<16xi32>], vector<16xf32>,
      %add3A_1829 = arith.constant 21 : i32
      %add3A_1830 = vector.broadcast %add3A_1829 : i32 to vector<16xi32>
      %add3A_1831 = arith.addi %shift_left3A_1395, %add3A_1830 : vector<16xi32>
      %gather3A_1832 = arith.constant 0 : i32
      %gather3A_1833 = arith.constant 0 : i32
      %gather3A_1834 = arith.constant 0 : i32
      %gather3A_1835 = tpu.memref_slice %arg12[%gather3A_1832, %gather3A_1833, %gather3A_1834] : memref<2x128x128xf32, #tpu.memory_space<vmem>> -> memref<1x128x128xf32, #tpu.memory_space<vmem>>
      %gather3A_1836 = tpu.memref_squeeze %gather3A_1835 : memref<1x128x128xf32, #tpu.memory_space<vmem>> -> memref<128x128xf32, #tpu.memory_space<vmem>>
      %gather3A_1837 = tpu.vector_load_idx %gather3A_1836[%add3A_1399, %add3A_1831] : memref<128x128xf32, #tpu.memory_space<vmem>>[vector<16xi32>, vector<16xi32>], vector<16xf32>,
      %mul3A_1838 = arith.mulf %gather3A_1828, %gather3A_1837 : vector<16xf32>
      %add3A_1839 = arith.addf %add3A_1819, %mul3A_1838 : vector<16xf32>
      %add3A_1840 = arith.constant 22 : i32
      %add3A_1841 = vector.broadcast %add3A_1840 : i32 to vector<16xi32>
      %add3A_1842 = arith.addi %shift_left3A_1386, %add3A_1841 : vector<16xi32>
      %gather3A_1843 = arith.constant 0 : i32
      %gather3A_1844 = arith.constant 0 : i32
      %gather3A_1845 = arith.constant 0 : i32
      %gather3A_1846 = tpu.memref_slice %arg11[%gather3A_1843, %gather3A_1844, %gather3A_1845] : memref<2x128x128xf32, #tpu.memory_space<vmem>> -> memref<1x128x128xf32, #tpu.memory_space<vmem>>
      %gather3A_1847 = tpu.memref_squeeze %gather3A_1846 : memref<1x128x128xf32, #tpu.memory_space<vmem>> -> memref<128x128xf32, #tpu.memory_space<vmem>>
      %gather3A_1848 = tpu.vector_load_idx %gather3A_1847[%add3A_1399, %add3A_1842] : memref<128x128xf32, #tpu.memory_space<vmem>>[vector<16xi32>, vector<16xi32>], vector<16xf32>,
      %add3A_1849 = arith.constant 22 : i32
      %add3A_1850 = vector.broadcast %add3A_1849 : i32 to vector<16xi32>
      %add3A_1851 = arith.addi %shift_left3A_1395, %add3A_1850 : vector<16xi32>
      %gather3A_1852 = arith.constant 0 : i32
      %gather3A_1853 = arith.constant 0 : i32
      %gather3A_1854 = arith.constant 0 : i32
      %gather3A_1855 = tpu.memref_slice %arg12[%gather3A_1852, %gather3A_1853, %gather3A_1854] : memref<2x128x128xf32, #tpu.memory_space<vmem>> -> memref<1x128x128xf32, #tpu.memory_space<vmem>>
      %gather3A_1856 = tpu.memref_squeeze %gather3A_1855 : memref<1x128x128xf32, #tpu.memory_space<vmem>> -> memref<128x128xf32, #tpu.memory_space<vmem>>
      %gather3A_1857 = tpu.vector_load_idx %gather3A_1856[%add3A_1399, %add3A_1851] : memref<128x128xf32, #tpu.memory_space<vmem>>[vector<16xi32>, vector<16xi32>], vector<16xf32>,
      %mul3A_1858 = arith.mulf %gather3A_1848, %gather3A_1857 : vector<16xf32>
      %add3A_1859 = arith.addf %add3A_1839, %mul3A_1858 : vector<16xf32>
      %add3A_1860 = arith.constant 23 : i32
      %add3A_1861 = vector.broadcast %add3A_1860 : i32 to vector<16xi32>
      %add3A_1862 = arith.addi %shift_left3A_1386, %add3A_1861 : vector<16xi32>
      %gather3A_1863 = arith.constant 0 : i32
      %gather3A_1864 = arith.constant 0 : i32
      %gather3A_1865 = arith.constant 0 : i32
      %gather3A_1866 = tpu.memref_slice %arg11[%gather3A_1863, %gather3A_1864, %gather3A_1865] : memref<2x128x128xf32, #tpu.memory_space<vmem>> -> memref<1x128x128xf32, #tpu.memory_space<vmem>>
      %gather3A_1867 = tpu.memref_squeeze %gather3A_1866 : memref<1x128x128xf32, #tpu.memory_space<vmem>> -> memref<128x128xf32, #tpu.memory_space<vmem>>
      %gather3A_1868 = tpu.vector_load_idx %gather3A_1867[%add3A_1399, %add3A_1862] : memref<128x128xf32, #tpu.memory_space<vmem>>[vector<16xi32>, vector<16xi32>], vector<16xf32>,
      %add3A_1869 = arith.constant 23 : i32
      %add3A_1870 = vector.broadcast %add3A_1869 : i32 to vector<16xi32>
      %add3A_1871 = arith.addi %shift_left3A_1395, %add3A_1870 : vector<16xi32>
      %gather3A_1872 = arith.constant 0 : i32
      %gather3A_1873 = arith.constant 0 : i32
      %gather3A_1874 = arith.constant 0 : i32
      %gather3A_1875 = tpu.memref_slice %arg12[%gather3A_1872, %gather3A_1873, %gather3A_1874] : memref<2x128x128xf32, #tpu.memory_space<vmem>> -> memref<1x128x128xf32, #tpu.memory_space<vmem>>
      %gather3A_1876 = tpu.memref_squeeze %gather3A_1875 : memref<1x128x128xf32, #tpu.memory_space<vmem>> -> memref<128x128xf32, #tpu.memory_space<vmem>>
      %gather3A_1877 = tpu.vector_load_idx %gather3A_1876[%add3A_1399, %add3A_1871] : memref<128x128xf32, #tpu.memory_space<vmem>>[vector<16xi32>, vector<16xi32>], vector<16xf32>,
      %mul3A_1878 = arith.mulf %gather3A_1868, %gather3A_1877 : vector<16xf32>
      %add3A_1879 = arith.addf %add3A_1859, %mul3A_1878 : vector<16xf32>
      %add3A_1880 = arith.constant 24 : i32
      %add3A_1881 = vector.broadcast %add3A_1880 : i32 to vector<16xi32>
      %add3A_1882 = arith.addi %shift_left3A_1386, %add3A_1881 : vector<16xi32>
      %gather3A_1883 = arith.constant 0 : i32
      %gather3A_1884 = arith.constant 0 : i32
      %gather3A_1885 = arith.constant 0 : i32
      %gather3A_1886 = tpu.memref_slice %arg11[%gather3A_1883, %gather3A_1884, %gather3A_1885] : memref<2x128x128xf32, #tpu.memory_space<vmem>> -> memref<1x128x128xf32, #tpu.memory_space<vmem>>
      %gather3A_1887 = tpu.memref_squeeze %gather3A_1886 : memref<1x128x128xf32, #tpu.memory_space<vmem>> -> memref<128x128xf32, #tpu.memory_space<vmem>>
      %gather3A_1888 = tpu.vector_load_idx %gather3A_1887[%add3A_1399, %add3A_1882] : memref<128x128xf32, #tpu.memory_space<vmem>>[vector<16xi32>, vector<16xi32>], vector<16xf32>,
      %add3A_1889 = arith.constant 24 : i32
      %add3A_1890 = vector.broadcast %add3A_1889 : i32 to vector<16xi32>
      %add3A_1891 = arith.addi %shift_left3A_1395, %add3A_1890 : vector<16xi32>
      %gather3A_1892 = arith.constant 0 : i32
      %gather3A_1893 = arith.constant 0 : i32
      %gather3A_1894 = arith.constant 0 : i32
      %gather3A_1895 = tpu.memref_slice %arg12[%gather3A_1892, %gather3A_1893, %gather3A_1894] : memref<2x128x128xf32, #tpu.memory_space<vmem>> -> memref<1x128x128xf32, #tpu.memory_space<vmem>>
      %gather3A_1896 = tpu.memref_squeeze %gather3A_1895 : memref<1x128x128xf32, #tpu.memory_space<vmem>> -> memref<128x128xf32, #tpu.memory_space<vmem>>
      %gather3A_1897 = tpu.vector_load_idx %gather3A_1896[%add3A_1399, %add3A_1891] : memref<128x128xf32, #tpu.memory_space<vmem>>[vector<16xi32>, vector<16xi32>], vector<16xf32>,
      %mul3A_1898 = arith.mulf %gather3A_1888, %gather3A_1897 : vector<16xf32>
      %add3A_1899 = arith.addf %add3A_1879, %mul3A_1898 : vector<16xf32>
      %add3A_1900 = arith.constant 25 : i32
      %add3A_1901 = vector.broadcast %add3A_1900 : i32 to vector<16xi32>
      %add3A_1902 = arith.addi %shift_left3A_1386, %add3A_1901 : vector<16xi32>
      %gather3A_1903 = arith.constant 0 : i32
      %gather3A_1904 = arith.constant 0 : i32
      %gather3A_1905 = arith.constant 0 : i32
      %gather3A_1906 = tpu.memref_slice %arg11[%gather3A_1903, %gather3A_1904, %gather3A_1905] : memref<2x128x128xf32, #tpu.memory_space<vmem>> -> memref<1x128x128xf32, #tpu.memory_space<vmem>>
      %gather3A_1907 = tpu.memref_squeeze %gather3A_1906 : memref<1x128x128xf32, #tpu.memory_space<vmem>> -> memref<128x128xf32, #tpu.memory_space<vmem>>
      %gather3A_1908 = tpu.vector_load_idx %gather3A_1907[%add3A_1399, %add3A_1902] : memref<128x128xf32, #tpu.memory_space<vmem>>[vector<16xi32>, vector<16xi32>], vector<16xf32>,
      %add3A_1909 = arith.constant 25 : i32
      %add3A_1910 = vector.broadcast %add3A_1909 : i32 to vector<16xi32>
      %add3A_1911 = arith.addi %shift_left3A_1395, %add3A_1910 : vector<16xi32>
      %gather3A_1912 = arith.constant 0 : i32
      %gather3A_1913 = arith.constant 0 : i32
      %gather3A_1914 = arith.constant 0 : i32
      %gather3A_1915 = tpu.memref_slice %arg12[%gather3A_1912, %gather3A_1913, %gather3A_1914] : memref<2x128x128xf32, #tpu.memory_space<vmem>> -> memref<1x128x128xf32, #tpu.memory_space<vmem>>
      %gather3A_1916 = tpu.memref_squeeze %gather3A_1915 : memref<1x128x128xf32, #tpu.memory_space<vmem>> -> memref<128x128xf32, #tpu.memory_space<vmem>>
      %gather3A_1917 = tpu.vector_load_idx %gather3A_1916[%add3A_1399, %add3A_1911] : memref<128x128xf32, #tpu.memory_space<vmem>>[vector<16xi32>, vector<16xi32>], vector<16xf32>,
      %mul3A_1918 = arith.mulf %gather3A_1908, %gather3A_1917 : vector<16xf32>
      %add3A_1919 = arith.addf %add3A_1899, %mul3A_1918 : vector<16xf32>
      %add3A_1920 = arith.constant 26 : i32
      %add3A_1921 = vector.broadcast %add3A_1920 : i32 to vector<16xi32>
      %add3A_1922 = arith.addi %shift_left3A_1386, %add3A_1921 : vector<16xi32>
      %gather3A_1923 = arith.constant 0 : i32
      %gather3A_1924 = arith.constant 0 : i32
      %gather3A_1925 = arith.constant 0 : i32
      %gather3A_1926 = tpu.memref_slice %arg11[%gather3A_1923, %gather3A_1924, %gather3A_1925] : memref<2x128x128xf32, #tpu.memory_space<vmem>> -> memref<1x128x128xf32, #tpu.memory_space<vmem>>
      %gather3A_1927 = tpu.memref_squeeze %gather3A_1926 : memref<1x128x128xf32, #tpu.memory_space<vmem>> -> memref<128x128xf32, #tpu.memory_space<vmem>>
      %gather3A_1928 = tpu.vector_load_idx %gather3A_1927[%add3A_1399, %add3A_1922] : memref<128x128xf32, #tpu.memory_space<vmem>>[vector<16xi32>, vector<16xi32>], vector<16xf32>,
      %add3A_1929 = arith.constant 26 : i32
      %add3A_1930 = vector.broadcast %add3A_1929 : i32 to vector<16xi32>
      %add3A_1931 = arith.addi %shift_left3A_1395, %add3A_1930 : vector<16xi32>
      %gather3A_1932 = arith.constant 0 : i32
      %gather3A_1933 = arith.constant 0 : i32
      %gather3A_1934 = arith.constant 0 : i32
      %gather3A_1935 = tpu.memref_slice %arg12[%gather3A_1932, %gather3A_1933, %gather3A_1934] : memref<2x128x128xf32, #tpu.memory_space<vmem>> -> memref<1x128x128xf32, #tpu.memory_space<vmem>>
      %gather3A_1936 = tpu.memref_squeeze %gather3A_1935 : memref<1x128x128xf32, #tpu.memory_space<vmem>> -> memref<128x128xf32, #tpu.memory_space<vmem>>
      %gather3A_1937 = tpu.vector_load_idx %gather3A_1936[%add3A_1399, %add3A_1931] : memref<128x128xf32, #tpu.memory_space<vmem>>[vector<16xi32>, vector<16xi32>], vector<16xf32>,
      %mul3A_1938 = arith.mulf %gather3A_1928, %gather3A_1937 : vector<16xf32>
      %add3A_1939 = arith.addf %add3A_1919, %mul3A_1938 : vector<16xf32>
      %add3A_1940 = arith.constant 27 : i32
      %add3A_1941 = vector.broadcast %add3A_1940 : i32 to vector<16xi32>
      %add3A_1942 = arith.addi %shift_left3A_1386, %add3A_1941 : vector<16xi32>
      %gather3A_1943 = arith.constant 0 : i32
      %gather3A_1944 = arith.constant 0 : i32
      %gather3A_1945 = arith.constant 0 : i32
      %gather3A_1946 = tpu.memref_slice %arg11[%gather3A_1943, %gather3A_1944, %gather3A_1945] : memref<2x128x128xf32, #tpu.memory_space<vmem>> -> memref<1x128x128xf32, #tpu.memory_space<vmem>>
      %gather3A_1947 = tpu.memref_squeeze %gather3A_1946 : memref<1x128x128xf32, #tpu.memory_space<vmem>> -> memref<128x128xf32, #tpu.memory_space<vmem>>
      %gather3A_1948 = tpu.vector_load_idx %gather3A_1947[%add3A_1399, %add3A_1942] : memref<128x128xf32, #tpu.memory_space<vmem>>[vector<16xi32>, vector<16xi32>], vector<16xf32>,
      %add3A_1949 = arith.constant 27 : i32
      %add3A_1950 = vector.broadcast %add3A_1949 : i32 to vector<16xi32>
      %add3A_1951 = arith.addi %shift_left3A_1395, %add3A_1950 : vector<16xi32>
      %gather3A_1952 = arith.constant 0 : i32
      %gather3A_1953 = arith.constant 0 : i32
      %gather3A_1954 = arith.constant 0 : i32
      %gather3A_1955 = tpu.memref_slice %arg12[%gather3A_1952, %gather3A_1953, %gather3A_1954] : memref<2x128x128xf32, #tpu.memory_space<vmem>> -> memref<1x128x128xf32, #tpu.memory_space<vmem>>
      %gather3A_1956 = tpu.memref_squeeze %gather3A_1955 : memref<1x128x128xf32, #tpu.memory_space<vmem>> -> memref<128x128xf32, #tpu.memory_space<vmem>>
      %gather3A_1957 = tpu.vector_load_idx %gather3A_1956[%add3A_1399, %add3A_1951] : memref<128x128xf32, #tpu.memory_space<vmem>>[vector<16xi32>, vector<16xi32>], vector<16xf32>,
      %mul3A_1958 = arith.mulf %gather3A_1948, %gather3A_1957 : vector<16xf32>
      %add3A_1959 = arith.addf %add3A_1939, %mul3A_1958 : vector<16xf32>
      %add3A_1960 = arith.constant 28 : i32
      %add3A_1961 = vector.broadcast %add3A_1960 : i32 to vector<16xi32>
      %add3A_1962 = arith.addi %shift_left3A_1386, %add3A_1961 : vector<16xi32>
      %gather3A_1963 = arith.constant 0 : i32
      %gather3A_1964 = arith.constant 0 : i32
      %gather3A_1965 = arith.constant 0 : i32
      %gather3A_1966 = tpu.memref_slice %arg11[%gather3A_1963, %gather3A_1964, %gather3A_1965] : memref<2x128x128xf32, #tpu.memory_space<vmem>> -> memref<1x128x128xf32, #tpu.memory_space<vmem>>
      %gather3A_1967 = tpu.memref_squeeze %gather3A_1966 : memref<1x128x128xf32, #tpu.memory_space<vmem>> -> memref<128x128xf32, #tpu.memory_space<vmem>>
      %gather3A_1968 = tpu.vector_load_idx %gather3A_1967[%add3A_1399, %add3A_1962] : memref<128x128xf32, #tpu.memory_space<vmem>>[vector<16xi32>, vector<16xi32>], vector<16xf32>,
      %add3A_1969 = arith.constant 28 : i32
      %add3A_1970 = vector.broadcast %add3A_1969 : i32 to vector<16xi32>
      %add3A_1971 = arith.addi %shift_left3A_1395, %add3A_1970 : vector<16xi32>
      %gather3A_1972 = arith.constant 0 : i32
      %gather3A_1973 = arith.constant 0 : i32
      %gather3A_1974 = arith.constant 0 : i32
      %gather3A_1975 = tpu.memref_slice %arg12[%gather3A_1972, %gather3A_1973, %gather3A_1974] : memref<2x128x128xf32, #tpu.memory_space<vmem>> -> memref<1x128x128xf32, #tpu.memory_space<vmem>>
      %gather3A_1976 = tpu.memref_squeeze %gather3A_1975 : memref<1x128x128xf32, #tpu.memory_space<vmem>> -> memref<128x128xf32, #tpu.memory_space<vmem>>
      %gather3A_1977 = tpu.vector_load_idx %gather3A_1976[%add3A_1399, %add3A_1971] : memref<128x128xf32, #tpu.memory_space<vmem>>[vector<16xi32>, vector<16xi32>], vector<16xf32>,
      %mul3A_1978 = arith.mulf %gather3A_1968, %gather3A_1977 : vector<16xf32>
      %add3A_1979 = arith.addf %add3A_1959, %mul3A_1978 : vector<16xf32>
      %add3A_1980 = arith.constant 29 : i32
      %add3A_1981 = vector.broadcast %add3A_1980 : i32 to vector<16xi32>
      %add3A_1982 = arith.addi %shift_left3A_1386, %add3A_1981 : vector<16xi32>
      %gather3A_1983 = arith.constant 0 : i32
      %gather3A_1984 = arith.constant 0 : i32
      %gather3A_1985 = arith.constant 0 : i32
      %gather3A_1986 = tpu.memref_slice %arg11[%gather3A_1983, %gather3A_1984, %gather3A_1985] : memref<2x128x128xf32, #tpu.memory_space<vmem>> -> memref<1x128x128xf32, #tpu.memory_space<vmem>>
      %gather3A_1987 = tpu.memref_squeeze %gather3A_1986 : memref<1x128x128xf32, #tpu.memory_space<vmem>> -> memref<128x128xf32, #tpu.memory_space<vmem>>
      %gather3A_1988 = tpu.vector_load_idx %gather3A_1987[%add3A_1399, %add3A_1982] : memref<128x128xf32, #tpu.memory_space<vmem>>[vector<16xi32>, vector<16xi32>], vector<16xf32>,
      %add3A_1989 = arith.constant 29 : i32
      %add3A_1990 = vector.broadcast %add3A_1989 : i32 to vector<16xi32>
      %add3A_1991 = arith.addi %shift_left3A_1395, %add3A_1990 : vector<16xi32>
      %gather3A_1992 = arith.constant 0 : i32
      %gather3A_1993 = arith.constant 0 : i32
      %gather3A_1994 = arith.constant 0 : i32
      %gather3A_1995 = tpu.memref_slice %arg12[%gather3A_1992, %gather3A_1993, %gather3A_1994] : memref<2x128x128xf32, #tpu.memory_space<vmem>> -> memref<1x128x128xf32, #tpu.memory_space<vmem>>
      %gather3A_1996 = tpu.memref_squeeze %gather3A_1995 : memref<1x128x128xf32, #tpu.memory_space<vmem>> -> memref<128x128xf32, #tpu.memory_space<vmem>>
      %gather3A_1997 = tpu.vector_load_idx %gather3A_1996[%add3A_1399, %add3A_1991] : memref<128x128xf32, #tpu.memory_space<vmem>>[vector<16xi32>, vector<16xi32>], vector<16xf32>,
      %mul3A_1998 = arith.mulf %gather3A_1988, %gather3A_1997 : vector<16xf32>
      %add3A_1999 = arith.addf %add3A_1979, %mul3A_1998 : vector<16xf32>
      %add3A_2000 = arith.constant 30 : i32
      %add3A_2001 = vector.broadcast %add3A_2000 : i32 to vector<16xi32>
      %add3A_2002 = arith.addi %shift_left3A_1386, %add3A_2001 : vector<16xi32>
      %gather3A_2003 = arith.constant 0 : i32
      %gather3A_2004 = arith.constant 0 : i32
      %gather3A_2005 = arith.constant 0 : i32
      %gather3A_2006 = tpu.memref_slice %arg11[%gather3A_2003, %gather3A_2004, %gather3A_2005] : memref<2x128x128xf32, #tpu.memory_space<vmem>> -> memref<1x128x128xf32, #tpu.memory_space<vmem>>
      %gather3A_2007 = tpu.memref_squeeze %gather3A_2006 : memref<1x128x128xf32, #tpu.memory_space<vmem>> -> memref<128x128xf32, #tpu.memory_space<vmem>>
      %gather3A_2008 = tpu.vector_load_idx %gather3A_2007[%add3A_1399, %add3A_2002] : memref<128x128xf32, #tpu.memory_space<vmem>>[vector<16xi32>, vector<16xi32>], vector<16xf32>,
      %add3A_2009 = arith.constant 30 : i32
      %add3A_2010 = vector.broadcast %add3A_2009 : i32 to vector<16xi32>
      %add3A_2011 = arith.addi %shift_left3A_1395, %add3A_2010 : vector<16xi32>
      %gather3A_2012 = arith.constant 0 : i32
      %gather3A_2013 = arith.constant 0 : i32
      %gather3A_2014 = arith.constant 0 : i32
      %gather3A_2015 = tpu.memref_slice %arg12[%gather3A_2012, %gather3A_2013, %gather3A_2014] : memref<2x128x128xf32, #tpu.memory_space<vmem>> -> memref<1x128x128xf32, #tpu.memory_space<vmem>>
      %gather3A_2016 = tpu.memref_squeeze %gather3A_2015 : memref<1x128x128xf32, #tpu.memory_space<vmem>> -> memref<128x128xf32, #tpu.memory_space<vmem>>
      %gather3A_2017 = tpu.vector_load_idx %gather3A_2016[%add3A_1399, %add3A_2011] : memref<128x128xf32, #tpu.memory_space<vmem>>[vector<16xi32>, vector<16xi32>], vector<16xf32>,
      %mul3A_2018 = arith.mulf %gather3A_2008, %gather3A_2017 : vector<16xf32>
      %add3A_2019 = arith.addf %add3A_1999, %mul3A_2018 : vector<16xf32>
      %add3A_2020 = arith.constant 31 : i32
      %add3A_2021 = vector.broadcast %add3A_2020 : i32 to vector<16xi32>
      %add3A_2022 = arith.addi %shift_left3A_1386, %add3A_2021 : vector<16xi32>
      %gather3A_2023 = arith.constant 0 : i32
      %gather3A_2024 = arith.constant 0 : i32
      %gather3A_2025 = arith.constant 0 : i32
      %gather3A_2026 = tpu.memref_slice %arg11[%gather3A_2023, %gather3A_2024, %gather3A_2025] : memref<2x128x128xf32, #tpu.memory_space<vmem>> -> memref<1x128x128xf32, #tpu.memory_space<vmem>>
      %gather3A_2027 = tpu.memref_squeeze %gather3A_2026 : memref<1x128x128xf32, #tpu.memory_space<vmem>> -> memref<128x128xf32, #tpu.memory_space<vmem>>
      %gather3A_2028 = tpu.vector_load_idx %gather3A_2027[%add3A_1399, %add3A_2022] : memref<128x128xf32, #tpu.memory_space<vmem>>[vector<16xi32>, vector<16xi32>], vector<16xf32>,
      %add3A_2029 = arith.constant 31 : i32
      %add3A_2030 = vector.broadcast %add3A_2029 : i32 to vector<16xi32>
      %add3A_2031 = arith.addi %shift_left3A_1395, %add3A_2030 : vector<16xi32>
      %gather3A_2032 = arith.constant 0 : i32
      %gather3A_2033 = arith.constant 0 : i32
      %gather3A_2034 = arith.constant 0 : i32
      %gather3A_2035 = tpu.memref_slice %arg12[%gather3A_2032, %gather3A_2033, %gather3A_2034] : memref<2x128x128xf32, #tpu.memory_space<vmem>> -> memref<1x128x128xf32, #tpu.memory_space<vmem>>
      %gather3A_2036 = tpu.memref_squeeze %gather3A_2035 : memref<1x128x128xf32, #tpu.memory_space<vmem>> -> memref<128x128xf32, #tpu.memory_space<vmem>>
      %gather3A_2037 = tpu.vector_load_idx %gather3A_2036[%add3A_1399, %add3A_2031] : memref<128x128xf32, #tpu.memory_space<vmem>>[vector<16xi32>, vector<16xi32>], vector<16xf32>,
      %mul3A_2038 = arith.mulf %gather3A_2028, %gather3A_2037 : vector<16xf32>
      %add3A_2039 = arith.addf %add3A_2019, %mul3A_2038 : vector<16xf32>
      %mul3A_2040 = arith.constant 16 : i32
      %mul3A_2041 = arith.muli %scan3A_1366, %mul3A_2040 : i32
      %add3A_2042 = arith.constant 0 : i32
      %add3A_2043 = arith.addi %add3A_2042, %mul3A_2041 : i32
      %swap3A_2044 = arith.index_cast %add3A_2043 : i32 to index
      %swap3A_2045 = tpu.vector_load %arg13[%swap3A_2044] {strides = array<i32>} : memref<512xf32, #tpu.memory_space<vmem>>, vector<16xf32>,
      tpu.vector_store %arg13[%swap3A_2044], %add3A_2039 {strides = array<i32>} : memref<512xf32, #tpu.memory_space<vmem>>, vector<16xf32>,
      %scan3A_2046 = arith.constant 0 : i32
      scf.yield %scan3A_2046 : i32
    }
    %scan3A_1224 = arith.constant 8 : i32
    %dma_start3A_1225 = arith.constant 2 : i32
    %dma_start3A_1226 = arith.constant 0 : i32
    %dma_start3A_1227 = arith.constant 0 : i32
    %dma_start3A_1228 = arith.constant 0 : i32
    %dma_start3A_1229 = tpu.memref_slice %arg11[%dma_start3A_1226, %dma_start3A_1227, %dma_start3A_1228] : memref<2x128x128xf32, #tpu.memory_space<vmem>> -> memref<1x128x128xf32, #tpu.memory_space<vmem>>
    %dma_start3A_1230 = tpu.memref_squeeze %dma_start3A_1229 : memref<1x128x128xf32, #tpu.memory_space<vmem>> -> memref<128x128xf32, #tpu.memory_space<vmem>>
    %dma_start3A_1231 = arith.constant 0 : i32
    %dma_start3A_1232 = tpu.memref_slice %arg9[%dma_start3A_1225, %dma_start3A_1231] : memref<4x128xi32, #tpu.memory_space<vmem>> -> memref<1x128xi32, #tpu.memory_space<vmem>>
    %dma_start3A_1233 = tpu.memref_squeeze %dma_start3A_1232 : memref<1x128xi32, #tpu.memory_space<vmem>> -> memref<128xi32, #tpu.memory_space<vmem>>
    %dma_start3A_1234 = arith.constant 0 : i32
    %dma_start3A_1235 = arith.constant 0 : i32
    %dma_start3A_1236 = tpu.memref_slice %arg4[%dma_start3A_1234, %dma_start3A_1235] : memref<262144x128xf32, #tpu.memory_space<hbm>> -> memref<262144x128xf32, #tpu.memory_space<hbm>>
    tpu.enqueue_indirect_dma source(%dma_start3A_1236 : memref<262144x128xf32, #tpu.memory_space<hbm>>) target(%dma_start3A_1230 : memref<128x128xf32, #tpu.memory_space<vmem>>) offsets(%dma_start3A_1233 : memref<128xi32, #tpu.memory_space<vmem>>) semaphore(%arg14 : memref<!tpu.dma_semaphore, #tpu.memory_space<semaphore_mem>>)
    %dma_start3A_1237 = arith.constant 2 : i32
    %dma_start3A_1238 = arith.constant 0 : i32
    %dma_start3A_1239 = arith.constant 0 : i32
    %dma_start3A_1240 = arith.constant 0 : i32
    %dma_start3A_1241 = tpu.memref_slice %arg12[%dma_start3A_1238, %dma_start3A_1239, %dma_start3A_1240] : memref<2x128x128xf32, #tpu.memory_space<vmem>> -> memref<1x128x128xf32, #tpu.memory_space<vmem>>
    %dma_start3A_1242 = tpu.memref_squeeze %dma_start3A_1241 : memref<1x128x128xf32, #tpu.memory_space<vmem>> -> memref<128x128xf32, #tpu.memory_space<vmem>>
    %dma_start3A_1243 = arith.constant 0 : i32
    %dma_start3A_1244 = tpu.memref_slice %arg10[%dma_start3A_1237, %dma_start3A_1243] : memref<4x128xi32, #tpu.memory_space<vmem>> -> memref<1x128xi32, #tpu.memory_space<vmem>>
    %dma_start3A_1245 = tpu.memref_squeeze %dma_start3A_1244 : memref<1x128xi32, #tpu.memory_space<vmem>> -> memref<128xi32, #tpu.memory_space<vmem>>
    %dma_start3A_1246 = arith.constant 0 : i32
    %dma_start3A_1247 = arith.constant 0 : i32
    %dma_start3A_1248 = tpu.memref_slice %arg5[%dma_start3A_1246, %dma_start3A_1247] : memref<262144x128xf32, #tpu.memory_space<hbm>> -> memref<262144x128xf32, #tpu.memory_space<hbm>>
    tpu.enqueue_indirect_dma source(%dma_start3A_1248 : memref<262144x128xf32, #tpu.memory_space<hbm>>) target(%dma_start3A_1242 : memref<128x128xf32, #tpu.memory_space<vmem>>) offsets(%dma_start3A_1245 : memref<128xi32, #tpu.memory_space<vmem>>) semaphore(%arg14 : memref<!tpu.dma_semaphore, #tpu.memory_space<semaphore_mem>>)
    %dma_wait3A_1249 = arith.constant 1 : i32
    %dma_wait3A_1250 = arith.constant 1 : i32
    %dma_wait3A_1251 = arith.constant 0 : i32
    %dma_wait3A_1252 = arith.constant 0 : i32
    %dma_wait3A_1253 = tpu.memref_slice %arg11[%dma_wait3A_1250, %dma_wait3A_1251, %dma_wait3A_1252] : memref<2x128x128xf32, #tpu.memory_space<vmem>> -> memref<1x128x128xf32, #tpu.memory_space<vmem>>
    %dma_wait3A_1254 = tpu.memref_squeeze %dma_wait3A_1253 : memref<1x128x128xf32, #tpu.memory_space<vmem>> -> memref<128x128xf32, #tpu.memory_space<vmem>>
    %dma_wait3A_1255 = arith.constant 0 : i32
    %dma_wait3A_1256 = tpu.memref_slice %arg9[%dma_wait3A_1249, %dma_wait3A_1255] : memref<4x128xi32, #tpu.memory_space<vmem>> -> memref<1x128xi32, #tpu.memory_space<vmem>>
    %dma_wait3A_1257 = tpu.memref_squeeze %dma_wait3A_1256 : memref<1x128xi32, #tpu.memory_space<vmem>> -> memref<128xi32, #tpu.memory_space<vmem>>
    %dma_wait3A_1258 = arith.constant 0 : i32
    %dma_wait3A_1259 = arith.constant 0 : i32
    %dma_wait3A_1260 = tpu.memref_slice %arg4[%dma_wait3A_1258, %dma_wait3A_1259] : memref<262144x128xf32, #tpu.memory_space<hbm>> -> memref<262144x128xf32, #tpu.memory_space<hbm>>
    tpu.wait_indirect_dma semaphore(%arg14 : memref<!tpu.dma_semaphore, #tpu.memory_space<semaphore_mem>>) src(%dma_wait3A_1260 : memref<262144x128xf32, #tpu.memory_space<hbm>>) dst(%dma_wait3A_1254 : memref<128x128xf32, #tpu.memory_space<vmem>>)
    %dma_wait3A_1261 = arith.constant 1 : i32
    %dma_wait3A_1262 = arith.constant 1 : i32
    %dma_wait3A_1263 = arith.constant 0 : i32
    %dma_wait3A_1264 = arith.constant 0 : i32
    %dma_wait3A_1265 = tpu.memref_slice %arg12[%dma_wait3A_1262, %dma_wait3A_1263, %dma_wait3A_1264] : memref<2x128x128xf32, #tpu.memory_space<vmem>> -> memref<1x128x128xf32, #tpu.memory_space<vmem>>
    %dma_wait3A_1266 = tpu.memref_squeeze %dma_wait3A_1265 : memref<1x128x128xf32, #tpu.memory_space<vmem>> -> memref<128x128xf32, #tpu.memory_space<vmem>>
    %dma_wait3A_1267 = arith.constant 0 : i32
    %dma_wait3A_1268 = tpu.memref_slice %arg10[%dma_wait3A_1261, %dma_wait3A_1267] : memref<4x128xi32, #tpu.memory_space<vmem>> -> memref<1x128xi32, #tpu.memory_space<vmem>>
    %dma_wait3A_1269 = tpu.memref_squeeze %dma_wait3A_1268 : memref<1x128xi32, #tpu.memory_space<vmem>> -> memref<128xi32, #tpu.memory_space<vmem>>
    %dma_wait3A_1270 = arith.constant 0 : i32
    %dma_wait3A_1271 = arith.constant 0 : i32
    %dma_wait3A_1272 = tpu.memref_slice %arg5[%dma_wait3A_1270, %dma_wait3A_1271] : memref<262144x128xf32, #tpu.memory_space<hbm>> -> memref<262144x128xf32, #tpu.memory_space<hbm>>
    tpu.wait_indirect_dma semaphore(%arg14 : memref<!tpu.dma_semaphore, #tpu.memory_space<semaphore_mem>>) src(%dma_wait3A_1272 : memref<262144x128xf32, #tpu.memory_space<hbm>>) dst(%dma_wait3A_1266 : memref<128x128xf32, #tpu.memory_space<vmem>>)
    %scan3A_1273 = arith.constant 0 : i32
    %scan3A_1274 = arith.constant 0 : i32
    %scan3A_1275 = arith.constant 8 : i32
    %scan3A_1276 = arith.addi %scan3A_1274, %scan3A_1275 : i32
    %scan3A_1277 = arith.constant 1 : i32
    %scan3A_1278 = scf.for %scan3A_1366 = %scan3A_1274 to %scan3A_1276 step %scan3A_1277 iter_args(%scan3A_1367 = %scan3A_1273) -> (i32)  : i32 {
      %mul3A_1368 = arith.constant 16 : i32
      %mul3A_1369 = arith.muli %scan3A_1366, %mul3A_1368 : i32
      %get3A_1370 = arith.constant 1 : i32
      %get3A_1371 = arith.index_cast %get3A_1370 : i32 to index
      %get3A_1372 = arith.index_cast %mul3A_1369 : i32 to index
      %get3A_1373 = tpu.vector_load %arg7[%get3A_1371, %get3A_1372] {strides = array<i32>} : memref<4x128xi32, #tpu.memory_space<vmem>>, vector<16xi32>,
      %get3A_1374 = arith.constant 1 : i32
      %get3A_1375 = arith.index_cast %get3A_1374 : i32 to index
      %get3A_1376 = arith.index_cast %mul3A_1369 : i32 to index
      %get3A_1377 = tpu.vector_load %arg8[%get3A_1375, %get3A_1376] {strides = array<i32>} : memref<4x128xi32, #tpu.memory_space<vmem>>, vector<16xi32>,
      %shift_right_arithmetic3A_1378 = arith.constant 14 : i32
      %shift_right_arithmetic3A_1379 = vector.broadcast %shift_right_arithmetic3A_1378 : i32 to vector<16xi32>
      %shift_right_arithmetic3A_1380 = arith.shrsi %get3A_1373, %shift_right_arithmetic3A_1379 : vector<16xi32>
      %and3A_1381 = arith.constant 3 : i32
      %and3A_1382 = vector.broadcast %and3A_1381 : i32 to vector<16xi32>
      %and3A_1383 = arith.andi %shift_right_arithmetic3A_1380, %and3A_1382 : vector<16xi32>
      %shift_left3A_1384 = arith.constant 5 : i32
      %shift_left3A_1385 = vector.broadcast %shift_left3A_1384 : i32 to vector<16xi32>
      %shift_left3A_1386 = arith.shli %and3A_1383, %shift_left3A_1385 : vector<16xi32>
      %shift_right_arithmetic3A_1387 = arith.constant 14 : i32
      %shift_right_arithmetic3A_1388 = vector.broadcast %shift_right_arithmetic3A_1387 : i32 to vector<16xi32>
      %shift_right_arithmetic3A_1389 = arith.shrsi %get3A_1377, %shift_right_arithmetic3A_1388 : vector<16xi32>
      %and3A_1390 = arith.constant 3 : i32
      %and3A_1391 = vector.broadcast %and3A_1390 : i32 to vector<16xi32>
      %and3A_1392 = arith.andi %shift_right_arithmetic3A_1389, %and3A_1391 : vector<16xi32>
      %shift_left3A_1393 = arith.constant 5 : i32
      %shift_left3A_1394 = vector.broadcast %shift_left3A_1393 : i32 to vector<16xi32>
      %shift_left3A_1395 = arith.shli %and3A_1392, %shift_left3A_1394 : vector<16xi32>
      %mul3A_1396 = arith.constant 16 : i32
      %mul3A_1397 = arith.muli %scan3A_1366, %mul3A_1396 : i32
      %iota3A = tpu.iota {dimensions = array<i32: 0>} : vector<16xi32>
      %add3A_1398 = vector.broadcast %mul3A_1397 : i32 to vector<16xi32>
      %add3A_1399 = arith.addi %add3A_1398, %iota3A : vector<16xi32>
      %broadcast_in_dim3A = arith.constant 0.000000e+00 : f32
      %broadcast_in_dim3A_1400 = vector.broadcast %broadcast_in_dim3A : f32 to vector<16xf32>
      %add3A_1401 = arith.constant 0 : i32
      %add3A_1402 = vector.broadcast %add3A_1401 : i32 to vector<16xi32>
      %add3A_1403 = arith.addi %shift_left3A_1386, %add3A_1402 : vector<16xi32>
      %gather3A = arith.constant 1 : i32
      %gather3A_1404 = arith.constant 0 : i32
      %gather3A_1405 = arith.constant 0 : i32
      %gather3A_1406 = tpu.memref_slice %arg11[%gather3A, %gather3A_1404, %gather3A_1405] : memref<2x128x128xf32, #tpu.memory_space<vmem>> -> memref<1x128x128xf32, #tpu.memory_space<vmem>>
      %gather3A_1407 = tpu.memref_squeeze %gather3A_1406 : memref<1x128x128xf32, #tpu.memory_space<vmem>> -> memref<128x128xf32, #tpu.memory_space<vmem>>
      %gather3A_1408 = tpu.vector_load_idx %gather3A_1407[%add3A_1399, %add3A_1403] : memref<128x128xf32, #tpu.memory_space<vmem>>[vector<16xi32>, vector<16xi32>], vector<16xf32>,
      %add3A_1409 = arith.constant 0 : i32
      %add3A_1410 = vector.broadcast %add3A_1409 : i32 to vector<16xi32>
      %add3A_1411 = arith.addi %shift_left3A_1395, %add3A_1410 : vector<16xi32>
      %gather3A_1412 = arith.constant 1 : i32
      %gather3A_1413 = arith.constant 0 : i32
      %gather3A_1414 = arith.constant 0 : i32
      %gather3A_1415 = tpu.memref_slice %arg12[%gather3A_1412, %gather3A_1413, %gather3A_1414] : memref<2x128x128xf32, #tpu.memory_space<vmem>> -> memref<1x128x128xf32, #tpu.memory_space<vmem>>
      %gather3A_1416 = tpu.memref_squeeze %gather3A_1415 : memref<1x128x128xf32, #tpu.memory_space<vmem>> -> memref<128x128xf32, #tpu.memory_space<vmem>>
      %gather3A_1417 = tpu.vector_load_idx %gather3A_1416[%add3A_1399, %add3A_1411] : memref<128x128xf32, #tpu.memory_space<vmem>>[vector<16xi32>, vector<16xi32>], vector<16xf32>,
      %mul3A_1418 = arith.mulf %gather3A_1408, %gather3A_1417 : vector<16xf32>
      %add3A_1419 = arith.addf %broadcast_in_dim3A_1400, %mul3A_1418 : vector<16xf32>
      %add3A_1420 = arith.constant 1 : i32
      %add3A_1421 = vector.broadcast %add3A_1420 : i32 to vector<16xi32>
      %add3A_1422 = arith.addi %shift_left3A_1386, %add3A_1421 : vector<16xi32>
      %gather3A_1423 = arith.constant 1 : i32
      %gather3A_1424 = arith.constant 0 : i32
      %gather3A_1425 = arith.constant 0 : i32
      %gather3A_1426 = tpu.memref_slice %arg11[%gather3A_1423, %gather3A_1424, %gather3A_1425] : memref<2x128x128xf32, #tpu.memory_space<vmem>> -> memref<1x128x128xf32, #tpu.memory_space<vmem>>
      %gather3A_1427 = tpu.memref_squeeze %gather3A_1426 : memref<1x128x128xf32, #tpu.memory_space<vmem>> -> memref<128x128xf32, #tpu.memory_space<vmem>>
      %gather3A_1428 = tpu.vector_load_idx %gather3A_1427[%add3A_1399, %add3A_1422] : memref<128x128xf32, #tpu.memory_space<vmem>>[vector<16xi32>, vector<16xi32>], vector<16xf32>,
      %add3A_1429 = arith.constant 1 : i32
      %add3A_1430 = vector.broadcast %add3A_1429 : i32 to vector<16xi32>
      %add3A_1431 = arith.addi %shift_left3A_1395, %add3A_1430 : vector<16xi32>
      %gather3A_1432 = arith.constant 1 : i32
      %gather3A_1433 = arith.constant 0 : i32
      %gather3A_1434 = arith.constant 0 : i32
      %gather3A_1435 = tpu.memref_slice %arg12[%gather3A_1432, %gather3A_1433, %gather3A_1434] : memref<2x128x128xf32, #tpu.memory_space<vmem>> -> memref<1x128x128xf32, #tpu.memory_space<vmem>>
      %gather3A_1436 = tpu.memref_squeeze %gather3A_1435 : memref<1x128x128xf32, #tpu.memory_space<vmem>> -> memref<128x128xf32, #tpu.memory_space<vmem>>
      %gather3A_1437 = tpu.vector_load_idx %gather3A_1436[%add3A_1399, %add3A_1431] : memref<128x128xf32, #tpu.memory_space<vmem>>[vector<16xi32>, vector<16xi32>], vector<16xf32>,
      %mul3A_1438 = arith.mulf %gather3A_1428, %gather3A_1437 : vector<16xf32>
      %add3A_1439 = arith.addf %add3A_1419, %mul3A_1438 : vector<16xf32>
      %add3A_1440 = arith.constant 2 : i32
      %add3A_1441 = vector.broadcast %add3A_1440 : i32 to vector<16xi32>
      %add3A_1442 = arith.addi %shift_left3A_1386, %add3A_1441 : vector<16xi32>
      %gather3A_1443 = arith.constant 1 : i32
      %gather3A_1444 = arith.constant 0 : i32
      %gather3A_1445 = arith.constant 0 : i32
      %gather3A_1446 = tpu.memref_slice %arg11[%gather3A_1443, %gather3A_1444, %gather3A_1445] : memref<2x128x128xf32, #tpu.memory_space<vmem>> -> memref<1x128x128xf32, #tpu.memory_space<vmem>>
      %gather3A_1447 = tpu.memref_squeeze %gather3A_1446 : memref<1x128x128xf32, #tpu.memory_space<vmem>> -> memref<128x128xf32, #tpu.memory_space<vmem>>
      %gather3A_1448 = tpu.vector_load_idx %gather3A_1447[%add3A_1399, %add3A_1442] : memref<128x128xf32, #tpu.memory_space<vmem>>[vector<16xi32>, vector<16xi32>], vector<16xf32>,
      %add3A_1449 = arith.constant 2 : i32
      %add3A_1450 = vector.broadcast %add3A_1449 : i32 to vector<16xi32>
      %add3A_1451 = arith.addi %shift_left3A_1395, %add3A_1450 : vector<16xi32>
      %gather3A_1452 = arith.constant 1 : i32
      %gather3A_1453 = arith.constant 0 : i32
      %gather3A_1454 = arith.constant 0 : i32
      %gather3A_1455 = tpu.memref_slice %arg12[%gather3A_1452, %gather3A_1453, %gather3A_1454] : memref<2x128x128xf32, #tpu.memory_space<vmem>> -> memref<1x128x128xf32, #tpu.memory_space<vmem>>
      %gather3A_1456 = tpu.memref_squeeze %gather3A_1455 : memref<1x128x128xf32, #tpu.memory_space<vmem>> -> memref<128x128xf32, #tpu.memory_space<vmem>>
      %gather3A_1457 = tpu.vector_load_idx %gather3A_1456[%add3A_1399, %add3A_1451] : memref<128x128xf32, #tpu.memory_space<vmem>>[vector<16xi32>, vector<16xi32>], vector<16xf32>,
      %mul3A_1458 = arith.mulf %gather3A_1448, %gather3A_1457 : vector<16xf32>
      %add3A_1459 = arith.addf %add3A_1439, %mul3A_1458 : vector<16xf32>
      %add3A_1460 = arith.constant 3 : i32
      %add3A_1461 = vector.broadcast %add3A_1460 : i32 to vector<16xi32>
      %add3A_1462 = arith.addi %shift_left3A_1386, %add3A_1461 : vector<16xi32>
      %gather3A_1463 = arith.constant 1 : i32
      %gather3A_1464 = arith.constant 0 : i32
      %gather3A_1465 = arith.constant 0 : i32
      %gather3A_1466 = tpu.memref_slice %arg11[%gather3A_1463, %gather3A_1464, %gather3A_1465] : memref<2x128x128xf32, #tpu.memory_space<vmem>> -> memref<1x128x128xf32, #tpu.memory_space<vmem>>
      %gather3A_1467 = tpu.memref_squeeze %gather3A_1466 : memref<1x128x128xf32, #tpu.memory_space<vmem>> -> memref<128x128xf32, #tpu.memory_space<vmem>>
      %gather3A_1468 = tpu.vector_load_idx %gather3A_1467[%add3A_1399, %add3A_1462] : memref<128x128xf32, #tpu.memory_space<vmem>>[vector<16xi32>, vector<16xi32>], vector<16xf32>,
      %add3A_1469 = arith.constant 3 : i32
      %add3A_1470 = vector.broadcast %add3A_1469 : i32 to vector<16xi32>
      %add3A_1471 = arith.addi %shift_left3A_1395, %add3A_1470 : vector<16xi32>
      %gather3A_1472 = arith.constant 1 : i32
      %gather3A_1473 = arith.constant 0 : i32
      %gather3A_1474 = arith.constant 0 : i32
      %gather3A_1475 = tpu.memref_slice %arg12[%gather3A_1472, %gather3A_1473, %gather3A_1474] : memref<2x128x128xf32, #tpu.memory_space<vmem>> -> memref<1x128x128xf32, #tpu.memory_space<vmem>>
      %gather3A_1476 = tpu.memref_squeeze %gather3A_1475 : memref<1x128x128xf32, #tpu.memory_space<vmem>> -> memref<128x128xf32, #tpu.memory_space<vmem>>
      %gather3A_1477 = tpu.vector_load_idx %gather3A_1476[%add3A_1399, %add3A_1471] : memref<128x128xf32, #tpu.memory_space<vmem>>[vector<16xi32>, vector<16xi32>], vector<16xf32>,
      %mul3A_1478 = arith.mulf %gather3A_1468, %gather3A_1477 : vector<16xf32>
      %add3A_1479 = arith.addf %add3A_1459, %mul3A_1478 : vector<16xf32>
      %add3A_1480 = arith.constant 4 : i32
      %add3A_1481 = vector.broadcast %add3A_1480 : i32 to vector<16xi32>
      %add3A_1482 = arith.addi %shift_left3A_1386, %add3A_1481 : vector<16xi32>
      %gather3A_1483 = arith.constant 1 : i32
      %gather3A_1484 = arith.constant 0 : i32
      %gather3A_1485 = arith.constant 0 : i32
      %gather3A_1486 = tpu.memref_slice %arg11[%gather3A_1483, %gather3A_1484, %gather3A_1485] : memref<2x128x128xf32, #tpu.memory_space<vmem>> -> memref<1x128x128xf32, #tpu.memory_space<vmem>>
      %gather3A_1487 = tpu.memref_squeeze %gather3A_1486 : memref<1x128x128xf32, #tpu.memory_space<vmem>> -> memref<128x128xf32, #tpu.memory_space<vmem>>
      %gather3A_1488 = tpu.vector_load_idx %gather3A_1487[%add3A_1399, %add3A_1482] : memref<128x128xf32, #tpu.memory_space<vmem>>[vector<16xi32>, vector<16xi32>], vector<16xf32>,
      %add3A_1489 = arith.constant 4 : i32
      %add3A_1490 = vector.broadcast %add3A_1489 : i32 to vector<16xi32>
      %add3A_1491 = arith.addi %shift_left3A_1395, %add3A_1490 : vector<16xi32>
      %gather3A_1492 = arith.constant 1 : i32
      %gather3A_1493 = arith.constant 0 : i32
      %gather3A_1494 = arith.constant 0 : i32
      %gather3A_1495 = tpu.memref_slice %arg12[%gather3A_1492, %gather3A_1493, %gather3A_1494] : memref<2x128x128xf32, #tpu.memory_space<vmem>> -> memref<1x128x128xf32, #tpu.memory_space<vmem>>
      %gather3A_1496 = tpu.memref_squeeze %gather3A_1495 : memref<1x128x128xf32, #tpu.memory_space<vmem>> -> memref<128x128xf32, #tpu.memory_space<vmem>>
      %gather3A_1497 = tpu.vector_load_idx %gather3A_1496[%add3A_1399, %add3A_1491] : memref<128x128xf32, #tpu.memory_space<vmem>>[vector<16xi32>, vector<16xi32>], vector<16xf32>,
      %mul3A_1498 = arith.mulf %gather3A_1488, %gather3A_1497 : vector<16xf32>
      %add3A_1499 = arith.addf %add3A_1479, %mul3A_1498 : vector<16xf32>
      %add3A_1500 = arith.constant 5 : i32
      %add3A_1501 = vector.broadcast %add3A_1500 : i32 to vector<16xi32>
      %add3A_1502 = arith.addi %shift_left3A_1386, %add3A_1501 : vector<16xi32>
      %gather3A_1503 = arith.constant 1 : i32
      %gather3A_1504 = arith.constant 0 : i32
      %gather3A_1505 = arith.constant 0 : i32
      %gather3A_1506 = tpu.memref_slice %arg11[%gather3A_1503, %gather3A_1504, %gather3A_1505] : memref<2x128x128xf32, #tpu.memory_space<vmem>> -> memref<1x128x128xf32, #tpu.memory_space<vmem>>
      %gather3A_1507 = tpu.memref_squeeze %gather3A_1506 : memref<1x128x128xf32, #tpu.memory_space<vmem>> -> memref<128x128xf32, #tpu.memory_space<vmem>>
      %gather3A_1508 = tpu.vector_load_idx %gather3A_1507[%add3A_1399, %add3A_1502] : memref<128x128xf32, #tpu.memory_space<vmem>>[vector<16xi32>, vector<16xi32>], vector<16xf32>,
      %add3A_1509 = arith.constant 5 : i32
      %add3A_1510 = vector.broadcast %add3A_1509 : i32 to vector<16xi32>
      %add3A_1511 = arith.addi %shift_left3A_1395, %add3A_1510 : vector<16xi32>
      %gather3A_1512 = arith.constant 1 : i32
      %gather3A_1513 = arith.constant 0 : i32
      %gather3A_1514 = arith.constant 0 : i32
      %gather3A_1515 = tpu.memref_slice %arg12[%gather3A_1512, %gather3A_1513, %gather3A_1514] : memref<2x128x128xf32, #tpu.memory_space<vmem>> -> memref<1x128x128xf32, #tpu.memory_space<vmem>>
      %gather3A_1516 = tpu.memref_squeeze %gather3A_1515 : memref<1x128x128xf32, #tpu.memory_space<vmem>> -> memref<128x128xf32, #tpu.memory_space<vmem>>
      %gather3A_1517 = tpu.vector_load_idx %gather3A_1516[%add3A_1399, %add3A_1511] : memref<128x128xf32, #tpu.memory_space<vmem>>[vector<16xi32>, vector<16xi32>], vector<16xf32>,
      %mul3A_1518 = arith.mulf %gather3A_1508, %gather3A_1517 : vector<16xf32>
      %add3A_1519 = arith.addf %add3A_1499, %mul3A_1518 : vector<16xf32>
      %add3A_1520 = arith.constant 6 : i32
      %add3A_1521 = vector.broadcast %add3A_1520 : i32 to vector<16xi32>
      %add3A_1522 = arith.addi %shift_left3A_1386, %add3A_1521 : vector<16xi32>
      %gather3A_1523 = arith.constant 1 : i32
      %gather3A_1524 = arith.constant 0 : i32
      %gather3A_1525 = arith.constant 0 : i32
      %gather3A_1526 = tpu.memref_slice %arg11[%gather3A_1523, %gather3A_1524, %gather3A_1525] : memref<2x128x128xf32, #tpu.memory_space<vmem>> -> memref<1x128x128xf32, #tpu.memory_space<vmem>>
      %gather3A_1527 = tpu.memref_squeeze %gather3A_1526 : memref<1x128x128xf32, #tpu.memory_space<vmem>> -> memref<128x128xf32, #tpu.memory_space<vmem>>
      %gather3A_1528 = tpu.vector_load_idx %gather3A_1527[%add3A_1399, %add3A_1522] : memref<128x128xf32, #tpu.memory_space<vmem>>[vector<16xi32>, vector<16xi32>], vector<16xf32>,
      %add3A_1529 = arith.constant 6 : i32
      %add3A_1530 = vector.broadcast %add3A_1529 : i32 to vector<16xi32>
      %add3A_1531 = arith.addi %shift_left3A_1395, %add3A_1530 : vector<16xi32>
      %gather3A_1532 = arith.constant 1 : i32
      %gather3A_1533 = arith.constant 0 : i32
      %gather3A_1534 = arith.constant 0 : i32
      %gather3A_1535 = tpu.memref_slice %arg12[%gather3A_1532, %gather3A_1533, %gather3A_1534] : memref<2x128x128xf32, #tpu.memory_space<vmem>> -> memref<1x128x128xf32, #tpu.memory_space<vmem>>
      %gather3A_1536 = tpu.memref_squeeze %gather3A_1535 : memref<1x128x128xf32, #tpu.memory_space<vmem>> -> memref<128x128xf32, #tpu.memory_space<vmem>>
      %gather3A_1537 = tpu.vector_load_idx %gather3A_1536[%add3A_1399, %add3A_1531] : memref<128x128xf32, #tpu.memory_space<vmem>>[vector<16xi32>, vector<16xi32>], vector<16xf32>,
      %mul3A_1538 = arith.mulf %gather3A_1528, %gather3A_1537 : vector<16xf32>
      %add3A_1539 = arith.addf %add3A_1519, %mul3A_1538 : vector<16xf32>
      %add3A_1540 = arith.constant 7 : i32
      %add3A_1541 = vector.broadcast %add3A_1540 : i32 to vector<16xi32>
      %add3A_1542 = arith.addi %shift_left3A_1386, %add3A_1541 : vector<16xi32>
      %gather3A_1543 = arith.constant 1 : i32
      %gather3A_1544 = arith.constant 0 : i32
      %gather3A_1545 = arith.constant 0 : i32
      %gather3A_1546 = tpu.memref_slice %arg11[%gather3A_1543, %gather3A_1544, %gather3A_1545] : memref<2x128x128xf32, #tpu.memory_space<vmem>> -> memref<1x128x128xf32, #tpu.memory_space<vmem>>
      %gather3A_1547 = tpu.memref_squeeze %gather3A_1546 : memref<1x128x128xf32, #tpu.memory_space<vmem>> -> memref<128x128xf32, #tpu.memory_space<vmem>>
      %gather3A_1548 = tpu.vector_load_idx %gather3A_1547[%add3A_1399, %add3A_1542] : memref<128x128xf32, #tpu.memory_space<vmem>>[vector<16xi32>, vector<16xi32>], vector<16xf32>,
      %add3A_1549 = arith.constant 7 : i32
      %add3A_1550 = vector.broadcast %add3A_1549 : i32 to vector<16xi32>
      %add3A_1551 = arith.addi %shift_left3A_1395, %add3A_1550 : vector<16xi32>
      %gather3A_1552 = arith.constant 1 : i32
      %gather3A_1553 = arith.constant 0 : i32
      %gather3A_1554 = arith.constant 0 : i32
      %gather3A_1555 = tpu.memref_slice %arg12[%gather3A_1552, %gather3A_1553, %gather3A_1554] : memref<2x128x128xf32, #tpu.memory_space<vmem>> -> memref<1x128x128xf32, #tpu.memory_space<vmem>>
      %gather3A_1556 = tpu.memref_squeeze %gather3A_1555 : memref<1x128x128xf32, #tpu.memory_space<vmem>> -> memref<128x128xf32, #tpu.memory_space<vmem>>
      %gather3A_1557 = tpu.vector_load_idx %gather3A_1556[%add3A_1399, %add3A_1551] : memref<128x128xf32, #tpu.memory_space<vmem>>[vector<16xi32>, vector<16xi32>], vector<16xf32>,
      %mul3A_1558 = arith.mulf %gather3A_1548, %gather3A_1557 : vector<16xf32>
      %add3A_1559 = arith.addf %add3A_1539, %mul3A_1558 : vector<16xf32>
      %add3A_1560 = arith.constant 8 : i32
      %add3A_1561 = vector.broadcast %add3A_1560 : i32 to vector<16xi32>
      %add3A_1562 = arith.addi %shift_left3A_1386, %add3A_1561 : vector<16xi32>
      %gather3A_1563 = arith.constant 1 : i32
      %gather3A_1564 = arith.constant 0 : i32
      %gather3A_1565 = arith.constant 0 : i32
      %gather3A_1566 = tpu.memref_slice %arg11[%gather3A_1563, %gather3A_1564, %gather3A_1565] : memref<2x128x128xf32, #tpu.memory_space<vmem>> -> memref<1x128x128xf32, #tpu.memory_space<vmem>>
      %gather3A_1567 = tpu.memref_squeeze %gather3A_1566 : memref<1x128x128xf32, #tpu.memory_space<vmem>> -> memref<128x128xf32, #tpu.memory_space<vmem>>
      %gather3A_1568 = tpu.vector_load_idx %gather3A_1567[%add3A_1399, %add3A_1562] : memref<128x128xf32, #tpu.memory_space<vmem>>[vector<16xi32>, vector<16xi32>], vector<16xf32>,
      %add3A_1569 = arith.constant 8 : i32
      %add3A_1570 = vector.broadcast %add3A_1569 : i32 to vector<16xi32>
      %add3A_1571 = arith.addi %shift_left3A_1395, %add3A_1570 : vector<16xi32>
      %gather3A_1572 = arith.constant 1 : i32
      %gather3A_1573 = arith.constant 0 : i32
      %gather3A_1574 = arith.constant 0 : i32
      %gather3A_1575 = tpu.memref_slice %arg12[%gather3A_1572, %gather3A_1573, %gather3A_1574] : memref<2x128x128xf32, #tpu.memory_space<vmem>> -> memref<1x128x128xf32, #tpu.memory_space<vmem>>
      %gather3A_1576 = tpu.memref_squeeze %gather3A_1575 : memref<1x128x128xf32, #tpu.memory_space<vmem>> -> memref<128x128xf32, #tpu.memory_space<vmem>>
      %gather3A_1577 = tpu.vector_load_idx %gather3A_1576[%add3A_1399, %add3A_1571] : memref<128x128xf32, #tpu.memory_space<vmem>>[vector<16xi32>, vector<16xi32>], vector<16xf32>,
      %mul3A_1578 = arith.mulf %gather3A_1568, %gather3A_1577 : vector<16xf32>
      %add3A_1579 = arith.addf %add3A_1559, %mul3A_1578 : vector<16xf32>
      %add3A_1580 = arith.constant 9 : i32
      %add3A_1581 = vector.broadcast %add3A_1580 : i32 to vector<16xi32>
      %add3A_1582 = arith.addi %shift_left3A_1386, %add3A_1581 : vector<16xi32>
      %gather3A_1583 = arith.constant 1 : i32
      %gather3A_1584 = arith.constant 0 : i32
      %gather3A_1585 = arith.constant 0 : i32
      %gather3A_1586 = tpu.memref_slice %arg11[%gather3A_1583, %gather3A_1584, %gather3A_1585] : memref<2x128x128xf32, #tpu.memory_space<vmem>> -> memref<1x128x128xf32, #tpu.memory_space<vmem>>
      %gather3A_1587 = tpu.memref_squeeze %gather3A_1586 : memref<1x128x128xf32, #tpu.memory_space<vmem>> -> memref<128x128xf32, #tpu.memory_space<vmem>>
      %gather3A_1588 = tpu.vector_load_idx %gather3A_1587[%add3A_1399, %add3A_1582] : memref<128x128xf32, #tpu.memory_space<vmem>>[vector<16xi32>, vector<16xi32>], vector<16xf32>,
      %add3A_1589 = arith.constant 9 : i32
      %add3A_1590 = vector.broadcast %add3A_1589 : i32 to vector<16xi32>
      %add3A_1591 = arith.addi %shift_left3A_1395, %add3A_1590 : vector<16xi32>
      %gather3A_1592 = arith.constant 1 : i32
      %gather3A_1593 = arith.constant 0 : i32
      %gather3A_1594 = arith.constant 0 : i32
      %gather3A_1595 = tpu.memref_slice %arg12[%gather3A_1592, %gather3A_1593, %gather3A_1594] : memref<2x128x128xf32, #tpu.memory_space<vmem>> -> memref<1x128x128xf32, #tpu.memory_space<vmem>>
      %gather3A_1596 = tpu.memref_squeeze %gather3A_1595 : memref<1x128x128xf32, #tpu.memory_space<vmem>> -> memref<128x128xf32, #tpu.memory_space<vmem>>
      %gather3A_1597 = tpu.vector_load_idx %gather3A_1596[%add3A_1399, %add3A_1591] : memref<128x128xf32, #tpu.memory_space<vmem>>[vector<16xi32>, vector<16xi32>], vector<16xf32>,
      %mul3A_1598 = arith.mulf %gather3A_1588, %gather3A_1597 : vector<16xf32>
      %add3A_1599 = arith.addf %add3A_1579, %mul3A_1598 : vector<16xf32>
      %add3A_1600 = arith.constant 10 : i32
      %add3A_1601 = vector.broadcast %add3A_1600 : i32 to vector<16xi32>
      %add3A_1602 = arith.addi %shift_left3A_1386, %add3A_1601 : vector<16xi32>
      %gather3A_1603 = arith.constant 1 : i32
      %gather3A_1604 = arith.constant 0 : i32
      %gather3A_1605 = arith.constant 0 : i32
      %gather3A_1606 = tpu.memref_slice %arg11[%gather3A_1603, %gather3A_1604, %gather3A_1605] : memref<2x128x128xf32, #tpu.memory_space<vmem>> -> memref<1x128x128xf32, #tpu.memory_space<vmem>>
      %gather3A_1607 = tpu.memref_squeeze %gather3A_1606 : memref<1x128x128xf32, #tpu.memory_space<vmem>> -> memref<128x128xf32, #tpu.memory_space<vmem>>
      %gather3A_1608 = tpu.vector_load_idx %gather3A_1607[%add3A_1399, %add3A_1602] : memref<128x128xf32, #tpu.memory_space<vmem>>[vector<16xi32>, vector<16xi32>], vector<16xf32>,
      %add3A_1609 = arith.constant 10 : i32
      %add3A_1610 = vector.broadcast %add3A_1609 : i32 to vector<16xi32>
      %add3A_1611 = arith.addi %shift_left3A_1395, %add3A_1610 : vector<16xi32>
      %gather3A_1612 = arith.constant 1 : i32
      %gather3A_1613 = arith.constant 0 : i32
      %gather3A_1614 = arith.constant 0 : i32
      %gather3A_1615 = tpu.memref_slice %arg12[%gather3A_1612, %gather3A_1613, %gather3A_1614] : memref<2x128x128xf32, #tpu.memory_space<vmem>> -> memref<1x128x128xf32, #tpu.memory_space<vmem>>
      %gather3A_1616 = tpu.memref_squeeze %gather3A_1615 : memref<1x128x128xf32, #tpu.memory_space<vmem>> -> memref<128x128xf32, #tpu.memory_space<vmem>>
      %gather3A_1617 = tpu.vector_load_idx %gather3A_1616[%add3A_1399, %add3A_1611] : memref<128x128xf32, #tpu.memory_space<vmem>>[vector<16xi32>, vector<16xi32>], vector<16xf32>,
      %mul3A_1618 = arith.mulf %gather3A_1608, %gather3A_1617 : vector<16xf32>
      %add3A_1619 = arith.addf %add3A_1599, %mul3A_1618 : vector<16xf32>
      %add3A_1620 = arith.constant 11 : i32
      %add3A_1621 = vector.broadcast %add3A_1620 : i32 to vector<16xi32>
      %add3A_1622 = arith.addi %shift_left3A_1386, %add3A_1621 : vector<16xi32>
      %gather3A_1623 = arith.constant 1 : i32
      %gather3A_1624 = arith.constant 0 : i32
      %gather3A_1625 = arith.constant 0 : i32
      %gather3A_1626 = tpu.memref_slice %arg11[%gather3A_1623, %gather3A_1624, %gather3A_1625] : memref<2x128x128xf32, #tpu.memory_space<vmem>> -> memref<1x128x128xf32, #tpu.memory_space<vmem>>
      %gather3A_1627 = tpu.memref_squeeze %gather3A_1626 : memref<1x128x128xf32, #tpu.memory_space<vmem>> -> memref<128x128xf32, #tpu.memory_space<vmem>>
      %gather3A_1628 = tpu.vector_load_idx %gather3A_1627[%add3A_1399, %add3A_1622] : memref<128x128xf32, #tpu.memory_space<vmem>>[vector<16xi32>, vector<16xi32>], vector<16xf32>,
      %add3A_1629 = arith.constant 11 : i32
      %add3A_1630 = vector.broadcast %add3A_1629 : i32 to vector<16xi32>
      %add3A_1631 = arith.addi %shift_left3A_1395, %add3A_1630 : vector<16xi32>
      %gather3A_1632 = arith.constant 1 : i32
      %gather3A_1633 = arith.constant 0 : i32
      %gather3A_1634 = arith.constant 0 : i32
      %gather3A_1635 = tpu.memref_slice %arg12[%gather3A_1632, %gather3A_1633, %gather3A_1634] : memref<2x128x128xf32, #tpu.memory_space<vmem>> -> memref<1x128x128xf32, #tpu.memory_space<vmem>>
      %gather3A_1636 = tpu.memref_squeeze %gather3A_1635 : memref<1x128x128xf32, #tpu.memory_space<vmem>> -> memref<128x128xf32, #tpu.memory_space<vmem>>
      %gather3A_1637 = tpu.vector_load_idx %gather3A_1636[%add3A_1399, %add3A_1631] : memref<128x128xf32, #tpu.memory_space<vmem>>[vector<16xi32>, vector<16xi32>], vector<16xf32>,
      %mul3A_1638 = arith.mulf %gather3A_1628, %gather3A_1637 : vector<16xf32>
      %add3A_1639 = arith.addf %add3A_1619, %mul3A_1638 : vector<16xf32>
      %add3A_1640 = arith.constant 12 : i32
      %add3A_1641 = vector.broadcast %add3A_1640 : i32 to vector<16xi32>
      %add3A_1642 = arith.addi %shift_left3A_1386, %add3A_1641 : vector<16xi32>
      %gather3A_1643 = arith.constant 1 : i32
      %gather3A_1644 = arith.constant 0 : i32
      %gather3A_1645 = arith.constant 0 : i32
      %gather3A_1646 = tpu.memref_slice %arg11[%gather3A_1643, %gather3A_1644, %gather3A_1645] : memref<2x128x128xf32, #tpu.memory_space<vmem>> -> memref<1x128x128xf32, #tpu.memory_space<vmem>>
      %gather3A_1647 = tpu.memref_squeeze %gather3A_1646 : memref<1x128x128xf32, #tpu.memory_space<vmem>> -> memref<128x128xf32, #tpu.memory_space<vmem>>
      %gather3A_1648 = tpu.vector_load_idx %gather3A_1647[%add3A_1399, %add3A_1642] : memref<128x128xf32, #tpu.memory_space<vmem>>[vector<16xi32>, vector<16xi32>], vector<16xf32>,
      %add3A_1649 = arith.constant 12 : i32
      %add3A_1650 = vector.broadcast %add3A_1649 : i32 to vector<16xi32>
      %add3A_1651 = arith.addi %shift_left3A_1395, %add3A_1650 : vector<16xi32>
      %gather3A_1652 = arith.constant 1 : i32
      %gather3A_1653 = arith.constant 0 : i32
      %gather3A_1654 = arith.constant 0 : i32
      %gather3A_1655 = tpu.memref_slice %arg12[%gather3A_1652, %gather3A_1653, %gather3A_1654] : memref<2x128x128xf32, #tpu.memory_space<vmem>> -> memref<1x128x128xf32, #tpu.memory_space<vmem>>
      %gather3A_1656 = tpu.memref_squeeze %gather3A_1655 : memref<1x128x128xf32, #tpu.memory_space<vmem>> -> memref<128x128xf32, #tpu.memory_space<vmem>>
      %gather3A_1657 = tpu.vector_load_idx %gather3A_1656[%add3A_1399, %add3A_1651] : memref<128x128xf32, #tpu.memory_space<vmem>>[vector<16xi32>, vector<16xi32>], vector<16xf32>,
      %mul3A_1658 = arith.mulf %gather3A_1648, %gather3A_1657 : vector<16xf32>
      %add3A_1659 = arith.addf %add3A_1639, %mul3A_1658 : vector<16xf32>
      %add3A_1660 = arith.constant 13 : i32
      %add3A_1661 = vector.broadcast %add3A_1660 : i32 to vector<16xi32>
      %add3A_1662 = arith.addi %shift_left3A_1386, %add3A_1661 : vector<16xi32>
      %gather3A_1663 = arith.constant 1 : i32
      %gather3A_1664 = arith.constant 0 : i32
      %gather3A_1665 = arith.constant 0 : i32
      %gather3A_1666 = tpu.memref_slice %arg11[%gather3A_1663, %gather3A_1664, %gather3A_1665] : memref<2x128x128xf32, #tpu.memory_space<vmem>> -> memref<1x128x128xf32, #tpu.memory_space<vmem>>
      %gather3A_1667 = tpu.memref_squeeze %gather3A_1666 : memref<1x128x128xf32, #tpu.memory_space<vmem>> -> memref<128x128xf32, #tpu.memory_space<vmem>>
      %gather3A_1668 = tpu.vector_load_idx %gather3A_1667[%add3A_1399, %add3A_1662] : memref<128x128xf32, #tpu.memory_space<vmem>>[vector<16xi32>, vector<16xi32>], vector<16xf32>,
      %add3A_1669 = arith.constant 13 : i32
      %add3A_1670 = vector.broadcast %add3A_1669 : i32 to vector<16xi32>
      %add3A_1671 = arith.addi %shift_left3A_1395, %add3A_1670 : vector<16xi32>
      %gather3A_1672 = arith.constant 1 : i32
      %gather3A_1673 = arith.constant 0 : i32
      %gather3A_1674 = arith.constant 0 : i32
      %gather3A_1675 = tpu.memref_slice %arg12[%gather3A_1672, %gather3A_1673, %gather3A_1674] : memref<2x128x128xf32, #tpu.memory_space<vmem>> -> memref<1x128x128xf32, #tpu.memory_space<vmem>>
      %gather3A_1676 = tpu.memref_squeeze %gather3A_1675 : memref<1x128x128xf32, #tpu.memory_space<vmem>> -> memref<128x128xf32, #tpu.memory_space<vmem>>
      %gather3A_1677 = tpu.vector_load_idx %gather3A_1676[%add3A_1399, %add3A_1671] : memref<128x128xf32, #tpu.memory_space<vmem>>[vector<16xi32>, vector<16xi32>], vector<16xf32>,
      %mul3A_1678 = arith.mulf %gather3A_1668, %gather3A_1677 : vector<16xf32>
      %add3A_1679 = arith.addf %add3A_1659, %mul3A_1678 : vector<16xf32>
      %add3A_1680 = arith.constant 14 : i32
      %add3A_1681 = vector.broadcast %add3A_1680 : i32 to vector<16xi32>
      %add3A_1682 = arith.addi %shift_left3A_1386, %add3A_1681 : vector<16xi32>
      %gather3A_1683 = arith.constant 1 : i32
      %gather3A_1684 = arith.constant 0 : i32
      %gather3A_1685 = arith.constant 0 : i32
      %gather3A_1686 = tpu.memref_slice %arg11[%gather3A_1683, %gather3A_1684, %gather3A_1685] : memref<2x128x128xf32, #tpu.memory_space<vmem>> -> memref<1x128x128xf32, #tpu.memory_space<vmem>>
      %gather3A_1687 = tpu.memref_squeeze %gather3A_1686 : memref<1x128x128xf32, #tpu.memory_space<vmem>> -> memref<128x128xf32, #tpu.memory_space<vmem>>
      %gather3A_1688 = tpu.vector_load_idx %gather3A_1687[%add3A_1399, %add3A_1682] : memref<128x128xf32, #tpu.memory_space<vmem>>[vector<16xi32>, vector<16xi32>], vector<16xf32>,
      %add3A_1689 = arith.constant 14 : i32
      %add3A_1690 = vector.broadcast %add3A_1689 : i32 to vector<16xi32>
      %add3A_1691 = arith.addi %shift_left3A_1395, %add3A_1690 : vector<16xi32>
      %gather3A_1692 = arith.constant 1 : i32
      %gather3A_1693 = arith.constant 0 : i32
      %gather3A_1694 = arith.constant 0 : i32
      %gather3A_1695 = tpu.memref_slice %arg12[%gather3A_1692, %gather3A_1693, %gather3A_1694] : memref<2x128x128xf32, #tpu.memory_space<vmem>> -> memref<1x128x128xf32, #tpu.memory_space<vmem>>
      %gather3A_1696 = tpu.memref_squeeze %gather3A_1695 : memref<1x128x128xf32, #tpu.memory_space<vmem>> -> memref<128x128xf32, #tpu.memory_space<vmem>>
      %gather3A_1697 = tpu.vector_load_idx %gather3A_1696[%add3A_1399, %add3A_1691] : memref<128x128xf32, #tpu.memory_space<vmem>>[vector<16xi32>, vector<16xi32>], vector<16xf32>,
      %mul3A_1698 = arith.mulf %gather3A_1688, %gather3A_1697 : vector<16xf32>
      %add3A_1699 = arith.addf %add3A_1679, %mul3A_1698 : vector<16xf32>
      %add3A_1700 = arith.constant 15 : i32
      %add3A_1701 = vector.broadcast %add3A_1700 : i32 to vector<16xi32>
      %add3A_1702 = arith.addi %shift_left3A_1386, %add3A_1701 : vector<16xi32>
      %gather3A_1703 = arith.constant 1 : i32
      %gather3A_1704 = arith.constant 0 : i32
      %gather3A_1705 = arith.constant 0 : i32
      %gather3A_1706 = tpu.memref_slice %arg11[%gather3A_1703, %gather3A_1704, %gather3A_1705] : memref<2x128x128xf32, #tpu.memory_space<vmem>> -> memref<1x128x128xf32, #tpu.memory_space<vmem>>
      %gather3A_1707 = tpu.memref_squeeze %gather3A_1706 : memref<1x128x128xf32, #tpu.memory_space<vmem>> -> memref<128x128xf32, #tpu.memory_space<vmem>>
      %gather3A_1708 = tpu.vector_load_idx %gather3A_1707[%add3A_1399, %add3A_1702] : memref<128x128xf32, #tpu.memory_space<vmem>>[vector<16xi32>, vector<16xi32>], vector<16xf32>,
      %add3A_1709 = arith.constant 15 : i32
      %add3A_1710 = vector.broadcast %add3A_1709 : i32 to vector<16xi32>
      %add3A_1711 = arith.addi %shift_left3A_1395, %add3A_1710 : vector<16xi32>
      %gather3A_1712 = arith.constant 1 : i32
      %gather3A_1713 = arith.constant 0 : i32
      %gather3A_1714 = arith.constant 0 : i32
      %gather3A_1715 = tpu.memref_slice %arg12[%gather3A_1712, %gather3A_1713, %gather3A_1714] : memref<2x128x128xf32, #tpu.memory_space<vmem>> -> memref<1x128x128xf32, #tpu.memory_space<vmem>>
      %gather3A_1716 = tpu.memref_squeeze %gather3A_1715 : memref<1x128x128xf32, #tpu.memory_space<vmem>> -> memref<128x128xf32, #tpu.memory_space<vmem>>
      %gather3A_1717 = tpu.vector_load_idx %gather3A_1716[%add3A_1399, %add3A_1711] : memref<128x128xf32, #tpu.memory_space<vmem>>[vector<16xi32>, vector<16xi32>], vector<16xf32>,
      %mul3A_1718 = arith.mulf %gather3A_1708, %gather3A_1717 : vector<16xf32>
      %add3A_1719 = arith.addf %add3A_1699, %mul3A_1718 : vector<16xf32>
      %add3A_1720 = arith.constant 16 : i32
      %add3A_1721 = vector.broadcast %add3A_1720 : i32 to vector<16xi32>
      %add3A_1722 = arith.addi %shift_left3A_1386, %add3A_1721 : vector<16xi32>
      %gather3A_1723 = arith.constant 1 : i32
      %gather3A_1724 = arith.constant 0 : i32
      %gather3A_1725 = arith.constant 0 : i32
      %gather3A_1726 = tpu.memref_slice %arg11[%gather3A_1723, %gather3A_1724, %gather3A_1725] : memref<2x128x128xf32, #tpu.memory_space<vmem>> -> memref<1x128x128xf32, #tpu.memory_space<vmem>>
      %gather3A_1727 = tpu.memref_squeeze %gather3A_1726 : memref<1x128x128xf32, #tpu.memory_space<vmem>> -> memref<128x128xf32, #tpu.memory_space<vmem>>
      %gather3A_1728 = tpu.vector_load_idx %gather3A_1727[%add3A_1399, %add3A_1722] : memref<128x128xf32, #tpu.memory_space<vmem>>[vector<16xi32>, vector<16xi32>], vector<16xf32>,
      %add3A_1729 = arith.constant 16 : i32
      %add3A_1730 = vector.broadcast %add3A_1729 : i32 to vector<16xi32>
      %add3A_1731 = arith.addi %shift_left3A_1395, %add3A_1730 : vector<16xi32>
      %gather3A_1732 = arith.constant 1 : i32
      %gather3A_1733 = arith.constant 0 : i32
      %gather3A_1734 = arith.constant 0 : i32
      %gather3A_1735 = tpu.memref_slice %arg12[%gather3A_1732, %gather3A_1733, %gather3A_1734] : memref<2x128x128xf32, #tpu.memory_space<vmem>> -> memref<1x128x128xf32, #tpu.memory_space<vmem>>
      %gather3A_1736 = tpu.memref_squeeze %gather3A_1735 : memref<1x128x128xf32, #tpu.memory_space<vmem>> -> memref<128x128xf32, #tpu.memory_space<vmem>>
      %gather3A_1737 = tpu.vector_load_idx %gather3A_1736[%add3A_1399, %add3A_1731] : memref<128x128xf32, #tpu.memory_space<vmem>>[vector<16xi32>, vector<16xi32>], vector<16xf32>,
      %mul3A_1738 = arith.mulf %gather3A_1728, %gather3A_1737 : vector<16xf32>
      %add3A_1739 = arith.addf %add3A_1719, %mul3A_1738 : vector<16xf32>
      %add3A_1740 = arith.constant 17 : i32
      %add3A_1741 = vector.broadcast %add3A_1740 : i32 to vector<16xi32>
      %add3A_1742 = arith.addi %shift_left3A_1386, %add3A_1741 : vector<16xi32>
      %gather3A_1743 = arith.constant 1 : i32
      %gather3A_1744 = arith.constant 0 : i32
      %gather3A_1745 = arith.constant 0 : i32
      %gather3A_1746 = tpu.memref_slice %arg11[%gather3A_1743, %gather3A_1744, %gather3A_1745] : memref<2x128x128xf32, #tpu.memory_space<vmem>> -> memref<1x128x128xf32, #tpu.memory_space<vmem>>
      %gather3A_1747 = tpu.memref_squeeze %gather3A_1746 : memref<1x128x128xf32, #tpu.memory_space<vmem>> -> memref<128x128xf32, #tpu.memory_space<vmem>>
      %gather3A_1748 = tpu.vector_load_idx %gather3A_1747[%add3A_1399, %add3A_1742] : memref<128x128xf32, #tpu.memory_space<vmem>>[vector<16xi32>, vector<16xi32>], vector<16xf32>,
      %add3A_1749 = arith.constant 17 : i32
      %add3A_1750 = vector.broadcast %add3A_1749 : i32 to vector<16xi32>
      %add3A_1751 = arith.addi %shift_left3A_1395, %add3A_1750 : vector<16xi32>
      %gather3A_1752 = arith.constant 1 : i32
      %gather3A_1753 = arith.constant 0 : i32
      %gather3A_1754 = arith.constant 0 : i32
      %gather3A_1755 = tpu.memref_slice %arg12[%gather3A_1752, %gather3A_1753, %gather3A_1754] : memref<2x128x128xf32, #tpu.memory_space<vmem>> -> memref<1x128x128xf32, #tpu.memory_space<vmem>>
      %gather3A_1756 = tpu.memref_squeeze %gather3A_1755 : memref<1x128x128xf32, #tpu.memory_space<vmem>> -> memref<128x128xf32, #tpu.memory_space<vmem>>
      %gather3A_1757 = tpu.vector_load_idx %gather3A_1756[%add3A_1399, %add3A_1751] : memref<128x128xf32, #tpu.memory_space<vmem>>[vector<16xi32>, vector<16xi32>], vector<16xf32>,
      %mul3A_1758 = arith.mulf %gather3A_1748, %gather3A_1757 : vector<16xf32>
      %add3A_1759 = arith.addf %add3A_1739, %mul3A_1758 : vector<16xf32>
      %add3A_1760 = arith.constant 18 : i32
      %add3A_1761 = vector.broadcast %add3A_1760 : i32 to vector<16xi32>
      %add3A_1762 = arith.addi %shift_left3A_1386, %add3A_1761 : vector<16xi32>
      %gather3A_1763 = arith.constant 1 : i32
      %gather3A_1764 = arith.constant 0 : i32
      %gather3A_1765 = arith.constant 0 : i32
      %gather3A_1766 = tpu.memref_slice %arg11[%gather3A_1763, %gather3A_1764, %gather3A_1765] : memref<2x128x128xf32, #tpu.memory_space<vmem>> -> memref<1x128x128xf32, #tpu.memory_space<vmem>>
      %gather3A_1767 = tpu.memref_squeeze %gather3A_1766 : memref<1x128x128xf32, #tpu.memory_space<vmem>> -> memref<128x128xf32, #tpu.memory_space<vmem>>
      %gather3A_1768 = tpu.vector_load_idx %gather3A_1767[%add3A_1399, %add3A_1762] : memref<128x128xf32, #tpu.memory_space<vmem>>[vector<16xi32>, vector<16xi32>], vector<16xf32>,
      %add3A_1769 = arith.constant 18 : i32
      %add3A_1770 = vector.broadcast %add3A_1769 : i32 to vector<16xi32>
      %add3A_1771 = arith.addi %shift_left3A_1395, %add3A_1770 : vector<16xi32>
      %gather3A_1772 = arith.constant 1 : i32
      %gather3A_1773 = arith.constant 0 : i32
      %gather3A_1774 = arith.constant 0 : i32
      %gather3A_1775 = tpu.memref_slice %arg12[%gather3A_1772, %gather3A_1773, %gather3A_1774] : memref<2x128x128xf32, #tpu.memory_space<vmem>> -> memref<1x128x128xf32, #tpu.memory_space<vmem>>
      %gather3A_1776 = tpu.memref_squeeze %gather3A_1775 : memref<1x128x128xf32, #tpu.memory_space<vmem>> -> memref<128x128xf32, #tpu.memory_space<vmem>>
      %gather3A_1777 = tpu.vector_load_idx %gather3A_1776[%add3A_1399, %add3A_1771] : memref<128x128xf32, #tpu.memory_space<vmem>>[vector<16xi32>, vector<16xi32>], vector<16xf32>,
      %mul3A_1778 = arith.mulf %gather3A_1768, %gather3A_1777 : vector<16xf32>
      %add3A_1779 = arith.addf %add3A_1759, %mul3A_1778 : vector<16xf32>
      %add3A_1780 = arith.constant 19 : i32
      %add3A_1781 = vector.broadcast %add3A_1780 : i32 to vector<16xi32>
      %add3A_1782 = arith.addi %shift_left3A_1386, %add3A_1781 : vector<16xi32>
      %gather3A_1783 = arith.constant 1 : i32
      %gather3A_1784 = arith.constant 0 : i32
      %gather3A_1785 = arith.constant 0 : i32
      %gather3A_1786 = tpu.memref_slice %arg11[%gather3A_1783, %gather3A_1784, %gather3A_1785] : memref<2x128x128xf32, #tpu.memory_space<vmem>> -> memref<1x128x128xf32, #tpu.memory_space<vmem>>
      %gather3A_1787 = tpu.memref_squeeze %gather3A_1786 : memref<1x128x128xf32, #tpu.memory_space<vmem>> -> memref<128x128xf32, #tpu.memory_space<vmem>>
      %gather3A_1788 = tpu.vector_load_idx %gather3A_1787[%add3A_1399, %add3A_1782] : memref<128x128xf32, #tpu.memory_space<vmem>>[vector<16xi32>, vector<16xi32>], vector<16xf32>,
      %add3A_1789 = arith.constant 19 : i32
      %add3A_1790 = vector.broadcast %add3A_1789 : i32 to vector<16xi32>
      %add3A_1791 = arith.addi %shift_left3A_1395, %add3A_1790 : vector<16xi32>
      %gather3A_1792 = arith.constant 1 : i32
      %gather3A_1793 = arith.constant 0 : i32
      %gather3A_1794 = arith.constant 0 : i32
      %gather3A_1795 = tpu.memref_slice %arg12[%gather3A_1792, %gather3A_1793, %gather3A_1794] : memref<2x128x128xf32, #tpu.memory_space<vmem>> -> memref<1x128x128xf32, #tpu.memory_space<vmem>>
      %gather3A_1796 = tpu.memref_squeeze %gather3A_1795 : memref<1x128x128xf32, #tpu.memory_space<vmem>> -> memref<128x128xf32, #tpu.memory_space<vmem>>
      %gather3A_1797 = tpu.vector_load_idx %gather3A_1796[%add3A_1399, %add3A_1791] : memref<128x128xf32, #tpu.memory_space<vmem>>[vector<16xi32>, vector<16xi32>], vector<16xf32>,
      %mul3A_1798 = arith.mulf %gather3A_1788, %gather3A_1797 : vector<16xf32>
      %add3A_1799 = arith.addf %add3A_1779, %mul3A_1798 : vector<16xf32>
      %add3A_1800 = arith.constant 20 : i32
      %add3A_1801 = vector.broadcast %add3A_1800 : i32 to vector<16xi32>
      %add3A_1802 = arith.addi %shift_left3A_1386, %add3A_1801 : vector<16xi32>
      %gather3A_1803 = arith.constant 1 : i32
      %gather3A_1804 = arith.constant 0 : i32
      %gather3A_1805 = arith.constant 0 : i32
      %gather3A_1806 = tpu.memref_slice %arg11[%gather3A_1803, %gather3A_1804, %gather3A_1805] : memref<2x128x128xf32, #tpu.memory_space<vmem>> -> memref<1x128x128xf32, #tpu.memory_space<vmem>>
      %gather3A_1807 = tpu.memref_squeeze %gather3A_1806 : memref<1x128x128xf32, #tpu.memory_space<vmem>> -> memref<128x128xf32, #tpu.memory_space<vmem>>
      %gather3A_1808 = tpu.vector_load_idx %gather3A_1807[%add3A_1399, %add3A_1802] : memref<128x128xf32, #tpu.memory_space<vmem>>[vector<16xi32>, vector<16xi32>], vector<16xf32>,
      %add3A_1809 = arith.constant 20 : i32
      %add3A_1810 = vector.broadcast %add3A_1809 : i32 to vector<16xi32>
      %add3A_1811 = arith.addi %shift_left3A_1395, %add3A_1810 : vector<16xi32>
      %gather3A_1812 = arith.constant 1 : i32
      %gather3A_1813 = arith.constant 0 : i32
      %gather3A_1814 = arith.constant 0 : i32
      %gather3A_1815 = tpu.memref_slice %arg12[%gather3A_1812, %gather3A_1813, %gather3A_1814] : memref<2x128x128xf32, #tpu.memory_space<vmem>> -> memref<1x128x128xf32, #tpu.memory_space<vmem>>
      %gather3A_1816 = tpu.memref_squeeze %gather3A_1815 : memref<1x128x128xf32, #tpu.memory_space<vmem>> -> memref<128x128xf32, #tpu.memory_space<vmem>>
      %gather3A_1817 = tpu.vector_load_idx %gather3A_1816[%add3A_1399, %add3A_1811] : memref<128x128xf32, #tpu.memory_space<vmem>>[vector<16xi32>, vector<16xi32>], vector<16xf32>,
      %mul3A_1818 = arith.mulf %gather3A_1808, %gather3A_1817 : vector<16xf32>
      %add3A_1819 = arith.addf %add3A_1799, %mul3A_1818 : vector<16xf32>
      %add3A_1820 = arith.constant 21 : i32
      %add3A_1821 = vector.broadcast %add3A_1820 : i32 to vector<16xi32>
      %add3A_1822 = arith.addi %shift_left3A_1386, %add3A_1821 : vector<16xi32>
      %gather3A_1823 = arith.constant 1 : i32
      %gather3A_1824 = arith.constant 0 : i32
      %gather3A_1825 = arith.constant 0 : i32
      %gather3A_1826 = tpu.memref_slice %arg11[%gather3A_1823, %gather3A_1824, %gather3A_1825] : memref<2x128x128xf32, #tpu.memory_space<vmem>> -> memref<1x128x128xf32, #tpu.memory_space<vmem>>
      %gather3A_1827 = tpu.memref_squeeze %gather3A_1826 : memref<1x128x128xf32, #tpu.memory_space<vmem>> -> memref<128x128xf32, #tpu.memory_space<vmem>>
      %gather3A_1828 = tpu.vector_load_idx %gather3A_1827[%add3A_1399, %add3A_1822] : memref<128x128xf32, #tpu.memory_space<vmem>>[vector<16xi32>, vector<16xi32>], vector<16xf32>,
      %add3A_1829 = arith.constant 21 : i32
      %add3A_1830 = vector.broadcast %add3A_1829 : i32 to vector<16xi32>
      %add3A_1831 = arith.addi %shift_left3A_1395, %add3A_1830 : vector<16xi32>
      %gather3A_1832 = arith.constant 1 : i32
      %gather3A_1833 = arith.constant 0 : i32
      %gather3A_1834 = arith.constant 0 : i32
      %gather3A_1835 = tpu.memref_slice %arg12[%gather3A_1832, %gather3A_1833, %gather3A_1834] : memref<2x128x128xf32, #tpu.memory_space<vmem>> -> memref<1x128x128xf32, #tpu.memory_space<vmem>>
      %gather3A_1836 = tpu.memref_squeeze %gather3A_1835 : memref<1x128x128xf32, #tpu.memory_space<vmem>> -> memref<128x128xf32, #tpu.memory_space<vmem>>
      %gather3A_1837 = tpu.vector_load_idx %gather3A_1836[%add3A_1399, %add3A_1831] : memref<128x128xf32, #tpu.memory_space<vmem>>[vector<16xi32>, vector<16xi32>], vector<16xf32>,
      %mul3A_1838 = arith.mulf %gather3A_1828, %gather3A_1837 : vector<16xf32>
      %add3A_1839 = arith.addf %add3A_1819, %mul3A_1838 : vector<16xf32>
      %add3A_1840 = arith.constant 22 : i32
      %add3A_1841 = vector.broadcast %add3A_1840 : i32 to vector<16xi32>
      %add3A_1842 = arith.addi %shift_left3A_1386, %add3A_1841 : vector<16xi32>
      %gather3A_1843 = arith.constant 1 : i32
      %gather3A_1844 = arith.constant 0 : i32
      %gather3A_1845 = arith.constant 0 : i32
      %gather3A_1846 = tpu.memref_slice %arg11[%gather3A_1843, %gather3A_1844, %gather3A_1845] : memref<2x128x128xf32, #tpu.memory_space<vmem>> -> memref<1x128x128xf32, #tpu.memory_space<vmem>>
      %gather3A_1847 = tpu.memref_squeeze %gather3A_1846 : memref<1x128x128xf32, #tpu.memory_space<vmem>> -> memref<128x128xf32, #tpu.memory_space<vmem>>
      %gather3A_1848 = tpu.vector_load_idx %gather3A_1847[%add3A_1399, %add3A_1842] : memref<128x128xf32, #tpu.memory_space<vmem>>[vector<16xi32>, vector<16xi32>], vector<16xf32>,
      %add3A_1849 = arith.constant 22 : i32
      %add3A_1850 = vector.broadcast %add3A_1849 : i32 to vector<16xi32>
      %add3A_1851 = arith.addi %shift_left3A_1395, %add3A_1850 : vector<16xi32>
      %gather3A_1852 = arith.constant 1 : i32
      %gather3A_1853 = arith.constant 0 : i32
      %gather3A_1854 = arith.constant 0 : i32
      %gather3A_1855 = tpu.memref_slice %arg12[%gather3A_1852, %gather3A_1853, %gather3A_1854] : memref<2x128x128xf32, #tpu.memory_space<vmem>> -> memref<1x128x128xf32, #tpu.memory_space<vmem>>
      %gather3A_1856 = tpu.memref_squeeze %gather3A_1855 : memref<1x128x128xf32, #tpu.memory_space<vmem>> -> memref<128x128xf32, #tpu.memory_space<vmem>>
      %gather3A_1857 = tpu.vector_load_idx %gather3A_1856[%add3A_1399, %add3A_1851] : memref<128x128xf32, #tpu.memory_space<vmem>>[vector<16xi32>, vector<16xi32>], vector<16xf32>,
      %mul3A_1858 = arith.mulf %gather3A_1848, %gather3A_1857 : vector<16xf32>
      %add3A_1859 = arith.addf %add3A_1839, %mul3A_1858 : vector<16xf32>
      %add3A_1860 = arith.constant 23 : i32
      %add3A_1861 = vector.broadcast %add3A_1860 : i32 to vector<16xi32>
      %add3A_1862 = arith.addi %shift_left3A_1386, %add3A_1861 : vector<16xi32>
      %gather3A_1863 = arith.constant 1 : i32
      %gather3A_1864 = arith.constant 0 : i32
      %gather3A_1865 = arith.constant 0 : i32
      %gather3A_1866 = tpu.memref_slice %arg11[%gather3A_1863, %gather3A_1864, %gather3A_1865] : memref<2x128x128xf32, #tpu.memory_space<vmem>> -> memref<1x128x128xf32, #tpu.memory_space<vmem>>
      %gather3A_1867 = tpu.memref_squeeze %gather3A_1866 : memref<1x128x128xf32, #tpu.memory_space<vmem>> -> memref<128x128xf32, #tpu.memory_space<vmem>>
      %gather3A_1868 = tpu.vector_load_idx %gather3A_1867[%add3A_1399, %add3A_1862] : memref<128x128xf32, #tpu.memory_space<vmem>>[vector<16xi32>, vector<16xi32>], vector<16xf32>,
      %add3A_1869 = arith.constant 23 : i32
      %add3A_1870 = vector.broadcast %add3A_1869 : i32 to vector<16xi32>
      %add3A_1871 = arith.addi %shift_left3A_1395, %add3A_1870 : vector<16xi32>
      %gather3A_1872 = arith.constant 1 : i32
      %gather3A_1873 = arith.constant 0 : i32
      %gather3A_1874 = arith.constant 0 : i32
      %gather3A_1875 = tpu.memref_slice %arg12[%gather3A_1872, %gather3A_1873, %gather3A_1874] : memref<2x128x128xf32, #tpu.memory_space<vmem>> -> memref<1x128x128xf32, #tpu.memory_space<vmem>>
      %gather3A_1876 = tpu.memref_squeeze %gather3A_1875 : memref<1x128x128xf32, #tpu.memory_space<vmem>> -> memref<128x128xf32, #tpu.memory_space<vmem>>
      %gather3A_1877 = tpu.vector_load_idx %gather3A_1876[%add3A_1399, %add3A_1871] : memref<128x128xf32, #tpu.memory_space<vmem>>[vector<16xi32>, vector<16xi32>], vector<16xf32>,
      %mul3A_1878 = arith.mulf %gather3A_1868, %gather3A_1877 : vector<16xf32>
      %add3A_1879 = arith.addf %add3A_1859, %mul3A_1878 : vector<16xf32>
      %add3A_1880 = arith.constant 24 : i32
      %add3A_1881 = vector.broadcast %add3A_1880 : i32 to vector<16xi32>
      %add3A_1882 = arith.addi %shift_left3A_1386, %add3A_1881 : vector<16xi32>
      %gather3A_1883 = arith.constant 1 : i32
      %gather3A_1884 = arith.constant 0 : i32
      %gather3A_1885 = arith.constant 0 : i32
      %gather3A_1886 = tpu.memref_slice %arg11[%gather3A_1883, %gather3A_1884, %gather3A_1885] : memref<2x128x128xf32, #tpu.memory_space<vmem>> -> memref<1x128x128xf32, #tpu.memory_space<vmem>>
      %gather3A_1887 = tpu.memref_squeeze %gather3A_1886 : memref<1x128x128xf32, #tpu.memory_space<vmem>> -> memref<128x128xf32, #tpu.memory_space<vmem>>
      %gather3A_1888 = tpu.vector_load_idx %gather3A_1887[%add3A_1399, %add3A_1882] : memref<128x128xf32, #tpu.memory_space<vmem>>[vector<16xi32>, vector<16xi32>], vector<16xf32>,
      %add3A_1889 = arith.constant 24 : i32
      %add3A_1890 = vector.broadcast %add3A_1889 : i32 to vector<16xi32>
      %add3A_1891 = arith.addi %shift_left3A_1395, %add3A_1890 : vector<16xi32>
      %gather3A_1892 = arith.constant 1 : i32
      %gather3A_1893 = arith.constant 0 : i32
      %gather3A_1894 = arith.constant 0 : i32
      %gather3A_1895 = tpu.memref_slice %arg12[%gather3A_1892, %gather3A_1893, %gather3A_1894] : memref<2x128x128xf32, #tpu.memory_space<vmem>> -> memref<1x128x128xf32, #tpu.memory_space<vmem>>
      %gather3A_1896 = tpu.memref_squeeze %gather3A_1895 : memref<1x128x128xf32, #tpu.memory_space<vmem>> -> memref<128x128xf32, #tpu.memory_space<vmem>>
      %gather3A_1897 = tpu.vector_load_idx %gather3A_1896[%add3A_1399, %add3A_1891] : memref<128x128xf32, #tpu.memory_space<vmem>>[vector<16xi32>, vector<16xi32>], vector<16xf32>,
      %mul3A_1898 = arith.mulf %gather3A_1888, %gather3A_1897 : vector<16xf32>
      %add3A_1899 = arith.addf %add3A_1879, %mul3A_1898 : vector<16xf32>
      %add3A_1900 = arith.constant 25 : i32
      %add3A_1901 = vector.broadcast %add3A_1900 : i32 to vector<16xi32>
      %add3A_1902 = arith.addi %shift_left3A_1386, %add3A_1901 : vector<16xi32>
      %gather3A_1903 = arith.constant 1 : i32
      %gather3A_1904 = arith.constant 0 : i32
      %gather3A_1905 = arith.constant 0 : i32
      %gather3A_1906 = tpu.memref_slice %arg11[%gather3A_1903, %gather3A_1904, %gather3A_1905] : memref<2x128x128xf32, #tpu.memory_space<vmem>> -> memref<1x128x128xf32, #tpu.memory_space<vmem>>
      %gather3A_1907 = tpu.memref_squeeze %gather3A_1906 : memref<1x128x128xf32, #tpu.memory_space<vmem>> -> memref<128x128xf32, #tpu.memory_space<vmem>>
      %gather3A_1908 = tpu.vector_load_idx %gather3A_1907[%add3A_1399, %add3A_1902] : memref<128x128xf32, #tpu.memory_space<vmem>>[vector<16xi32>, vector<16xi32>], vector<16xf32>,
      %add3A_1909 = arith.constant 25 : i32
      %add3A_1910 = vector.broadcast %add3A_1909 : i32 to vector<16xi32>
      %add3A_1911 = arith.addi %shift_left3A_1395, %add3A_1910 : vector<16xi32>
      %gather3A_1912 = arith.constant 1 : i32
      %gather3A_1913 = arith.constant 0 : i32
      %gather3A_1914 = arith.constant 0 : i32
      %gather3A_1915 = tpu.memref_slice %arg12[%gather3A_1912, %gather3A_1913, %gather3A_1914] : memref<2x128x128xf32, #tpu.memory_space<vmem>> -> memref<1x128x128xf32, #tpu.memory_space<vmem>>
      %gather3A_1916 = tpu.memref_squeeze %gather3A_1915 : memref<1x128x128xf32, #tpu.memory_space<vmem>> -> memref<128x128xf32, #tpu.memory_space<vmem>>
      %gather3A_1917 = tpu.vector_load_idx %gather3A_1916[%add3A_1399, %add3A_1911] : memref<128x128xf32, #tpu.memory_space<vmem>>[vector<16xi32>, vector<16xi32>], vector<16xf32>,
      %mul3A_1918 = arith.mulf %gather3A_1908, %gather3A_1917 : vector<16xf32>
      %add3A_1919 = arith.addf %add3A_1899, %mul3A_1918 : vector<16xf32>
      %add3A_1920 = arith.constant 26 : i32
      %add3A_1921 = vector.broadcast %add3A_1920 : i32 to vector<16xi32>
      %add3A_1922 = arith.addi %shift_left3A_1386, %add3A_1921 : vector<16xi32>
      %gather3A_1923 = arith.constant 1 : i32
      %gather3A_1924 = arith.constant 0 : i32
      %gather3A_1925 = arith.constant 0 : i32
      %gather3A_1926 = tpu.memref_slice %arg11[%gather3A_1923, %gather3A_1924, %gather3A_1925] : memref<2x128x128xf32, #tpu.memory_space<vmem>> -> memref<1x128x128xf32, #tpu.memory_space<vmem>>
      %gather3A_1927 = tpu.memref_squeeze %gather3A_1926 : memref<1x128x128xf32, #tpu.memory_space<vmem>> -> memref<128x128xf32, #tpu.memory_space<vmem>>
      %gather3A_1928 = tpu.vector_load_idx %gather3A_1927[%add3A_1399, %add3A_1922] : memref<128x128xf32, #tpu.memory_space<vmem>>[vector<16xi32>, vector<16xi32>], vector<16xf32>,
      %add3A_1929 = arith.constant 26 : i32
      %add3A_1930 = vector.broadcast %add3A_1929 : i32 to vector<16xi32>
      %add3A_1931 = arith.addi %shift_left3A_1395, %add3A_1930 : vector<16xi32>
      %gather3A_1932 = arith.constant 1 : i32
      %gather3A_1933 = arith.constant 0 : i32
      %gather3A_1934 = arith.constant 0 : i32
      %gather3A_1935 = tpu.memref_slice %arg12[%gather3A_1932, %gather3A_1933, %gather3A_1934] : memref<2x128x128xf32, #tpu.memory_space<vmem>> -> memref<1x128x128xf32, #tpu.memory_space<vmem>>
      %gather3A_1936 = tpu.memref_squeeze %gather3A_1935 : memref<1x128x128xf32, #tpu.memory_space<vmem>> -> memref<128x128xf32, #tpu.memory_space<vmem>>
      %gather3A_1937 = tpu.vector_load_idx %gather3A_1936[%add3A_1399, %add3A_1931] : memref<128x128xf32, #tpu.memory_space<vmem>>[vector<16xi32>, vector<16xi32>], vector<16xf32>,
      %mul3A_1938 = arith.mulf %gather3A_1928, %gather3A_1937 : vector<16xf32>
      %add3A_1939 = arith.addf %add3A_1919, %mul3A_1938 : vector<16xf32>
      %add3A_1940 = arith.constant 27 : i32
      %add3A_1941 = vector.broadcast %add3A_1940 : i32 to vector<16xi32>
      %add3A_1942 = arith.addi %shift_left3A_1386, %add3A_1941 : vector<16xi32>
      %gather3A_1943 = arith.constant 1 : i32
      %gather3A_1944 = arith.constant 0 : i32
      %gather3A_1945 = arith.constant 0 : i32
      %gather3A_1946 = tpu.memref_slice %arg11[%gather3A_1943, %gather3A_1944, %gather3A_1945] : memref<2x128x128xf32, #tpu.memory_space<vmem>> -> memref<1x128x128xf32, #tpu.memory_space<vmem>>
      %gather3A_1947 = tpu.memref_squeeze %gather3A_1946 : memref<1x128x128xf32, #tpu.memory_space<vmem>> -> memref<128x128xf32, #tpu.memory_space<vmem>>
      %gather3A_1948 = tpu.vector_load_idx %gather3A_1947[%add3A_1399, %add3A_1942] : memref<128x128xf32, #tpu.memory_space<vmem>>[vector<16xi32>, vector<16xi32>], vector<16xf32>,
      %add3A_1949 = arith.constant 27 : i32
      %add3A_1950 = vector.broadcast %add3A_1949 : i32 to vector<16xi32>
      %add3A_1951 = arith.addi %shift_left3A_1395, %add3A_1950 : vector<16xi32>
      %gather3A_1952 = arith.constant 1 : i32
      %gather3A_1953 = arith.constant 0 : i32
      %gather3A_1954 = arith.constant 0 : i32
      %gather3A_1955 = tpu.memref_slice %arg12[%gather3A_1952, %gather3A_1953, %gather3A_1954] : memref<2x128x128xf32, #tpu.memory_space<vmem>> -> memref<1x128x128xf32, #tpu.memory_space<vmem>>
      %gather3A_1956 = tpu.memref_squeeze %gather3A_1955 : memref<1x128x128xf32, #tpu.memory_space<vmem>> -> memref<128x128xf32, #tpu.memory_space<vmem>>
      %gather3A_1957 = tpu.vector_load_idx %gather3A_1956[%add3A_1399, %add3A_1951] : memref<128x128xf32, #tpu.memory_space<vmem>>[vector<16xi32>, vector<16xi32>], vector<16xf32>,
      %mul3A_1958 = arith.mulf %gather3A_1948, %gather3A_1957 : vector<16xf32>
      %add3A_1959 = arith.addf %add3A_1939, %mul3A_1958 : vector<16xf32>
      %add3A_1960 = arith.constant 28 : i32
      %add3A_1961 = vector.broadcast %add3A_1960 : i32 to vector<16xi32>
      %add3A_1962 = arith.addi %shift_left3A_1386, %add3A_1961 : vector<16xi32>
      %gather3A_1963 = arith.constant 1 : i32
      %gather3A_1964 = arith.constant 0 : i32
      %gather3A_1965 = arith.constant 0 : i32
      %gather3A_1966 = tpu.memref_slice %arg11[%gather3A_1963, %gather3A_1964, %gather3A_1965] : memref<2x128x128xf32, #tpu.memory_space<vmem>> -> memref<1x128x128xf32, #tpu.memory_space<vmem>>
      %gather3A_1967 = tpu.memref_squeeze %gather3A_1966 : memref<1x128x128xf32, #tpu.memory_space<vmem>> -> memref<128x128xf32, #tpu.memory_space<vmem>>
      %gather3A_1968 = tpu.vector_load_idx %gather3A_1967[%add3A_1399, %add3A_1962] : memref<128x128xf32, #tpu.memory_space<vmem>>[vector<16xi32>, vector<16xi32>], vector<16xf32>,
      %add3A_1969 = arith.constant 28 : i32
      %add3A_1970 = vector.broadcast %add3A_1969 : i32 to vector<16xi32>
      %add3A_1971 = arith.addi %shift_left3A_1395, %add3A_1970 : vector<16xi32>
      %gather3A_1972 = arith.constant 1 : i32
      %gather3A_1973 = arith.constant 0 : i32
      %gather3A_1974 = arith.constant 0 : i32
      %gather3A_1975 = tpu.memref_slice %arg12[%gather3A_1972, %gather3A_1973, %gather3A_1974] : memref<2x128x128xf32, #tpu.memory_space<vmem>> -> memref<1x128x128xf32, #tpu.memory_space<vmem>>
      %gather3A_1976 = tpu.memref_squeeze %gather3A_1975 : memref<1x128x128xf32, #tpu.memory_space<vmem>> -> memref<128x128xf32, #tpu.memory_space<vmem>>
      %gather3A_1977 = tpu.vector_load_idx %gather3A_1976[%add3A_1399, %add3A_1971] : memref<128x128xf32, #tpu.memory_space<vmem>>[vector<16xi32>, vector<16xi32>], vector<16xf32>,
      %mul3A_1978 = arith.mulf %gather3A_1968, %gather3A_1977 : vector<16xf32>
      %add3A_1979 = arith.addf %add3A_1959, %mul3A_1978 : vector<16xf32>
      %add3A_1980 = arith.constant 29 : i32
      %add3A_1981 = vector.broadcast %add3A_1980 : i32 to vector<16xi32>
      %add3A_1982 = arith.addi %shift_left3A_1386, %add3A_1981 : vector<16xi32>
      %gather3A_1983 = arith.constant 1 : i32
      %gather3A_1984 = arith.constant 0 : i32
      %gather3A_1985 = arith.constant 0 : i32
      %gather3A_1986 = tpu.memref_slice %arg11[%gather3A_1983, %gather3A_1984, %gather3A_1985] : memref<2x128x128xf32, #tpu.memory_space<vmem>> -> memref<1x128x128xf32, #tpu.memory_space<vmem>>
      %gather3A_1987 = tpu.memref_squeeze %gather3A_1986 : memref<1x128x128xf32, #tpu.memory_space<vmem>> -> memref<128x128xf32, #tpu.memory_space<vmem>>
      %gather3A_1988 = tpu.vector_load_idx %gather3A_1987[%add3A_1399, %add3A_1982] : memref<128x128xf32, #tpu.memory_space<vmem>>[vector<16xi32>, vector<16xi32>], vector<16xf32>,
      %add3A_1989 = arith.constant 29 : i32
      %add3A_1990 = vector.broadcast %add3A_1989 : i32 to vector<16xi32>
      %add3A_1991 = arith.addi %shift_left3A_1395, %add3A_1990 : vector<16xi32>
      %gather3A_1992 = arith.constant 1 : i32
      %gather3A_1993 = arith.constant 0 : i32
      %gather3A_1994 = arith.constant 0 : i32
      %gather3A_1995 = tpu.memref_slice %arg12[%gather3A_1992, %gather3A_1993, %gather3A_1994] : memref<2x128x128xf32, #tpu.memory_space<vmem>> -> memref<1x128x128xf32, #tpu.memory_space<vmem>>
      %gather3A_1996 = tpu.memref_squeeze %gather3A_1995 : memref<1x128x128xf32, #tpu.memory_space<vmem>> -> memref<128x128xf32, #tpu.memory_space<vmem>>
      %gather3A_1997 = tpu.vector_load_idx %gather3A_1996[%add3A_1399, %add3A_1991] : memref<128x128xf32, #tpu.memory_space<vmem>>[vector<16xi32>, vector<16xi32>], vector<16xf32>,
      %mul3A_1998 = arith.mulf %gather3A_1988, %gather3A_1997 : vector<16xf32>
      %add3A_1999 = arith.addf %add3A_1979, %mul3A_1998 : vector<16xf32>
      %add3A_2000 = arith.constant 30 : i32
      %add3A_2001 = vector.broadcast %add3A_2000 : i32 to vector<16xi32>
      %add3A_2002 = arith.addi %shift_left3A_1386, %add3A_2001 : vector<16xi32>
      %gather3A_2003 = arith.constant 1 : i32
      %gather3A_2004 = arith.constant 0 : i32
      %gather3A_2005 = arith.constant 0 : i32
      %gather3A_2006 = tpu.memref_slice %arg11[%gather3A_2003, %gather3A_2004, %gather3A_2005] : memref<2x128x128xf32, #tpu.memory_space<vmem>> -> memref<1x128x128xf32, #tpu.memory_space<vmem>>
      %gather3A_2007 = tpu.memref_squeeze %gather3A_2006 : memref<1x128x128xf32, #tpu.memory_space<vmem>> -> memref<128x128xf32, #tpu.memory_space<vmem>>
      %gather3A_2008 = tpu.vector_load_idx %gather3A_2007[%add3A_1399, %add3A_2002] : memref<128x128xf32, #tpu.memory_space<vmem>>[vector<16xi32>, vector<16xi32>], vector<16xf32>,
      %add3A_2009 = arith.constant 30 : i32
      %add3A_2010 = vector.broadcast %add3A_2009 : i32 to vector<16xi32>
      %add3A_2011 = arith.addi %shift_left3A_1395, %add3A_2010 : vector<16xi32>
      %gather3A_2012 = arith.constant 1 : i32
      %gather3A_2013 = arith.constant 0 : i32
      %gather3A_2014 = arith.constant 0 : i32
      %gather3A_2015 = tpu.memref_slice %arg12[%gather3A_2012, %gather3A_2013, %gather3A_2014] : memref<2x128x128xf32, #tpu.memory_space<vmem>> -> memref<1x128x128xf32, #tpu.memory_space<vmem>>
      %gather3A_2016 = tpu.memref_squeeze %gather3A_2015 : memref<1x128x128xf32, #tpu.memory_space<vmem>> -> memref<128x128xf32, #tpu.memory_space<vmem>>
      %gather3A_2017 = tpu.vector_load_idx %gather3A_2016[%add3A_1399, %add3A_2011] : memref<128x128xf32, #tpu.memory_space<vmem>>[vector<16xi32>, vector<16xi32>], vector<16xf32>,
      %mul3A_2018 = arith.mulf %gather3A_2008, %gather3A_2017 : vector<16xf32>
      %add3A_2019 = arith.addf %add3A_1999, %mul3A_2018 : vector<16xf32>
      %add3A_2020 = arith.constant 31 : i32
      %add3A_2021 = vector.broadcast %add3A_2020 : i32 to vector<16xi32>
      %add3A_2022 = arith.addi %shift_left3A_1386, %add3A_2021 : vector<16xi32>
      %gather3A_2023 = arith.constant 1 : i32
      %gather3A_2024 = arith.constant 0 : i32
      %gather3A_2025 = arith.constant 0 : i32
      %gather3A_2026 = tpu.memref_slice %arg11[%gather3A_2023, %gather3A_2024, %gather3A_2025] : memref<2x128x128xf32, #tpu.memory_space<vmem>> -> memref<1x128x128xf32, #tpu.memory_space<vmem>>
      %gather3A_2027 = tpu.memref_squeeze %gather3A_2026 : memref<1x128x128xf32, #tpu.memory_space<vmem>> -> memref<128x128xf32, #tpu.memory_space<vmem>>
      %gather3A_2028 = tpu.vector_load_idx %gather3A_2027[%add3A_1399, %add3A_2022] : memref<128x128xf32, #tpu.memory_space<vmem>>[vector<16xi32>, vector<16xi32>], vector<16xf32>,
      %add3A_2029 = arith.constant 31 : i32
      %add3A_2030 = vector.broadcast %add3A_2029 : i32 to vector<16xi32>
      %add3A_2031 = arith.addi %shift_left3A_1395, %add3A_2030 : vector<16xi32>
      %gather3A_2032 = arith.constant 1 : i32
      %gather3A_2033 = arith.constant 0 : i32
      %gather3A_2034 = arith.constant 0 : i32
      %gather3A_2035 = tpu.memref_slice %arg12[%gather3A_2032, %gather3A_2033, %gather3A_2034] : memref<2x128x128xf32, #tpu.memory_space<vmem>> -> memref<1x128x128xf32, #tpu.memory_space<vmem>>
      %gather3A_2036 = tpu.memref_squeeze %gather3A_2035 : memref<1x128x128xf32, #tpu.memory_space<vmem>> -> memref<128x128xf32, #tpu.memory_space<vmem>>
      %gather3A_2037 = tpu.vector_load_idx %gather3A_2036[%add3A_1399, %add3A_2031] : memref<128x128xf32, #tpu.memory_space<vmem>>[vector<16xi32>, vector<16xi32>], vector<16xf32>,
      %mul3A_2038 = arith.mulf %gather3A_2028, %gather3A_2037 : vector<16xf32>
      %add3A_2039 = arith.addf %add3A_2019, %mul3A_2038 : vector<16xf32>
      %mul3A_2040 = arith.constant 16 : i32
      %mul3A_2041 = arith.muli %scan3A_1366, %mul3A_2040 : i32
      %add3A_2042 = arith.constant 128 : i32
      %add3A_2043 = arith.addi %add3A_2042, %mul3A_2041 : i32
      %swap3A_2044 = arith.index_cast %add3A_2043 : i32 to index
      %swap3A_2045 = tpu.vector_load %arg13[%swap3A_2044] {strides = array<i32>} : memref<512xf32, #tpu.memory_space<vmem>>, vector<16xf32>,
      tpu.vector_store %arg13[%swap3A_2044], %add3A_2039 {strides = array<i32>} : memref<512xf32, #tpu.memory_space<vmem>>, vector<16xf32>,
      %scan3A_2046 = arith.constant 0 : i32
      scf.yield %scan3A_2046 : i32
    }
    %scan3A_1279 = arith.constant 8 : i32
    %dma_start3A_1280 = arith.constant 3 : i32
    %dma_start3A_1281 = arith.constant 1 : i32
    %dma_start3A_1282 = arith.constant 0 : i32
    %dma_start3A_1283 = arith.constant 0 : i32
    %dma_start3A_1284 = tpu.memref_slice %arg11[%dma_start3A_1281, %dma_start3A_1282, %dma_start3A_1283] : memref<2x128x128xf32, #tpu.memory_space<vmem>> -> memref<1x128x128xf32, #tpu.memory_space<vmem>>
    %dma_start3A_1285 = tpu.memref_squeeze %dma_start3A_1284 : memref<1x128x128xf32, #tpu.memory_space<vmem>> -> memref<128x128xf32, #tpu.memory_space<vmem>>
    %dma_start3A_1286 = arith.constant 0 : i32
    %dma_start3A_1287 = tpu.memref_slice %arg9[%dma_start3A_1280, %dma_start3A_1286] : memref<4x128xi32, #tpu.memory_space<vmem>> -> memref<1x128xi32, #tpu.memory_space<vmem>>
    %dma_start3A_1288 = tpu.memref_squeeze %dma_start3A_1287 : memref<1x128xi32, #tpu.memory_space<vmem>> -> memref<128xi32, #tpu.memory_space<vmem>>
    %dma_start3A_1289 = arith.constant 0 : i32
    %dma_start3A_1290 = arith.constant 0 : i32
    %dma_start3A_1291 = tpu.memref_slice %arg4[%dma_start3A_1289, %dma_start3A_1290] : memref<262144x128xf32, #tpu.memory_space<hbm>> -> memref<262144x128xf32, #tpu.memory_space<hbm>>
    tpu.enqueue_indirect_dma source(%dma_start3A_1291 : memref<262144x128xf32, #tpu.memory_space<hbm>>) target(%dma_start3A_1285 : memref<128x128xf32, #tpu.memory_space<vmem>>) offsets(%dma_start3A_1288 : memref<128xi32, #tpu.memory_space<vmem>>) semaphore(%arg14 : memref<!tpu.dma_semaphore, #tpu.memory_space<semaphore_mem>>)
    %dma_start3A_1292 = arith.constant 3 : i32
    %dma_start3A_1293 = arith.constant 1 : i32
    %dma_start3A_1294 = arith.constant 0 : i32
    %dma_start3A_1295 = arith.constant 0 : i32
    %dma_start3A_1296 = tpu.memref_slice %arg12[%dma_start3A_1293, %dma_start3A_1294, %dma_start3A_1295] : memref<2x128x128xf32, #tpu.memory_space<vmem>> -> memref<1x128x128xf32, #tpu.memory_space<vmem>>
    %dma_start3A_1297 = tpu.memref_squeeze %dma_start3A_1296 : memref<1x128x128xf32, #tpu.memory_space<vmem>> -> memref<128x128xf32, #tpu.memory_space<vmem>>
    %dma_start3A_1298 = arith.constant 0 : i32
    %dma_start3A_1299 = tpu.memref_slice %arg10[%dma_start3A_1292, %dma_start3A_1298] : memref<4x128xi32, #tpu.memory_space<vmem>> -> memref<1x128xi32, #tpu.memory_space<vmem>>
    %dma_start3A_1300 = tpu.memref_squeeze %dma_start3A_1299 : memref<1x128xi32, #tpu.memory_space<vmem>> -> memref<128xi32, #tpu.memory_space<vmem>>
    %dma_start3A_1301 = arith.constant 0 : i32
    %dma_start3A_1302 = arith.constant 0 : i32
    %dma_start3A_1303 = tpu.memref_slice %arg5[%dma_start3A_1301, %dma_start3A_1302] : memref<262144x128xf32, #tpu.memory_space<hbm>> -> memref<262144x128xf32, #tpu.memory_space<hbm>>
    tpu.enqueue_indirect_dma source(%dma_start3A_1303 : memref<262144x128xf32, #tpu.memory_space<hbm>>) target(%dma_start3A_1297 : memref<128x128xf32, #tpu.memory_space<vmem>>) offsets(%dma_start3A_1300 : memref<128xi32, #tpu.memory_space<vmem>>) semaphore(%arg14 : memref<!tpu.dma_semaphore, #tpu.memory_space<semaphore_mem>>)
    %dma_wait3A_1304 = arith.constant 2 : i32
    %dma_wait3A_1305 = arith.constant 0 : i32
    %dma_wait3A_1306 = arith.constant 0 : i32
    %dma_wait3A_1307 = arith.constant 0 : i32
    %dma_wait3A_1308 = tpu.memref_slice %arg11[%dma_wait3A_1305, %dma_wait3A_1306, %dma_wait3A_1307] : memref<2x128x128xf32, #tpu.memory_space<vmem>> -> memref<1x128x128xf32, #tpu.memory_space<vmem>>
    %dma_wait3A_1309 = tpu.memref_squeeze %dma_wait3A_1308 : memref<1x128x128xf32, #tpu.memory_space<vmem>> -> memref<128x128xf32, #tpu.memory_space<vmem>>
    %dma_wait3A_1310 = arith.constant 0 : i32
    %dma_wait3A_1311 = tpu.memref_slice %arg9[%dma_wait3A_1304, %dma_wait3A_1310] : memref<4x128xi32, #tpu.memory_space<vmem>> -> memref<1x128xi32, #tpu.memory_space<vmem>>
    %dma_wait3A_1312 = tpu.memref_squeeze %dma_wait3A_1311 : memref<1x128xi32, #tpu.memory_space<vmem>> -> memref<128xi32, #tpu.memory_space<vmem>>
    %dma_wait3A_1313 = arith.constant 0 : i32
    %dma_wait3A_1314 = arith.constant 0 : i32
    %dma_wait3A_1315 = tpu.memref_slice %arg4[%dma_wait3A_1313, %dma_wait3A_1314] : memref<262144x128xf32, #tpu.memory_space<hbm>> -> memref<262144x128xf32, #tpu.memory_space<hbm>>
    tpu.wait_indirect_dma semaphore(%arg14 : memref<!tpu.dma_semaphore, #tpu.memory_space<semaphore_mem>>) src(%dma_wait3A_1315 : memref<262144x128xf32, #tpu.memory_space<hbm>>) dst(%dma_wait3A_1309 : memref<128x128xf32, #tpu.memory_space<vmem>>)
    %dma_wait3A_1316 = arith.constant 2 : i32
    %dma_wait3A_1317 = arith.constant 0 : i32
    %dma_wait3A_1318 = arith.constant 0 : i32
    %dma_wait3A_1319 = arith.constant 0 : i32
    %dma_wait3A_1320 = tpu.memref_slice %arg12[%dma_wait3A_1317, %dma_wait3A_1318, %dma_wait3A_1319] : memref<2x128x128xf32, #tpu.memory_space<vmem>> -> memref<1x128x128xf32, #tpu.memory_space<vmem>>
    %dma_wait3A_1321 = tpu.memref_squeeze %dma_wait3A_1320 : memref<1x128x128xf32, #tpu.memory_space<vmem>> -> memref<128x128xf32, #tpu.memory_space<vmem>>
    %dma_wait3A_1322 = arith.constant 0 : i32
    %dma_wait3A_1323 = tpu.memref_slice %arg10[%dma_wait3A_1316, %dma_wait3A_1322] : memref<4x128xi32, #tpu.memory_space<vmem>> -> memref<1x128xi32, #tpu.memory_space<vmem>>
    %dma_wait3A_1324 = tpu.memref_squeeze %dma_wait3A_1323 : memref<1x128xi32, #tpu.memory_space<vmem>> -> memref<128xi32, #tpu.memory_space<vmem>>
    %dma_wait3A_1325 = arith.constant 0 : i32
    %dma_wait3A_1326 = arith.constant 0 : i32
    %dma_wait3A_1327 = tpu.memref_slice %arg5[%dma_wait3A_1325, %dma_wait3A_1326] : memref<262144x128xf32, #tpu.memory_space<hbm>> -> memref<262144x128xf32, #tpu.memory_space<hbm>>
    tpu.wait_indirect_dma semaphore(%arg14 : memref<!tpu.dma_semaphore, #tpu.memory_space<semaphore_mem>>) src(%dma_wait3A_1327 : memref<262144x128xf32, #tpu.memory_space<hbm>>) dst(%dma_wait3A_1321 : memref<128x128xf32, #tpu.memory_space<vmem>>)
    %scan3A_1328 = arith.constant 0 : i32
    %scan3A_1329 = arith.constant 0 : i32
    %scan3A_1330 = arith.constant 8 : i32
    %scan3A_1331 = arith.addi %scan3A_1329, %scan3A_1330 : i32
    %scan3A_1332 = arith.constant 1 : i32
    %scan3A_1333 = scf.for %scan3A_1366 = %scan3A_1329 to %scan3A_1331 step %scan3A_1332 iter_args(%scan3A_1367 = %scan3A_1328) -> (i32)  : i32 {
      %mul3A_1368 = arith.constant 16 : i32
      %mul3A_1369 = arith.muli %scan3A_1366, %mul3A_1368 : i32
      %get3A_1370 = arith.constant 2 : i32
      %get3A_1371 = arith.index_cast %get3A_1370 : i32 to index
      %get3A_1372 = arith.index_cast %mul3A_1369 : i32 to index
      %get3A_1373 = tpu.vector_load %arg7[%get3A_1371, %get3A_1372] {strides = array<i32>} : memref<4x128xi32, #tpu.memory_space<vmem>>, vector<16xi32>,
      %get3A_1374 = arith.constant 2 : i32
      %get3A_1375 = arith.index_cast %get3A_1374 : i32 to index
      %get3A_1376 = arith.index_cast %mul3A_1369 : i32 to index
      %get3A_1377 = tpu.vector_load %arg8[%get3A_1375, %get3A_1376] {strides = array<i32>} : memref<4x128xi32, #tpu.memory_space<vmem>>, vector<16xi32>,
      %shift_right_arithmetic3A_1378 = arith.constant 14 : i32
      %shift_right_arithmetic3A_1379 = vector.broadcast %shift_right_arithmetic3A_1378 : i32 to vector<16xi32>
      %shift_right_arithmetic3A_1380 = arith.shrsi %get3A_1373, %shift_right_arithmetic3A_1379 : vector<16xi32>
      %and3A_1381 = arith.constant 3 : i32
      %and3A_1382 = vector.broadcast %and3A_1381 : i32 to vector<16xi32>
      %and3A_1383 = arith.andi %shift_right_arithmetic3A_1380, %and3A_1382 : vector<16xi32>
      %shift_left3A_1384 = arith.constant 5 : i32
      %shift_left3A_1385 = vector.broadcast %shift_left3A_1384 : i32 to vector<16xi32>
      %shift_left3A_1386 = arith.shli %and3A_1383, %shift_left3A_1385 : vector<16xi32>
      %shift_right_arithmetic3A_1387 = arith.constant 14 : i32
      %shift_right_arithmetic3A_1388 = vector.broadcast %shift_right_arithmetic3A_1387 : i32 to vector<16xi32>
      %shift_right_arithmetic3A_1389 = arith.shrsi %get3A_1377, %shift_right_arithmetic3A_1388 : vector<16xi32>
      %and3A_1390 = arith.constant 3 : i32
      %and3A_1391 = vector.broadcast %and3A_1390 : i32 to vector<16xi32>
      %and3A_1392 = arith.andi %shift_right_arithmetic3A_1389, %and3A_1391 : vector<16xi32>
      %shift_left3A_1393 = arith.constant 5 : i32
      %shift_left3A_1394 = vector.broadcast %shift_left3A_1393 : i32 to vector<16xi32>
      %shift_left3A_1395 = arith.shli %and3A_1392, %shift_left3A_1394 : vector<16xi32>
      %mul3A_1396 = arith.constant 16 : i32
      %mul3A_1397 = arith.muli %scan3A_1366, %mul3A_1396 : i32
      %iota3A = tpu.iota {dimensions = array<i32: 0>} : vector<16xi32>
      %add3A_1398 = vector.broadcast %mul3A_1397 : i32 to vector<16xi32>
      %add3A_1399 = arith.addi %add3A_1398, %iota3A : vector<16xi32>
      %broadcast_in_dim3A = arith.constant 0.000000e+00 : f32
      %broadcast_in_dim3A_1400 = vector.broadcast %broadcast_in_dim3A : f32 to vector<16xf32>
      %add3A_1401 = arith.constant 0 : i32
      %add3A_1402 = vector.broadcast %add3A_1401 : i32 to vector<16xi32>
      %add3A_1403 = arith.addi %shift_left3A_1386, %add3A_1402 : vector<16xi32>
      %gather3A = arith.constant 0 : i32
      %gather3A_1404 = arith.constant 0 : i32
      %gather3A_1405 = arith.constant 0 : i32
      %gather3A_1406 = tpu.memref_slice %arg11[%gather3A, %gather3A_1404, %gather3A_1405] : memref<2x128x128xf32, #tpu.memory_space<vmem>> -> memref<1x128x128xf32, #tpu.memory_space<vmem>>
      %gather3A_1407 = tpu.memref_squeeze %gather3A_1406 : memref<1x128x128xf32, #tpu.memory_space<vmem>> -> memref<128x128xf32, #tpu.memory_space<vmem>>
      %gather3A_1408 = tpu.vector_load_idx %gather3A_1407[%add3A_1399, %add3A_1403] : memref<128x128xf32, #tpu.memory_space<vmem>>[vector<16xi32>, vector<16xi32>], vector<16xf32>,
      %add3A_1409 = arith.constant 0 : i32
      %add3A_1410 = vector.broadcast %add3A_1409 : i32 to vector<16xi32>
      %add3A_1411 = arith.addi %shift_left3A_1395, %add3A_1410 : vector<16xi32>
      %gather3A_1412 = arith.constant 0 : i32
      %gather3A_1413 = arith.constant 0 : i32
      %gather3A_1414 = arith.constant 0 : i32
      %gather3A_1415 = tpu.memref_slice %arg12[%gather3A_1412, %gather3A_1413, %gather3A_1414] : memref<2x128x128xf32, #tpu.memory_space<vmem>> -> memref<1x128x128xf32, #tpu.memory_space<vmem>>
      %gather3A_1416 = tpu.memref_squeeze %gather3A_1415 : memref<1x128x128xf32, #tpu.memory_space<vmem>> -> memref<128x128xf32, #tpu.memory_space<vmem>>
      %gather3A_1417 = tpu.vector_load_idx %gather3A_1416[%add3A_1399, %add3A_1411] : memref<128x128xf32, #tpu.memory_space<vmem>>[vector<16xi32>, vector<16xi32>], vector<16xf32>,
      %mul3A_1418 = arith.mulf %gather3A_1408, %gather3A_1417 : vector<16xf32>
      %add3A_1419 = arith.addf %broadcast_in_dim3A_1400, %mul3A_1418 : vector<16xf32>
      %add3A_1420 = arith.constant 1 : i32
      %add3A_1421 = vector.broadcast %add3A_1420 : i32 to vector<16xi32>
      %add3A_1422 = arith.addi %shift_left3A_1386, %add3A_1421 : vector<16xi32>
      %gather3A_1423 = arith.constant 0 : i32
      %gather3A_1424 = arith.constant 0 : i32
      %gather3A_1425 = arith.constant 0 : i32
      %gather3A_1426 = tpu.memref_slice %arg11[%gather3A_1423, %gather3A_1424, %gather3A_1425] : memref<2x128x128xf32, #tpu.memory_space<vmem>> -> memref<1x128x128xf32, #tpu.memory_space<vmem>>
      %gather3A_1427 = tpu.memref_squeeze %gather3A_1426 : memref<1x128x128xf32, #tpu.memory_space<vmem>> -> memref<128x128xf32, #tpu.memory_space<vmem>>
      %gather3A_1428 = tpu.vector_load_idx %gather3A_1427[%add3A_1399, %add3A_1422] : memref<128x128xf32, #tpu.memory_space<vmem>>[vector<16xi32>, vector<16xi32>], vector<16xf32>,
      %add3A_1429 = arith.constant 1 : i32
      %add3A_1430 = vector.broadcast %add3A_1429 : i32 to vector<16xi32>
      %add3A_1431 = arith.addi %shift_left3A_1395, %add3A_1430 : vector<16xi32>
      %gather3A_1432 = arith.constant 0 : i32
      %gather3A_1433 = arith.constant 0 : i32
      %gather3A_1434 = arith.constant 0 : i32
      %gather3A_1435 = tpu.memref_slice %arg12[%gather3A_1432, %gather3A_1433, %gather3A_1434] : memref<2x128x128xf32, #tpu.memory_space<vmem>> -> memref<1x128x128xf32, #tpu.memory_space<vmem>>
      %gather3A_1436 = tpu.memref_squeeze %gather3A_1435 : memref<1x128x128xf32, #tpu.memory_space<vmem>> -> memref<128x128xf32, #tpu.memory_space<vmem>>
      %gather3A_1437 = tpu.vector_load_idx %gather3A_1436[%add3A_1399, %add3A_1431] : memref<128x128xf32, #tpu.memory_space<vmem>>[vector<16xi32>, vector<16xi32>], vector<16xf32>,
      %mul3A_1438 = arith.mulf %gather3A_1428, %gather3A_1437 : vector<16xf32>
      %add3A_1439 = arith.addf %add3A_1419, %mul3A_1438 : vector<16xf32>
      %add3A_1440 = arith.constant 2 : i32
      %add3A_1441 = vector.broadcast %add3A_1440 : i32 to vector<16xi32>
      %add3A_1442 = arith.addi %shift_left3A_1386, %add3A_1441 : vector<16xi32>
      %gather3A_1443 = arith.constant 0 : i32
      %gather3A_1444 = arith.constant 0 : i32
      %gather3A_1445 = arith.constant 0 : i32
      %gather3A_1446 = tpu.memref_slice %arg11[%gather3A_1443, %gather3A_1444, %gather3A_1445] : memref<2x128x128xf32, #tpu.memory_space<vmem>> -> memref<1x128x128xf32, #tpu.memory_space<vmem>>
      %gather3A_1447 = tpu.memref_squeeze %gather3A_1446 : memref<1x128x128xf32, #tpu.memory_space<vmem>> -> memref<128x128xf32, #tpu.memory_space<vmem>>
      %gather3A_1448 = tpu.vector_load_idx %gather3A_1447[%add3A_1399, %add3A_1442] : memref<128x128xf32, #tpu.memory_space<vmem>>[vector<16xi32>, vector<16xi32>], vector<16xf32>,
      %add3A_1449 = arith.constant 2 : i32
      %add3A_1450 = vector.broadcast %add3A_1449 : i32 to vector<16xi32>
      %add3A_1451 = arith.addi %shift_left3A_1395, %add3A_1450 : vector<16xi32>
      %gather3A_1452 = arith.constant 0 : i32
      %gather3A_1453 = arith.constant 0 : i32
      %gather3A_1454 = arith.constant 0 : i32
      %gather3A_1455 = tpu.memref_slice %arg12[%gather3A_1452, %gather3A_1453, %gather3A_1454] : memref<2x128x128xf32, #tpu.memory_space<vmem>> -> memref<1x128x128xf32, #tpu.memory_space<vmem>>
      %gather3A_1456 = tpu.memref_squeeze %gather3A_1455 : memref<1x128x128xf32, #tpu.memory_space<vmem>> -> memref<128x128xf32, #tpu.memory_space<vmem>>
      %gather3A_1457 = tpu.vector_load_idx %gather3A_1456[%add3A_1399, %add3A_1451] : memref<128x128xf32, #tpu.memory_space<vmem>>[vector<16xi32>, vector<16xi32>], vector<16xf32>,
      %mul3A_1458 = arith.mulf %gather3A_1448, %gather3A_1457 : vector<16xf32>
      %add3A_1459 = arith.addf %add3A_1439, %mul3A_1458 : vector<16xf32>
      %add3A_1460 = arith.constant 3 : i32
      %add3A_1461 = vector.broadcast %add3A_1460 : i32 to vector<16xi32>
      %add3A_1462 = arith.addi %shift_left3A_1386, %add3A_1461 : vector<16xi32>
      %gather3A_1463 = arith.constant 0 : i32
      %gather3A_1464 = arith.constant 0 : i32
      %gather3A_1465 = arith.constant 0 : i32
      %gather3A_1466 = tpu.memref_slice %arg11[%gather3A_1463, %gather3A_1464, %gather3A_1465] : memref<2x128x128xf32, #tpu.memory_space<vmem>> -> memref<1x128x128xf32, #tpu.memory_space<vmem>>
      %gather3A_1467 = tpu.memref_squeeze %gather3A_1466 : memref<1x128x128xf32, #tpu.memory_space<vmem>> -> memref<128x128xf32, #tpu.memory_space<vmem>>
      %gather3A_1468 = tpu.vector_load_idx %gather3A_1467[%add3A_1399, %add3A_1462] : memref<128x128xf32, #tpu.memory_space<vmem>>[vector<16xi32>, vector<16xi32>], vector<16xf32>,
      %add3A_1469 = arith.constant 3 : i32
      %add3A_1470 = vector.broadcast %add3A_1469 : i32 to vector<16xi32>
      %add3A_1471 = arith.addi %shift_left3A_1395, %add3A_1470 : vector<16xi32>
      %gather3A_1472 = arith.constant 0 : i32
      %gather3A_1473 = arith.constant 0 : i32
      %gather3A_1474 = arith.constant 0 : i32
      %gather3A_1475 = tpu.memref_slice %arg12[%gather3A_1472, %gather3A_1473, %gather3A_1474] : memref<2x128x128xf32, #tpu.memory_space<vmem>> -> memref<1x128x128xf32, #tpu.memory_space<vmem>>
      %gather3A_1476 = tpu.memref_squeeze %gather3A_1475 : memref<1x128x128xf32, #tpu.memory_space<vmem>> -> memref<128x128xf32, #tpu.memory_space<vmem>>
      %gather3A_1477 = tpu.vector_load_idx %gather3A_1476[%add3A_1399, %add3A_1471] : memref<128x128xf32, #tpu.memory_space<vmem>>[vector<16xi32>, vector<16xi32>], vector<16xf32>,
      %mul3A_1478 = arith.mulf %gather3A_1468, %gather3A_1477 : vector<16xf32>
      %add3A_1479 = arith.addf %add3A_1459, %mul3A_1478 : vector<16xf32>
      %add3A_1480 = arith.constant 4 : i32
      %add3A_1481 = vector.broadcast %add3A_1480 : i32 to vector<16xi32>
      %add3A_1482 = arith.addi %shift_left3A_1386, %add3A_1481 : vector<16xi32>
      %gather3A_1483 = arith.constant 0 : i32
      %gather3A_1484 = arith.constant 0 : i32
      %gather3A_1485 = arith.constant 0 : i32
      %gather3A_1486 = tpu.memref_slice %arg11[%gather3A_1483, %gather3A_1484, %gather3A_1485] : memref<2x128x128xf32, #tpu.memory_space<vmem>> -> memref<1x128x128xf32, #tpu.memory_space<vmem>>
      %gather3A_1487 = tpu.memref_squeeze %gather3A_1486 : memref<1x128x128xf32, #tpu.memory_space<vmem>> -> memref<128x128xf32, #tpu.memory_space<vmem>>
      %gather3A_1488 = tpu.vector_load_idx %gather3A_1487[%add3A_1399, %add3A_1482] : memref<128x128xf32, #tpu.memory_space<vmem>>[vector<16xi32>, vector<16xi32>], vector<16xf32>,
      %add3A_1489 = arith.constant 4 : i32
      %add3A_1490 = vector.broadcast %add3A_1489 : i32 to vector<16xi32>
      %add3A_1491 = arith.addi %shift_left3A_1395, %add3A_1490 : vector<16xi32>
      %gather3A_1492 = arith.constant 0 : i32
      %gather3A_1493 = arith.constant 0 : i32
      %gather3A_1494 = arith.constant 0 : i32
      %gather3A_1495 = tpu.memref_slice %arg12[%gather3A_1492, %gather3A_1493, %gather3A_1494] : memref<2x128x128xf32, #tpu.memory_space<vmem>> -> memref<1x128x128xf32, #tpu.memory_space<vmem>>
      %gather3A_1496 = tpu.memref_squeeze %gather3A_1495 : memref<1x128x128xf32, #tpu.memory_space<vmem>> -> memref<128x128xf32, #tpu.memory_space<vmem>>
      %gather3A_1497 = tpu.vector_load_idx %gather3A_1496[%add3A_1399, %add3A_1491] : memref<128x128xf32, #tpu.memory_space<vmem>>[vector<16xi32>, vector<16xi32>], vector<16xf32>,
      %mul3A_1498 = arith.mulf %gather3A_1488, %gather3A_1497 : vector<16xf32>
      %add3A_1499 = arith.addf %add3A_1479, %mul3A_1498 : vector<16xf32>
      %add3A_1500 = arith.constant 5 : i32
      %add3A_1501 = vector.broadcast %add3A_1500 : i32 to vector<16xi32>
      %add3A_1502 = arith.addi %shift_left3A_1386, %add3A_1501 : vector<16xi32>
      %gather3A_1503 = arith.constant 0 : i32
      %gather3A_1504 = arith.constant 0 : i32
      %gather3A_1505 = arith.constant 0 : i32
      %gather3A_1506 = tpu.memref_slice %arg11[%gather3A_1503, %gather3A_1504, %gather3A_1505] : memref<2x128x128xf32, #tpu.memory_space<vmem>> -> memref<1x128x128xf32, #tpu.memory_space<vmem>>
      %gather3A_1507 = tpu.memref_squeeze %gather3A_1506 : memref<1x128x128xf32, #tpu.memory_space<vmem>> -> memref<128x128xf32, #tpu.memory_space<vmem>>
      %gather3A_1508 = tpu.vector_load_idx %gather3A_1507[%add3A_1399, %add3A_1502] : memref<128x128xf32, #tpu.memory_space<vmem>>[vector<16xi32>, vector<16xi32>], vector<16xf32>,
      %add3A_1509 = arith.constant 5 : i32
      %add3A_1510 = vector.broadcast %add3A_1509 : i32 to vector<16xi32>
      %add3A_1511 = arith.addi %shift_left3A_1395, %add3A_1510 : vector<16xi32>
      %gather3A_1512 = arith.constant 0 : i32
      %gather3A_1513 = arith.constant 0 : i32
      %gather3A_1514 = arith.constant 0 : i32
      %gather3A_1515 = tpu.memref_slice %arg12[%gather3A_1512, %gather3A_1513, %gather3A_1514] : memref<2x128x128xf32, #tpu.memory_space<vmem>> -> memref<1x128x128xf32, #tpu.memory_space<vmem>>
      %gather3A_1516 = tpu.memref_squeeze %gather3A_1515 : memref<1x128x128xf32, #tpu.memory_space<vmem>> -> memref<128x128xf32, #tpu.memory_space<vmem>>
      %gather3A_1517 = tpu.vector_load_idx %gather3A_1516[%add3A_1399, %add3A_1511] : memref<128x128xf32, #tpu.memory_space<vmem>>[vector<16xi32>, vector<16xi32>], vector<16xf32>,
      %mul3A_1518 = arith.mulf %gather3A_1508, %gather3A_1517 : vector<16xf32>
      %add3A_1519 = arith.addf %add3A_1499, %mul3A_1518 : vector<16xf32>
      %add3A_1520 = arith.constant 6 : i32
      %add3A_1521 = vector.broadcast %add3A_1520 : i32 to vector<16xi32>
      %add3A_1522 = arith.addi %shift_left3A_1386, %add3A_1521 : vector<16xi32>
      %gather3A_1523 = arith.constant 0 : i32
      %gather3A_1524 = arith.constant 0 : i32
      %gather3A_1525 = arith.constant 0 : i32
      %gather3A_1526 = tpu.memref_slice %arg11[%gather3A_1523, %gather3A_1524, %gather3A_1525] : memref<2x128x128xf32, #tpu.memory_space<vmem>> -> memref<1x128x128xf32, #tpu.memory_space<vmem>>
      %gather3A_1527 = tpu.memref_squeeze %gather3A_1526 : memref<1x128x128xf32, #tpu.memory_space<vmem>> -> memref<128x128xf32, #tpu.memory_space<vmem>>
      %gather3A_1528 = tpu.vector_load_idx %gather3A_1527[%add3A_1399, %add3A_1522] : memref<128x128xf32, #tpu.memory_space<vmem>>[vector<16xi32>, vector<16xi32>], vector<16xf32>,
      %add3A_1529 = arith.constant 6 : i32
      %add3A_1530 = vector.broadcast %add3A_1529 : i32 to vector<16xi32>
      %add3A_1531 = arith.addi %shift_left3A_1395, %add3A_1530 : vector<16xi32>
      %gather3A_1532 = arith.constant 0 : i32
      %gather3A_1533 = arith.constant 0 : i32
      %gather3A_1534 = arith.constant 0 : i32
      %gather3A_1535 = tpu.memref_slice %arg12[%gather3A_1532, %gather3A_1533, %gather3A_1534] : memref<2x128x128xf32, #tpu.memory_space<vmem>> -> memref<1x128x128xf32, #tpu.memory_space<vmem>>
      %gather3A_1536 = tpu.memref_squeeze %gather3A_1535 : memref<1x128x128xf32, #tpu.memory_space<vmem>> -> memref<128x128xf32, #tpu.memory_space<vmem>>
      %gather3A_1537 = tpu.vector_load_idx %gather3A_1536[%add3A_1399, %add3A_1531] : memref<128x128xf32, #tpu.memory_space<vmem>>[vector<16xi32>, vector<16xi32>], vector<16xf32>,
      %mul3A_1538 = arith.mulf %gather3A_1528, %gather3A_1537 : vector<16xf32>
      %add3A_1539 = arith.addf %add3A_1519, %mul3A_1538 : vector<16xf32>
      %add3A_1540 = arith.constant 7 : i32
      %add3A_1541 = vector.broadcast %add3A_1540 : i32 to vector<16xi32>
      %add3A_1542 = arith.addi %shift_left3A_1386, %add3A_1541 : vector<16xi32>
      %gather3A_1543 = arith.constant 0 : i32
      %gather3A_1544 = arith.constant 0 : i32
      %gather3A_1545 = arith.constant 0 : i32
      %gather3A_1546 = tpu.memref_slice %arg11[%gather3A_1543, %gather3A_1544, %gather3A_1545] : memref<2x128x128xf32, #tpu.memory_space<vmem>> -> memref<1x128x128xf32, #tpu.memory_space<vmem>>
      %gather3A_1547 = tpu.memref_squeeze %gather3A_1546 : memref<1x128x128xf32, #tpu.memory_space<vmem>> -> memref<128x128xf32, #tpu.memory_space<vmem>>
      %gather3A_1548 = tpu.vector_load_idx %gather3A_1547[%add3A_1399, %add3A_1542] : memref<128x128xf32, #tpu.memory_space<vmem>>[vector<16xi32>, vector<16xi32>], vector<16xf32>,
      %add3A_1549 = arith.constant 7 : i32
      %add3A_1550 = vector.broadcast %add3A_1549 : i32 to vector<16xi32>
      %add3A_1551 = arith.addi %shift_left3A_1395, %add3A_1550 : vector<16xi32>
      %gather3A_1552 = arith.constant 0 : i32
      %gather3A_1553 = arith.constant 0 : i32
      %gather3A_1554 = arith.constant 0 : i32
      %gather3A_1555 = tpu.memref_slice %arg12[%gather3A_1552, %gather3A_1553, %gather3A_1554] : memref<2x128x128xf32, #tpu.memory_space<vmem>> -> memref<1x128x128xf32, #tpu.memory_space<vmem>>
      %gather3A_1556 = tpu.memref_squeeze %gather3A_1555 : memref<1x128x128xf32, #tpu.memory_space<vmem>> -> memref<128x128xf32, #tpu.memory_space<vmem>>
      %gather3A_1557 = tpu.vector_load_idx %gather3A_1556[%add3A_1399, %add3A_1551] : memref<128x128xf32, #tpu.memory_space<vmem>>[vector<16xi32>, vector<16xi32>], vector<16xf32>,
      %mul3A_1558 = arith.mulf %gather3A_1548, %gather3A_1557 : vector<16xf32>
      %add3A_1559 = arith.addf %add3A_1539, %mul3A_1558 : vector<16xf32>
      %add3A_1560 = arith.constant 8 : i32
      %add3A_1561 = vector.broadcast %add3A_1560 : i32 to vector<16xi32>
      %add3A_1562 = arith.addi %shift_left3A_1386, %add3A_1561 : vector<16xi32>
      %gather3A_1563 = arith.constant 0 : i32
      %gather3A_1564 = arith.constant 0 : i32
      %gather3A_1565 = arith.constant 0 : i32
      %gather3A_1566 = tpu.memref_slice %arg11[%gather3A_1563, %gather3A_1564, %gather3A_1565] : memref<2x128x128xf32, #tpu.memory_space<vmem>> -> memref<1x128x128xf32, #tpu.memory_space<vmem>>
      %gather3A_1567 = tpu.memref_squeeze %gather3A_1566 : memref<1x128x128xf32, #tpu.memory_space<vmem>> -> memref<128x128xf32, #tpu.memory_space<vmem>>
      %gather3A_1568 = tpu.vector_load_idx %gather3A_1567[%add3A_1399, %add3A_1562] : memref<128x128xf32, #tpu.memory_space<vmem>>[vector<16xi32>, vector<16xi32>], vector<16xf32>,
      %add3A_1569 = arith.constant 8 : i32
      %add3A_1570 = vector.broadcast %add3A_1569 : i32 to vector<16xi32>
      %add3A_1571 = arith.addi %shift_left3A_1395, %add3A_1570 : vector<16xi32>
      %gather3A_1572 = arith.constant 0 : i32
      %gather3A_1573 = arith.constant 0 : i32
      %gather3A_1574 = arith.constant 0 : i32
      %gather3A_1575 = tpu.memref_slice %arg12[%gather3A_1572, %gather3A_1573, %gather3A_1574] : memref<2x128x128xf32, #tpu.memory_space<vmem>> -> memref<1x128x128xf32, #tpu.memory_space<vmem>>
      %gather3A_1576 = tpu.memref_squeeze %gather3A_1575 : memref<1x128x128xf32, #tpu.memory_space<vmem>> -> memref<128x128xf32, #tpu.memory_space<vmem>>
      %gather3A_1577 = tpu.vector_load_idx %gather3A_1576[%add3A_1399, %add3A_1571] : memref<128x128xf32, #tpu.memory_space<vmem>>[vector<16xi32>, vector<16xi32>], vector<16xf32>,
      %mul3A_1578 = arith.mulf %gather3A_1568, %gather3A_1577 : vector<16xf32>
      %add3A_1579 = arith.addf %add3A_1559, %mul3A_1578 : vector<16xf32>
      %add3A_1580 = arith.constant 9 : i32
      %add3A_1581 = vector.broadcast %add3A_1580 : i32 to vector<16xi32>
      %add3A_1582 = arith.addi %shift_left3A_1386, %add3A_1581 : vector<16xi32>
      %gather3A_1583 = arith.constant 0 : i32
      %gather3A_1584 = arith.constant 0 : i32
      %gather3A_1585 = arith.constant 0 : i32
      %gather3A_1586 = tpu.memref_slice %arg11[%gather3A_1583, %gather3A_1584, %gather3A_1585] : memref<2x128x128xf32, #tpu.memory_space<vmem>> -> memref<1x128x128xf32, #tpu.memory_space<vmem>>
      %gather3A_1587 = tpu.memref_squeeze %gather3A_1586 : memref<1x128x128xf32, #tpu.memory_space<vmem>> -> memref<128x128xf32, #tpu.memory_space<vmem>>
      %gather3A_1588 = tpu.vector_load_idx %gather3A_1587[%add3A_1399, %add3A_1582] : memref<128x128xf32, #tpu.memory_space<vmem>>[vector<16xi32>, vector<16xi32>], vector<16xf32>,
      %add3A_1589 = arith.constant 9 : i32
      %add3A_1590 = vector.broadcast %add3A_1589 : i32 to vector<16xi32>
      %add3A_1591 = arith.addi %shift_left3A_1395, %add3A_1590 : vector<16xi32>
      %gather3A_1592 = arith.constant 0 : i32
      %gather3A_1593 = arith.constant 0 : i32
      %gather3A_1594 = arith.constant 0 : i32
      %gather3A_1595 = tpu.memref_slice %arg12[%gather3A_1592, %gather3A_1593, %gather3A_1594] : memref<2x128x128xf32, #tpu.memory_space<vmem>> -> memref<1x128x128xf32, #tpu.memory_space<vmem>>
      %gather3A_1596 = tpu.memref_squeeze %gather3A_1595 : memref<1x128x128xf32, #tpu.memory_space<vmem>> -> memref<128x128xf32, #tpu.memory_space<vmem>>
      %gather3A_1597 = tpu.vector_load_idx %gather3A_1596[%add3A_1399, %add3A_1591] : memref<128x128xf32, #tpu.memory_space<vmem>>[vector<16xi32>, vector<16xi32>], vector<16xf32>,
      %mul3A_1598 = arith.mulf %gather3A_1588, %gather3A_1597 : vector<16xf32>
      %add3A_1599 = arith.addf %add3A_1579, %mul3A_1598 : vector<16xf32>
      %add3A_1600 = arith.constant 10 : i32
      %add3A_1601 = vector.broadcast %add3A_1600 : i32 to vector<16xi32>
      %add3A_1602 = arith.addi %shift_left3A_1386, %add3A_1601 : vector<16xi32>
      %gather3A_1603 = arith.constant 0 : i32
      %gather3A_1604 = arith.constant 0 : i32
      %gather3A_1605 = arith.constant 0 : i32
      %gather3A_1606 = tpu.memref_slice %arg11[%gather3A_1603, %gather3A_1604, %gather3A_1605] : memref<2x128x128xf32, #tpu.memory_space<vmem>> -> memref<1x128x128xf32, #tpu.memory_space<vmem>>
      %gather3A_1607 = tpu.memref_squeeze %gather3A_1606 : memref<1x128x128xf32, #tpu.memory_space<vmem>> -> memref<128x128xf32, #tpu.memory_space<vmem>>
      %gather3A_1608 = tpu.vector_load_idx %gather3A_1607[%add3A_1399, %add3A_1602] : memref<128x128xf32, #tpu.memory_space<vmem>>[vector<16xi32>, vector<16xi32>], vector<16xf32>,
      %add3A_1609 = arith.constant 10 : i32
      %add3A_1610 = vector.broadcast %add3A_1609 : i32 to vector<16xi32>
      %add3A_1611 = arith.addi %shift_left3A_1395, %add3A_1610 : vector<16xi32>
      %gather3A_1612 = arith.constant 0 : i32
      %gather3A_1613 = arith.constant 0 : i32
      %gather3A_1614 = arith.constant 0 : i32
      %gather3A_1615 = tpu.memref_slice %arg12[%gather3A_1612, %gather3A_1613, %gather3A_1614] : memref<2x128x128xf32, #tpu.memory_space<vmem>> -> memref<1x128x128xf32, #tpu.memory_space<vmem>>
      %gather3A_1616 = tpu.memref_squeeze %gather3A_1615 : memref<1x128x128xf32, #tpu.memory_space<vmem>> -> memref<128x128xf32, #tpu.memory_space<vmem>>
      %gather3A_1617 = tpu.vector_load_idx %gather3A_1616[%add3A_1399, %add3A_1611] : memref<128x128xf32, #tpu.memory_space<vmem>>[vector<16xi32>, vector<16xi32>], vector<16xf32>,
      %mul3A_1618 = arith.mulf %gather3A_1608, %gather3A_1617 : vector<16xf32>
      %add3A_1619 = arith.addf %add3A_1599, %mul3A_1618 : vector<16xf32>
      %add3A_1620 = arith.constant 11 : i32
      %add3A_1621 = vector.broadcast %add3A_1620 : i32 to vector<16xi32>
      %add3A_1622 = arith.addi %shift_left3A_1386, %add3A_1621 : vector<16xi32>
      %gather3A_1623 = arith.constant 0 : i32
      %gather3A_1624 = arith.constant 0 : i32
      %gather3A_1625 = arith.constant 0 : i32
      %gather3A_1626 = tpu.memref_slice %arg11[%gather3A_1623, %gather3A_1624, %gather3A_1625] : memref<2x128x128xf32, #tpu.memory_space<vmem>> -> memref<1x128x128xf32, #tpu.memory_space<vmem>>
      %gather3A_1627 = tpu.memref_squeeze %gather3A_1626 : memref<1x128x128xf32, #tpu.memory_space<vmem>> -> memref<128x128xf32, #tpu.memory_space<vmem>>
      %gather3A_1628 = tpu.vector_load_idx %gather3A_1627[%add3A_1399, %add3A_1622] : memref<128x128xf32, #tpu.memory_space<vmem>>[vector<16xi32>, vector<16xi32>], vector<16xf32>,
      %add3A_1629 = arith.constant 11 : i32
      %add3A_1630 = vector.broadcast %add3A_1629 : i32 to vector<16xi32>
      %add3A_1631 = arith.addi %shift_left3A_1395, %add3A_1630 : vector<16xi32>
      %gather3A_1632 = arith.constant 0 : i32
      %gather3A_1633 = arith.constant 0 : i32
      %gather3A_1634 = arith.constant 0 : i32
      %gather3A_1635 = tpu.memref_slice %arg12[%gather3A_1632, %gather3A_1633, %gather3A_1634] : memref<2x128x128xf32, #tpu.memory_space<vmem>> -> memref<1x128x128xf32, #tpu.memory_space<vmem>>
      %gather3A_1636 = tpu.memref_squeeze %gather3A_1635 : memref<1x128x128xf32, #tpu.memory_space<vmem>> -> memref<128x128xf32, #tpu.memory_space<vmem>>
      %gather3A_1637 = tpu.vector_load_idx %gather3A_1636[%add3A_1399, %add3A_1631] : memref<128x128xf32, #tpu.memory_space<vmem>>[vector<16xi32>, vector<16xi32>], vector<16xf32>,
      %mul3A_1638 = arith.mulf %gather3A_1628, %gather3A_1637 : vector<16xf32>
      %add3A_1639 = arith.addf %add3A_1619, %mul3A_1638 : vector<16xf32>
      %add3A_1640 = arith.constant 12 : i32
      %add3A_1641 = vector.broadcast %add3A_1640 : i32 to vector<16xi32>
      %add3A_1642 = arith.addi %shift_left3A_1386, %add3A_1641 : vector<16xi32>
      %gather3A_1643 = arith.constant 0 : i32
      %gather3A_1644 = arith.constant 0 : i32
      %gather3A_1645 = arith.constant 0 : i32
      %gather3A_1646 = tpu.memref_slice %arg11[%gather3A_1643, %gather3A_1644, %gather3A_1645] : memref<2x128x128xf32, #tpu.memory_space<vmem>> -> memref<1x128x128xf32, #tpu.memory_space<vmem>>
      %gather3A_1647 = tpu.memref_squeeze %gather3A_1646 : memref<1x128x128xf32, #tpu.memory_space<vmem>> -> memref<128x128xf32, #tpu.memory_space<vmem>>
      %gather3A_1648 = tpu.vector_load_idx %gather3A_1647[%add3A_1399, %add3A_1642] : memref<128x128xf32, #tpu.memory_space<vmem>>[vector<16xi32>, vector<16xi32>], vector<16xf32>,
      %add3A_1649 = arith.constant 12 : i32
      %add3A_1650 = vector.broadcast %add3A_1649 : i32 to vector<16xi32>
      %add3A_1651 = arith.addi %shift_left3A_1395, %add3A_1650 : vector<16xi32>
      %gather3A_1652 = arith.constant 0 : i32
      %gather3A_1653 = arith.constant 0 : i32
      %gather3A_1654 = arith.constant 0 : i32
      %gather3A_1655 = tpu.memref_slice %arg12[%gather3A_1652, %gather3A_1653, %gather3A_1654] : memref<2x128x128xf32, #tpu.memory_space<vmem>> -> memref<1x128x128xf32, #tpu.memory_space<vmem>>
      %gather3A_1656 = tpu.memref_squeeze %gather3A_1655 : memref<1x128x128xf32, #tpu.memory_space<vmem>> -> memref<128x128xf32, #tpu.memory_space<vmem>>
      %gather3A_1657 = tpu.vector_load_idx %gather3A_1656[%add3A_1399, %add3A_1651] : memref<128x128xf32, #tpu.memory_space<vmem>>[vector<16xi32>, vector<16xi32>], vector<16xf32>,
      %mul3A_1658 = arith.mulf %gather3A_1648, %gather3A_1657 : vector<16xf32>
      %add3A_1659 = arith.addf %add3A_1639, %mul3A_1658 : vector<16xf32>
      %add3A_1660 = arith.constant 13 : i32
      %add3A_1661 = vector.broadcast %add3A_1660 : i32 to vector<16xi32>
      %add3A_1662 = arith.addi %shift_left3A_1386, %add3A_1661 : vector<16xi32>
      %gather3A_1663 = arith.constant 0 : i32
      %gather3A_1664 = arith.constant 0 : i32
      %gather3A_1665 = arith.constant 0 : i32
      %gather3A_1666 = tpu.memref_slice %arg11[%gather3A_1663, %gather3A_1664, %gather3A_1665] : memref<2x128x128xf32, #tpu.memory_space<vmem>> -> memref<1x128x128xf32, #tpu.memory_space<vmem>>
      %gather3A_1667 = tpu.memref_squeeze %gather3A_1666 : memref<1x128x128xf32, #tpu.memory_space<vmem>> -> memref<128x128xf32, #tpu.memory_space<vmem>>
      %gather3A_1668 = tpu.vector_load_idx %gather3A_1667[%add3A_1399, %add3A_1662] : memref<128x128xf32, #tpu.memory_space<vmem>>[vector<16xi32>, vector<16xi32>], vector<16xf32>,
      %add3A_1669 = arith.constant 13 : i32
      %add3A_1670 = vector.broadcast %add3A_1669 : i32 to vector<16xi32>
      %add3A_1671 = arith.addi %shift_left3A_1395, %add3A_1670 : vector<16xi32>
      %gather3A_1672 = arith.constant 0 : i32
      %gather3A_1673 = arith.constant 0 : i32
      %gather3A_1674 = arith.constant 0 : i32
      %gather3A_1675 = tpu.memref_slice %arg12[%gather3A_1672, %gather3A_1673, %gather3A_1674] : memref<2x128x128xf32, #tpu.memory_space<vmem>> -> memref<1x128x128xf32, #tpu.memory_space<vmem>>
      %gather3A_1676 = tpu.memref_squeeze %gather3A_1675 : memref<1x128x128xf32, #tpu.memory_space<vmem>> -> memref<128x128xf32, #tpu.memory_space<vmem>>
      %gather3A_1677 = tpu.vector_load_idx %gather3A_1676[%add3A_1399, %add3A_1671] : memref<128x128xf32, #tpu.memory_space<vmem>>[vector<16xi32>, vector<16xi32>], vector<16xf32>,
      %mul3A_1678 = arith.mulf %gather3A_1668, %gather3A_1677 : vector<16xf32>
      %add3A_1679 = arith.addf %add3A_1659, %mul3A_1678 : vector<16xf32>
      %add3A_1680 = arith.constant 14 : i32
      %add3A_1681 = vector.broadcast %add3A_1680 : i32 to vector<16xi32>
      %add3A_1682 = arith.addi %shift_left3A_1386, %add3A_1681 : vector<16xi32>
      %gather3A_1683 = arith.constant 0 : i32
      %gather3A_1684 = arith.constant 0 : i32
      %gather3A_1685 = arith.constant 0 : i32
      %gather3A_1686 = tpu.memref_slice %arg11[%gather3A_1683, %gather3A_1684, %gather3A_1685] : memref<2x128x128xf32, #tpu.memory_space<vmem>> -> memref<1x128x128xf32, #tpu.memory_space<vmem>>
      %gather3A_1687 = tpu.memref_squeeze %gather3A_1686 : memref<1x128x128xf32, #tpu.memory_space<vmem>> -> memref<128x128xf32, #tpu.memory_space<vmem>>
      %gather3A_1688 = tpu.vector_load_idx %gather3A_1687[%add3A_1399, %add3A_1682] : memref<128x128xf32, #tpu.memory_space<vmem>>[vector<16xi32>, vector<16xi32>], vector<16xf32>,
      %add3A_1689 = arith.constant 14 : i32
      %add3A_1690 = vector.broadcast %add3A_1689 : i32 to vector<16xi32>
      %add3A_1691 = arith.addi %shift_left3A_1395, %add3A_1690 : vector<16xi32>
      %gather3A_1692 = arith.constant 0 : i32
      %gather3A_1693 = arith.constant 0 : i32
      %gather3A_1694 = arith.constant 0 : i32
      %gather3A_1695 = tpu.memref_slice %arg12[%gather3A_1692, %gather3A_1693, %gather3A_1694] : memref<2x128x128xf32, #tpu.memory_space<vmem>> -> memref<1x128x128xf32, #tpu.memory_space<vmem>>
      %gather3A_1696 = tpu.memref_squeeze %gather3A_1695 : memref<1x128x128xf32, #tpu.memory_space<vmem>> -> memref<128x128xf32, #tpu.memory_space<vmem>>
      %gather3A_1697 = tpu.vector_load_idx %gather3A_1696[%add3A_1399, %add3A_1691] : memref<128x128xf32, #tpu.memory_space<vmem>>[vector<16xi32>, vector<16xi32>], vector<16xf32>,
      %mul3A_1698 = arith.mulf %gather3A_1688, %gather3A_1697 : vector<16xf32>
      %add3A_1699 = arith.addf %add3A_1679, %mul3A_1698 : vector<16xf32>
      %add3A_1700 = arith.constant 15 : i32
      %add3A_1701 = vector.broadcast %add3A_1700 : i32 to vector<16xi32>
      %add3A_1702 = arith.addi %shift_left3A_1386, %add3A_1701 : vector<16xi32>
      %gather3A_1703 = arith.constant 0 : i32
      %gather3A_1704 = arith.constant 0 : i32
      %gather3A_1705 = arith.constant 0 : i32
      %gather3A_1706 = tpu.memref_slice %arg11[%gather3A_1703, %gather3A_1704, %gather3A_1705] : memref<2x128x128xf32, #tpu.memory_space<vmem>> -> memref<1x128x128xf32, #tpu.memory_space<vmem>>
      %gather3A_1707 = tpu.memref_squeeze %gather3A_1706 : memref<1x128x128xf32, #tpu.memory_space<vmem>> -> memref<128x128xf32, #tpu.memory_space<vmem>>
      %gather3A_1708 = tpu.vector_load_idx %gather3A_1707[%add3A_1399, %add3A_1702] : memref<128x128xf32, #tpu.memory_space<vmem>>[vector<16xi32>, vector<16xi32>], vector<16xf32>,
      %add3A_1709 = arith.constant 15 : i32
      %add3A_1710 = vector.broadcast %add3A_1709 : i32 to vector<16xi32>
      %add3A_1711 = arith.addi %shift_left3A_1395, %add3A_1710 : vector<16xi32>
      %gather3A_1712 = arith.constant 0 : i32
      %gather3A_1713 = arith.constant 0 : i32
      %gather3A_1714 = arith.constant 0 : i32
      %gather3A_1715 = tpu.memref_slice %arg12[%gather3A_1712, %gather3A_1713, %gather3A_1714] : memref<2x128x128xf32, #tpu.memory_space<vmem>> -> memref<1x128x128xf32, #tpu.memory_space<vmem>>
      %gather3A_1716 = tpu.memref_squeeze %gather3A_1715 : memref<1x128x128xf32, #tpu.memory_space<vmem>> -> memref<128x128xf32, #tpu.memory_space<vmem>>
      %gather3A_1717 = tpu.vector_load_idx %gather3A_1716[%add3A_1399, %add3A_1711] : memref<128x128xf32, #tpu.memory_space<vmem>>[vector<16xi32>, vector<16xi32>], vector<16xf32>,
      %mul3A_1718 = arith.mulf %gather3A_1708, %gather3A_1717 : vector<16xf32>
      %add3A_1719 = arith.addf %add3A_1699, %mul3A_1718 : vector<16xf32>
      %add3A_1720 = arith.constant 16 : i32
      %add3A_1721 = vector.broadcast %add3A_1720 : i32 to vector<16xi32>
      %add3A_1722 = arith.addi %shift_left3A_1386, %add3A_1721 : vector<16xi32>
      %gather3A_1723 = arith.constant 0 : i32
      %gather3A_1724 = arith.constant 0 : i32
      %gather3A_1725 = arith.constant 0 : i32
      %gather3A_1726 = tpu.memref_slice %arg11[%gather3A_1723, %gather3A_1724, %gather3A_1725] : memref<2x128x128xf32, #tpu.memory_space<vmem>> -> memref<1x128x128xf32, #tpu.memory_space<vmem>>
      %gather3A_1727 = tpu.memref_squeeze %gather3A_1726 : memref<1x128x128xf32, #tpu.memory_space<vmem>> -> memref<128x128xf32, #tpu.memory_space<vmem>>
      %gather3A_1728 = tpu.vector_load_idx %gather3A_1727[%add3A_1399, %add3A_1722] : memref<128x128xf32, #tpu.memory_space<vmem>>[vector<16xi32>, vector<16xi32>], vector<16xf32>,
      %add3A_1729 = arith.constant 16 : i32
      %add3A_1730 = vector.broadcast %add3A_1729 : i32 to vector<16xi32>
      %add3A_1731 = arith.addi %shift_left3A_1395, %add3A_1730 : vector<16xi32>
      %gather3A_1732 = arith.constant 0 : i32
      %gather3A_1733 = arith.constant 0 : i32
      %gather3A_1734 = arith.constant 0 : i32
      %gather3A_1735 = tpu.memref_slice %arg12[%gather3A_1732, %gather3A_1733, %gather3A_1734] : memref<2x128x128xf32, #tpu.memory_space<vmem>> -> memref<1x128x128xf32, #tpu.memory_space<vmem>>
      %gather3A_1736 = tpu.memref_squeeze %gather3A_1735 : memref<1x128x128xf32, #tpu.memory_space<vmem>> -> memref<128x128xf32, #tpu.memory_space<vmem>>
      %gather3A_1737 = tpu.vector_load_idx %gather3A_1736[%add3A_1399, %add3A_1731] : memref<128x128xf32, #tpu.memory_space<vmem>>[vector<16xi32>, vector<16xi32>], vector<16xf32>,
      %mul3A_1738 = arith.mulf %gather3A_1728, %gather3A_1737 : vector<16xf32>
      %add3A_1739 = arith.addf %add3A_1719, %mul3A_1738 : vector<16xf32>
      %add3A_1740 = arith.constant 17 : i32
      %add3A_1741 = vector.broadcast %add3A_1740 : i32 to vector<16xi32>
      %add3A_1742 = arith.addi %shift_left3A_1386, %add3A_1741 : vector<16xi32>
      %gather3A_1743 = arith.constant 0 : i32
      %gather3A_1744 = arith.constant 0 : i32
      %gather3A_1745 = arith.constant 0 : i32
      %gather3A_1746 = tpu.memref_slice %arg11[%gather3A_1743, %gather3A_1744, %gather3A_1745] : memref<2x128x128xf32, #tpu.memory_space<vmem>> -> memref<1x128x128xf32, #tpu.memory_space<vmem>>
      %gather3A_1747 = tpu.memref_squeeze %gather3A_1746 : memref<1x128x128xf32, #tpu.memory_space<vmem>> -> memref<128x128xf32, #tpu.memory_space<vmem>>
      %gather3A_1748 = tpu.vector_load_idx %gather3A_1747[%add3A_1399, %add3A_1742] : memref<128x128xf32, #tpu.memory_space<vmem>>[vector<16xi32>, vector<16xi32>], vector<16xf32>,
      %add3A_1749 = arith.constant 17 : i32
      %add3A_1750 = vector.broadcast %add3A_1749 : i32 to vector<16xi32>
      %add3A_1751 = arith.addi %shift_left3A_1395, %add3A_1750 : vector<16xi32>
      %gather3A_1752 = arith.constant 0 : i32
      %gather3A_1753 = arith.constant 0 : i32
      %gather3A_1754 = arith.constant 0 : i32
      %gather3A_1755 = tpu.memref_slice %arg12[%gather3A_1752, %gather3A_1753, %gather3A_1754] : memref<2x128x128xf32, #tpu.memory_space<vmem>> -> memref<1x128x128xf32, #tpu.memory_space<vmem>>
      %gather3A_1756 = tpu.memref_squeeze %gather3A_1755 : memref<1x128x128xf32, #tpu.memory_space<vmem>> -> memref<128x128xf32, #tpu.memory_space<vmem>>
      %gather3A_1757 = tpu.vector_load_idx %gather3A_1756[%add3A_1399, %add3A_1751] : memref<128x128xf32, #tpu.memory_space<vmem>>[vector<16xi32>, vector<16xi32>], vector<16xf32>,
      %mul3A_1758 = arith.mulf %gather3A_1748, %gather3A_1757 : vector<16xf32>
      %add3A_1759 = arith.addf %add3A_1739, %mul3A_1758 : vector<16xf32>
      %add3A_1760 = arith.constant 18 : i32
      %add3A_1761 = vector.broadcast %add3A_1760 : i32 to vector<16xi32>
      %add3A_1762 = arith.addi %shift_left3A_1386, %add3A_1761 : vector<16xi32>
      %gather3A_1763 = arith.constant 0 : i32
      %gather3A_1764 = arith.constant 0 : i32
      %gather3A_1765 = arith.constant 0 : i32
      %gather3A_1766 = tpu.memref_slice %arg11[%gather3A_1763, %gather3A_1764, %gather3A_1765] : memref<2x128x128xf32, #tpu.memory_space<vmem>> -> memref<1x128x128xf32, #tpu.memory_space<vmem>>
      %gather3A_1767 = tpu.memref_squeeze %gather3A_1766 : memref<1x128x128xf32, #tpu.memory_space<vmem>> -> memref<128x128xf32, #tpu.memory_space<vmem>>
      %gather3A_1768 = tpu.vector_load_idx %gather3A_1767[%add3A_1399, %add3A_1762] : memref<128x128xf32, #tpu.memory_space<vmem>>[vector<16xi32>, vector<16xi32>], vector<16xf32>,
      %add3A_1769 = arith.constant 18 : i32
      %add3A_1770 = vector.broadcast %add3A_1769 : i32 to vector<16xi32>
      %add3A_1771 = arith.addi %shift_left3A_1395, %add3A_1770 : vector<16xi32>
      %gather3A_1772 = arith.constant 0 : i32
      %gather3A_1773 = arith.constant 0 : i32
      %gather3A_1774 = arith.constant 0 : i32
      %gather3A_1775 = tpu.memref_slice %arg12[%gather3A_1772, %gather3A_1773, %gather3A_1774] : memref<2x128x128xf32, #tpu.memory_space<vmem>> -> memref<1x128x128xf32, #tpu.memory_space<vmem>>
      %gather3A_1776 = tpu.memref_squeeze %gather3A_1775 : memref<1x128x128xf32, #tpu.memory_space<vmem>> -> memref<128x128xf32, #tpu.memory_space<vmem>>
      %gather3A_1777 = tpu.vector_load_idx %gather3A_1776[%add3A_1399, %add3A_1771] : memref<128x128xf32, #tpu.memory_space<vmem>>[vector<16xi32>, vector<16xi32>], vector<16xf32>,
      %mul3A_1778 = arith.mulf %gather3A_1768, %gather3A_1777 : vector<16xf32>
      %add3A_1779 = arith.addf %add3A_1759, %mul3A_1778 : vector<16xf32>
      %add3A_1780 = arith.constant 19 : i32
      %add3A_1781 = vector.broadcast %add3A_1780 : i32 to vector<16xi32>
      %add3A_1782 = arith.addi %shift_left3A_1386, %add3A_1781 : vector<16xi32>
      %gather3A_1783 = arith.constant 0 : i32
      %gather3A_1784 = arith.constant 0 : i32
      %gather3A_1785 = arith.constant 0 : i32
      %gather3A_1786 = tpu.memref_slice %arg11[%gather3A_1783, %gather3A_1784, %gather3A_1785] : memref<2x128x128xf32, #tpu.memory_space<vmem>> -> memref<1x128x128xf32, #tpu.memory_space<vmem>>
      %gather3A_1787 = tpu.memref_squeeze %gather3A_1786 : memref<1x128x128xf32, #tpu.memory_space<vmem>> -> memref<128x128xf32, #tpu.memory_space<vmem>>
      %gather3A_1788 = tpu.vector_load_idx %gather3A_1787[%add3A_1399, %add3A_1782] : memref<128x128xf32, #tpu.memory_space<vmem>>[vector<16xi32>, vector<16xi32>], vector<16xf32>,
      %add3A_1789 = arith.constant 19 : i32
      %add3A_1790 = vector.broadcast %add3A_1789 : i32 to vector<16xi32>
      %add3A_1791 = arith.addi %shift_left3A_1395, %add3A_1790 : vector<16xi32>
      %gather3A_1792 = arith.constant 0 : i32
      %gather3A_1793 = arith.constant 0 : i32
      %gather3A_1794 = arith.constant 0 : i32
      %gather3A_1795 = tpu.memref_slice %arg12[%gather3A_1792, %gather3A_1793, %gather3A_1794] : memref<2x128x128xf32, #tpu.memory_space<vmem>> -> memref<1x128x128xf32, #tpu.memory_space<vmem>>
      %gather3A_1796 = tpu.memref_squeeze %gather3A_1795 : memref<1x128x128xf32, #tpu.memory_space<vmem>> -> memref<128x128xf32, #tpu.memory_space<vmem>>
      %gather3A_1797 = tpu.vector_load_idx %gather3A_1796[%add3A_1399, %add3A_1791] : memref<128x128xf32, #tpu.memory_space<vmem>>[vector<16xi32>, vector<16xi32>], vector<16xf32>,
      %mul3A_1798 = arith.mulf %gather3A_1788, %gather3A_1797 : vector<16xf32>
      %add3A_1799 = arith.addf %add3A_1779, %mul3A_1798 : vector<16xf32>
      %add3A_1800 = arith.constant 20 : i32
      %add3A_1801 = vector.broadcast %add3A_1800 : i32 to vector<16xi32>
      %add3A_1802 = arith.addi %shift_left3A_1386, %add3A_1801 : vector<16xi32>
      %gather3A_1803 = arith.constant 0 : i32
      %gather3A_1804 = arith.constant 0 : i32
      %gather3A_1805 = arith.constant 0 : i32
      %gather3A_1806 = tpu.memref_slice %arg11[%gather3A_1803, %gather3A_1804, %gather3A_1805] : memref<2x128x128xf32, #tpu.memory_space<vmem>> -> memref<1x128x128xf32, #tpu.memory_space<vmem>>
      %gather3A_1807 = tpu.memref_squeeze %gather3A_1806 : memref<1x128x128xf32, #tpu.memory_space<vmem>> -> memref<128x128xf32, #tpu.memory_space<vmem>>
      %gather3A_1808 = tpu.vector_load_idx %gather3A_1807[%add3A_1399, %add3A_1802] : memref<128x128xf32, #tpu.memory_space<vmem>>[vector<16xi32>, vector<16xi32>], vector<16xf32>,
      %add3A_1809 = arith.constant 20 : i32
      %add3A_1810 = vector.broadcast %add3A_1809 : i32 to vector<16xi32>
      %add3A_1811 = arith.addi %shift_left3A_1395, %add3A_1810 : vector<16xi32>
      %gather3A_1812 = arith.constant 0 : i32
      %gather3A_1813 = arith.constant 0 : i32
      %gather3A_1814 = arith.constant 0 : i32
      %gather3A_1815 = tpu.memref_slice %arg12[%gather3A_1812, %gather3A_1813, %gather3A_1814] : memref<2x128x128xf32, #tpu.memory_space<vmem>> -> memref<1x128x128xf32, #tpu.memory_space<vmem>>
      %gather3A_1816 = tpu.memref_squeeze %gather3A_1815 : memref<1x128x128xf32, #tpu.memory_space<vmem>> -> memref<128x128xf32, #tpu.memory_space<vmem>>
      %gather3A_1817 = tpu.vector_load_idx %gather3A_1816[%add3A_1399, %add3A_1811] : memref<128x128xf32, #tpu.memory_space<vmem>>[vector<16xi32>, vector<16xi32>], vector<16xf32>,
      %mul3A_1818 = arith.mulf %gather3A_1808, %gather3A_1817 : vector<16xf32>
      %add3A_1819 = arith.addf %add3A_1799, %mul3A_1818 : vector<16xf32>
      %add3A_1820 = arith.constant 21 : i32
      %add3A_1821 = vector.broadcast %add3A_1820 : i32 to vector<16xi32>
      %add3A_1822 = arith.addi %shift_left3A_1386, %add3A_1821 : vector<16xi32>
      %gather3A_1823 = arith.constant 0 : i32
      %gather3A_1824 = arith.constant 0 : i32
      %gather3A_1825 = arith.constant 0 : i32
      %gather3A_1826 = tpu.memref_slice %arg11[%gather3A_1823, %gather3A_1824, %gather3A_1825] : memref<2x128x128xf32, #tpu.memory_space<vmem>> -> memref<1x128x128xf32, #tpu.memory_space<vmem>>
      %gather3A_1827 = tpu.memref_squeeze %gather3A_1826 : memref<1x128x128xf32, #tpu.memory_space<vmem>> -> memref<128x128xf32, #tpu.memory_space<vmem>>
      %gather3A_1828 = tpu.vector_load_idx %gather3A_1827[%add3A_1399, %add3A_1822] : memref<128x128xf32, #tpu.memory_space<vmem>>[vector<16xi32>, vector<16xi32>], vector<16xf32>,
      %add3A_1829 = arith.constant 21 : i32
      %add3A_1830 = vector.broadcast %add3A_1829 : i32 to vector<16xi32>
      %add3A_1831 = arith.addi %shift_left3A_1395, %add3A_1830 : vector<16xi32>
      %gather3A_1832 = arith.constant 0 : i32
      %gather3A_1833 = arith.constant 0 : i32
      %gather3A_1834 = arith.constant 0 : i32
      %gather3A_1835 = tpu.memref_slice %arg12[%gather3A_1832, %gather3A_1833, %gather3A_1834] : memref<2x128x128xf32, #tpu.memory_space<vmem>> -> memref<1x128x128xf32, #tpu.memory_space<vmem>>
      %gather3A_1836 = tpu.memref_squeeze %gather3A_1835 : memref<1x128x128xf32, #tpu.memory_space<vmem>> -> memref<128x128xf32, #tpu.memory_space<vmem>>
      %gather3A_1837 = tpu.vector_load_idx %gather3A_1836[%add3A_1399, %add3A_1831] : memref<128x128xf32, #tpu.memory_space<vmem>>[vector<16xi32>, vector<16xi32>], vector<16xf32>,
      %mul3A_1838 = arith.mulf %gather3A_1828, %gather3A_1837 : vector<16xf32>
      %add3A_1839 = arith.addf %add3A_1819, %mul3A_1838 : vector<16xf32>
      %add3A_1840 = arith.constant 22 : i32
      %add3A_1841 = vector.broadcast %add3A_1840 : i32 to vector<16xi32>
      %add3A_1842 = arith.addi %shift_left3A_1386, %add3A_1841 : vector<16xi32>
      %gather3A_1843 = arith.constant 0 : i32
      %gather3A_1844 = arith.constant 0 : i32
      %gather3A_1845 = arith.constant 0 : i32
      %gather3A_1846 = tpu.memref_slice %arg11[%gather3A_1843, %gather3A_1844, %gather3A_1845] : memref<2x128x128xf32, #tpu.memory_space<vmem>> -> memref<1x128x128xf32, #tpu.memory_space<vmem>>
      %gather3A_1847 = tpu.memref_squeeze %gather3A_1846 : memref<1x128x128xf32, #tpu.memory_space<vmem>> -> memref<128x128xf32, #tpu.memory_space<vmem>>
      %gather3A_1848 = tpu.vector_load_idx %gather3A_1847[%add3A_1399, %add3A_1842] : memref<128x128xf32, #tpu.memory_space<vmem>>[vector<16xi32>, vector<16xi32>], vector<16xf32>,
      %add3A_1849 = arith.constant 22 : i32
      %add3A_1850 = vector.broadcast %add3A_1849 : i32 to vector<16xi32>
      %add3A_1851 = arith.addi %shift_left3A_1395, %add3A_1850 : vector<16xi32>
      %gather3A_1852 = arith.constant 0 : i32
      %gather3A_1853 = arith.constant 0 : i32
      %gather3A_1854 = arith.constant 0 : i32
      %gather3A_1855 = tpu.memref_slice %arg12[%gather3A_1852, %gather3A_1853, %gather3A_1854] : memref<2x128x128xf32, #tpu.memory_space<vmem>> -> memref<1x128x128xf32, #tpu.memory_space<vmem>>
      %gather3A_1856 = tpu.memref_squeeze %gather3A_1855 : memref<1x128x128xf32, #tpu.memory_space<vmem>> -> memref<128x128xf32, #tpu.memory_space<vmem>>
      %gather3A_1857 = tpu.vector_load_idx %gather3A_1856[%add3A_1399, %add3A_1851] : memref<128x128xf32, #tpu.memory_space<vmem>>[vector<16xi32>, vector<16xi32>], vector<16xf32>,
      %mul3A_1858 = arith.mulf %gather3A_1848, %gather3A_1857 : vector<16xf32>
      %add3A_1859 = arith.addf %add3A_1839, %mul3A_1858 : vector<16xf32>
      %add3A_1860 = arith.constant 23 : i32
      %add3A_1861 = vector.broadcast %add3A_1860 : i32 to vector<16xi32>
      %add3A_1862 = arith.addi %shift_left3A_1386, %add3A_1861 : vector<16xi32>
      %gather3A_1863 = arith.constant 0 : i32
      %gather3A_1864 = arith.constant 0 : i32
      %gather3A_1865 = arith.constant 0 : i32
      %gather3A_1866 = tpu.memref_slice %arg11[%gather3A_1863, %gather3A_1864, %gather3A_1865] : memref<2x128x128xf32, #tpu.memory_space<vmem>> -> memref<1x128x128xf32, #tpu.memory_space<vmem>>
      %gather3A_1867 = tpu.memref_squeeze %gather3A_1866 : memref<1x128x128xf32, #tpu.memory_space<vmem>> -> memref<128x128xf32, #tpu.memory_space<vmem>>
      %gather3A_1868 = tpu.vector_load_idx %gather3A_1867[%add3A_1399, %add3A_1862] : memref<128x128xf32, #tpu.memory_space<vmem>>[vector<16xi32>, vector<16xi32>], vector<16xf32>,
      %add3A_1869 = arith.constant 23 : i32
      %add3A_1870 = vector.broadcast %add3A_1869 : i32 to vector<16xi32>
      %add3A_1871 = arith.addi %shift_left3A_1395, %add3A_1870 : vector<16xi32>
      %gather3A_1872 = arith.constant 0 : i32
      %gather3A_1873 = arith.constant 0 : i32
      %gather3A_1874 = arith.constant 0 : i32
      %gather3A_1875 = tpu.memref_slice %arg12[%gather3A_1872, %gather3A_1873, %gather3A_1874] : memref<2x128x128xf32, #tpu.memory_space<vmem>> -> memref<1x128x128xf32, #tpu.memory_space<vmem>>
      %gather3A_1876 = tpu.memref_squeeze %gather3A_1875 : memref<1x128x128xf32, #tpu.memory_space<vmem>> -> memref<128x128xf32, #tpu.memory_space<vmem>>
      %gather3A_1877 = tpu.vector_load_idx %gather3A_1876[%add3A_1399, %add3A_1871] : memref<128x128xf32, #tpu.memory_space<vmem>>[vector<16xi32>, vector<16xi32>], vector<16xf32>,
      %mul3A_1878 = arith.mulf %gather3A_1868, %gather3A_1877 : vector<16xf32>
      %add3A_1879 = arith.addf %add3A_1859, %mul3A_1878 : vector<16xf32>
      %add3A_1880 = arith.constant 24 : i32
      %add3A_1881 = vector.broadcast %add3A_1880 : i32 to vector<16xi32>
      %add3A_1882 = arith.addi %shift_left3A_1386, %add3A_1881 : vector<16xi32>
      %gather3A_1883 = arith.constant 0 : i32
      %gather3A_1884 = arith.constant 0 : i32
      %gather3A_1885 = arith.constant 0 : i32
      %gather3A_1886 = tpu.memref_slice %arg11[%gather3A_1883, %gather3A_1884, %gather3A_1885] : memref<2x128x128xf32, #tpu.memory_space<vmem>> -> memref<1x128x128xf32, #tpu.memory_space<vmem>>
      %gather3A_1887 = tpu.memref_squeeze %gather3A_1886 : memref<1x128x128xf32, #tpu.memory_space<vmem>> -> memref<128x128xf32, #tpu.memory_space<vmem>>
      %gather3A_1888 = tpu.vector_load_idx %gather3A_1887[%add3A_1399, %add3A_1882] : memref<128x128xf32, #tpu.memory_space<vmem>>[vector<16xi32>, vector<16xi32>], vector<16xf32>,
      %add3A_1889 = arith.constant 24 : i32
      %add3A_1890 = vector.broadcast %add3A_1889 : i32 to vector<16xi32>
      %add3A_1891 = arith.addi %shift_left3A_1395, %add3A_1890 : vector<16xi32>
      %gather3A_1892 = arith.constant 0 : i32
      %gather3A_1893 = arith.constant 0 : i32
      %gather3A_1894 = arith.constant 0 : i32
      %gather3A_1895 = tpu.memref_slice %arg12[%gather3A_1892, %gather3A_1893, %gather3A_1894] : memref<2x128x128xf32, #tpu.memory_space<vmem>> -> memref<1x128x128xf32, #tpu.memory_space<vmem>>
      %gather3A_1896 = tpu.memref_squeeze %gather3A_1895 : memref<1x128x128xf32, #tpu.memory_space<vmem>> -> memref<128x128xf32, #tpu.memory_space<vmem>>
      %gather3A_1897 = tpu.vector_load_idx %gather3A_1896[%add3A_1399, %add3A_1891] : memref<128x128xf32, #tpu.memory_space<vmem>>[vector<16xi32>, vector<16xi32>], vector<16xf32>,
      %mul3A_1898 = arith.mulf %gather3A_1888, %gather3A_1897 : vector<16xf32>
      %add3A_1899 = arith.addf %add3A_1879, %mul3A_1898 : vector<16xf32>
      %add3A_1900 = arith.constant 25 : i32
      %add3A_1901 = vector.broadcast %add3A_1900 : i32 to vector<16xi32>
      %add3A_1902 = arith.addi %shift_left3A_1386, %add3A_1901 : vector<16xi32>
      %gather3A_1903 = arith.constant 0 : i32
      %gather3A_1904 = arith.constant 0 : i32
      %gather3A_1905 = arith.constant 0 : i32
      %gather3A_1906 = tpu.memref_slice %arg11[%gather3A_1903, %gather3A_1904, %gather3A_1905] : memref<2x128x128xf32, #tpu.memory_space<vmem>> -> memref<1x128x128xf32, #tpu.memory_space<vmem>>
      %gather3A_1907 = tpu.memref_squeeze %gather3A_1906 : memref<1x128x128xf32, #tpu.memory_space<vmem>> -> memref<128x128xf32, #tpu.memory_space<vmem>>
      %gather3A_1908 = tpu.vector_load_idx %gather3A_1907[%add3A_1399, %add3A_1902] : memref<128x128xf32, #tpu.memory_space<vmem>>[vector<16xi32>, vector<16xi32>], vector<16xf32>,
      %add3A_1909 = arith.constant 25 : i32
      %add3A_1910 = vector.broadcast %add3A_1909 : i32 to vector<16xi32>
      %add3A_1911 = arith.addi %shift_left3A_1395, %add3A_1910 : vector<16xi32>
      %gather3A_1912 = arith.constant 0 : i32
      %gather3A_1913 = arith.constant 0 : i32
      %gather3A_1914 = arith.constant 0 : i32
      %gather3A_1915 = tpu.memref_slice %arg12[%gather3A_1912, %gather3A_1913, %gather3A_1914] : memref<2x128x128xf32, #tpu.memory_space<vmem>> -> memref<1x128x128xf32, #tpu.memory_space<vmem>>
      %gather3A_1916 = tpu.memref_squeeze %gather3A_1915 : memref<1x128x128xf32, #tpu.memory_space<vmem>> -> memref<128x128xf32, #tpu.memory_space<vmem>>
      %gather3A_1917 = tpu.vector_load_idx %gather3A_1916[%add3A_1399, %add3A_1911] : memref<128x128xf32, #tpu.memory_space<vmem>>[vector<16xi32>, vector<16xi32>], vector<16xf32>,
      %mul3A_1918 = arith.mulf %gather3A_1908, %gather3A_1917 : vector<16xf32>
      %add3A_1919 = arith.addf %add3A_1899, %mul3A_1918 : vector<16xf32>
      %add3A_1920 = arith.constant 26 : i32
      %add3A_1921 = vector.broadcast %add3A_1920 : i32 to vector<16xi32>
      %add3A_1922 = arith.addi %shift_left3A_1386, %add3A_1921 : vector<16xi32>
      %gather3A_1923 = arith.constant 0 : i32
      %gather3A_1924 = arith.constant 0 : i32
      %gather3A_1925 = arith.constant 0 : i32
      %gather3A_1926 = tpu.memref_slice %arg11[%gather3A_1923, %gather3A_1924, %gather3A_1925] : memref<2x128x128xf32, #tpu.memory_space<vmem>> -> memref<1x128x128xf32, #tpu.memory_space<vmem>>
      %gather3A_1927 = tpu.memref_squeeze %gather3A_1926 : memref<1x128x128xf32, #tpu.memory_space<vmem>> -> memref<128x128xf32, #tpu.memory_space<vmem>>
      %gather3A_1928 = tpu.vector_load_idx %gather3A_1927[%add3A_1399, %add3A_1922] : memref<128x128xf32, #tpu.memory_space<vmem>>[vector<16xi32>, vector<16xi32>], vector<16xf32>,
      %add3A_1929 = arith.constant 26 : i32
      %add3A_1930 = vector.broadcast %add3A_1929 : i32 to vector<16xi32>
      %add3A_1931 = arith.addi %shift_left3A_1395, %add3A_1930 : vector<16xi32>
      %gather3A_1932 = arith.constant 0 : i32
      %gather3A_1933 = arith.constant 0 : i32
      %gather3A_1934 = arith.constant 0 : i32
      %gather3A_1935 = tpu.memref_slice %arg12[%gather3A_1932, %gather3A_1933, %gather3A_1934] : memref<2x128x128xf32, #tpu.memory_space<vmem>> -> memref<1x128x128xf32, #tpu.memory_space<vmem>>
      %gather3A_1936 = tpu.memref_squeeze %gather3A_1935 : memref<1x128x128xf32, #tpu.memory_space<vmem>> -> memref<128x128xf32, #tpu.memory_space<vmem>>
      %gather3A_1937 = tpu.vector_load_idx %gather3A_1936[%add3A_1399, %add3A_1931] : memref<128x128xf32, #tpu.memory_space<vmem>>[vector<16xi32>, vector<16xi32>], vector<16xf32>,
      %mul3A_1938 = arith.mulf %gather3A_1928, %gather3A_1937 : vector<16xf32>
      %add3A_1939 = arith.addf %add3A_1919, %mul3A_1938 : vector<16xf32>
      %add3A_1940 = arith.constant 27 : i32
      %add3A_1941 = vector.broadcast %add3A_1940 : i32 to vector<16xi32>
      %add3A_1942 = arith.addi %shift_left3A_1386, %add3A_1941 : vector<16xi32>
      %gather3A_1943 = arith.constant 0 : i32
      %gather3A_1944 = arith.constant 0 : i32
      %gather3A_1945 = arith.constant 0 : i32
      %gather3A_1946 = tpu.memref_slice %arg11[%gather3A_1943, %gather3A_1944, %gather3A_1945] : memref<2x128x128xf32, #tpu.memory_space<vmem>> -> memref<1x128x128xf32, #tpu.memory_space<vmem>>
      %gather3A_1947 = tpu.memref_squeeze %gather3A_1946 : memref<1x128x128xf32, #tpu.memory_space<vmem>> -> memref<128x128xf32, #tpu.memory_space<vmem>>
      %gather3A_1948 = tpu.vector_load_idx %gather3A_1947[%add3A_1399, %add3A_1942] : memref<128x128xf32, #tpu.memory_space<vmem>>[vector<16xi32>, vector<16xi32>], vector<16xf32>,
      %add3A_1949 = arith.constant 27 : i32
      %add3A_1950 = vector.broadcast %add3A_1949 : i32 to vector<16xi32>
      %add3A_1951 = arith.addi %shift_left3A_1395, %add3A_1950 : vector<16xi32>
      %gather3A_1952 = arith.constant 0 : i32
      %gather3A_1953 = arith.constant 0 : i32
      %gather3A_1954 = arith.constant 0 : i32
      %gather3A_1955 = tpu.memref_slice %arg12[%gather3A_1952, %gather3A_1953, %gather3A_1954] : memref<2x128x128xf32, #tpu.memory_space<vmem>> -> memref<1x128x128xf32, #tpu.memory_space<vmem>>
      %gather3A_1956 = tpu.memref_squeeze %gather3A_1955 : memref<1x128x128xf32, #tpu.memory_space<vmem>> -> memref<128x128xf32, #tpu.memory_space<vmem>>
      %gather3A_1957 = tpu.vector_load_idx %gather3A_1956[%add3A_1399, %add3A_1951] : memref<128x128xf32, #tpu.memory_space<vmem>>[vector<16xi32>, vector<16xi32>], vector<16xf32>,
      %mul3A_1958 = arith.mulf %gather3A_1948, %gather3A_1957 : vector<16xf32>
      %add3A_1959 = arith.addf %add3A_1939, %mul3A_1958 : vector<16xf32>
      %add3A_1960 = arith.constant 28 : i32
      %add3A_1961 = vector.broadcast %add3A_1960 : i32 to vector<16xi32>
      %add3A_1962 = arith.addi %shift_left3A_1386, %add3A_1961 : vector<16xi32>
      %gather3A_1963 = arith.constant 0 : i32
      %gather3A_1964 = arith.constant 0 : i32
      %gather3A_1965 = arith.constant 0 : i32
      %gather3A_1966 = tpu.memref_slice %arg11[%gather3A_1963, %gather3A_1964, %gather3A_1965] : memref<2x128x128xf32, #tpu.memory_space<vmem>> -> memref<1x128x128xf32, #tpu.memory_space<vmem>>
      %gather3A_1967 = tpu.memref_squeeze %gather3A_1966 : memref<1x128x128xf32, #tpu.memory_space<vmem>> -> memref<128x128xf32, #tpu.memory_space<vmem>>
      %gather3A_1968 = tpu.vector_load_idx %gather3A_1967[%add3A_1399, %add3A_1962] : memref<128x128xf32, #tpu.memory_space<vmem>>[vector<16xi32>, vector<16xi32>], vector<16xf32>,
      %add3A_1969 = arith.constant 28 : i32
      %add3A_1970 = vector.broadcast %add3A_1969 : i32 to vector<16xi32>
      %add3A_1971 = arith.addi %shift_left3A_1395, %add3A_1970 : vector<16xi32>
      %gather3A_1972 = arith.constant 0 : i32
      %gather3A_1973 = arith.constant 0 : i32
      %gather3A_1974 = arith.constant 0 : i32
      %gather3A_1975 = tpu.memref_slice %arg12[%gather3A_1972, %gather3A_1973, %gather3A_1974] : memref<2x128x128xf32, #tpu.memory_space<vmem>> -> memref<1x128x128xf32, #tpu.memory_space<vmem>>
      %gather3A_1976 = tpu.memref_squeeze %gather3A_1975 : memref<1x128x128xf32, #tpu.memory_space<vmem>> -> memref<128x128xf32, #tpu.memory_space<vmem>>
      %gather3A_1977 = tpu.vector_load_idx %gather3A_1976[%add3A_1399, %add3A_1971] : memref<128x128xf32, #tpu.memory_space<vmem>>[vector<16xi32>, vector<16xi32>], vector<16xf32>,
      %mul3A_1978 = arith.mulf %gather3A_1968, %gather3A_1977 : vector<16xf32>
      %add3A_1979 = arith.addf %add3A_1959, %mul3A_1978 : vector<16xf32>
      %add3A_1980 = arith.constant 29 : i32
      %add3A_1981 = vector.broadcast %add3A_1980 : i32 to vector<16xi32>
      %add3A_1982 = arith.addi %shift_left3A_1386, %add3A_1981 : vector<16xi32>
      %gather3A_1983 = arith.constant 0 : i32
      %gather3A_1984 = arith.constant 0 : i32
      %gather3A_1985 = arith.constant 0 : i32
      %gather3A_1986 = tpu.memref_slice %arg11[%gather3A_1983, %gather3A_1984, %gather3A_1985] : memref<2x128x128xf32, #tpu.memory_space<vmem>> -> memref<1x128x128xf32, #tpu.memory_space<vmem>>
      %gather3A_1987 = tpu.memref_squeeze %gather3A_1986 : memref<1x128x128xf32, #tpu.memory_space<vmem>> -> memref<128x128xf32, #tpu.memory_space<vmem>>
      %gather3A_1988 = tpu.vector_load_idx %gather3A_1987[%add3A_1399, %add3A_1982] : memref<128x128xf32, #tpu.memory_space<vmem>>[vector<16xi32>, vector<16xi32>], vector<16xf32>,
      %add3A_1989 = arith.constant 29 : i32
      %add3A_1990 = vector.broadcast %add3A_1989 : i32 to vector<16xi32>
      %add3A_1991 = arith.addi %shift_left3A_1395, %add3A_1990 : vector<16xi32>
      %gather3A_1992 = arith.constant 0 : i32
      %gather3A_1993 = arith.constant 0 : i32
      %gather3A_1994 = arith.constant 0 : i32
      %gather3A_1995 = tpu.memref_slice %arg12[%gather3A_1992, %gather3A_1993, %gather3A_1994] : memref<2x128x128xf32, #tpu.memory_space<vmem>> -> memref<1x128x128xf32, #tpu.memory_space<vmem>>
      %gather3A_1996 = tpu.memref_squeeze %gather3A_1995 : memref<1x128x128xf32, #tpu.memory_space<vmem>> -> memref<128x128xf32, #tpu.memory_space<vmem>>
      %gather3A_1997 = tpu.vector_load_idx %gather3A_1996[%add3A_1399, %add3A_1991] : memref<128x128xf32, #tpu.memory_space<vmem>>[vector<16xi32>, vector<16xi32>], vector<16xf32>,
      %mul3A_1998 = arith.mulf %gather3A_1988, %gather3A_1997 : vector<16xf32>
      %add3A_1999 = arith.addf %add3A_1979, %mul3A_1998 : vector<16xf32>
      %add3A_2000 = arith.constant 30 : i32
      %add3A_2001 = vector.broadcast %add3A_2000 : i32 to vector<16xi32>
      %add3A_2002 = arith.addi %shift_left3A_1386, %add3A_2001 : vector<16xi32>
      %gather3A_2003 = arith.constant 0 : i32
      %gather3A_2004 = arith.constant 0 : i32
      %gather3A_2005 = arith.constant 0 : i32
      %gather3A_2006 = tpu.memref_slice %arg11[%gather3A_2003, %gather3A_2004, %gather3A_2005] : memref<2x128x128xf32, #tpu.memory_space<vmem>> -> memref<1x128x128xf32, #tpu.memory_space<vmem>>
      %gather3A_2007 = tpu.memref_squeeze %gather3A_2006 : memref<1x128x128xf32, #tpu.memory_space<vmem>> -> memref<128x128xf32, #tpu.memory_space<vmem>>
      %gather3A_2008 = tpu.vector_load_idx %gather3A_2007[%add3A_1399, %add3A_2002] : memref<128x128xf32, #tpu.memory_space<vmem>>[vector<16xi32>, vector<16xi32>], vector<16xf32>,
      %add3A_2009 = arith.constant 30 : i32
      %add3A_2010 = vector.broadcast %add3A_2009 : i32 to vector<16xi32>
      %add3A_2011 = arith.addi %shift_left3A_1395, %add3A_2010 : vector<16xi32>
      %gather3A_2012 = arith.constant 0 : i32
      %gather3A_2013 = arith.constant 0 : i32
      %gather3A_2014 = arith.constant 0 : i32
      %gather3A_2015 = tpu.memref_slice %arg12[%gather3A_2012, %gather3A_2013, %gather3A_2014] : memref<2x128x128xf32, #tpu.memory_space<vmem>> -> memref<1x128x128xf32, #tpu.memory_space<vmem>>
      %gather3A_2016 = tpu.memref_squeeze %gather3A_2015 : memref<1x128x128xf32, #tpu.memory_space<vmem>> -> memref<128x128xf32, #tpu.memory_space<vmem>>
      %gather3A_2017 = tpu.vector_load_idx %gather3A_2016[%add3A_1399, %add3A_2011] : memref<128x128xf32, #tpu.memory_space<vmem>>[vector<16xi32>, vector<16xi32>], vector<16xf32>,
      %mul3A_2018 = arith.mulf %gather3A_2008, %gather3A_2017 : vector<16xf32>
      %add3A_2019 = arith.addf %add3A_1999, %mul3A_2018 : vector<16xf32>
      %add3A_2020 = arith.constant 31 : i32
      %add3A_2021 = vector.broadcast %add3A_2020 : i32 to vector<16xi32>
      %add3A_2022 = arith.addi %shift_left3A_1386, %add3A_2021 : vector<16xi32>
      %gather3A_2023 = arith.constant 0 : i32
      %gather3A_2024 = arith.constant 0 : i32
      %gather3A_2025 = arith.constant 0 : i32
      %gather3A_2026 = tpu.memref_slice %arg11[%gather3A_2023, %gather3A_2024, %gather3A_2025] : memref<2x128x128xf32, #tpu.memory_space<vmem>> -> memref<1x128x128xf32, #tpu.memory_space<vmem>>
      %gather3A_2027 = tpu.memref_squeeze %gather3A_2026 : memref<1x128x128xf32, #tpu.memory_space<vmem>> -> memref<128x128xf32, #tpu.memory_space<vmem>>
      %gather3A_2028 = tpu.vector_load_idx %gather3A_2027[%add3A_1399, %add3A_2022] : memref<128x128xf32, #tpu.memory_space<vmem>>[vector<16xi32>, vector<16xi32>], vector<16xf32>,
      %add3A_2029 = arith.constant 31 : i32
      %add3A_2030 = vector.broadcast %add3A_2029 : i32 to vector<16xi32>
      %add3A_2031 = arith.addi %shift_left3A_1395, %add3A_2030 : vector<16xi32>
      %gather3A_2032 = arith.constant 0 : i32
      %gather3A_2033 = arith.constant 0 : i32
      %gather3A_2034 = arith.constant 0 : i32
      %gather3A_2035 = tpu.memref_slice %arg12[%gather3A_2032, %gather3A_2033, %gather3A_2034] : memref<2x128x128xf32, #tpu.memory_space<vmem>> -> memref<1x128x128xf32, #tpu.memory_space<vmem>>
      %gather3A_2036 = tpu.memref_squeeze %gather3A_2035 : memref<1x128x128xf32, #tpu.memory_space<vmem>> -> memref<128x128xf32, #tpu.memory_space<vmem>>
      %gather3A_2037 = tpu.vector_load_idx %gather3A_2036[%add3A_1399, %add3A_2031] : memref<128x128xf32, #tpu.memory_space<vmem>>[vector<16xi32>, vector<16xi32>], vector<16xf32>,
      %mul3A_2038 = arith.mulf %gather3A_2028, %gather3A_2037 : vector<16xf32>
      %add3A_2039 = arith.addf %add3A_2019, %mul3A_2038 : vector<16xf32>
      %mul3A_2040 = arith.constant 16 : i32
      %mul3A_2041 = arith.muli %scan3A_1366, %mul3A_2040 : i32
      %add3A_2042 = arith.constant 256 : i32
      %add3A_2043 = arith.addi %add3A_2042, %mul3A_2041 : i32
      %swap3A_2044 = arith.index_cast %add3A_2043 : i32 to index
      %swap3A_2045 = tpu.vector_load %arg13[%swap3A_2044] {strides = array<i32>} : memref<512xf32, #tpu.memory_space<vmem>>, vector<16xf32>,
      tpu.vector_store %arg13[%swap3A_2044], %add3A_2039 {strides = array<i32>} : memref<512xf32, #tpu.memory_space<vmem>>, vector<16xf32>,
      %scan3A_2046 = arith.constant 0 : i32
      scf.yield %scan3A_2046 : i32
    }
    %scan3A_1334 = arith.constant 8 : i32
    %dma_wait3A_1335 = arith.constant 3 : i32
    %dma_wait3A_1336 = arith.constant 1 : i32
    %dma_wait3A_1337 = arith.constant 0 : i32
    %dma_wait3A_1338 = arith.constant 0 : i32
    %dma_wait3A_1339 = tpu.memref_slice %arg11[%dma_wait3A_1336, %dma_wait3A_1337, %dma_wait3A_1338] : memref<2x128x128xf32, #tpu.memory_space<vmem>> -> memref<1x128x128xf32, #tpu.memory_space<vmem>>
    %dma_wait3A_1340 = tpu.memref_squeeze %dma_wait3A_1339 : memref<1x128x128xf32, #tpu.memory_space<vmem>> -> memref<128x128xf32, #tpu.memory_space<vmem>>
    %dma_wait3A_1341 = arith.constant 0 : i32
    %dma_wait3A_1342 = tpu.memref_slice %arg9[%dma_wait3A_1335, %dma_wait3A_1341] : memref<4x128xi32, #tpu.memory_space<vmem>> -> memref<1x128xi32, #tpu.memory_space<vmem>>
    %dma_wait3A_1343 = tpu.memref_squeeze %dma_wait3A_1342 : memref<1x128xi32, #tpu.memory_space<vmem>> -> memref<128xi32, #tpu.memory_space<vmem>>
    %dma_wait3A_1344 = arith.constant 0 : i32
    %dma_wait3A_1345 = arith.constant 0 : i32
    %dma_wait3A_1346 = tpu.memref_slice %arg4[%dma_wait3A_1344, %dma_wait3A_1345] : memref<262144x128xf32, #tpu.memory_space<hbm>> -> memref<262144x128xf32, #tpu.memory_space<hbm>>
    tpu.wait_indirect_dma semaphore(%arg14 : memref<!tpu.dma_semaphore, #tpu.memory_space<semaphore_mem>>) src(%dma_wait3A_1346 : memref<262144x128xf32, #tpu.memory_space<hbm>>) dst(%dma_wait3A_1340 : memref<128x128xf32, #tpu.memory_space<vmem>>)
    %dma_wait3A_1347 = arith.constant 3 : i32
    %dma_wait3A_1348 = arith.constant 1 : i32
    %dma_wait3A_1349 = arith.constant 0 : i32
    %dma_wait3A_1350 = arith.constant 0 : i32
    %dma_wait3A_1351 = tpu.memref_slice %arg12[%dma_wait3A_1348, %dma_wait3A_1349, %dma_wait3A_1350] : memref<2x128x128xf32, #tpu.memory_space<vmem>> -> memref<1x128x128xf32, #tpu.memory_space<vmem>>
    %dma_wait3A_1352 = tpu.memref_squeeze %dma_wait3A_1351 : memref<1x128x128xf32, #tpu.memory_space<vmem>> -> memref<128x128xf32, #tpu.memory_space<vmem>>
    %dma_wait3A_1353 = arith.constant 0 : i32
    %dma_wait3A_1354 = tpu.memref_slice %arg10[%dma_wait3A_1347, %dma_wait3A_1353] : memref<4x128xi32, #tpu.memory_space<vmem>> -> memref<1x128xi32, #tpu.memory_space<vmem>>
    %dma_wait3A_1355 = tpu.memref_squeeze %dma_wait3A_1354 : memref<1x128xi32, #tpu.memory_space<vmem>> -> memref<128xi32, #tpu.memory_space<vmem>>
    %dma_wait3A_1356 = arith.constant 0 : i32
    %dma_wait3A_1357 = arith.constant 0 : i32
    %dma_wait3A_1358 = tpu.memref_slice %arg5[%dma_wait3A_1356, %dma_wait3A_1357] : memref<262144x128xf32, #tpu.memory_space<hbm>> -> memref<262144x128xf32, #tpu.memory_space<hbm>>
    tpu.wait_indirect_dma semaphore(%arg14 : memref<!tpu.dma_semaphore, #tpu.memory_space<semaphore_mem>>) src(%dma_wait3A_1358 : memref<262144x128xf32, #tpu.memory_space<hbm>>) dst(%dma_wait3A_1352 : memref<128x128xf32, #tpu.memory_space<vmem>>)
    %scan3A_1359 = arith.constant 0 : i32
    %scan3A_1360 = arith.constant 0 : i32
    %scan3A_1361 = arith.constant 8 : i32
    %scan3A_1362 = arith.addi %scan3A_1360, %scan3A_1361 : i32
    %scan3A_1363 = arith.constant 1 : i32
    %scan3A_1364 = scf.for %scan3A_1366 = %scan3A_1360 to %scan3A_1362 step %scan3A_1363 iter_args(%scan3A_1367 = %scan3A_1359) -> (i32)  : i32 {
      %mul3A_1368 = arith.constant 16 : i32
      %mul3A_1369 = arith.muli %scan3A_1366, %mul3A_1368 : i32
      %get3A_1370 = arith.constant 3 : i32
      %get3A_1371 = arith.index_cast %get3A_1370 : i32 to index
      %get3A_1372 = arith.index_cast %mul3A_1369 : i32 to index
      %get3A_1373 = tpu.vector_load %arg7[%get3A_1371, %get3A_1372] {strides = array<i32>} : memref<4x128xi32, #tpu.memory_space<vmem>>, vector<16xi32>,
      %get3A_1374 = arith.constant 3 : i32
      %get3A_1375 = arith.index_cast %get3A_1374 : i32 to index
      %get3A_1376 = arith.index_cast %mul3A_1369 : i32 to index
      %get3A_1377 = tpu.vector_load %arg8[%get3A_1375, %get3A_1376] {strides = array<i32>} : memref<4x128xi32, #tpu.memory_space<vmem>>, vector<16xi32>,
      %shift_right_arithmetic3A_1378 = arith.constant 14 : i32
      %shift_right_arithmetic3A_1379 = vector.broadcast %shift_right_arithmetic3A_1378 : i32 to vector<16xi32>
      %shift_right_arithmetic3A_1380 = arith.shrsi %get3A_1373, %shift_right_arithmetic3A_1379 : vector<16xi32>
      %and3A_1381 = arith.constant 3 : i32
      %and3A_1382 = vector.broadcast %and3A_1381 : i32 to vector<16xi32>
      %and3A_1383 = arith.andi %shift_right_arithmetic3A_1380, %and3A_1382 : vector<16xi32>
      %shift_left3A_1384 = arith.constant 5 : i32
      %shift_left3A_1385 = vector.broadcast %shift_left3A_1384 : i32 to vector<16xi32>
      %shift_left3A_1386 = arith.shli %and3A_1383, %shift_left3A_1385 : vector<16xi32>
      %shift_right_arithmetic3A_1387 = arith.constant 14 : i32
      %shift_right_arithmetic3A_1388 = vector.broadcast %shift_right_arithmetic3A_1387 : i32 to vector<16xi32>
      %shift_right_arithmetic3A_1389 = arith.shrsi %get3A_1377, %shift_right_arithmetic3A_1388 : vector<16xi32>
      %and3A_1390 = arith.constant 3 : i32
      %and3A_1391 = vector.broadcast %and3A_1390 : i32 to vector<16xi32>
      %and3A_1392 = arith.andi %shift_right_arithmetic3A_1389, %and3A_1391 : vector<16xi32>
      %shift_left3A_1393 = arith.constant 5 : i32
      %shift_left3A_1394 = vector.broadcast %shift_left3A_1393 : i32 to vector<16xi32>
      %shift_left3A_1395 = arith.shli %and3A_1392, %shift_left3A_1394 : vector<16xi32>
      %mul3A_1396 = arith.constant 16 : i32
      %mul3A_1397 = arith.muli %scan3A_1366, %mul3A_1396 : i32
      %iota3A = tpu.iota {dimensions = array<i32: 0>} : vector<16xi32>
      %add3A_1398 = vector.broadcast %mul3A_1397 : i32 to vector<16xi32>
      %add3A_1399 = arith.addi %add3A_1398, %iota3A : vector<16xi32>
      %broadcast_in_dim3A = arith.constant 0.000000e+00 : f32
      %broadcast_in_dim3A_1400 = vector.broadcast %broadcast_in_dim3A : f32 to vector<16xf32>
      %add3A_1401 = arith.constant 0 : i32
      %add3A_1402 = vector.broadcast %add3A_1401 : i32 to vector<16xi32>
      %add3A_1403 = arith.addi %shift_left3A_1386, %add3A_1402 : vector<16xi32>
      %gather3A = arith.constant 1 : i32
      %gather3A_1404 = arith.constant 0 : i32
      %gather3A_1405 = arith.constant 0 : i32
      %gather3A_1406 = tpu.memref_slice %arg11[%gather3A, %gather3A_1404, %gather3A_1405] : memref<2x128x128xf32, #tpu.memory_space<vmem>> -> memref<1x128x128xf32, #tpu.memory_space<vmem>>
      %gather3A_1407 = tpu.memref_squeeze %gather3A_1406 : memref<1x128x128xf32, #tpu.memory_space<vmem>> -> memref<128x128xf32, #tpu.memory_space<vmem>>
      %gather3A_1408 = tpu.vector_load_idx %gather3A_1407[%add3A_1399, %add3A_1403] : memref<128x128xf32, #tpu.memory_space<vmem>>[vector<16xi32>, vector<16xi32>], vector<16xf32>,
      %add3A_1409 = arith.constant 0 : i32
      %add3A_1410 = vector.broadcast %add3A_1409 : i32 to vector<16xi32>
      %add3A_1411 = arith.addi %shift_left3A_1395, %add3A_1410 : vector<16xi32>
      %gather3A_1412 = arith.constant 1 : i32
      %gather3A_1413 = arith.constant 0 : i32
      %gather3A_1414 = arith.constant 0 : i32
      %gather3A_1415 = tpu.memref_slice %arg12[%gather3A_1412, %gather3A_1413, %gather3A_1414] : memref<2x128x128xf32, #tpu.memory_space<vmem>> -> memref<1x128x128xf32, #tpu.memory_space<vmem>>
      %gather3A_1416 = tpu.memref_squeeze %gather3A_1415 : memref<1x128x128xf32, #tpu.memory_space<vmem>> -> memref<128x128xf32, #tpu.memory_space<vmem>>
      %gather3A_1417 = tpu.vector_load_idx %gather3A_1416[%add3A_1399, %add3A_1411] : memref<128x128xf32, #tpu.memory_space<vmem>>[vector<16xi32>, vector<16xi32>], vector<16xf32>,
      %mul3A_1418 = arith.mulf %gather3A_1408, %gather3A_1417 : vector<16xf32>
      %add3A_1419 = arith.addf %broadcast_in_dim3A_1400, %mul3A_1418 : vector<16xf32>
      %add3A_1420 = arith.constant 1 : i32
      %add3A_1421 = vector.broadcast %add3A_1420 : i32 to vector<16xi32>
      %add3A_1422 = arith.addi %shift_left3A_1386, %add3A_1421 : vector<16xi32>
      %gather3A_1423 = arith.constant 1 : i32
      %gather3A_1424 = arith.constant 0 : i32
      %gather3A_1425 = arith.constant 0 : i32
      %gather3A_1426 = tpu.memref_slice %arg11[%gather3A_1423, %gather3A_1424, %gather3A_1425] : memref<2x128x128xf32, #tpu.memory_space<vmem>> -> memref<1x128x128xf32, #tpu.memory_space<vmem>>
      %gather3A_1427 = tpu.memref_squeeze %gather3A_1426 : memref<1x128x128xf32, #tpu.memory_space<vmem>> -> memref<128x128xf32, #tpu.memory_space<vmem>>
      %gather3A_1428 = tpu.vector_load_idx %gather3A_1427[%add3A_1399, %add3A_1422] : memref<128x128xf32, #tpu.memory_space<vmem>>[vector<16xi32>, vector<16xi32>], vector<16xf32>,
      %add3A_1429 = arith.constant 1 : i32
      %add3A_1430 = vector.broadcast %add3A_1429 : i32 to vector<16xi32>
      %add3A_1431 = arith.addi %shift_left3A_1395, %add3A_1430 : vector<16xi32>
      %gather3A_1432 = arith.constant 1 : i32
      %gather3A_1433 = arith.constant 0 : i32
      %gather3A_1434 = arith.constant 0 : i32
      %gather3A_1435 = tpu.memref_slice %arg12[%gather3A_1432, %gather3A_1433, %gather3A_1434] : memref<2x128x128xf32, #tpu.memory_space<vmem>> -> memref<1x128x128xf32, #tpu.memory_space<vmem>>
      %gather3A_1436 = tpu.memref_squeeze %gather3A_1435 : memref<1x128x128xf32, #tpu.memory_space<vmem>> -> memref<128x128xf32, #tpu.memory_space<vmem>>
      %gather3A_1437 = tpu.vector_load_idx %gather3A_1436[%add3A_1399, %add3A_1431] : memref<128x128xf32, #tpu.memory_space<vmem>>[vector<16xi32>, vector<16xi32>], vector<16xf32>,
      %mul3A_1438 = arith.mulf %gather3A_1428, %gather3A_1437 : vector<16xf32>
      %add3A_1439 = arith.addf %add3A_1419, %mul3A_1438 : vector<16xf32>
      %add3A_1440 = arith.constant 2 : i32
      %add3A_1441 = vector.broadcast %add3A_1440 : i32 to vector<16xi32>
      %add3A_1442 = arith.addi %shift_left3A_1386, %add3A_1441 : vector<16xi32>
      %gather3A_1443 = arith.constant 1 : i32
      %gather3A_1444 = arith.constant 0 : i32
      %gather3A_1445 = arith.constant 0 : i32
      %gather3A_1446 = tpu.memref_slice %arg11[%gather3A_1443, %gather3A_1444, %gather3A_1445] : memref<2x128x128xf32, #tpu.memory_space<vmem>> -> memref<1x128x128xf32, #tpu.memory_space<vmem>>
      %gather3A_1447 = tpu.memref_squeeze %gather3A_1446 : memref<1x128x128xf32, #tpu.memory_space<vmem>> -> memref<128x128xf32, #tpu.memory_space<vmem>>
      %gather3A_1448 = tpu.vector_load_idx %gather3A_1447[%add3A_1399, %add3A_1442] : memref<128x128xf32, #tpu.memory_space<vmem>>[vector<16xi32>, vector<16xi32>], vector<16xf32>,
      %add3A_1449 = arith.constant 2 : i32
      %add3A_1450 = vector.broadcast %add3A_1449 : i32 to vector<16xi32>
      %add3A_1451 = arith.addi %shift_left3A_1395, %add3A_1450 : vector<16xi32>
      %gather3A_1452 = arith.constant 1 : i32
      %gather3A_1453 = arith.constant 0 : i32
      %gather3A_1454 = arith.constant 0 : i32
      %gather3A_1455 = tpu.memref_slice %arg12[%gather3A_1452, %gather3A_1453, %gather3A_1454] : memref<2x128x128xf32, #tpu.memory_space<vmem>> -> memref<1x128x128xf32, #tpu.memory_space<vmem>>
      %gather3A_1456 = tpu.memref_squeeze %gather3A_1455 : memref<1x128x128xf32, #tpu.memory_space<vmem>> -> memref<128x128xf32, #tpu.memory_space<vmem>>
      %gather3A_1457 = tpu.vector_load_idx %gather3A_1456[%add3A_1399, %add3A_1451] : memref<128x128xf32, #tpu.memory_space<vmem>>[vector<16xi32>, vector<16xi32>], vector<16xf32>,
      %mul3A_1458 = arith.mulf %gather3A_1448, %gather3A_1457 : vector<16xf32>
      %add3A_1459 = arith.addf %add3A_1439, %mul3A_1458 : vector<16xf32>
      %add3A_1460 = arith.constant 3 : i32
      %add3A_1461 = vector.broadcast %add3A_1460 : i32 to vector<16xi32>
      %add3A_1462 = arith.addi %shift_left3A_1386, %add3A_1461 : vector<16xi32>
      %gather3A_1463 = arith.constant 1 : i32
      %gather3A_1464 = arith.constant 0 : i32
      %gather3A_1465 = arith.constant 0 : i32
      %gather3A_1466 = tpu.memref_slice %arg11[%gather3A_1463, %gather3A_1464, %gather3A_1465] : memref<2x128x128xf32, #tpu.memory_space<vmem>> -> memref<1x128x128xf32, #tpu.memory_space<vmem>>
      %gather3A_1467 = tpu.memref_squeeze %gather3A_1466 : memref<1x128x128xf32, #tpu.memory_space<vmem>> -> memref<128x128xf32, #tpu.memory_space<vmem>>
      %gather3A_1468 = tpu.vector_load_idx %gather3A_1467[%add3A_1399, %add3A_1462] : memref<128x128xf32, #tpu.memory_space<vmem>>[vector<16xi32>, vector<16xi32>], vector<16xf32>,
      %add3A_1469 = arith.constant 3 : i32
      %add3A_1470 = vector.broadcast %add3A_1469 : i32 to vector<16xi32>
      %add3A_1471 = arith.addi %shift_left3A_1395, %add3A_1470 : vector<16xi32>
      %gather3A_1472 = arith.constant 1 : i32
      %gather3A_1473 = arith.constant 0 : i32
      %gather3A_1474 = arith.constant 0 : i32
      %gather3A_1475 = tpu.memref_slice %arg12[%gather3A_1472, %gather3A_1473, %gather3A_1474] : memref<2x128x128xf32, #tpu.memory_space<vmem>> -> memref<1x128x128xf32, #tpu.memory_space<vmem>>
      %gather3A_1476 = tpu.memref_squeeze %gather3A_1475 : memref<1x128x128xf32, #tpu.memory_space<vmem>> -> memref<128x128xf32, #tpu.memory_space<vmem>>
      %gather3A_1477 = tpu.vector_load_idx %gather3A_1476[%add3A_1399, %add3A_1471] : memref<128x128xf32, #tpu.memory_space<vmem>>[vector<16xi32>, vector<16xi32>], vector<16xf32>,
      %mul3A_1478 = arith.mulf %gather3A_1468, %gather3A_1477 : vector<16xf32>
      %add3A_1479 = arith.addf %add3A_1459, %mul3A_1478 : vector<16xf32>
      %add3A_1480 = arith.constant 4 : i32
      %add3A_1481 = vector.broadcast %add3A_1480 : i32 to vector<16xi32>
      %add3A_1482 = arith.addi %shift_left3A_1386, %add3A_1481 : vector<16xi32>
      %gather3A_1483 = arith.constant 1 : i32
      %gather3A_1484 = arith.constant 0 : i32
      %gather3A_1485 = arith.constant 0 : i32
      %gather3A_1486 = tpu.memref_slice %arg11[%gather3A_1483, %gather3A_1484, %gather3A_1485] : memref<2x128x128xf32, #tpu.memory_space<vmem>> -> memref<1x128x128xf32, #tpu.memory_space<vmem>>
      %gather3A_1487 = tpu.memref_squeeze %gather3A_1486 : memref<1x128x128xf32, #tpu.memory_space<vmem>> -> memref<128x128xf32, #tpu.memory_space<vmem>>
      %gather3A_1488 = tpu.vector_load_idx %gather3A_1487[%add3A_1399, %add3A_1482] : memref<128x128xf32, #tpu.memory_space<vmem>>[vector<16xi32>, vector<16xi32>], vector<16xf32>,
      %add3A_1489 = arith.constant 4 : i32
      %add3A_1490 = vector.broadcast %add3A_1489 : i32 to vector<16xi32>
      %add3A_1491 = arith.addi %shift_left3A_1395, %add3A_1490 : vector<16xi32>
      %gather3A_1492 = arith.constant 1 : i32
      %gather3A_1493 = arith.constant 0 : i32
      %gather3A_1494 = arith.constant 0 : i32
      %gather3A_1495 = tpu.memref_slice %arg12[%gather3A_1492, %gather3A_1493, %gather3A_1494] : memref<2x128x128xf32, #tpu.memory_space<vmem>> -> memref<1x128x128xf32, #tpu.memory_space<vmem>>
      %gather3A_1496 = tpu.memref_squeeze %gather3A_1495 : memref<1x128x128xf32, #tpu.memory_space<vmem>> -> memref<128x128xf32, #tpu.memory_space<vmem>>
      %gather3A_1497 = tpu.vector_load_idx %gather3A_1496[%add3A_1399, %add3A_1491] : memref<128x128xf32, #tpu.memory_space<vmem>>[vector<16xi32>, vector<16xi32>], vector<16xf32>,
      %mul3A_1498 = arith.mulf %gather3A_1488, %gather3A_1497 : vector<16xf32>
      %add3A_1499 = arith.addf %add3A_1479, %mul3A_1498 : vector<16xf32>
      %add3A_1500 = arith.constant 5 : i32
      %add3A_1501 = vector.broadcast %add3A_1500 : i32 to vector<16xi32>
      %add3A_1502 = arith.addi %shift_left3A_1386, %add3A_1501 : vector<16xi32>
      %gather3A_1503 = arith.constant 1 : i32
      %gather3A_1504 = arith.constant 0 : i32
      %gather3A_1505 = arith.constant 0 : i32
      %gather3A_1506 = tpu.memref_slice %arg11[%gather3A_1503, %gather3A_1504, %gather3A_1505] : memref<2x128x128xf32, #tpu.memory_space<vmem>> -> memref<1x128x128xf32, #tpu.memory_space<vmem>>
      %gather3A_1507 = tpu.memref_squeeze %gather3A_1506 : memref<1x128x128xf32, #tpu.memory_space<vmem>> -> memref<128x128xf32, #tpu.memory_space<vmem>>
      %gather3A_1508 = tpu.vector_load_idx %gather3A_1507[%add3A_1399, %add3A_1502] : memref<128x128xf32, #tpu.memory_space<vmem>>[vector<16xi32>, vector<16xi32>], vector<16xf32>,
      %add3A_1509 = arith.constant 5 : i32
      %add3A_1510 = vector.broadcast %add3A_1509 : i32 to vector<16xi32>
      %add3A_1511 = arith.addi %shift_left3A_1395, %add3A_1510 : vector<16xi32>
      %gather3A_1512 = arith.constant 1 : i32
      %gather3A_1513 = arith.constant 0 : i32
      %gather3A_1514 = arith.constant 0 : i32
      %gather3A_1515 = tpu.memref_slice %arg12[%gather3A_1512, %gather3A_1513, %gather3A_1514] : memref<2x128x128xf32, #tpu.memory_space<vmem>> -> memref<1x128x128xf32, #tpu.memory_space<vmem>>
      %gather3A_1516 = tpu.memref_squeeze %gather3A_1515 : memref<1x128x128xf32, #tpu.memory_space<vmem>> -> memref<128x128xf32, #tpu.memory_space<vmem>>
      %gather3A_1517 = tpu.vector_load_idx %gather3A_1516[%add3A_1399, %add3A_1511] : memref<128x128xf32, #tpu.memory_space<vmem>>[vector<16xi32>, vector<16xi32>], vector<16xf32>,
      %mul3A_1518 = arith.mulf %gather3A_1508, %gather3A_1517 : vector<16xf32>
      %add3A_1519 = arith.addf %add3A_1499, %mul3A_1518 : vector<16xf32>
      %add3A_1520 = arith.constant 6 : i32
      %add3A_1521 = vector.broadcast %add3A_1520 : i32 to vector<16xi32>
      %add3A_1522 = arith.addi %shift_left3A_1386, %add3A_1521 : vector<16xi32>
      %gather3A_1523 = arith.constant 1 : i32
      %gather3A_1524 = arith.constant 0 : i32
      %gather3A_1525 = arith.constant 0 : i32
      %gather3A_1526 = tpu.memref_slice %arg11[%gather3A_1523, %gather3A_1524, %gather3A_1525] : memref<2x128x128xf32, #tpu.memory_space<vmem>> -> memref<1x128x128xf32, #tpu.memory_space<vmem>>
      %gather3A_1527 = tpu.memref_squeeze %gather3A_1526 : memref<1x128x128xf32, #tpu.memory_space<vmem>> -> memref<128x128xf32, #tpu.memory_space<vmem>>
      %gather3A_1528 = tpu.vector_load_idx %gather3A_1527[%add3A_1399, %add3A_1522] : memref<128x128xf32, #tpu.memory_space<vmem>>[vector<16xi32>, vector<16xi32>], vector<16xf32>,
      %add3A_1529 = arith.constant 6 : i32
      %add3A_1530 = vector.broadcast %add3A_1529 : i32 to vector<16xi32>
      %add3A_1531 = arith.addi %shift_left3A_1395, %add3A_1530 : vector<16xi32>
      %gather3A_1532 = arith.constant 1 : i32
      %gather3A_1533 = arith.constant 0 : i32
      %gather3A_1534 = arith.constant 0 : i32
      %gather3A_1535 = tpu.memref_slice %arg12[%gather3A_1532, %gather3A_1533, %gather3A_1534] : memref<2x128x128xf32, #tpu.memory_space<vmem>> -> memref<1x128x128xf32, #tpu.memory_space<vmem>>
      %gather3A_1536 = tpu.memref_squeeze %gather3A_1535 : memref<1x128x128xf32, #tpu.memory_space<vmem>> -> memref<128x128xf32, #tpu.memory_space<vmem>>
      %gather3A_1537 = tpu.vector_load_idx %gather3A_1536[%add3A_1399, %add3A_1531] : memref<128x128xf32, #tpu.memory_space<vmem>>[vector<16xi32>, vector<16xi32>], vector<16xf32>,
      %mul3A_1538 = arith.mulf %gather3A_1528, %gather3A_1537 : vector<16xf32>
      %add3A_1539 = arith.addf %add3A_1519, %mul3A_1538 : vector<16xf32>
      %add3A_1540 = arith.constant 7 : i32
      %add3A_1541 = vector.broadcast %add3A_1540 : i32 to vector<16xi32>
      %add3A_1542 = arith.addi %shift_left3A_1386, %add3A_1541 : vector<16xi32>
      %gather3A_1543 = arith.constant 1 : i32
      %gather3A_1544 = arith.constant 0 : i32
      %gather3A_1545 = arith.constant 0 : i32
      %gather3A_1546 = tpu.memref_slice %arg11[%gather3A_1543, %gather3A_1544, %gather3A_1545] : memref<2x128x128xf32, #tpu.memory_space<vmem>> -> memref<1x128x128xf32, #tpu.memory_space<vmem>>
      %gather3A_1547 = tpu.memref_squeeze %gather3A_1546 : memref<1x128x128xf32, #tpu.memory_space<vmem>> -> memref<128x128xf32, #tpu.memory_space<vmem>>
      %gather3A_1548 = tpu.vector_load_idx %gather3A_1547[%add3A_1399, %add3A_1542] : memref<128x128xf32, #tpu.memory_space<vmem>>[vector<16xi32>, vector<16xi32>], vector<16xf32>,
      %add3A_1549 = arith.constant 7 : i32
      %add3A_1550 = vector.broadcast %add3A_1549 : i32 to vector<16xi32>
      %add3A_1551 = arith.addi %shift_left3A_1395, %add3A_1550 : vector<16xi32>
      %gather3A_1552 = arith.constant 1 : i32
      %gather3A_1553 = arith.constant 0 : i32
      %gather3A_1554 = arith.constant 0 : i32
      %gather3A_1555 = tpu.memref_slice %arg12[%gather3A_1552, %gather3A_1553, %gather3A_1554] : memref<2x128x128xf32, #tpu.memory_space<vmem>> -> memref<1x128x128xf32, #tpu.memory_space<vmem>>
      %gather3A_1556 = tpu.memref_squeeze %gather3A_1555 : memref<1x128x128xf32, #tpu.memory_space<vmem>> -> memref<128x128xf32, #tpu.memory_space<vmem>>
      %gather3A_1557 = tpu.vector_load_idx %gather3A_1556[%add3A_1399, %add3A_1551] : memref<128x128xf32, #tpu.memory_space<vmem>>[vector<16xi32>, vector<16xi32>], vector<16xf32>,
      %mul3A_1558 = arith.mulf %gather3A_1548, %gather3A_1557 : vector<16xf32>
      %add3A_1559 = arith.addf %add3A_1539, %mul3A_1558 : vector<16xf32>
      %add3A_1560 = arith.constant 8 : i32
      %add3A_1561 = vector.broadcast %add3A_1560 : i32 to vector<16xi32>
      %add3A_1562 = arith.addi %shift_left3A_1386, %add3A_1561 : vector<16xi32>
      %gather3A_1563 = arith.constant 1 : i32
      %gather3A_1564 = arith.constant 0 : i32
      %gather3A_1565 = arith.constant 0 : i32
      %gather3A_1566 = tpu.memref_slice %arg11[%gather3A_1563, %gather3A_1564, %gather3A_1565] : memref<2x128x128xf32, #tpu.memory_space<vmem>> -> memref<1x128x128xf32, #tpu.memory_space<vmem>>
      %gather3A_1567 = tpu.memref_squeeze %gather3A_1566 : memref<1x128x128xf32, #tpu.memory_space<vmem>> -> memref<128x128xf32, #tpu.memory_space<vmem>>
      %gather3A_1568 = tpu.vector_load_idx %gather3A_1567[%add3A_1399, %add3A_1562] : memref<128x128xf32, #tpu.memory_space<vmem>>[vector<16xi32>, vector<16xi32>], vector<16xf32>,
      %add3A_1569 = arith.constant 8 : i32
      %add3A_1570 = vector.broadcast %add3A_1569 : i32 to vector<16xi32>
      %add3A_1571 = arith.addi %shift_left3A_1395, %add3A_1570 : vector<16xi32>
      %gather3A_1572 = arith.constant 1 : i32
      %gather3A_1573 = arith.constant 0 : i32
      %gather3A_1574 = arith.constant 0 : i32
      %gather3A_1575 = tpu.memref_slice %arg12[%gather3A_1572, %gather3A_1573, %gather3A_1574] : memref<2x128x128xf32, #tpu.memory_space<vmem>> -> memref<1x128x128xf32, #tpu.memory_space<vmem>>
      %gather3A_1576 = tpu.memref_squeeze %gather3A_1575 : memref<1x128x128xf32, #tpu.memory_space<vmem>> -> memref<128x128xf32, #tpu.memory_space<vmem>>
      %gather3A_1577 = tpu.vector_load_idx %gather3A_1576[%add3A_1399, %add3A_1571] : memref<128x128xf32, #tpu.memory_space<vmem>>[vector<16xi32>, vector<16xi32>], vector<16xf32>,
      %mul3A_1578 = arith.mulf %gather3A_1568, %gather3A_1577 : vector<16xf32>
      %add3A_1579 = arith.addf %add3A_1559, %mul3A_1578 : vector<16xf32>
      %add3A_1580 = arith.constant 9 : i32
      %add3A_1581 = vector.broadcast %add3A_1580 : i32 to vector<16xi32>
      %add3A_1582 = arith.addi %shift_left3A_1386, %add3A_1581 : vector<16xi32>
      %gather3A_1583 = arith.constant 1 : i32
      %gather3A_1584 = arith.constant 0 : i32
      %gather3A_1585 = arith.constant 0 : i32
      %gather3A_1586 = tpu.memref_slice %arg11[%gather3A_1583, %gather3A_1584, %gather3A_1585] : memref<2x128x128xf32, #tpu.memory_space<vmem>> -> memref<1x128x128xf32, #tpu.memory_space<vmem>>
      %gather3A_1587 = tpu.memref_squeeze %gather3A_1586 : memref<1x128x128xf32, #tpu.memory_space<vmem>> -> memref<128x128xf32, #tpu.memory_space<vmem>>
      %gather3A_1588 = tpu.vector_load_idx %gather3A_1587[%add3A_1399, %add3A_1582] : memref<128x128xf32, #tpu.memory_space<vmem>>[vector<16xi32>, vector<16xi32>], vector<16xf32>,
      %add3A_1589 = arith.constant 9 : i32
      %add3A_1590 = vector.broadcast %add3A_1589 : i32 to vector<16xi32>
      %add3A_1591 = arith.addi %shift_left3A_1395, %add3A_1590 : vector<16xi32>
      %gather3A_1592 = arith.constant 1 : i32
      %gather3A_1593 = arith.constant 0 : i32
      %gather3A_1594 = arith.constant 0 : i32
      %gather3A_1595 = tpu.memref_slice %arg12[%gather3A_1592, %gather3A_1593, %gather3A_1594] : memref<2x128x128xf32, #tpu.memory_space<vmem>> -> memref<1x128x128xf32, #tpu.memory_space<vmem>>
      %gather3A_1596 = tpu.memref_squeeze %gather3A_1595 : memref<1x128x128xf32, #tpu.memory_space<vmem>> -> memref<128x128xf32, #tpu.memory_space<vmem>>
      %gather3A_1597 = tpu.vector_load_idx %gather3A_1596[%add3A_1399, %add3A_1591] : memref<128x128xf32, #tpu.memory_space<vmem>>[vector<16xi32>, vector<16xi32>], vector<16xf32>,
      %mul3A_1598 = arith.mulf %gather3A_1588, %gather3A_1597 : vector<16xf32>
      %add3A_1599 = arith.addf %add3A_1579, %mul3A_1598 : vector<16xf32>
      %add3A_1600 = arith.constant 10 : i32
      %add3A_1601 = vector.broadcast %add3A_1600 : i32 to vector<16xi32>
      %add3A_1602 = arith.addi %shift_left3A_1386, %add3A_1601 : vector<16xi32>
      %gather3A_1603 = arith.constant 1 : i32
      %gather3A_1604 = arith.constant 0 : i32
      %gather3A_1605 = arith.constant 0 : i32
      %gather3A_1606 = tpu.memref_slice %arg11[%gather3A_1603, %gather3A_1604, %gather3A_1605] : memref<2x128x128xf32, #tpu.memory_space<vmem>> -> memref<1x128x128xf32, #tpu.memory_space<vmem>>
      %gather3A_1607 = tpu.memref_squeeze %gather3A_1606 : memref<1x128x128xf32, #tpu.memory_space<vmem>> -> memref<128x128xf32, #tpu.memory_space<vmem>>
      %gather3A_1608 = tpu.vector_load_idx %gather3A_1607[%add3A_1399, %add3A_1602] : memref<128x128xf32, #tpu.memory_space<vmem>>[vector<16xi32>, vector<16xi32>], vector<16xf32>,
      %add3A_1609 = arith.constant 10 : i32
      %add3A_1610 = vector.broadcast %add3A_1609 : i32 to vector<16xi32>
      %add3A_1611 = arith.addi %shift_left3A_1395, %add3A_1610 : vector<16xi32>
      %gather3A_1612 = arith.constant 1 : i32
      %gather3A_1613 = arith.constant 0 : i32
      %gather3A_1614 = arith.constant 0 : i32
      %gather3A_1615 = tpu.memref_slice %arg12[%gather3A_1612, %gather3A_1613, %gather3A_1614] : memref<2x128x128xf32, #tpu.memory_space<vmem>> -> memref<1x128x128xf32, #tpu.memory_space<vmem>>
      %gather3A_1616 = tpu.memref_squeeze %gather3A_1615 : memref<1x128x128xf32, #tpu.memory_space<vmem>> -> memref<128x128xf32, #tpu.memory_space<vmem>>
      %gather3A_1617 = tpu.vector_load_idx %gather3A_1616[%add3A_1399, %add3A_1611] : memref<128x128xf32, #tpu.memory_space<vmem>>[vector<16xi32>, vector<16xi32>], vector<16xf32>,
      %mul3A_1618 = arith.mulf %gather3A_1608, %gather3A_1617 : vector<16xf32>
      %add3A_1619 = arith.addf %add3A_1599, %mul3A_1618 : vector<16xf32>
      %add3A_1620 = arith.constant 11 : i32
      %add3A_1621 = vector.broadcast %add3A_1620 : i32 to vector<16xi32>
      %add3A_1622 = arith.addi %shift_left3A_1386, %add3A_1621 : vector<16xi32>
      %gather3A_1623 = arith.constant 1 : i32
      %gather3A_1624 = arith.constant 0 : i32
      %gather3A_1625 = arith.constant 0 : i32
      %gather3A_1626 = tpu.memref_slice %arg11[%gather3A_1623, %gather3A_1624, %gather3A_1625] : memref<2x128x128xf32, #tpu.memory_space<vmem>> -> memref<1x128x128xf32, #tpu.memory_space<vmem>>
      %gather3A_1627 = tpu.memref_squeeze %gather3A_1626 : memref<1x128x128xf32, #tpu.memory_space<vmem>> -> memref<128x128xf32, #tpu.memory_space<vmem>>
      %gather3A_1628 = tpu.vector_load_idx %gather3A_1627[%add3A_1399, %add3A_1622] : memref<128x128xf32, #tpu.memory_space<vmem>>[vector<16xi32>, vector<16xi32>], vector<16xf32>,
      %add3A_1629 = arith.constant 11 : i32
      %add3A_1630 = vector.broadcast %add3A_1629 : i32 to vector<16xi32>
      %add3A_1631 = arith.addi %shift_left3A_1395, %add3A_1630 : vector<16xi32>
      %gather3A_1632 = arith.constant 1 : i32
      %gather3A_1633 = arith.constant 0 : i32
      %gather3A_1634 = arith.constant 0 : i32
      %gather3A_1635 = tpu.memref_slice %arg12[%gather3A_1632, %gather3A_1633, %gather3A_1634] : memref<2x128x128xf32, #tpu.memory_space<vmem>> -> memref<1x128x128xf32, #tpu.memory_space<vmem>>
      %gather3A_1636 = tpu.memref_squeeze %gather3A_1635 : memref<1x128x128xf32, #tpu.memory_space<vmem>> -> memref<128x128xf32, #tpu.memory_space<vmem>>
      %gather3A_1637 = tpu.vector_load_idx %gather3A_1636[%add3A_1399, %add3A_1631] : memref<128x128xf32, #tpu.memory_space<vmem>>[vector<16xi32>, vector<16xi32>], vector<16xf32>,
      %mul3A_1638 = arith.mulf %gather3A_1628, %gather3A_1637 : vector<16xf32>
      %add3A_1639 = arith.addf %add3A_1619, %mul3A_1638 : vector<16xf32>
      %add3A_1640 = arith.constant 12 : i32
      %add3A_1641 = vector.broadcast %add3A_1640 : i32 to vector<16xi32>
      %add3A_1642 = arith.addi %shift_left3A_1386, %add3A_1641 : vector<16xi32>
      %gather3A_1643 = arith.constant 1 : i32
      %gather3A_1644 = arith.constant 0 : i32
      %gather3A_1645 = arith.constant 0 : i32
      %gather3A_1646 = tpu.memref_slice %arg11[%gather3A_1643, %gather3A_1644, %gather3A_1645] : memref<2x128x128xf32, #tpu.memory_space<vmem>> -> memref<1x128x128xf32, #tpu.memory_space<vmem>>
      %gather3A_1647 = tpu.memref_squeeze %gather3A_1646 : memref<1x128x128xf32, #tpu.memory_space<vmem>> -> memref<128x128xf32, #tpu.memory_space<vmem>>
      %gather3A_1648 = tpu.vector_load_idx %gather3A_1647[%add3A_1399, %add3A_1642] : memref<128x128xf32, #tpu.memory_space<vmem>>[vector<16xi32>, vector<16xi32>], vector<16xf32>,
      %add3A_1649 = arith.constant 12 : i32
      %add3A_1650 = vector.broadcast %add3A_1649 : i32 to vector<16xi32>
      %add3A_1651 = arith.addi %shift_left3A_1395, %add3A_1650 : vector<16xi32>
      %gather3A_1652 = arith.constant 1 : i32
      %gather3A_1653 = arith.constant 0 : i32
      %gather3A_1654 = arith.constant 0 : i32
      %gather3A_1655 = tpu.memref_slice %arg12[%gather3A_1652, %gather3A_1653, %gather3A_1654] : memref<2x128x128xf32, #tpu.memory_space<vmem>> -> memref<1x128x128xf32, #tpu.memory_space<vmem>>
      %gather3A_1656 = tpu.memref_squeeze %gather3A_1655 : memref<1x128x128xf32, #tpu.memory_space<vmem>> -> memref<128x128xf32, #tpu.memory_space<vmem>>
      %gather3A_1657 = tpu.vector_load_idx %gather3A_1656[%add3A_1399, %add3A_1651] : memref<128x128xf32, #tpu.memory_space<vmem>>[vector<16xi32>, vector<16xi32>], vector<16xf32>,
      %mul3A_1658 = arith.mulf %gather3A_1648, %gather3A_1657 : vector<16xf32>
      %add3A_1659 = arith.addf %add3A_1639, %mul3A_1658 : vector<16xf32>
      %add3A_1660 = arith.constant 13 : i32
      %add3A_1661 = vector.broadcast %add3A_1660 : i32 to vector<16xi32>
      %add3A_1662 = arith.addi %shift_left3A_1386, %add3A_1661 : vector<16xi32>
      %gather3A_1663 = arith.constant 1 : i32
      %gather3A_1664 = arith.constant 0 : i32
      %gather3A_1665 = arith.constant 0 : i32
      %gather3A_1666 = tpu.memref_slice %arg11[%gather3A_1663, %gather3A_1664, %gather3A_1665] : memref<2x128x128xf32, #tpu.memory_space<vmem>> -> memref<1x128x128xf32, #tpu.memory_space<vmem>>
      %gather3A_1667 = tpu.memref_squeeze %gather3A_1666 : memref<1x128x128xf32, #tpu.memory_space<vmem>> -> memref<128x128xf32, #tpu.memory_space<vmem>>
      %gather3A_1668 = tpu.vector_load_idx %gather3A_1667[%add3A_1399, %add3A_1662] : memref<128x128xf32, #tpu.memory_space<vmem>>[vector<16xi32>, vector<16xi32>], vector<16xf32>,
      %add3A_1669 = arith.constant 13 : i32
      %add3A_1670 = vector.broadcast %add3A_1669 : i32 to vector<16xi32>
      %add3A_1671 = arith.addi %shift_left3A_1395, %add3A_1670 : vector<16xi32>
      %gather3A_1672 = arith.constant 1 : i32
      %gather3A_1673 = arith.constant 0 : i32
      %gather3A_1674 = arith.constant 0 : i32
      %gather3A_1675 = tpu.memref_slice %arg12[%gather3A_1672, %gather3A_1673, %gather3A_1674] : memref<2x128x128xf32, #tpu.memory_space<vmem>> -> memref<1x128x128xf32, #tpu.memory_space<vmem>>
      %gather3A_1676 = tpu.memref_squeeze %gather3A_1675 : memref<1x128x128xf32, #tpu.memory_space<vmem>> -> memref<128x128xf32, #tpu.memory_space<vmem>>
      %gather3A_1677 = tpu.vector_load_idx %gather3A_1676[%add3A_1399, %add3A_1671] : memref<128x128xf32, #tpu.memory_space<vmem>>[vector<16xi32>, vector<16xi32>], vector<16xf32>,
      %mul3A_1678 = arith.mulf %gather3A_1668, %gather3A_1677 : vector<16xf32>
      %add3A_1679 = arith.addf %add3A_1659, %mul3A_1678 : vector<16xf32>
      %add3A_1680 = arith.constant 14 : i32
      %add3A_1681 = vector.broadcast %add3A_1680 : i32 to vector<16xi32>
      %add3A_1682 = arith.addi %shift_left3A_1386, %add3A_1681 : vector<16xi32>
      %gather3A_1683 = arith.constant 1 : i32
      %gather3A_1684 = arith.constant 0 : i32
      %gather3A_1685 = arith.constant 0 : i32
      %gather3A_1686 = tpu.memref_slice %arg11[%gather3A_1683, %gather3A_1684, %gather3A_1685] : memref<2x128x128xf32, #tpu.memory_space<vmem>> -> memref<1x128x128xf32, #tpu.memory_space<vmem>>
      %gather3A_1687 = tpu.memref_squeeze %gather3A_1686 : memref<1x128x128xf32, #tpu.memory_space<vmem>> -> memref<128x128xf32, #tpu.memory_space<vmem>>
      %gather3A_1688 = tpu.vector_load_idx %gather3A_1687[%add3A_1399, %add3A_1682] : memref<128x128xf32, #tpu.memory_space<vmem>>[vector<16xi32>, vector<16xi32>], vector<16xf32>,
      %add3A_1689 = arith.constant 14 : i32
      %add3A_1690 = vector.broadcast %add3A_1689 : i32 to vector<16xi32>
      %add3A_1691 = arith.addi %shift_left3A_1395, %add3A_1690 : vector<16xi32>
      %gather3A_1692 = arith.constant 1 : i32
      %gather3A_1693 = arith.constant 0 : i32
      %gather3A_1694 = arith.constant 0 : i32
      %gather3A_1695 = tpu.memref_slice %arg12[%gather3A_1692, %gather3A_1693, %gather3A_1694] : memref<2x128x128xf32, #tpu.memory_space<vmem>> -> memref<1x128x128xf32, #tpu.memory_space<vmem>>
      %gather3A_1696 = tpu.memref_squeeze %gather3A_1695 : memref<1x128x128xf32, #tpu.memory_space<vmem>> -> memref<128x128xf32, #tpu.memory_space<vmem>>
      %gather3A_1697 = tpu.vector_load_idx %gather3A_1696[%add3A_1399, %add3A_1691] : memref<128x128xf32, #tpu.memory_space<vmem>>[vector<16xi32>, vector<16xi32>], vector<16xf32>,
      %mul3A_1698 = arith.mulf %gather3A_1688, %gather3A_1697 : vector<16xf32>
      %add3A_1699 = arith.addf %add3A_1679, %mul3A_1698 : vector<16xf32>
      %add3A_1700 = arith.constant 15 : i32
      %add3A_1701 = vector.broadcast %add3A_1700 : i32 to vector<16xi32>
      %add3A_1702 = arith.addi %shift_left3A_1386, %add3A_1701 : vector<16xi32>
      %gather3A_1703 = arith.constant 1 : i32
      %gather3A_1704 = arith.constant 0 : i32
      %gather3A_1705 = arith.constant 0 : i32
      %gather3A_1706 = tpu.memref_slice %arg11[%gather3A_1703, %gather3A_1704, %gather3A_1705] : memref<2x128x128xf32, #tpu.memory_space<vmem>> -> memref<1x128x128xf32, #tpu.memory_space<vmem>>
      %gather3A_1707 = tpu.memref_squeeze %gather3A_1706 : memref<1x128x128xf32, #tpu.memory_space<vmem>> -> memref<128x128xf32, #tpu.memory_space<vmem>>
      %gather3A_1708 = tpu.vector_load_idx %gather3A_1707[%add3A_1399, %add3A_1702] : memref<128x128xf32, #tpu.memory_space<vmem>>[vector<16xi32>, vector<16xi32>], vector<16xf32>,
      %add3A_1709 = arith.constant 15 : i32
      %add3A_1710 = vector.broadcast %add3A_1709 : i32 to vector<16xi32>
      %add3A_1711 = arith.addi %shift_left3A_1395, %add3A_1710 : vector<16xi32>
      %gather3A_1712 = arith.constant 1 : i32
      %gather3A_1713 = arith.constant 0 : i32
      %gather3A_1714 = arith.constant 0 : i32
      %gather3A_1715 = tpu.memref_slice %arg12[%gather3A_1712, %gather3A_1713, %gather3A_1714] : memref<2x128x128xf32, #tpu.memory_space<vmem>> -> memref<1x128x128xf32, #tpu.memory_space<vmem>>
      %gather3A_1716 = tpu.memref_squeeze %gather3A_1715 : memref<1x128x128xf32, #tpu.memory_space<vmem>> -> memref<128x128xf32, #tpu.memory_space<vmem>>
      %gather3A_1717 = tpu.vector_load_idx %gather3A_1716[%add3A_1399, %add3A_1711] : memref<128x128xf32, #tpu.memory_space<vmem>>[vector<16xi32>, vector<16xi32>], vector<16xf32>,
      %mul3A_1718 = arith.mulf %gather3A_1708, %gather3A_1717 : vector<16xf32>
      %add3A_1719 = arith.addf %add3A_1699, %mul3A_1718 : vector<16xf32>
      %add3A_1720 = arith.constant 16 : i32
      %add3A_1721 = vector.broadcast %add3A_1720 : i32 to vector<16xi32>
      %add3A_1722 = arith.addi %shift_left3A_1386, %add3A_1721 : vector<16xi32>
      %gather3A_1723 = arith.constant 1 : i32
      %gather3A_1724 = arith.constant 0 : i32
      %gather3A_1725 = arith.constant 0 : i32
      %gather3A_1726 = tpu.memref_slice %arg11[%gather3A_1723, %gather3A_1724, %gather3A_1725] : memref<2x128x128xf32, #tpu.memory_space<vmem>> -> memref<1x128x128xf32, #tpu.memory_space<vmem>>
      %gather3A_1727 = tpu.memref_squeeze %gather3A_1726 : memref<1x128x128xf32, #tpu.memory_space<vmem>> -> memref<128x128xf32, #tpu.memory_space<vmem>>
      %gather3A_1728 = tpu.vector_load_idx %gather3A_1727[%add3A_1399, %add3A_1722] : memref<128x128xf32, #tpu.memory_space<vmem>>[vector<16xi32>, vector<16xi32>], vector<16xf32>,
      %add3A_1729 = arith.constant 16 : i32
      %add3A_1730 = vector.broadcast %add3A_1729 : i32 to vector<16xi32>
      %add3A_1731 = arith.addi %shift_left3A_1395, %add3A_1730 : vector<16xi32>
      %gather3A_1732 = arith.constant 1 : i32
      %gather3A_1733 = arith.constant 0 : i32
      %gather3A_1734 = arith.constant 0 : i32
      %gather3A_1735 = tpu.memref_slice %arg12[%gather3A_1732, %gather3A_1733, %gather3A_1734] : memref<2x128x128xf32, #tpu.memory_space<vmem>> -> memref<1x128x128xf32, #tpu.memory_space<vmem>>
      %gather3A_1736 = tpu.memref_squeeze %gather3A_1735 : memref<1x128x128xf32, #tpu.memory_space<vmem>> -> memref<128x128xf32, #tpu.memory_space<vmem>>
      %gather3A_1737 = tpu.vector_load_idx %gather3A_1736[%add3A_1399, %add3A_1731] : memref<128x128xf32, #tpu.memory_space<vmem>>[vector<16xi32>, vector<16xi32>], vector<16xf32>,
      %mul3A_1738 = arith.mulf %gather3A_1728, %gather3A_1737 : vector<16xf32>
      %add3A_1739 = arith.addf %add3A_1719, %mul3A_1738 : vector<16xf32>
      %add3A_1740 = arith.constant 17 : i32
      %add3A_1741 = vector.broadcast %add3A_1740 : i32 to vector<16xi32>
      %add3A_1742 = arith.addi %shift_left3A_1386, %add3A_1741 : vector<16xi32>
      %gather3A_1743 = arith.constant 1 : i32
      %gather3A_1744 = arith.constant 0 : i32
      %gather3A_1745 = arith.constant 0 : i32
      %gather3A_1746 = tpu.memref_slice %arg11[%gather3A_1743, %gather3A_1744, %gather3A_1745] : memref<2x128x128xf32, #tpu.memory_space<vmem>> -> memref<1x128x128xf32, #tpu.memory_space<vmem>>
      %gather3A_1747 = tpu.memref_squeeze %gather3A_1746 : memref<1x128x128xf32, #tpu.memory_space<vmem>> -> memref<128x128xf32, #tpu.memory_space<vmem>>
      %gather3A_1748 = tpu.vector_load_idx %gather3A_1747[%add3A_1399, %add3A_1742] : memref<128x128xf32, #tpu.memory_space<vmem>>[vector<16xi32>, vector<16xi32>], vector<16xf32>,
      %add3A_1749 = arith.constant 17 : i32
      %add3A_1750 = vector.broadcast %add3A_1749 : i32 to vector<16xi32>
      %add3A_1751 = arith.addi %shift_left3A_1395, %add3A_1750 : vector<16xi32>
      %gather3A_1752 = arith.constant 1 : i32
      %gather3A_1753 = arith.constant 0 : i32
      %gather3A_1754 = arith.constant 0 : i32
      %gather3A_1755 = tpu.memref_slice %arg12[%gather3A_1752, %gather3A_1753, %gather3A_1754] : memref<2x128x128xf32, #tpu.memory_space<vmem>> -> memref<1x128x128xf32, #tpu.memory_space<vmem>>
      %gather3A_1756 = tpu.memref_squeeze %gather3A_1755 : memref<1x128x128xf32, #tpu.memory_space<vmem>> -> memref<128x128xf32, #tpu.memory_space<vmem>>
      %gather3A_1757 = tpu.vector_load_idx %gather3A_1756[%add3A_1399, %add3A_1751] : memref<128x128xf32, #tpu.memory_space<vmem>>[vector<16xi32>, vector<16xi32>], vector<16xf32>,
      %mul3A_1758 = arith.mulf %gather3A_1748, %gather3A_1757 : vector<16xf32>
      %add3A_1759 = arith.addf %add3A_1739, %mul3A_1758 : vector<16xf32>
      %add3A_1760 = arith.constant 18 : i32
      %add3A_1761 = vector.broadcast %add3A_1760 : i32 to vector<16xi32>
      %add3A_1762 = arith.addi %shift_left3A_1386, %add3A_1761 : vector<16xi32>
      %gather3A_1763 = arith.constant 1 : i32
      %gather3A_1764 = arith.constant 0 : i32
      %gather3A_1765 = arith.constant 0 : i32
      %gather3A_1766 = tpu.memref_slice %arg11[%gather3A_1763, %gather3A_1764, %gather3A_1765] : memref<2x128x128xf32, #tpu.memory_space<vmem>> -> memref<1x128x128xf32, #tpu.memory_space<vmem>>
      %gather3A_1767 = tpu.memref_squeeze %gather3A_1766 : memref<1x128x128xf32, #tpu.memory_space<vmem>> -> memref<128x128xf32, #tpu.memory_space<vmem>>
      %gather3A_1768 = tpu.vector_load_idx %gather3A_1767[%add3A_1399, %add3A_1762] : memref<128x128xf32, #tpu.memory_space<vmem>>[vector<16xi32>, vector<16xi32>], vector<16xf32>,
      %add3A_1769 = arith.constant 18 : i32
      %add3A_1770 = vector.broadcast %add3A_1769 : i32 to vector<16xi32>
      %add3A_1771 = arith.addi %shift_left3A_1395, %add3A_1770 : vector<16xi32>
      %gather3A_1772 = arith.constant 1 : i32
      %gather3A_1773 = arith.constant 0 : i32
      %gather3A_1774 = arith.constant 0 : i32
      %gather3A_1775 = tpu.memref_slice %arg12[%gather3A_1772, %gather3A_1773, %gather3A_1774] : memref<2x128x128xf32, #tpu.memory_space<vmem>> -> memref<1x128x128xf32, #tpu.memory_space<vmem>>
      %gather3A_1776 = tpu.memref_squeeze %gather3A_1775 : memref<1x128x128xf32, #tpu.memory_space<vmem>> -> memref<128x128xf32, #tpu.memory_space<vmem>>
      %gather3A_1777 = tpu.vector_load_idx %gather3A_1776[%add3A_1399, %add3A_1771] : memref<128x128xf32, #tpu.memory_space<vmem>>[vector<16xi32>, vector<16xi32>], vector<16xf32>,
      %mul3A_1778 = arith.mulf %gather3A_1768, %gather3A_1777 : vector<16xf32>
      %add3A_1779 = arith.addf %add3A_1759, %mul3A_1778 : vector<16xf32>
      %add3A_1780 = arith.constant 19 : i32
      %add3A_1781 = vector.broadcast %add3A_1780 : i32 to vector<16xi32>
      %add3A_1782 = arith.addi %shift_left3A_1386, %add3A_1781 : vector<16xi32>
      %gather3A_1783 = arith.constant 1 : i32
      %gather3A_1784 = arith.constant 0 : i32
      %gather3A_1785 = arith.constant 0 : i32
      %gather3A_1786 = tpu.memref_slice %arg11[%gather3A_1783, %gather3A_1784, %gather3A_1785] : memref<2x128x128xf32, #tpu.memory_space<vmem>> -> memref<1x128x128xf32, #tpu.memory_space<vmem>>
      %gather3A_1787 = tpu.memref_squeeze %gather3A_1786 : memref<1x128x128xf32, #tpu.memory_space<vmem>> -> memref<128x128xf32, #tpu.memory_space<vmem>>
      %gather3A_1788 = tpu.vector_load_idx %gather3A_1787[%add3A_1399, %add3A_1782] : memref<128x128xf32, #tpu.memory_space<vmem>>[vector<16xi32>, vector<16xi32>], vector<16xf32>,
      %add3A_1789 = arith.constant 19 : i32
      %add3A_1790 = vector.broadcast %add3A_1789 : i32 to vector<16xi32>
      %add3A_1791 = arith.addi %shift_left3A_1395, %add3A_1790 : vector<16xi32>
      %gather3A_1792 = arith.constant 1 : i32
      %gather3A_1793 = arith.constant 0 : i32
      %gather3A_1794 = arith.constant 0 : i32
      %gather3A_1795 = tpu.memref_slice %arg12[%gather3A_1792, %gather3A_1793, %gather3A_1794] : memref<2x128x128xf32, #tpu.memory_space<vmem>> -> memref<1x128x128xf32, #tpu.memory_space<vmem>>
      %gather3A_1796 = tpu.memref_squeeze %gather3A_1795 : memref<1x128x128xf32, #tpu.memory_space<vmem>> -> memref<128x128xf32, #tpu.memory_space<vmem>>
      %gather3A_1797 = tpu.vector_load_idx %gather3A_1796[%add3A_1399, %add3A_1791] : memref<128x128xf32, #tpu.memory_space<vmem>>[vector<16xi32>, vector<16xi32>], vector<16xf32>,
      %mul3A_1798 = arith.mulf %gather3A_1788, %gather3A_1797 : vector<16xf32>
      %add3A_1799 = arith.addf %add3A_1779, %mul3A_1798 : vector<16xf32>
      %add3A_1800 = arith.constant 20 : i32
      %add3A_1801 = vector.broadcast %add3A_1800 : i32 to vector<16xi32>
      %add3A_1802 = arith.addi %shift_left3A_1386, %add3A_1801 : vector<16xi32>
      %gather3A_1803 = arith.constant 1 : i32
      %gather3A_1804 = arith.constant 0 : i32
      %gather3A_1805 = arith.constant 0 : i32
      %gather3A_1806 = tpu.memref_slice %arg11[%gather3A_1803, %gather3A_1804, %gather3A_1805] : memref<2x128x128xf32, #tpu.memory_space<vmem>> -> memref<1x128x128xf32, #tpu.memory_space<vmem>>
      %gather3A_1807 = tpu.memref_squeeze %gather3A_1806 : memref<1x128x128xf32, #tpu.memory_space<vmem>> -> memref<128x128xf32, #tpu.memory_space<vmem>>
      %gather3A_1808 = tpu.vector_load_idx %gather3A_1807[%add3A_1399, %add3A_1802] : memref<128x128xf32, #tpu.memory_space<vmem>>[vector<16xi32>, vector<16xi32>], vector<16xf32>,
      %add3A_1809 = arith.constant 20 : i32
      %add3A_1810 = vector.broadcast %add3A_1809 : i32 to vector<16xi32>
      %add3A_1811 = arith.addi %shift_left3A_1395, %add3A_1810 : vector<16xi32>
      %gather3A_1812 = arith.constant 1 : i32
      %gather3A_1813 = arith.constant 0 : i32
      %gather3A_1814 = arith.constant 0 : i32
      %gather3A_1815 = tpu.memref_slice %arg12[%gather3A_1812, %gather3A_1813, %gather3A_1814] : memref<2x128x128xf32, #tpu.memory_space<vmem>> -> memref<1x128x128xf32, #tpu.memory_space<vmem>>
      %gather3A_1816 = tpu.memref_squeeze %gather3A_1815 : memref<1x128x128xf32, #tpu.memory_space<vmem>> -> memref<128x128xf32, #tpu.memory_space<vmem>>
      %gather3A_1817 = tpu.vector_load_idx %gather3A_1816[%add3A_1399, %add3A_1811] : memref<128x128xf32, #tpu.memory_space<vmem>>[vector<16xi32>, vector<16xi32>], vector<16xf32>,
      %mul3A_1818 = arith.mulf %gather3A_1808, %gather3A_1817 : vector<16xf32>
      %add3A_1819 = arith.addf %add3A_1799, %mul3A_1818 : vector<16xf32>
      %add3A_1820 = arith.constant 21 : i32
      %add3A_1821 = vector.broadcast %add3A_1820 : i32 to vector<16xi32>
      %add3A_1822 = arith.addi %shift_left3A_1386, %add3A_1821 : vector<16xi32>
      %gather3A_1823 = arith.constant 1 : i32
      %gather3A_1824 = arith.constant 0 : i32
      %gather3A_1825 = arith.constant 0 : i32
      %gather3A_1826 = tpu.memref_slice %arg11[%gather3A_1823, %gather3A_1824, %gather3A_1825] : memref<2x128x128xf32, #tpu.memory_space<vmem>> -> memref<1x128x128xf32, #tpu.memory_space<vmem>>
      %gather3A_1827 = tpu.memref_squeeze %gather3A_1826 : memref<1x128x128xf32, #tpu.memory_space<vmem>> -> memref<128x128xf32, #tpu.memory_space<vmem>>
      %gather3A_1828 = tpu.vector_load_idx %gather3A_1827[%add3A_1399, %add3A_1822] : memref<128x128xf32, #tpu.memory_space<vmem>>[vector<16xi32>, vector<16xi32>], vector<16xf32>,
      %add3A_1829 = arith.constant 21 : i32
      %add3A_1830 = vector.broadcast %add3A_1829 : i32 to vector<16xi32>
      %add3A_1831 = arith.addi %shift_left3A_1395, %add3A_1830 : vector<16xi32>
      %gather3A_1832 = arith.constant 1 : i32
      %gather3A_1833 = arith.constant 0 : i32
      %gather3A_1834 = arith.constant 0 : i32
      %gather3A_1835 = tpu.memref_slice %arg12[%gather3A_1832, %gather3A_1833, %gather3A_1834] : memref<2x128x128xf32, #tpu.memory_space<vmem>> -> memref<1x128x128xf32, #tpu.memory_space<vmem>>
      %gather3A_1836 = tpu.memref_squeeze %gather3A_1835 : memref<1x128x128xf32, #tpu.memory_space<vmem>> -> memref<128x128xf32, #tpu.memory_space<vmem>>
      %gather3A_1837 = tpu.vector_load_idx %gather3A_1836[%add3A_1399, %add3A_1831] : memref<128x128xf32, #tpu.memory_space<vmem>>[vector<16xi32>, vector<16xi32>], vector<16xf32>,
      %mul3A_1838 = arith.mulf %gather3A_1828, %gather3A_1837 : vector<16xf32>
      %add3A_1839 = arith.addf %add3A_1819, %mul3A_1838 : vector<16xf32>
      %add3A_1840 = arith.constant 22 : i32
      %add3A_1841 = vector.broadcast %add3A_1840 : i32 to vector<16xi32>
      %add3A_1842 = arith.addi %shift_left3A_1386, %add3A_1841 : vector<16xi32>
      %gather3A_1843 = arith.constant 1 : i32
      %gather3A_1844 = arith.constant 0 : i32
      %gather3A_1845 = arith.constant 0 : i32
      %gather3A_1846 = tpu.memref_slice %arg11[%gather3A_1843, %gather3A_1844, %gather3A_1845] : memref<2x128x128xf32, #tpu.memory_space<vmem>> -> memref<1x128x128xf32, #tpu.memory_space<vmem>>
      %gather3A_1847 = tpu.memref_squeeze %gather3A_1846 : memref<1x128x128xf32, #tpu.memory_space<vmem>> -> memref<128x128xf32, #tpu.memory_space<vmem>>
      %gather3A_1848 = tpu.vector_load_idx %gather3A_1847[%add3A_1399, %add3A_1842] : memref<128x128xf32, #tpu.memory_space<vmem>>[vector<16xi32>, vector<16xi32>], vector<16xf32>,
      %add3A_1849 = arith.constant 22 : i32
      %add3A_1850 = vector.broadcast %add3A_1849 : i32 to vector<16xi32>
      %add3A_1851 = arith.addi %shift_left3A_1395, %add3A_1850 : vector<16xi32>
      %gather3A_1852 = arith.constant 1 : i32
      %gather3A_1853 = arith.constant 0 : i32
      %gather3A_1854 = arith.constant 0 : i32
      %gather3A_1855 = tpu.memref_slice %arg12[%gather3A_1852, %gather3A_1853, %gather3A_1854] : memref<2x128x128xf32, #tpu.memory_space<vmem>> -> memref<1x128x128xf32, #tpu.memory_space<vmem>>
      %gather3A_1856 = tpu.memref_squeeze %gather3A_1855 : memref<1x128x128xf32, #tpu.memory_space<vmem>> -> memref<128x128xf32, #tpu.memory_space<vmem>>
      %gather3A_1857 = tpu.vector_load_idx %gather3A_1856[%add3A_1399, %add3A_1851] : memref<128x128xf32, #tpu.memory_space<vmem>>[vector<16xi32>, vector<16xi32>], vector<16xf32>,
      %mul3A_1858 = arith.mulf %gather3A_1848, %gather3A_1857 : vector<16xf32>
      %add3A_1859 = arith.addf %add3A_1839, %mul3A_1858 : vector<16xf32>
      %add3A_1860 = arith.constant 23 : i32
      %add3A_1861 = vector.broadcast %add3A_1860 : i32 to vector<16xi32>
      %add3A_1862 = arith.addi %shift_left3A_1386, %add3A_1861 : vector<16xi32>
      %gather3A_1863 = arith.constant 1 : i32
      %gather3A_1864 = arith.constant 0 : i32
      %gather3A_1865 = arith.constant 0 : i32
      %gather3A_1866 = tpu.memref_slice %arg11[%gather3A_1863, %gather3A_1864, %gather3A_1865] : memref<2x128x128xf32, #tpu.memory_space<vmem>> -> memref<1x128x128xf32, #tpu.memory_space<vmem>>
      %gather3A_1867 = tpu.memref_squeeze %gather3A_1866 : memref<1x128x128xf32, #tpu.memory_space<vmem>> -> memref<128x128xf32, #tpu.memory_space<vmem>>
      %gather3A_1868 = tpu.vector_load_idx %gather3A_1867[%add3A_1399, %add3A_1862] : memref<128x128xf32, #tpu.memory_space<vmem>>[vector<16xi32>, vector<16xi32>], vector<16xf32>,
      %add3A_1869 = arith.constant 23 : i32
      %add3A_1870 = vector.broadcast %add3A_1869 : i32 to vector<16xi32>
      %add3A_1871 = arith.addi %shift_left3A_1395, %add3A_1870 : vector<16xi32>
      %gather3A_1872 = arith.constant 1 : i32
      %gather3A_1873 = arith.constant 0 : i32
      %gather3A_1874 = arith.constant 0 : i32
      %gather3A_1875 = tpu.memref_slice %arg12[%gather3A_1872, %gather3A_1873, %gather3A_1874] : memref<2x128x128xf32, #tpu.memory_space<vmem>> -> memref<1x128x128xf32, #tpu.memory_space<vmem>>
      %gather3A_1876 = tpu.memref_squeeze %gather3A_1875 : memref<1x128x128xf32, #tpu.memory_space<vmem>> -> memref<128x128xf32, #tpu.memory_space<vmem>>
      %gather3A_1877 = tpu.vector_load_idx %gather3A_1876[%add3A_1399, %add3A_1871] : memref<128x128xf32, #tpu.memory_space<vmem>>[vector<16xi32>, vector<16xi32>], vector<16xf32>,
      %mul3A_1878 = arith.mulf %gather3A_1868, %gather3A_1877 : vector<16xf32>
      %add3A_1879 = arith.addf %add3A_1859, %mul3A_1878 : vector<16xf32>
      %add3A_1880 = arith.constant 24 : i32
      %add3A_1881 = vector.broadcast %add3A_1880 : i32 to vector<16xi32>
      %add3A_1882 = arith.addi %shift_left3A_1386, %add3A_1881 : vector<16xi32>
      %gather3A_1883 = arith.constant 1 : i32
      %gather3A_1884 = arith.constant 0 : i32
      %gather3A_1885 = arith.constant 0 : i32
      %gather3A_1886 = tpu.memref_slice %arg11[%gather3A_1883, %gather3A_1884, %gather3A_1885] : memref<2x128x128xf32, #tpu.memory_space<vmem>> -> memref<1x128x128xf32, #tpu.memory_space<vmem>>
      %gather3A_1887 = tpu.memref_squeeze %gather3A_1886 : memref<1x128x128xf32, #tpu.memory_space<vmem>> -> memref<128x128xf32, #tpu.memory_space<vmem>>
      %gather3A_1888 = tpu.vector_load_idx %gather3A_1887[%add3A_1399, %add3A_1882] : memref<128x128xf32, #tpu.memory_space<vmem>>[vector<16xi32>, vector<16xi32>], vector<16xf32>,
      %add3A_1889 = arith.constant 24 : i32
      %add3A_1890 = vector.broadcast %add3A_1889 : i32 to vector<16xi32>
      %add3A_1891 = arith.addi %shift_left3A_1395, %add3A_1890 : vector<16xi32>
      %gather3A_1892 = arith.constant 1 : i32
      %gather3A_1893 = arith.constant 0 : i32
      %gather3A_1894 = arith.constant 0 : i32
      %gather3A_1895 = tpu.memref_slice %arg12[%gather3A_1892, %gather3A_1893, %gather3A_1894] : memref<2x128x128xf32, #tpu.memory_space<vmem>> -> memref<1x128x128xf32, #tpu.memory_space<vmem>>
      %gather3A_1896 = tpu.memref_squeeze %gather3A_1895 : memref<1x128x128xf32, #tpu.memory_space<vmem>> -> memref<128x128xf32, #tpu.memory_space<vmem>>
      %gather3A_1897 = tpu.vector_load_idx %gather3A_1896[%add3A_1399, %add3A_1891] : memref<128x128xf32, #tpu.memory_space<vmem>>[vector<16xi32>, vector<16xi32>], vector<16xf32>,
      %mul3A_1898 = arith.mulf %gather3A_1888, %gather3A_1897 : vector<16xf32>
      %add3A_1899 = arith.addf %add3A_1879, %mul3A_1898 : vector<16xf32>
      %add3A_1900 = arith.constant 25 : i32
      %add3A_1901 = vector.broadcast %add3A_1900 : i32 to vector<16xi32>
      %add3A_1902 = arith.addi %shift_left3A_1386, %add3A_1901 : vector<16xi32>
      %gather3A_1903 = arith.constant 1 : i32
      %gather3A_1904 = arith.constant 0 : i32
      %gather3A_1905 = arith.constant 0 : i32
      %gather3A_1906 = tpu.memref_slice %arg11[%gather3A_1903, %gather3A_1904, %gather3A_1905] : memref<2x128x128xf32, #tpu.memory_space<vmem>> -> memref<1x128x128xf32, #tpu.memory_space<vmem>>
      %gather3A_1907 = tpu.memref_squeeze %gather3A_1906 : memref<1x128x128xf32, #tpu.memory_space<vmem>> -> memref<128x128xf32, #tpu.memory_space<vmem>>
      %gather3A_1908 = tpu.vector_load_idx %gather3A_1907[%add3A_1399, %add3A_1902] : memref<128x128xf32, #tpu.memory_space<vmem>>[vector<16xi32>, vector<16xi32>], vector<16xf32>,
      %add3A_1909 = arith.constant 25 : i32
      %add3A_1910 = vector.broadcast %add3A_1909 : i32 to vector<16xi32>
      %add3A_1911 = arith.addi %shift_left3A_1395, %add3A_1910 : vector<16xi32>
      %gather3A_1912 = arith.constant 1 : i32
      %gather3A_1913 = arith.constant 0 : i32
      %gather3A_1914 = arith.constant 0 : i32
      %gather3A_1915 = tpu.memref_slice %arg12[%gather3A_1912, %gather3A_1913, %gather3A_1914] : memref<2x128x128xf32, #tpu.memory_space<vmem>> -> memref<1x128x128xf32, #tpu.memory_space<vmem>>
      %gather3A_1916 = tpu.memref_squeeze %gather3A_1915 : memref<1x128x128xf32, #tpu.memory_space<vmem>> -> memref<128x128xf32, #tpu.memory_space<vmem>>
      %gather3A_1917 = tpu.vector_load_idx %gather3A_1916[%add3A_1399, %add3A_1911] : memref<128x128xf32, #tpu.memory_space<vmem>>[vector<16xi32>, vector<16xi32>], vector<16xf32>,
      %mul3A_1918 = arith.mulf %gather3A_1908, %gather3A_1917 : vector<16xf32>
      %add3A_1919 = arith.addf %add3A_1899, %mul3A_1918 : vector<16xf32>
      %add3A_1920 = arith.constant 26 : i32
      %add3A_1921 = vector.broadcast %add3A_1920 : i32 to vector<16xi32>
      %add3A_1922 = arith.addi %shift_left3A_1386, %add3A_1921 : vector<16xi32>
      %gather3A_1923 = arith.constant 1 : i32
      %gather3A_1924 = arith.constant 0 : i32
      %gather3A_1925 = arith.constant 0 : i32
      %gather3A_1926 = tpu.memref_slice %arg11[%gather3A_1923, %gather3A_1924, %gather3A_1925] : memref<2x128x128xf32, #tpu.memory_space<vmem>> -> memref<1x128x128xf32, #tpu.memory_space<vmem>>
      %gather3A_1927 = tpu.memref_squeeze %gather3A_1926 : memref<1x128x128xf32, #tpu.memory_space<vmem>> -> memref<128x128xf32, #tpu.memory_space<vmem>>
      %gather3A_1928 = tpu.vector_load_idx %gather3A_1927[%add3A_1399, %add3A_1922] : memref<128x128xf32, #tpu.memory_space<vmem>>[vector<16xi32>, vector<16xi32>], vector<16xf32>,
      %add3A_1929 = arith.constant 26 : i32
      %add3A_1930 = vector.broadcast %add3A_1929 : i32 to vector<16xi32>
      %add3A_1931 = arith.addi %shift_left3A_1395, %add3A_1930 : vector<16xi32>
      %gather3A_1932 = arith.constant 1 : i32
      %gather3A_1933 = arith.constant 0 : i32
      %gather3A_1934 = arith.constant 0 : i32
      %gather3A_1935 = tpu.memref_slice %arg12[%gather3A_1932, %gather3A_1933, %gather3A_1934] : memref<2x128x128xf32, #tpu.memory_space<vmem>> -> memref<1x128x128xf32, #tpu.memory_space<vmem>>
      %gather3A_1936 = tpu.memref_squeeze %gather3A_1935 : memref<1x128x128xf32, #tpu.memory_space<vmem>> -> memref<128x128xf32, #tpu.memory_space<vmem>>
      %gather3A_1937 = tpu.vector_load_idx %gather3A_1936[%add3A_1399, %add3A_1931] : memref<128x128xf32, #tpu.memory_space<vmem>>[vector<16xi32>, vector<16xi32>], vector<16xf32>,
      %mul3A_1938 = arith.mulf %gather3A_1928, %gather3A_1937 : vector<16xf32>
      %add3A_1939 = arith.addf %add3A_1919, %mul3A_1938 : vector<16xf32>
      %add3A_1940 = arith.constant 27 : i32
      %add3A_1941 = vector.broadcast %add3A_1940 : i32 to vector<16xi32>
      %add3A_1942 = arith.addi %shift_left3A_1386, %add3A_1941 : vector<16xi32>
      %gather3A_1943 = arith.constant 1 : i32
      %gather3A_1944 = arith.constant 0 : i32
      %gather3A_1945 = arith.constant 0 : i32
      %gather3A_1946 = tpu.memref_slice %arg11[%gather3A_1943, %gather3A_1944, %gather3A_1945] : memref<2x128x128xf32, #tpu.memory_space<vmem>> -> memref<1x128x128xf32, #tpu.memory_space<vmem>>
      %gather3A_1947 = tpu.memref_squeeze %gather3A_1946 : memref<1x128x128xf32, #tpu.memory_space<vmem>> -> memref<128x128xf32, #tpu.memory_space<vmem>>
      %gather3A_1948 = tpu.vector_load_idx %gather3A_1947[%add3A_1399, %add3A_1942] : memref<128x128xf32, #tpu.memory_space<vmem>>[vector<16xi32>, vector<16xi32>], vector<16xf32>,
      %add3A_1949 = arith.constant 27 : i32
      %add3A_1950 = vector.broadcast %add3A_1949 : i32 to vector<16xi32>
      %add3A_1951 = arith.addi %shift_left3A_1395, %add3A_1950 : vector<16xi32>
      %gather3A_1952 = arith.constant 1 : i32
      %gather3A_1953 = arith.constant 0 : i32
      %gather3A_1954 = arith.constant 0 : i32
      %gather3A_1955 = tpu.memref_slice %arg12[%gather3A_1952, %gather3A_1953, %gather3A_1954] : memref<2x128x128xf32, #tpu.memory_space<vmem>> -> memref<1x128x128xf32, #tpu.memory_space<vmem>>
      %gather3A_1956 = tpu.memref_squeeze %gather3A_1955 : memref<1x128x128xf32, #tpu.memory_space<vmem>> -> memref<128x128xf32, #tpu.memory_space<vmem>>
      %gather3A_1957 = tpu.vector_load_idx %gather3A_1956[%add3A_1399, %add3A_1951] : memref<128x128xf32, #tpu.memory_space<vmem>>[vector<16xi32>, vector<16xi32>], vector<16xf32>,
      %mul3A_1958 = arith.mulf %gather3A_1948, %gather3A_1957 : vector<16xf32>
      %add3A_1959 = arith.addf %add3A_1939, %mul3A_1958 : vector<16xf32>
      %add3A_1960 = arith.constant 28 : i32
      %add3A_1961 = vector.broadcast %add3A_1960 : i32 to vector<16xi32>
      %add3A_1962 = arith.addi %shift_left3A_1386, %add3A_1961 : vector<16xi32>
      %gather3A_1963 = arith.constant 1 : i32
      %gather3A_1964 = arith.constant 0 : i32
      %gather3A_1965 = arith.constant 0 : i32
      %gather3A_1966 = tpu.memref_slice %arg11[%gather3A_1963, %gather3A_1964, %gather3A_1965] : memref<2x128x128xf32, #tpu.memory_space<vmem>> -> memref<1x128x128xf32, #tpu.memory_space<vmem>>
      %gather3A_1967 = tpu.memref_squeeze %gather3A_1966 : memref<1x128x128xf32, #tpu.memory_space<vmem>> -> memref<128x128xf32, #tpu.memory_space<vmem>>
      %gather3A_1968 = tpu.vector_load_idx %gather3A_1967[%add3A_1399, %add3A_1962] : memref<128x128xf32, #tpu.memory_space<vmem>>[vector<16xi32>, vector<16xi32>], vector<16xf32>,
      %add3A_1969 = arith.constant 28 : i32
      %add3A_1970 = vector.broadcast %add3A_1969 : i32 to vector<16xi32>
      %add3A_1971 = arith.addi %shift_left3A_1395, %add3A_1970 : vector<16xi32>
      %gather3A_1972 = arith.constant 1 : i32
      %gather3A_1973 = arith.constant 0 : i32
      %gather3A_1974 = arith.constant 0 : i32
      %gather3A_1975 = tpu.memref_slice %arg12[%gather3A_1972, %gather3A_1973, %gather3A_1974] : memref<2x128x128xf32, #tpu.memory_space<vmem>> -> memref<1x128x128xf32, #tpu.memory_space<vmem>>
      %gather3A_1976 = tpu.memref_squeeze %gather3A_1975 : memref<1x128x128xf32, #tpu.memory_space<vmem>> -> memref<128x128xf32, #tpu.memory_space<vmem>>
      %gather3A_1977 = tpu.vector_load_idx %gather3A_1976[%add3A_1399, %add3A_1971] : memref<128x128xf32, #tpu.memory_space<vmem>>[vector<16xi32>, vector<16xi32>], vector<16xf32>,
      %mul3A_1978 = arith.mulf %gather3A_1968, %gather3A_1977 : vector<16xf32>
      %add3A_1979 = arith.addf %add3A_1959, %mul3A_1978 : vector<16xf32>
      %add3A_1980 = arith.constant 29 : i32
      %add3A_1981 = vector.broadcast %add3A_1980 : i32 to vector<16xi32>
      %add3A_1982 = arith.addi %shift_left3A_1386, %add3A_1981 : vector<16xi32>
      %gather3A_1983 = arith.constant 1 : i32
      %gather3A_1984 = arith.constant 0 : i32
      %gather3A_1985 = arith.constant 0 : i32
      %gather3A_1986 = tpu.memref_slice %arg11[%gather3A_1983, %gather3A_1984, %gather3A_1985] : memref<2x128x128xf32, #tpu.memory_space<vmem>> -> memref<1x128x128xf32, #tpu.memory_space<vmem>>
      %gather3A_1987 = tpu.memref_squeeze %gather3A_1986 : memref<1x128x128xf32, #tpu.memory_space<vmem>> -> memref<128x128xf32, #tpu.memory_space<vmem>>
      %gather3A_1988 = tpu.vector_load_idx %gather3A_1987[%add3A_1399, %add3A_1982] : memref<128x128xf32, #tpu.memory_space<vmem>>[vector<16xi32>, vector<16xi32>], vector<16xf32>,
      %add3A_1989 = arith.constant 29 : i32
      %add3A_1990 = vector.broadcast %add3A_1989 : i32 to vector<16xi32>
      %add3A_1991 = arith.addi %shift_left3A_1395, %add3A_1990 : vector<16xi32>
      %gather3A_1992 = arith.constant 1 : i32
      %gather3A_1993 = arith.constant 0 : i32
      %gather3A_1994 = arith.constant 0 : i32
      %gather3A_1995 = tpu.memref_slice %arg12[%gather3A_1992, %gather3A_1993, %gather3A_1994] : memref<2x128x128xf32, #tpu.memory_space<vmem>> -> memref<1x128x128xf32, #tpu.memory_space<vmem>>
      %gather3A_1996 = tpu.memref_squeeze %gather3A_1995 : memref<1x128x128xf32, #tpu.memory_space<vmem>> -> memref<128x128xf32, #tpu.memory_space<vmem>>
      %gather3A_1997 = tpu.vector_load_idx %gather3A_1996[%add3A_1399, %add3A_1991] : memref<128x128xf32, #tpu.memory_space<vmem>>[vector<16xi32>, vector<16xi32>], vector<16xf32>,
      %mul3A_1998 = arith.mulf %gather3A_1988, %gather3A_1997 : vector<16xf32>
      %add3A_1999 = arith.addf %add3A_1979, %mul3A_1998 : vector<16xf32>
      %add3A_2000 = arith.constant 30 : i32
      %add3A_2001 = vector.broadcast %add3A_2000 : i32 to vector<16xi32>
      %add3A_2002 = arith.addi %shift_left3A_1386, %add3A_2001 : vector<16xi32>
      %gather3A_2003 = arith.constant 1 : i32
      %gather3A_2004 = arith.constant 0 : i32
      %gather3A_2005 = arith.constant 0 : i32
      %gather3A_2006 = tpu.memref_slice %arg11[%gather3A_2003, %gather3A_2004, %gather3A_2005] : memref<2x128x128xf32, #tpu.memory_space<vmem>> -> memref<1x128x128xf32, #tpu.memory_space<vmem>>
      %gather3A_2007 = tpu.memref_squeeze %gather3A_2006 : memref<1x128x128xf32, #tpu.memory_space<vmem>> -> memref<128x128xf32, #tpu.memory_space<vmem>>
      %gather3A_2008 = tpu.vector_load_idx %gather3A_2007[%add3A_1399, %add3A_2002] : memref<128x128xf32, #tpu.memory_space<vmem>>[vector<16xi32>, vector<16xi32>], vector<16xf32>,
      %add3A_2009 = arith.constant 30 : i32
      %add3A_2010 = vector.broadcast %add3A_2009 : i32 to vector<16xi32>
      %add3A_2011 = arith.addi %shift_left3A_1395, %add3A_2010 : vector<16xi32>
      %gather3A_2012 = arith.constant 1 : i32
      %gather3A_2013 = arith.constant 0 : i32
      %gather3A_2014 = arith.constant 0 : i32
      %gather3A_2015 = tpu.memref_slice %arg12[%gather3A_2012, %gather3A_2013, %gather3A_2014] : memref<2x128x128xf32, #tpu.memory_space<vmem>> -> memref<1x128x128xf32, #tpu.memory_space<vmem>>
      %gather3A_2016 = tpu.memref_squeeze %gather3A_2015 : memref<1x128x128xf32, #tpu.memory_space<vmem>> -> memref<128x128xf32, #tpu.memory_space<vmem>>
      %gather3A_2017 = tpu.vector_load_idx %gather3A_2016[%add3A_1399, %add3A_2011] : memref<128x128xf32, #tpu.memory_space<vmem>>[vector<16xi32>, vector<16xi32>], vector<16xf32>,
      %mul3A_2018 = arith.mulf %gather3A_2008, %gather3A_2017 : vector<16xf32>
      %add3A_2019 = arith.addf %add3A_1999, %mul3A_2018 : vector<16xf32>
      %add3A_2020 = arith.constant 31 : i32
      %add3A_2021 = vector.broadcast %add3A_2020 : i32 to vector<16xi32>
      %add3A_2022 = arith.addi %shift_left3A_1386, %add3A_2021 : vector<16xi32>
      %gather3A_2023 = arith.constant 1 : i32
      %gather3A_2024 = arith.constant 0 : i32
      %gather3A_2025 = arith.constant 0 : i32
      %gather3A_2026 = tpu.memref_slice %arg11[%gather3A_2023, %gather3A_2024, %gather3A_2025] : memref<2x128x128xf32, #tpu.memory_space<vmem>> -> memref<1x128x128xf32, #tpu.memory_space<vmem>>
      %gather3A_2027 = tpu.memref_squeeze %gather3A_2026 : memref<1x128x128xf32, #tpu.memory_space<vmem>> -> memref<128x128xf32, #tpu.memory_space<vmem>>
      %gather3A_2028 = tpu.vector_load_idx %gather3A_2027[%add3A_1399, %add3A_2022] : memref<128x128xf32, #tpu.memory_space<vmem>>[vector<16xi32>, vector<16xi32>], vector<16xf32>,
      %add3A_2029 = arith.constant 31 : i32
      %add3A_2030 = vector.broadcast %add3A_2029 : i32 to vector<16xi32>
      %add3A_2031 = arith.addi %shift_left3A_1395, %add3A_2030 : vector<16xi32>
      %gather3A_2032 = arith.constant 1 : i32
      %gather3A_2033 = arith.constant 0 : i32
      %gather3A_2034 = arith.constant 0 : i32
      %gather3A_2035 = tpu.memref_slice %arg12[%gather3A_2032, %gather3A_2033, %gather3A_2034] : memref<2x128x128xf32, #tpu.memory_space<vmem>> -> memref<1x128x128xf32, #tpu.memory_space<vmem>>
      %gather3A_2036 = tpu.memref_squeeze %gather3A_2035 : memref<1x128x128xf32, #tpu.memory_space<vmem>> -> memref<128x128xf32, #tpu.memory_space<vmem>>
      %gather3A_2037 = tpu.vector_load_idx %gather3A_2036[%add3A_1399, %add3A_2031] : memref<128x128xf32, #tpu.memory_space<vmem>>[vector<16xi32>, vector<16xi32>], vector<16xf32>,
      %mul3A_2038 = arith.mulf %gather3A_2028, %gather3A_2037 : vector<16xf32>
      %add3A_2039 = arith.addf %add3A_2019, %mul3A_2038 : vector<16xf32>
      %mul3A_2040 = arith.constant 16 : i32
      %mul3A_2041 = arith.muli %scan3A_1366, %mul3A_2040 : i32
      %add3A_2042 = arith.constant 384 : i32
      %add3A_2043 = arith.addi %add3A_2042, %mul3A_2041 : i32
      %swap3A_2044 = arith.index_cast %add3A_2043 : i32 to index
      %swap3A_2045 = tpu.vector_load %arg13[%swap3A_2044] {strides = array<i32>} : memref<512xf32, #tpu.memory_space<vmem>>, vector<16xf32>,
      tpu.vector_store %arg13[%swap3A_2044], %add3A_2039 {strides = array<i32>} : memref<512xf32, #tpu.memory_space<vmem>>, vector<16xf32>,
      %scan3A_2046 = arith.constant 0 : i32
      scf.yield %scan3A_2046 : i32
    }
    %scan3A_1365 = arith.constant 8 : i32
    "tpu.region"() ({
      %run_scoped3A = tpu.sem_alloc : memref<!tpu.dma_semaphore, #tpu.memory_space<semaphore_mem>>
      %dma_start3A_1366 = tpu.memref_slice %arg6[%mul3A_2] : memref<16384xf32, #tpu.memory_space<hbm>> -> memref<512xf32, #tpu.memory_space<hbm>>
      %dma_start3A_1367 = tpu.memref_slice %arg6[%mul3A_2] : memref<16384xf32, #tpu.memory_space<hbm>> -> memref<512xf32, #tpu.memory_space<hbm>>
      tpu.enqueue_dma source(%arg13 : memref<512xf32, #tpu.memory_space<vmem>>) target(%dma_start3A_1367 : memref<512xf32, #tpu.memory_space<hbm>>) target_semaphore(%run_scoped3A : memref<!tpu.dma_semaphore, #tpu.memory_space<semaphore_mem>>)
      %dma_wait3A_1368 = tpu.memref_slice %arg6[%mul3A_2] : memref<16384xf32, #tpu.memory_space<hbm>> -> memref<512xf32, #tpu.memory_space<hbm>>
      %dma_wait3A_1369 = tpu.memref_slice %arg6[%mul3A_2] : memref<16384xf32, #tpu.memory_space<hbm>> -> memref<512xf32, #tpu.memory_space<hbm>>
      tpu.wait_dma2 semaphore(%run_scoped3A : memref<!tpu.dma_semaphore, #tpu.memory_space<semaphore_mem>>) src(%arg13 : memref<512xf32, #tpu.memory_space<vmem>>) dst(%dma_wait3A_1369 : memref<512xf32, #tpu.memory_space<hbm>>)
      tpu.yield
    }) : () -> ()
    return
  }
}

module attributes {stable_mosaic.version = 14 : i64} {
  func.func @_relayout_body(%arg0: i32, %arg1: memref<32x65536xf32, #tpu.memory_space<vmem>>, %arg2: memref<16384x128xf32, #tpu.memory_space<vmem>>) attributes {dimension_semantics = [#tpu.dimension_semantics<arbitrary>], iteration_bounds = array<i64: 16>, scalar_prefetch = 0 : i64, scratch_operands = 0 : i64, tpu.core_type = #tpu.core_type<tc>, window_params = [{transform_indices = @transform_0, window_bounds = array<i64: 32, 65536>}, {transform_indices = @transform_1, window_bounds = array<i64: 16384, 128>}]} {
    %get3A = arith.constant 0 : index
    %get3A_0 = arith.constant 0 : index
    %get3A_1 = vector.load %arg1[%get3A, %get3A_0] : memref<32x65536xf32, #tpu.memory_space<vmem>>, vector<32x65536xf32>
    %slice3A = vector.extract_strided_slice %get3A_1 {offsets = [0, 0], sizes = [32, 16384], strides = [1, 1]} : vector<32x65536xf32> to vector<32x16384xf32>
    %slice3A_2 = vector.extract_strided_slice %get3A_1 {offsets = [0, 16384], sizes = [32, 16384], strides = [1, 1]} : vector<32x65536xf32> to vector<32x16384xf32>
    %slice3A_3 = vector.extract_strided_slice %get3A_1 {offsets = [0, 32768], sizes = [32, 16384], strides = [1, 1]} : vector<32x65536xf32> to vector<32x16384xf32>
    %slice3A_4 = vector.extract_strided_slice %get3A_1 {offsets = [0, 49152], sizes = [32, 16384], strides = [1, 1]} : vector<32x65536xf32> to vector<32x16384xf32>
    %concatenate3A = tpu.concatenate %slice3A, %slice3A_2, %slice3A_3, %slice3A_4 in 0 : vector<32x16384xf32>, vector<32x16384xf32>, vector<32x16384xf32>, vector<32x16384xf32> -> vector<128x16384xf32>
    %transpose3A = tpu.transpose %concatenate3A, [1, 0] : vector<128x16384xf32> -> vector<16384x128xf32>
    %swap3A = arith.constant 0 : index
    %swap3A_5 = arith.constant 0 : index
    %swap3A_6 = vector.load %arg2[%swap3A, %swap3A_5] : memref<16384x128xf32, #tpu.memory_space<vmem>>, vector<16384x128xf32>
    tpu.vector_store %arg2[%swap3A, %swap3A_5], %transpose3A {strides = array<i32>} : memref<16384x128xf32, #tpu.memory_space<vmem>>, vector<16384x128xf32>,
    return
  }
  func.func @transform_0(%arg0: i32) -> (i32, i32) {
    %c0_i32 = arith.constant 0 : i32
    %c0_i32_0 = arith.constant 0 : i32
    return %c0_i32, %arg0 : i32, i32
  }
  func.func @transform_1(%arg0: i32) -> (i32, i32) {
    %c0_i32 = arith.constant 0 : i32
    %c0_i32_0 = arith.constant 0 : i32
    return %arg0, %c0_i32 : i32, i32
  }
}

</mosaic_0001>

<sc_bundles>
// kernel: _run.5.cloned.1.call-start
scs
__scs_entry_jumppad:
0x0: {  	(pc) =	sbr.rel $0x88, $3  }
0x1: {  	(tag) =	ssettag $0x0;
	lr =	simm.s32 $0x1  }
0x2: {  	[smem:$0x3F9D] =	sst lr;
	_ =	strace $0xD0000000  }
0x3: {  	_ = 	snop  }
0x4: {  	_ = 	snop  }
0x5: {  	_ = 	snop  }
0x6: {  	_ = 	snop  }
0x7: {  	_ = 	snop  }
__scs_overlays_trampoline_lowered:
0x8: {  	[smem:$0x3FAC] =	sst s0  }
0x9: {  	[smem:$0x3FAD] =	sst s1  }
0xa: {  	[smem:$0x3FAE] =	sst s2  }
0xb: {  	[smem:$0x3FAF] =	sst s3  }
0xc: {  	[smem:$0x3FB0] =	sst s4  }
0xd: {  	[smem:$0x3FB1] =	sst s5  }
0xe: {  	[smem:$0x3FB2] =	sst s6  }
0xf: {  	[smem:$0x3FB3] =	sst s7  }
0x10: {  	[smem:$0x3FB4] =	sst s8  }
0x11: {  	[smem:$0x3FB5] =	sst s9;
	s0 =	simm.s32 @!p0 $0x0  }
0x12: {  	s1 =	sld [smem:$0x3F9B];
	s0 =	simm.s32 @p0 $0x1  }
0x13: {  	[smem:$0x3FB6] =	sst s0;
	s0 =	simm.s32 @!p1 $0x0  }
0x14: {  	s2 =	sld [smem:$0x3F9A];
	s0 =	simm.s32 @p1 $0x1  }
0x15: {  	[smem:$0x3FB7] =	sst s0;
	s0 =	simm.s32 @!p2 $0x0  }
0x16: {  	s3 =	sld [smem:$0x3FDB];
	s0 =	simm.s32 @p2 $0x1  }
0x17: {  	s4 =	simm.s32 $0x1BF5;
	[smem:$0x3FB9] =	sst s0  }
0x18: {  	s0 =	sld [smem:$0x3F9C];
	_ =	swait.ge [sflag:s4], $0x0  }
0x19: {  	s7 =	sld [smem:$0x3F9D]  }
0x1a: {  	s8 =	sadd.s32 $0xFFFFE003, lr  }
0x1b: {  	s9 =	sadd.s32 $0xFFFFFEF7, lr;
	s5 =	simm.s32 $0xFFFFFFFF;
	p2 =	slt.u32 s8, $0xFFFFF086  }
0x1c: {  	p1 =	slt.u32 s9, $0xF7A;
	s5 =	simm.s32 @!p2 $0x0  }
0x1d: {  	s5 =	simm.s32 @p1 $0x1;
	p0 =	seq.s32 s7, s2  }
0x1e: {  	s7 =	smul.u32 @!p0 $0xF7A, s2;
	p2 =	seq.s32 @!p0 s5, $0x0  }
0x1f: {  	s9 =	smul.u32 $0xF7A, s1;
	s8 =	simm.s32 @!p0 $0x1BF5;
	p2 =	por !p2, p0  }
0x20: {  	[sflag:s8] =	ssyncset.s32 @!p0 $0xFFFFF086;
	s6 =	sadd.s32 @!p0 s3, s7;
	s7 =	simm.s32 @!p0 $0x108  }
0x21: {  	s3 =	sadd.s32 s3, s9;
	s6 =	sadd.s32 @!p0 $0x88, s6;
	s7 =	simm.s32 @p2 $0x1082  }
0x22: {  	[simem:s7], [sflag:s8] =	dma.local @!p0 [hbm:s6], $0xF7A  }
0x23: {  	s9 =	sor.u32 $0xD0000000, s2;
	s6 =	simm.s32 $0x108;
	_ =	swait.ge @!p0 [sflag:s8], $0x0  }
0x24: {  	s3 =	sadd.s32 $0x88, s3;
	s6 =	simm.s32 @!p1 $0x1082;
	[sflag:s4] =	ssyncset.s32 $0xFFFFF086  }
0x25: {  	[simem:s6], [sflag:s4] =	dma.local [hbm:s3], $0xF7A  }
0x26: {  	[smem:$0x3F9D] =	sst s1;
	(tag) =	ssettag s2;
	_ =	strace s9  }
0x27: {  	s1 =	sld [smem:$0x3FAD]  }
0x28: {  	s2 =	sld [smem:$0x3FAE]  }
0x29: {  	s4 =	sld [smem:$0x3FB0]  }
0x2a: {  	p0 =	seq.s32 s5, $0x0;
	s5 =	sld [smem:$0x3FB1]  }
0x2b: {  	s6 =	sld [smem:$0x3FB2]  }
0x2c: {  	s7 =	sld [smem:$0x3FB3]  }
0x2d: {  	s3 =	simm.s32 $0x108;
	s8 =	sld [smem:$0x3FB4]  }
0x2e: {  	s3 =	simm.s32 @!p0 $0x1082;
	s9 =	sld [smem:$0x3FB5]  }
0x2f: {  	lr =	sadd.s32 s0, s3;
	s0 =	sld [smem:$0x3FAC]  }
0x30: {  	s3 =	sld [smem:$0x3FAF]  }
0x31: {  	[smem:$0x3FB8] =	sst s10  }
0x32: {  	s10 =	sld [smem:$0x3FB6];
	_ =	sdelay $0x3  }
0x33: {  	p0 =	seq.s32 s10, $0x1;
	s10 =	sld [smem:$0x3FB8];
	_ =	sdelay $0x3  }
0x34: {  	[smem:$0x3FB8] =	sst s10  }
0x35: {  	s10 =	sld [smem:$0x3FB7];
	_ =	sdelay $0x3  }
0x36: {  	p1 =	seq.s32 s10, $0x1;
	s10 =	sld [smem:$0x3FB8];
	_ =	sdelay $0x3  }
0x37: {  	[smem:$0x3FB8] =	sst s10  }
0x38: {  	s10 =	sld [smem:$0x3FB9]  }
0x39: {  	_ = 	snop;
	(pc) =	sbr.ind lr, $3  }
0x3a: {  	_ = 	snop  }
0x3b: {  	_ = 	snop  }
0x3c: {  	p2 =	seq.s32 s10, $0x1;
	s10 =	sld [smem:$0x3FB8]  }
0x3d: {  	_ =	shalt  }
0x3e: {  	_ =	shalt  }
0x3f: {  	_ =	shalt  }
0x40: {  	_ =	shalt  }
0x41: {  	_ =	shalt  }
0x42: {  	_ =	shalt  }
0x43: {  	_ =	shalt  }
0x44: {  	_ =	shalt  }
0x45: {  	_ =	shalt  }
0x46: {  	_ =	shalt  }
0x47: {  	_ =	shalt  }
0x48: {  	_ =	shalt  }
0x49: {  	_ =	shalt  }
0x4a: {  	_ =	shalt  }
0x4b: {  	_ =	shalt  }
0x4c: {  	_ =	shalt  }
0x4d: {  	_ =	shalt  }
0x4e: {  	_ =	shalt  }
0x4f: {  	_ =	shalt  }
0x50: {  	_ =	shalt  }
0x51: {  	_ =	shalt  }
0x52: {  	_ =	shalt  }
0x53: {  	_ =	shalt  }
0x54: {  	_ =	shalt  }
0x55: {  	_ =	shalt  }
0x56: {  	_ =	shalt  }
0x57: {  	_ =	shalt  }
0x58: {  	_ =	shalt  }
0x59: {  	_ =	shalt  }
0x5a: {  	_ =	shalt  }
0x5b: {  	_ =	shalt  }
0x5c: {  	_ =	shalt  }
0x5d: {  	_ =	shalt  }
0x5e: {  	_ =	shalt  }
0x5f: {  	_ =	shalt  }
0x60: {  	_ =	shalt  }
0x61: {  	_ =	shalt  }
0x62: {  	_ =	shalt  }
0x63: {  	_ =	shalt  }
0x64: {  	_ =	shalt  }
0x65: {  	_ =	shalt  }
0x66: {  	_ =	shalt  }
0x67: {  	_ =	shalt  }
0x68: {  	_ =	shalt  }
0x69: {  	_ =	shalt  }
0x6a: {  	_ =	shalt  }
0x6b: {  	_ =	shalt  }
0x6c: {  	_ =	shalt  }
0x6d: {  	_ =	shalt  }
0x6e: {  	_ =	shalt  }
0x6f: {  	_ =	shalt  }
0x70: {  	_ =	shalt  }
0x71: {  	_ =	shalt  }
0x72: {  	_ =	shalt  }
0x73: {  	_ =	shalt  }
0x74: {  	_ =	shalt  }
0x75: {  	_ =	shalt  }
0x76: {  	_ =	shalt  }
0x77: {  	_ =	shalt  }
0x78: {  	_ =	shalt  }
0x79: {  	_ =	shalt  }
0x7a: {  	_ =	shalt  }
0x7b: {  	_ =	shalt  }
0x7c: {  	_ =	shalt  }
0x7d: {  	_ =	shalt  }
0x7e: {  	_ =	shalt  }
0x7f: {  	_ =	shalt  }
0x80: {  	_ =	shalt  }
0x81: {  	_ =	shalt  }
0x82: {  	_ =	shalt  }
0x83: {  	_ =	shalt  }
0x84: {  	_ =	shalt  }
0x85: {  	_ =	shalt  }
0x86: {  	_ =	shalt  }
0x87: {  	_ =	shalt  }
.Lfunc_end0:
.L_simem_size_0:
called_computation_lowered:
.L_overlay_start_0:
0x88: {  	s2 =	sld [smem:$0x3FD9]  }
0x89: {  	s3 =	sld [smem:$0x3FFE];
	_ =	sdelay $0x1  }
0x8a: {  	s1 =	srdreg.scid  }
0x8b: {  	s0 =	sand.u32 $0x1, s1  }
0x8c: {  	s17 =	sshll.u32 s0, $0xA;
	s2 =	sadd.s32 s3, s2  }
0x8d: {  	s2 =	sadd.s32 s2, s17  }
0x8e: {  	[smem:$0x3FC4] =	sst s2  }
0x8f: {  	_ = 	snop  }
0x90: {  	s2 =	sld [smem:$0x3FC9]  }
0x91: {  	s18 =	sld [smem:$0x3FC8]  }
0x92: {  	s4 =	sld [smem:$0x3FD0];
	(tm) =	ssettm $0x1  }
0x93: {  	s5 =	sld [smem:$0x3FFB];
	_ =	sdelay $0x3  }
0x94: {  	_ =	strace s5  }
0x95: {  	s5 =	sld [smem:$0x3FFC];
	_ =	sdelay $0x3  }
0x96: {  	_ =	strace s5  }
0x97: {  	s5 =	sld [smem:$0x3FFD];
	_ =	sdelay $0x3  }
0x98: {  	_ =	strace s5  }
0x99: {  	_ =	strace $0x8FFFFFFF  }
0x9a: {  	s19 =	sld [smem:$0x3FDB];
	_ =	sdelay $0x1  }
0x9b: {  	s6 =	simm.s32 $_scs_section_size  }
0x9c: {  	s7 =	simm.s32 $_size__tile_overlayer_lowered;
	s8 =	simm.s32 $_tile_overlayer_lowered  }
0x9d: {  	s22 =	simm.s32 $0x1BFF;
	s21 =	sshll.u32 s8, $0x1;
	s5 =	sadd.s32 s6, s19  }
0x9e: {  	s9 =	simm.s32 $0x0;
	s20 =	sshll.u32 s7, $0x1;
	s7 =	sadd.s32 s21, s5  }
0x9f: {  	[timem:s9], [sflag:s22] =	dma.local [hbm:s7], s20  }
0xa0: {  	_ =	swait.ge [sflag:s22], s20  }
0xa1: {  	s6 =	ssub.s32 $0x0, s20;
	[sflag:s22] =	ssyncset.done $0x0  }
0xa2: {  	[sflag:s22] =	ssyncadd.s32 s6;
	_ =	sdelay $0x1  }
0xa3: {  	s23 =	simm.s32 $0x1B8B  }
0xa4: {  	_ =	swait.ge [sflag:s23], $0x1  }
0xa5: {  	[sflag:s23] =	ssyncset.done $0x0  }
0xa6: {  	s25 =	simm.s32 $0x1B8E;
	s24 =	sld [smem:$0x3FFE];
	[sflag:s23] =	ssyncadd.s32 $0xFFFFFFFF  }
0xa7: {  	s26 =	simm.s32 $execute0_lowered;
	[smem:$0x3FD2] =	sst s25  }
0xa8: {  	s7 =	sshll.u32 s26, $0x1;
	_ =	strace $0x80000046;
	[dreg:$0x1] =	wrdreg $0xFFFFFFFF  }
0xa9: {  	s28 =	simm.s32 $_size_execute0_lowered;
	s5 =	sadd.s32 s5, s7;
	[dreg:$0x0] =	wrdreg $0x0  }
0xaa: {  	s7 =	sshll.u32 s28, $0x1;
	[dreg:$0x2] =	wrdreg s5  }
0xab: {  	[dreg:$0x3] =	wrdreg s7  }
0xac: {  	[dreg:$0x4] =	wrdreg $0xC0  }
0xad: {  	_ =	task [dreg:s9], $0x5FFFF  }
0xae: {  	[dreg:$0x1] =	wrdreg $0xFFFFFFFF  }
0xaf: {  	[dreg:$0x0] =	wrdreg $0x60  }
0xb0: {  	[dreg:$0x2] =	wrdreg s2  }
0xb1: {  	[dreg:$0x3] =	wrdreg s18  }
0xb2: {  	[dreg:$0x4] =	wrdreg s24  }
0xb3: {  	[dreg:$0x5] =	wrdreg s4  }
0xb4: {  	[dreg:$0x6] =	wrdreg $0x9  }
0xb5: {  	_ =	task.clear_ibuf [dreg:s9], $0x7FFFF;
	_ =	strace $0x90000046  }
0xb6: {  	s29 =	simm.s32 $0x9;
	_ =	strace $0x80000048  }
0xb7: {  	_ =	swait.ge [sflag:s29], $0x1  }
0xb8: {  	[sflag:s29] =	ssyncadd.s32 $0xFFFFFFFF  }
0xb9: {  	_ =	strace $0x90000048  }
0xba: {  	_ =	sfence  }
0xbb: {  	s30 =	sld [smem:$0x0];
	_ =	sdelay $0x2  }
0xbc: {  	s31 =	sshll.u32 s1, $0xD;
	s1 =	sshrl.u32 s1, $0x2  }
0xbd: {  	s3 =	sand.u32 $0x4000, s31;
	s1 =	sadd.s32 s1, s30  }
0xbe: {  	s0 =	sor.u32 s3, s0;
	s1 =	sshll.u32 s1, $0x11  }
0xbf: {  	s0 =	sor.u32 s1, s0  }
0xc0: {  	s0 =	sadd.s32 $0x8F2B, s0  }
0xc1: {  	[sflag:s0] =	ssyncadd.remote.s32 $0x1  }
0xc2: {  	_ =	sfence.sel $0xFFFF  }
0xc3: {  	[dreg:$0x0] =	wrdreg $0xFFFFFFFF;
	(pc) =	sbr.abs _section_cstart, $3  }
0xc4: {  	[dreg:$0x1] =	wrdreg $0xFFFFFFFF  }
0xc5: {  	_ =	task.clear_ibuf [dreg:s9], $0x2FFFF;
	_ =	strace $0x9FFFFFFF  }
0xc6: {  	(tm) =	ssettm $0x7FFFFFFF  }
0xc7: {  	_ =	shalt  }
tec
execute0_lowered:
.L_overlay_start_1:
0x0: {  	(tag) =	ssettag $0x1  }
0x1: {  	s5 =	rddreg [dreg:$0x0]  }
0x2: {  	s6 =	rddreg [dreg:$0x1]  }
0x3: {  	s4 =	rddreg [dreg:$0x2]  }
0x4: {  	s7 =	rddreg [dreg:$0x3]  }
0x5: {  	s0 =	rddreg [dreg:$0x4];
	s1 =	simm.s32 $0x0;
	s2 =	srdreg.scid  }
0x6: {  	s12 =	simm.s32 $0x800;
	s13 =	simm.s32 $0x600;
	s14 =	simm.s32 $0x8800  }
0x7: {  	s15 =	simm.s32 $0x480;
	s16 =	simm.s32 $0x4800;
	s17 =	simm.s32 $0x680  }
0x8: {  	s18 =	simm.s32 $0xC800;
	s19 =	simm.s32 $0x1;
	s20 =	simm.s32 $0x500  }
0x9: {  	s21 =	simm.s32 $0x700;
	s22 =	simm.s32 $0x580;
	s23 =	simm.s32 $0x780  }
0xa: {  	s24 =	simm.s32 $0x10800;
	s25 =	simm.s32 $0x0;
	[smem:$0x7FF] =	sst s1  }
0xb: {  	s8 =	sand.u32 $0x1, s2;
	s3 =	sadd.s32 $0x400, s4;
	s2 =	stileid.u32  }
0xc: {  	s4 =	sadd.s32 $0x400400, s4;
	_ =	strace $0x80000047;
	s9 =	ssub.s32 $0x2, s8  }
0xd: {  	s11 =	sshll.u32 s2, $0x7;
	s8 =	sshll.u32 s8, $0x6;
	s10 =	sshrl.u32 s9, $0x1  }
0xe: {  	s8 =	sor.u32 s8, s11;
	s11 =	simm.s32 $0x400;
	s9 =	ssub.s32 s9, s10  }
0xf: {  	v0 =	vlaneseq.u32;
	s5 =	sadd.s32 s5, s8;
	s6 =	sadd.s32 s6, s8;
	s7 =	sadd.s32 s7, s8  }
0x10: {  	v0 =	vmul.u32 $0x80, v0;
	s10 =	simm.s32 $0x80;
	s8 =	smax.u32 s9, $0x1;
	s9 =	simm.s32 $0x2  }
.LBB2_1:
0x11: {  	[tilespmem:s1], [sflag:$0x2] =	stream.linear.gather [hbm4b:s5+s1], $0x200, $0x38;
	[tilespmem:$0x10A00] =	vst v63  }
0x12: {  	_ =	swait.ge [sflag:s9], $0x200  }
0x13: {  	[sflag:s9] =	ssyncset.done $0x0  }
0x14: {  	s26 =	simm.s32 $0x200;
	[sflag:s9] =	ssyncadd.s32 $0xFFFFFE00  }
0x15: {  	[tilespmem:s26], [sflag:$0x2] =	stream.linear.gather [hbm4b:s6+s1], $0x200, $0x38;
	[tilespmem:$0x10A00] =	vst v63  }
0x16: {  	_ =	swait.ge [sflag:s9], $0x200  }
0x17: {  	[sflag:s9] =	ssyncset.done $0x0  }
0x18: {  	[sflag:s9] =	ssyncadd.s32 $0xFFFFFE00  }
0x19: {  	v1 =	vld [tilespmem:$0x0]  }
0x1a: {  	v2 =	vld [tilespmem:$0x200]  }
0x1b: {  	v3 =	vld [tilespmem:$0x10]  }
0x1c: {  	v4 =	vld [tilespmem:$0x210]  }
0x1d: {  	v6 =	vld [tilespmem:$0x20]  }
0x1e: {  	v8 =	vld [tilespmem:$0x220]  }
0x1f: {  	v43 =	vld [tilespmem:$0x30]  }
0x20: {  	v10 =	vld [tilespmem:$0x230]  }
0x21: {  	v11 =	vld [tilespmem:$0x40]  }
0x22: {  	v48 =	vld [tilespmem:$0x240]  }
0x23: {  	v13 =	vld [tilespmem:$0x50]  }
0x24: {  	v14 =	vld [tilespmem:$0x250]  }
0x25: {  	v53 =	vld [tilespmem:$0x60]  }
0x26: {  	v16 =	vld [tilespmem:$0x260]  }
0x27: {  	v17 =	vld [tilespmem:$0x70]  }
0x28: {  	v58 =	vld [tilespmem:$0x270];
	v5 =	vshra.s32 v1, $0x2;
	v7 =	vshra.s32 v2, $0x2;
	v1 =	vand.u32 $0x3FFF, v1  }
0x29: {  	v19 =	vld [tilespmem:$0x80];
	v2 =	vand.u32 $0x3FFF, v2;
	v42 =	vshra.s32 v3, $0x2;
	v3 =	vand.u32 $0x3FFF, v3  }
0x2a: {  	v20 =	vld [tilespmem:$0x280];
	v9 =	vshra.s32 v4, $0x2;
	v45 =	vshra.s32 v6, $0x2;
	v4 =	vand.u32 $0x3FFF, v4  }
0x2b: {  	v63 =	vld [tilespmem:$0x90];
	v6 =	vand.u32 $0x3FFF, v6;
	v47 =	vshra.s32 v8, $0x2;
	v8 =	vand.u32 $0x3FFF, v8  }
0x2c: {  	v22 =	vld [tilespmem:$0x290];
	v12 =	vshra.s32 v43, $0x2;
	v50 =	vshra.s32 v10, $0x2;
	v10 =	vand.u32 $0x3FFF, v10  }
0x2d: {  	v23 =	vld [tilespmem:$0xA0];
	v52 =	vshra.s32 v11, $0x2;
	v11 =	vand.u32 $0x3FFF, v11;
	v15 =	vshra.s32 v48, $0x2  }
0x2e: {  	v28 =	vld [tilespmem:$0x2A0];
	v55 =	vshra.s32 v13, $0x2;
	v13 =	vand.u32 $0x3FFF, v13;
	v57 =	vshra.s32 v14, $0x2  }
0x2f: {  	v24 =	vld [tilespmem:$0xB0];
	v14 =	vand.u32 $0x3FFF, v14;
	v18 =	vshra.s32 v53, $0x2;
	v60 =	vshra.s32 v16, $0x2  }
0x30: {  	v16 =	vand.u32 $0x3FFF, v16;
	v62 =	vshra.s32 v17, $0x2;
	v17 =	vand.u32 $0x3FFF, v17  }
0x31: {  	v21 =	vshra.s32 v58, $0x2;
	v26 =	vshra.s32 v19, $0x2;
	v19 =	vand.u32 $0x3FFF, v19  }
0x32: {  	v27 =	vshra.s32 v20, $0x2;
	v29 =	vand.u32 $0x3FFF, v20;
	v30 =	vshra.s32 v63, $0x2  }
0x33: {  	v31 =	vshra.s32 v22, $0x2;
	v33 =	vand.u32 $0x3FFF, v22;
	v35 =	vshra.s32 v23, $0x2  }
0x34: {  	v34 =	vld [tilespmem:$0x2B0];
	v37 =	vand.u32 $0x3FFF, v23;
	v38 =	vshra.s32 v28, $0x2;
	v41 =	vshra.s32 v24, $0x2  }
0x35: {  	v5 =	vand.u32 $0xFFFFC000, v5;
	v7 =	vand.u32 $0xFFFFC000, v7;
	v44 =	vand.u32 $0xFFFFC000, v9  }
0x36: {  	v9 =	vand.u32 $0xFFFFC000, v45;
	v49 =	vand.u32 $0xFFFFC000, v12;
	v12 =	vand.u32 $0xFFFFC000, v50  }
0x37: {  	v54 =	vand.u32 $0xFFFFC000, v15;
	v15 =	vand.u32 $0xFFFFC000, v55;
	v59 =	vand.u32 $0xFFFFC000, v18  }
0x38: {  	v18 =	vand.u32 $0xFFFFC000, v60;
	v25 =	vand.u32 $0xFFFFC000, v21;
	v21 =	vand.u32 $0xFFFFC000, v26  }
0x39: {  	v32 =	vand.u32 $0xFFFFC000, v31;
	v40 =	vand.u32 $0xFFFFC000, v38;
	v45 =	vshra.s32 v34, $0x2  }
0x3a: {  	v1 =	vor.u32 v1, v5;
	v2 =	vor.u32 v2, v7;
	v5 =	vand.u32 $0xFFFFC000, v42  }
0x3b: {  	v36 =	vld [tilespmem:$0xC0];
	v4 =	vor.u32 v4, v44;
	v46 =	vor.u32 v6, v9;
	v6 =	vand.u32 $0xFFFFC000, v47  }
0x3c: {  	v39 =	vld [tilespmem:$0x2C0];
	v7 =	vand.u32 $0x3FFF, v43;
	v51 =	vor.u32 v10, v12;
	v10 =	vand.u32 $0xFFFFC000, v52  }
0x3d: {  	v9 =	vand.u32 $0x3FFF, v48;
	v56 =	vor.u32 v13, v15;
	v13 =	vand.u32 $0xFFFFC000, v57  }
0x3e: {  	v12 =	vand.u32 $0x3FFF, v53;
	v61 =	vor.u32 v16, v18;
	v16 =	vand.u32 $0xFFFFC000, v62  }
0x3f: {  	v15 =	vand.u32 $0x3FFF, v58;
	v42 =	vand.u32 $0x3FFF, v28;
	v43 =	vand.u32 $0x3FFF, v24;
	[tilespmem:$0x400] =	vst v1  }
0x40: {  	v47 =	vand.u32 $0x3FFF, v34;
	v48 =	vshra.s32 v36, $0x2;
	v52 =	vand.u32 $0x3FFF, v36;
	[tilespmem:$0x600] =	vst v2  }
0x41: {  	v53 =	vand.u32 $0x3FFF, v39;
	v3 =	vor.u32 v3, v5;
	v6 =	vor.u32 v8, v6;
	[tilespmem:$0x610] =	vst v4  }
0x42: {  	v20 =	vld [tilespmem:$0x360];
	v7 =	vor.u32 v7, v49;
	v10 =	vor.u32 v11, v10;
	v9 =	vor.u32 v9, v54;
	[tilespmem:$0x420] =	vst v46  }
0x43: {  	v38 =	vld [tilespmem:$0x320];
	v13 =	vor.u32 v14, v13;
	v12 =	vor.u32 v12, v59;
	v16 =	vor.u32 v17, v16;
	[tilespmem:$0x630] =	vst v51  }
0x44: {  	v44 =	vld [tilespmem:$0xD0];
	v15 =	vor.u32 v15, v25;
	v17 =	vor.u32 v19, v21;
	v1 =	vand.u32 $0xFFFFC000, v27;
	[tilespmem:$0x410] =	vst v3  }
0x45: {  	v24 =	vld [tilespmem:$0x300];
	v2 =	vand.u32 $0xFFFFC000, v30;
	v4 =	vand.u32 $0xFFFFC000, v35;
	v5 =	vor.u32 v42, v40;
	[tilespmem:$0x620] =	vst v6  }
0x46: {  	v34 =	vld [tilespmem:$0x120];
	v50 =	vand.u32 $0xFFFFC000, v48;
	v51 =	vshra.s32 v39, $0x2;
	v1 =	vor.u32 v29, v1;
	[tilespmem:$0x430] =	vst v7  }
0x47: {  	v46 =	vld [tilespmem:$0x2D0];
	v3 =	vand.u32 $0x3FFF, v63;
	v4 =	vor.u32 v37, v4;
	v6 =	vand.u32 $0xFFFFC000, v41;
	[tilespmem:$0x440] =	vst v10  }
0x48: {  	v49 =	vld [tilespmem:$0xE0];
	v7 =	vand.u32 $0xFFFFC000, v45;
	[tilespmem:$0x640] =	vst v9;
	v10 =	vand.u32 $0xFFFFC000, v51;
	v9 =	vor.u32 v52, v50  }
0x49: {  	[tilespmem:$0x450] =	vst v56;
	v54 =	vld [tilespmem:$0x2E0];
	v2 =	vor.u32 v3, v2;
	v3 =	vor.u32 v33, v32;
	v6 =	vor.u32 v43, v6  }
0x4a: {  	v56 =	vld [tilespmem:$0xF0];
	[tilespmem:$0x660] =	vst v61;
	v7 =	vor.u32 v47, v7;
	v10 =	vor.u32 v53, v10;
	v51 =	vshra.s32 v38, $0x2  }
0x4b: {  	v59 =	vld [tilespmem:$0x2F0];
	[tilespmem:$0x650] =	vst v13;
	v53 =	vand.u32 $0x3FFF, v38;
	v55 =	vshra.s32 v44, $0x2;
	v57 =	vand.u32 $0x3FFF, v44  }
0x4c: {  	[tilespmem:$0x460] =	vst v12;
	v37 =	vshra.s32 v24, $0x2;
	v41 =	vand.u32 $0x3FFF, v24;
	v48 =	vshra.s32 v34, $0x2  }
0x4d: {  	v27 =	vld [tilespmem:$0x110];
	[tilespmem:$0x6C0] =	vst v10;
	v52 =	vand.u32 $0x3FFF, v34;
	v10 =	vand.u32 $0xFFFFC000, v51;
	v34 =	vshra.s32 v20, $0x2  }
0x4e: {  	[tilespmem:$0x470] =	vst v16;
	v11 =	vand.u32 $0xFFFFC000, v55;
	v58 =	vshra.s32 v46, $0x2;
	v61 =	vshra.s32 v49, $0x2  }
0x4f: {  	[tilespmem:$0x670] =	vst v15;
	v8 =	vand.u32 $0x3FFF, v46;
	v62 =	vand.u32 $0x3FFF, v49;
	v23 =	vshra.s32 v54, $0x2  }
0x50: {  	v63 =	vld [tilespmem:$0x100];
	[tilespmem:$0x480] =	vst v17;
	v25 =	vand.u32 $0x3FFF, v54;
	v26 =	vshra.s32 v56, $0x2;
	v29 =	vshra.s32 v59, $0x2  }
0x51: {  	[tilespmem:$0x490] =	vst v2;
	v2 =	vand.u32 $0x3FFF, v56;
	v31 =	vand.u32 $0x3FFF, v59;
	v39 =	vand.u32 $0xFFFFC000, v37  }
0x52: {  	[tilespmem:$0x6A0] =	vst v5;
	v40 =	vshra.s32 v27, $0x2;
	v42 =	vand.u32 $0x3FFF, v27;
	v50 =	vand.u32 $0xFFFFC000, v48  }
0x53: {  	[tilespmem:$0x680] =	vst v1;
	v32 =	vld [tilespmem:$0x310];
	v56 =	vor.u32 v53, v10;
	v11 =	vor.u32 v57, v11;
	v60 =	vand.u32 $0xFFFFC000, v58  }
0x54: {  	[tilespmem:$0x4A0] =	vst v4;
	v43 =	vld [tilespmem:$0x130];
	v14 =	vand.u32 $0xFFFFC000, v61;
	v28 =	vand.u32 $0xFFFFC000, v26;
	v30 =	vand.u32 $0xFFFFC000, v29  }
0x55: {  	v18 =	vld [tilespmem:$0x160];
	[tilespmem:$0x4C0] =	vst v9;
	v33 =	vshra.s32 v63, $0x2;
	v36 =	vand.u32 $0x3FFF, v63;
	v13 =	vand.u32 $0xFFFFC000, v40  }
0x56: {  	[tilespmem:$0x690] =	vst v3;
	v5 =	vor.u32 v41, v39;
	v55 =	vor.u32 v52, v50;
	v8 =	vor.u32 v8, v60  }
0x57: {  	[tilespmem:$0x4B0] =	vst v6;
	v24 =	vld [tilespmem:$0x170];
	v22 =	vor.u32 v62, v14;
	v14 =	vand.u32 $0xFFFFC000, v23;
	v2 =	vor.u32 v2, v28  }
0x58: {  	[tilespmem:$0x6B0] =	vst v7;
	v46 =	vld [tilespmem:$0x330];
	v3 =	vor.u32 v31, v30;
	v35 =	vand.u32 $0xFFFFC000, v33;
	v44 =	vor.u32 v42, v13  }
0x59: {  	v49 =	vld [tilespmem:$0x140];
	[tilespmem:$0x720] =	vst v56;
	v45 =	vshra.s32 v32, $0x2;
	v47 =	vand.u32 $0x3FFF, v32;
	v57 =	vshra.s32 v43, $0x2  }
0x5a: {  	v54 =	vld [tilespmem:$0x340];
	[tilespmem:$0x4D0] =	vst v11;
	v59 =	vand.u32 $0x3FFF, v43;
	v31 =	vshra.s32 v18, $0x2;
	v33 =	vand.u32 $0x3FFF, v18  }
0x5b: {  	v58 =	vld [tilespmem:$0x150];
	[tilespmem:$0x700] =	vst v5;
	v1 =	vor.u32 v25, v14;
	v4 =	vor.u32 v36, v35;
	v7 =	vand.u32 $0xFFFFC000, v45  }
0x5c: {  	v61 =	vld [tilespmem:$0x350];
	[tilespmem:$0x4E0] =	vst v22;
	v10 =	vand.u32 $0xFFFFC000, v57;
	v36 =	vand.u32 $0xFFFFC000, v34;
	v7 =	vor.u32 v47, v7  }
0x5d: {  	v29 =	vld [tilespmem:$0x370];
	[tilespmem:$0x6E0] =	vst v1;
	v1 =	vor.u32 v59, v10;
	v37 =	vshra.s32 v24, $0x2;
	v38 =	vand.u32 $0x3FFF, v24  }
0x5e: {  	v39 =	vld [tilespmem:$0x190];
	[tilespmem:$0x4F0] =	vst v2;
	v60 =	vshra.s32 v46, $0x2;
	v63 =	vshra.s32 v49, $0x2;
	v2 =	vand.u32 $0x3FFF, v46  }
0x5f: {  	v41 =	vld [tilespmem:$0x390];
	v17 =	vand.u32 $0x3FFF, v49;
	v19 =	vshra.s32 v54, $0x2;
	v22 =	vand.u32 $0x3FFF, v54;
	[tilespmem:$0x710] =	vst v7  }
0x60: {  	v52 =	vld [tilespmem:$0x1B0];
	v7 =	vand.u32 $0xFFFFC000, v31;
	[tilespmem:$0x530] =	vst v1;
	v1 =	vand.u32 $0x3FFF, v20;
	v9 =	vand.u32 $0xFFFFC000, v37  }
0x61: {  	[tilespmem:$0x520] =	vst v55;
	v62 =	vand.u32 $0xFFFFC000, v60;
	v12 =	vand.u32 $0xFFFFC000, v63;
	v21 =	vand.u32 $0xFFFFC000, v19  }
0x62: {  	v32 =	vld [tilespmem:$0x180];
	[tilespmem:$0x6D0] =	vst v8;
	v23 =	vshra.s32 v58, $0x2;
	v26 =	vshra.s32 v61, $0x2;
	v27 =	vand.u32 $0x3FFF, v58  }
0x63: {  	[tilespmem:$0x6F0] =	vst v3;
	v28 =	vand.u32 $0x3FFF, v61;
	v7 =	vor.u32 v33, v7;
	v1 =	vor.u32 v1, v36  }
0x64: {  	v55 =	vld [tilespmem:$0x3B0];
	[tilespmem:$0x510] =	vst v44;
	v40 =	vshra.s32 v29, $0x2;
	v42 =	vand.u32 $0x3FFF, v29;
	v51 =	vshra.s32 v39, $0x2  }
0x65: {  	[tilespmem:$0x500] =	vst v4;
	v53 =	vand.u32 $0x3FFF, v39;
	v54 =	vshra.s32 v41, $0x2;
	v13 =	vshra.s32 v52, $0x2  }
0x66: {  	v35 =	vld [tilespmem:$0x380];
	v2 =	vor.u32 v2, v62;
	v3 =	vor.u32 v17, v12;
	v4 =	vor.u32 v22, v21;
	[tilespmem:$0x560] =	vst v7  }
0x67: {  	v44 =	vld [tilespmem:$0x1A0];
	v25 =	vand.u32 $0xFFFFC000, v23;
	v10 =	vand.u32 $0xFFFFC000, v26;
	v43 =	vshra.s32 v32, $0x2;
	[tilespmem:$0x760] =	vst v1  }
0x68: {  	v14 =	vld [tilespmem:$0x1D0];
	v47 =	vand.u32 $0x3FFF, v32;
	v6 =	vand.u32 $0xFFFFC000, v51;
	v56 =	vand.u32 $0xFFFFC000, v54;
	[tilespmem:$0x730] =	vst v2  }
0x69: {  	v18 =	vld [tilespmem:$0x3D0];
	v15 =	vand.u32 $0xFFFFC000, v13;
	v16 =	vshra.s32 v55, $0x2;
	v17 =	vand.u32 $0x3FFF, v55;
	[tilespmem:$0x540] =	vst v3  }
0x6a: {  	v5 =	vor.u32 v27, v25;
	v30 =	vor.u32 v28, v10;
	v2 =	vor.u32 v38, v9;
	[tilespmem:$0x740] =	vst v4  }
0x6b: {  	v3 =	vand.u32 $0xFFFFC000, v40;
	v45 =	vand.u32 $0xFFFFC000, v43;
	v46 =	vshra.s32 v35, $0x2;
	[tilespmem:$0x550] =	vst v5  }
0x6c: {  	v59 =	vld [tilespmem:$0x1C0];
	v48 =	vand.u32 $0x3FFF, v35;
	v1 =	vor.u32 v53, v6;
	v57 =	vshra.s32 v44, $0x2;
	[tilespmem:$0x750] =	vst v30  }
0x6d: {  	v58 =	vand.u32 $0x3FFF, v44;
	v6 =	vand.u32 $0xFFFFC000, v16;
	v25 =	vshra.s32 v14, $0x2;
	[tilespmem:$0x570] =	vst v2  }
0x6e: {  	v49 =	vld [tilespmem:$0x3A0];
	v26 =	vand.u32 $0x3FFF, v14;
	v28 =	vshra.s32 v18, $0x2;
	v3 =	vor.u32 v42, v3;
	[tilespmem:$0x590] =	vst v1  }
0x6f: {  	v20 =	vld [tilespmem:$0x1E0];
	v8 =	vand.u32 $0xFFFFC000, v46;
	v4 =	vor.u32 v47, v45;
	v2 =	vand.u32 $0x3FFF, v41;
	[tilespmem:$0x770] =	vst v3  }
0x70: {  	v61 =	vld [tilespmem:$0x3C0];
	v7 =	vand.u32 $0xFFFFC000, v57;
	v1 =	vand.u32 $0x3FFF, v52;
	v50 =	vor.u32 v48, v8;
	[tilespmem:$0x580] =	vst v4  }
0x71: {  	v29 =	vld [tilespmem:$0x3F0];
	v19 =	vshra.s32 v59, $0x2;
	v21 =	vand.u32 $0x3FFF, v59;
	v2 =	vor.u32 v2, v56;
	[tilespmem:$0x780] =	vst v50  }
0x72: {  	v23 =	vld [tilespmem:$0x3E0];
	v5 =	vand.u32 $0xFFFFC000, v25;
	v30 =	vand.u32 $0x3FFF, v18;
	v3 =	vor.u32 v58, v7;
	[tilespmem:$0x790] =	vst v2  }
0x73: {  	v60 =	vshra.s32 v49, $0x2;
	v63 =	vand.u32 $0x3FFF, v49;
	v1 =	vor.u32 v1, v15;
	[tilespmem:$0x5A0] =	vst v3  }
0x74: {  	v31 =	vshra.s32 v20, $0x2;
	v62 =	vand.u32 $0xFFFFC000, v60;
	v2 =	vor.u32 v17, v6;
	[tilespmem:$0x5B0] =	vst v1  }
0x75: {  	v27 =	vld [tilespmem:$0x1F0];
	v3 =	vand.u32 $0xFFFFC000, v19;
	v22 =	vshra.s32 v61, $0x2;
	v4 =	vor.u32 v63, v62;
	[tilespmem:$0x7B0] =	vst v2  }
0x76: {  	v1 =	vand.u32 $0x3FFF, v61;
	v34 =	vshra.s32 v29, $0x2;
	v3 =	vor.u32 v21, v3;
	[tilespmem:$0x7A0] =	vst v4  }
0x77: {  	v24 =	vand.u32 $0xFFFFC000, v22;
	v2 =	vor.u32 v26, v5;
	v32 =	vshra.s32 v23, $0x2;
	[tilespmem:$0x5C0] =	vst v3  }
0x78: {  	v33 =	vand.u32 $0x3FFF, v23;
	v1 =	vor.u32 v1, v24;
	v3 =	vand.u32 $0xFFFFC000, v28;
	[tilespmem:$0x5D0] =	vst v2  }
0x79: {  	v2 =	vand.u32 $0x3FFF, v20;
	[tilespmem:$0x7C0] =	vst v1;
	v1 =	vor.u32 v30, v3;
	v3 =	vand.u32 $0xFFFFC000, v31  }
0x7a: {  	v4 =	vand.u32 $0xFFFFC000, v32;
	[tilespmem:$0x7D0] =	vst v1;
	v1 =	vor.u32 v2, v3;
	v3 =	vshra.s32 v27, $0x2  }
0x7b: {  	v2 =	vor.u32 v33, v4;
	[tilespmem:$0x5E0] =	vst v1;
	v1 =	vand.u32 $0xFFFFC000, v3;
	v3 =	vand.u32 $0x3FFF, v27  }
0x7c: {  	[tilespmem:$0x7E0] =	vst v2;
	v2 =	vand.u32 $0xFFFFC000, v34;
	v1 =	vor.u32 v3, v1;
	v3 =	vand.u32 $0x3FFF, v29  }
0x7d: {  	[tilespmem:$0x5F0] =	vst v1;
	v1 =	vor.u32 v3, v2  }
0x7e: {  	[tilespmem:$0x7F0] =	vst v1  }
0x7f: {  	[tilespmem:s12], [sflag:$0x1] =	stream.indirect.gather [hbm4b:s3+s10], $0x80, s11, s10, $0xb8;
	[tilespmem:$0x10A00] =	vst v63  }
0x80: {  	_ = 	snop  }
0x81: {  	[tilespmem:s14], [sflag:$0x1] =	stream.indirect.gather [hbm4b:s4+s10], $0x80, s13, s10, $0xb8;
	[tilespmem:$0x10A00] =	vst v63  }
0x82: {  	_ = 	snop  }
0x83: {  	[tilespmem:s16], [sflag:$0x1] =	stream.indirect.gather [hbm4b:s3+s10], $0x80, s15, s10, $0xb8;
	[tilespmem:$0x10A00] =	vst v63  }
0x84: {  	_ = 	snop  }
0x85: {  	[tilespmem:s18], [sflag:$0x1] =	stream.indirect.gather [hbm4b:s4+s10], $0x80, s17, s10, $0xb8;
	[tilespmem:$0x10A00] =	vst v63  }
0x86: {  	_ =	swait.ge [sflag:s19], $0x4000  }
0x87: {  	[sflag:s19] =	ssyncset.done $0x0  }
0x88: {  	[sflag:s19] =	ssyncadd.s32 $0xFFFFC000  }
0x89: {  	_ =	swait.ge [sflag:s19], $0x4000  }
0x8a: {  	[sflag:s19] =	ssyncset.done $0x0  }
0x8b: {  	[sflag:s19] =	ssyncadd.s32 $0xFFFFC000  }
0x8c: {  	v1 =	vld [tilespmem:s1+$0x0]  }
0x8d: {  	v2 =	vld [tilespmem:s26+$0x0];
	_ =	sdelay $0x2  }
0x8e: {  	v3 =	vmov s1  }
0x8f: {  	v3 =	vshll.u32 v3, $0x7;
	v1 =	vshrl.u32 v1, $0x9  }
0x90: {  	v3 =	vor.u32 v0, v3;
	v2 =	vshrl.u32 v2, $0x9;
	v1 =	vand.u32 $0x60, v1  }
0x91: {  	v35 =	vand.u32 $0x60, v2;
	v2 =	vor.u32 v3, v1  }
0x92: {  	v1 =	vor.u32 v3, v35  }
0x93: {  	v3 =	vor.u32 $0x1, v2  }
0x94: {  	v4 =	vor.u32 $0x1, v1  }
0x95: {  	v36 =	vor.u32 $0x2, v2  }
0x96: {  	v38 =	vor.u32 $0x2, v1;
	v37 =	vld.idx.msk [tilespmem:v2+s12+$0x0], $0xffff  }
0x97: {  	v40 =	vor.u32 $0x3, v2;
	v39 =	vld.idx.msk [tilespmem:v1+s14+$0x0], $0xffff  }
0x98: {  	v41 =	vor.u32 $0x3, v1;
	v3 =	vld.idx.msk [tilespmem:v3+s12+$0x0], $0xffff  }
0x99: {  	v42 =	vor.u32 $0x4, v2;
	v4 =	vld.idx.msk [tilespmem:v4+s14+$0x0], $0xffff  }
0x9a: {  	v43 =	vor.u32 $0x4, v1;
	v5 =	vld.idx.msk [tilespmem:v36+s12+$0x0], $0xffff  }
0x9b: {  	v44 =	vor.u32 $0x5, v2;
	v7 =	vld.idx.msk [tilespmem:v38+s14+$0x0], $0xffff  }
0x9c: {  	v45 =	vor.u32 $0x5, v1;
	v9 =	vld.idx.msk [tilespmem:v40+s12+$0x0], $0xffff;
	v6 =	vmul.f32 v39, v37  }
0x9d: {  	v47 =	vor.u32 $0x6, v2;
	v46 =	vld.idx.msk [tilespmem:v41+s14+$0x0], $0xffff  }
0x9e: {  	v48 =	vor.u32 $0x6, v1;
	v11 =	vld.idx.msk [tilespmem:v42+s12+$0x0], $0xffff;
	v3 =	vmul.f32 v4, v3;
	v6 =	vadd.f32 $0.0e+00, v6  }
0x9f: {  	v50 =	vor.u32 $0x7, v2;
	v49 =	vld.idx.msk [tilespmem:v43+s14+$0x0], $0xffff  }
0xa0: {  	v51 =	vor.u32 $0x7, v1;
	v13 =	vld.idx.msk [tilespmem:v44+s12+$0x0], $0xffff;
	v5 =	vmul.f32 v7, v5;
	v3 =	vadd.f32 v3, v6  }
0xa1: {  	v54 =	vor.u32 $0x8, v1;
	v52 =	vld.idx.msk [tilespmem:v45+s14+$0x0], $0xffff  }
0xa2: {  	v53 =	vor.u32 $0x8, v2;
	v10 =	vld.idx.msk [tilespmem:v47+s12+$0x0], $0xffff;
	v55 =	vmul.f32 v46, v9;
	v3 =	vadd.f32 v5, v3  }
0xa3: {  	v58 =	vor.u32 $0x9, v1;
	v56 =	vld.idx.msk [tilespmem:v48+s14+$0x0], $0xffff  }
0xa4: {  	v57 =	vor.u32 $0x9, v2;
	v12 =	vld.idx.msk [tilespmem:v50+s12+$0x0], $0xffff;
	v4 =	vmul.f32 v49, v11;
	v3 =	vadd.f32 v55, v3  }
0xa5: {  	v61 =	vor.u32 $0xA, v1;
	v59 =	vld.idx.msk [tilespmem:v51+s14+$0x0], $0xffff  }
0xa6: {  	v60 =	vor.u32 $0xA, v2;
	v63 =	vld.idx.msk [tilespmem:v54+s14+$0x0], $0xffff;
	v62 =	vmul.f32 v52, v13;
	v3 =	vadd.f32 v4, v3  }
0xa7: {  	v20 =	vor.u32 $0xB, v1;
	v7 =	vld.idx.msk [tilespmem:v53+s12+$0x0], $0xffff  }
0xa8: {  	v19 =	vor.u32 $0xB, v2;
	v22 =	vld.idx.msk [tilespmem:v58+s14+$0x0], $0xffff;
	v21 =	vmul.f32 v56, v10;
	v3 =	vadd.f32 v62, v3  }
0xa9: {  	v24 =	vor.u32 $0xC, v1;
	v9 =	vld.idx.msk [tilespmem:v57+s12+$0x0], $0xffff  }
0xaa: {  	v23 =	vor.u32 $0xC, v2;
	v26 =	vld.idx.msk [tilespmem:v61+s14+$0x0], $0xffff;
	v25 =	vmul.f32 v59, v12;
	v3 =	vadd.f32 v21, v3  }
0xab: {  	v28 =	vor.u32 $0xD, v1;
	v11 =	vld.idx.msk [tilespmem:v60+s12+$0x0], $0xffff  }
0xac: {  	v27 =	vor.u32 $0xD, v2;
	v30 =	vld.idx.msk [tilespmem:v20+s14+$0x0], $0xffff;
	v29 =	vmul.f32 v63, v7;
	v3 =	vadd.f32 v25, v3  }
0xad: {  	v32 =	vor.u32 $0xE, v1;
	v13 =	vld.idx.msk [tilespmem:v19+s12+$0x0], $0xffff  }
0xae: {  	v31 =	vor.u32 $0xE, v2;
	v34 =	vld.idx.msk [tilespmem:v24+s14+$0x0], $0xffff;
	v33 =	vmul.f32 v22, v9;
	v3 =	vadd.f32 v29, v3  }
0xaf: {  	v36 =	vor.u32 $0xF, v1;
	v10 =	vld.idx.msk [tilespmem:v23+s12+$0x0], $0xffff  }
0xb0: {  	v35 =	vor.u32 $0xF, v2;
	v38 =	vld.idx.msk [tilespmem:v28+s14+$0x0], $0xffff;
	v37 =	vmul.f32 v26, v11;
	v3 =	vadd.f32 v33, v3  }
0xb1: {  	v40 =	vor.u32 $0x10, v1;
	v12 =	vld.idx.msk [tilespmem:v27+s12+$0x0], $0xffff  }
0xb2: {  	v42 =	vld.idx.msk [tilespmem:v32+s14+$0x0], $0xffff;
	v39 =	vor.u32 $0x10, v2;
	v41 =	vmul.f32 v30, v13;
	v3 =	vadd.f32 v37, v3  }
0xb3: {  	v44 =	vor.u32 $0x11, v1;
	v7 =	vld.idx.msk [tilespmem:v31+s12+$0x0], $0xffff  }
0xb4: {  	v43 =	vor.u32 $0x11, v2;
	v46 =	vld.idx.msk [tilespmem:v36+s14+$0x0], $0xffff;
	v45 =	vmul.f32 v34, v10;
	v3 =	vadd.f32 v41, v3  }
0xb5: {  	v48 =	vor.u32 $0x12, v1;
	v9 =	vld.idx.msk [tilespmem:v35+s12+$0x0], $0xffff  }
0xb6: {  	v47 =	vor.u32 $0x12, v2;
	v50 =	vld.idx.msk [tilespmem:v40+s14+$0x0], $0xffff;
	v49 =	vmul.f32 v38, v12;
	v3 =	vadd.f32 v45, v3  }
0xb7: {  	v51 =	vor.u32 $0x13, v2;
	v11 =	vld.idx.msk [tilespmem:v39+s12+$0x0], $0xffff  }
0xb8: {  	v52 =	vor.u32 $0x13, v1;
	v54 =	vld.idx.msk [tilespmem:v44+s14+$0x0], $0xffff;
	v53 =	vmul.f32 v42, v7;
	v3 =	vadd.f32 v49, v3  }
0xb9: {  	v56 =	vor.u32 $0x14, v1;
	v13 =	vld.idx.msk [tilespmem:v43+s12+$0x0], $0xffff  }
0xba: {  	v58 =	vld.idx.msk [tilespmem:v48+s14+$0x0], $0xffff;
	v55 =	vor.u32 $0x14, v2;
	v57 =	vmul.f32 v46, v9;
	v3 =	vadd.f32 v53, v3  }
0xbb: {  	v60 =	vor.u32 $0x15, v1;
	v10 =	vld.idx.msk [tilespmem:v47+s12+$0x0], $0xffff  }
0xbc: {  	v59 =	vor.u32 $0x15, v2;
	v12 =	vld.idx.msk [tilespmem:v51+s12+$0x0], $0xffff;
	v61 =	vmul.f32 v50, v11;
	v3 =	vadd.f32 v57, v3  }
0xbd: {  	v20 =	vor.u32 $0x16, v1;
	v62 =	vld.idx.msk [tilespmem:v52+s14+$0x0], $0xffff  }
0xbe: {  	v63 =	vor.u32 $0x16, v2;
	v22 =	vld.idx.msk [tilespmem:v56+s14+$0x0], $0xffff;
	v21 =	vmul.f32 v54, v13;
	v3 =	vadd.f32 v61, v3  }
0xbf: {  	v24 =	vor.u32 $0x17, v1;
	v7 =	vld.idx.msk [tilespmem:v55+s12+$0x0], $0xffff  }
0xc0: {  	v23 =	vor.u32 $0x17, v2;
	v26 =	vld.idx.msk [tilespmem:v60+s14+$0x0], $0xffff;
	v25 =	vmul.f32 v58, v10;
	v3 =	vadd.f32 v21, v3  }
0xc1: {  	v28 =	vor.u32 $0x18, v1;
	v9 =	vld.idx.msk [tilespmem:v59+s12+$0x0], $0xffff  }
0xc2: {  	v27 =	vor.u32 $0x18, v2;
	v30 =	vld.idx.msk [tilespmem:v20+s14+$0x0], $0xffff;
	v29 =	vmul.f32 v62, v12;
	v3 =	vadd.f32 v25, v3  }
0xc3: {  	v32 =	vor.u32 $0x19, v1;
	v11 =	vld.idx.msk [tilespmem:v63+s12+$0x0], $0xffff  }
0xc4: {  	v31 =	vor.u32 $0x19, v2;
	v34 =	vld.idx.msk [tilespmem:v24+s14+$0x0], $0xffff;
	v33 =	vmul.f32 v22, v7;
	v3 =	vadd.f32 v29, v3  }
0xc5: {  	v36 =	vor.u32 $0x1A, v1;
	v13 =	vld.idx.msk [tilespmem:v23+s12+$0x0], $0xffff  }
0xc6: {  	v35 =	vor.u32 $0x1A, v2;
	v38 =	vld.idx.msk [tilespmem:v28+s14+$0x0], $0xffff;
	v37 =	vmul.f32 v26, v9;
	v3 =	vadd.f32 v33, v3  }
0xc7: {  	v40 =	vor.u32 $0x1B, v1;
	v10 =	vld.idx.msk [tilespmem:v27+s12+$0x0], $0xffff  }
0xc8: {  	v39 =	vor.u32 $0x1B, v2;
	v42 =	vld.idx.msk [tilespmem:v32+s14+$0x0], $0xffff;
	v41 =	vmul.f32 v30, v11;
	v3 =	vadd.f32 v37, v3  }
0xc9: {  	v44 =	vor.u32 $0x1C, v1;
	v12 =	vld.idx.msk [tilespmem:v31+s12+$0x0], $0xffff  }
0xca: {  	v43 =	vor.u32 $0x1C, v2;
	v46 =	vld.idx.msk [tilespmem:v36+s14+$0x0], $0xffff;
	v45 =	vmul.f32 v34, v13;
	v3 =	vadd.f32 v41, v3  }
0xcb: {  	v47 =	vor.u32 $0x1D, v2;
	v7 =	vld.idx.msk [tilespmem:v35+s12+$0x0], $0xffff  }
0xcc: {  	v48 =	vor.u32 $0x1D, v1;
	v50 =	vld.idx.msk [tilespmem:v40+s14+$0x0], $0xffff;
	v49 =	vmul.f32 v38, v10;
	v3 =	vadd.f32 v45, v3  }
0xcd: {  	v51 =	vor.u32 $0x1E, v2;
	v9 =	vld.idx.msk [tilespmem:v39+s12+$0x0], $0xffff  }
0xce: {  	v52 =	vor.u32 $0x1E, v1;
	v54 =	vld.idx.msk [tilespmem:v44+s14+$0x0], $0xffff;
	v53 =	vmul.f32 v42, v12;
	v3 =	vadd.f32 v49, v3  }
0xcf: {  	v2 =	vor.u32 $0x1F, v2;
	v11 =	vld.idx.msk [tilespmem:v43+s12+$0x0], $0xffff  }
0xd0: {  	v1 =	vor.u32 $0x1F, v1;
	v55 =	vld.idx.msk [tilespmem:v47+s12+$0x0], $0xffff;
	v56 =	vmul.f32 v46, v7;
	v3 =	vadd.f32 v53, v3  }
0xd1: {  	v57 =	vld.idx.msk [tilespmem:v48+s14+$0x0], $0xffff  }
0xd2: {  	v58 =	vld.idx.msk [tilespmem:v51+s12+$0x0], $0xffff;
	v59 =	vmul.f32 v50, v9;
	v3 =	vadd.f32 v56, v3  }
0xd3: {  	v60 =	vld.idx.msk [tilespmem:v52+s14+$0x0], $0xffff  }
0xd4: {  	v2 =	vld.idx.msk [tilespmem:v2+s12+$0x0], $0xffff;
	v61 =	vmul.f32 v54, v11;
	v3 =	vadd.f32 v59, v3  }
0xd5: {  	v1 =	vld.idx.msk [tilespmem:v1+s14+$0x0], $0xffff  }
0xd6: {  	v62 =	vmul.f32 v57, v55;
	v3 =	vadd.f32 v61, v3;
	_ =	sdelay $0x1  }
0xd7: {  	v63 =	vmul.f32 v60, v58;
	v3 =	vadd.f32 v62, v3;
	_ =	sdelay $0x1  }
0xd8: {  	v1 =	vmul.f32 v1, v2;
	v3 =	vadd.f32 v63, v3;
	_ =	sdelay $0x1  }
0xd9: {  	v1 =	vadd.f32 v1, v3;
	_ =	sdelay $0x1  }
0xda: {  	s28 =	simm.s32 $0x10;
	[tilespmem:s24+$0x0] =	vst v1  }
0xdb: {  	s29 =	simm.s32 $0x210;
	v2 =	vld [tilespmem:s28+$0x0]  }
0xdc: {  	s30 =	simm.s32 $0x20;
	s31 =	simm.s32 $0x10;
	s26 =	simm.s32 $0x10800;
	v1 =	vld [tilespmem:s29+$0x0]  }
.LBB2_2:
0xdd: {  	p0 =	sne.s32 s30, $0x70;
	_ =	sdelay $0x1  }
0xde: {  	v3 =	vmov s28;
	s28 =	smov.u32 s30  }
0xdf: {  	v3 =	vshll.u32 v3, $0x7;
	v2 =	vshrl.u32 v2, $0x9  }
0xe0: {  	v3 =	vor.u32 v0, v3;
	v2 =	vand.u32 $0x60, v2;
	v1 =	vshrl.u32 v1, $0x9  }
0xe1: {  	v1 =	vand.u32 $0x60, v1;
	v2 =	vor.u32 v3, v2  }
0xe2: {  	v1 =	vor.u32 v3, v1  }
0xe3: {  	v3 =	vor.u32 $0x1, v2  }
0xe4: {  	v4 =	vor.u32 $0x1, v1  }
0xe5: {  	v5 =	vor.u32 $0x2, v2  }
0xe6: {  	v7 =	vor.u32 $0x2, v1;
	v6 =	vld.idx.msk [tilespmem:v2+s12+$0x0], $0xffff  }
0xe7: {  	v9 =	vor.u32 $0x3, v2;
	v8 =	vld.idx.msk [tilespmem:v1+s14+$0x0], $0xffff  }
0xe8: {  	v10 =	vor.u32 $0x3, v1;
	v3 =	vld.idx.msk [tilespmem:v3+s12+$0x0], $0xffff  }
0xe9: {  	v11 =	vor.u32 $0x4, v2;
	v4 =	vld.idx.msk [tilespmem:v4+s14+$0x0], $0xffff  }
0xea: {  	v12 =	vor.u32 $0x4, v1;
	v5 =	vld.idx.msk [tilespmem:v5+s12+$0x0], $0xffff  }
0xeb: {  	v13 =	vor.u32 $0x5, v2;
	v7 =	vld.idx.msk [tilespmem:v7+s14+$0x0], $0xffff  }
0xec: {  	v14 =	vor.u32 $0x5, v1;
	v9 =	vld.idx.msk [tilespmem:v9+s12+$0x0], $0xffff  }
0xed: {  	v6 =	vmul.f32 v8, v6;
	v8 =	vld.idx.msk [tilespmem:v10+s14+$0x0], $0xffff;
	v10 =	vor.u32 $0x6, v2  }
0xee: {  	v15 =	vor.u32 $0x6, v1;
	v11 =	vld.idx.msk [tilespmem:v11+s12+$0x0], $0xffff  }
0xef: {  	v6 =	vadd.f32 $0.0e+00, v6;
	v3 =	vmul.f32 v4, v3;
	v4 =	vld.idx.msk [tilespmem:v12+s14+$0x0], $0xffff;
	v12 =	vor.u32 $0x7, v2  }
0xf0: {  	v16 =	vor.u32 $0x7, v1;
	v13 =	vld.idx.msk [tilespmem:v13+s12+$0x0], $0xffff  }
0xf1: {  	v3 =	vadd.f32 v3, v6;
	v5 =	vmul.f32 v7, v5;
	v7 =	vor.u32 $0x8, v2;
	v6 =	vld.idx.msk [tilespmem:v14+s14+$0x0], $0xffff  }
0xf2: {  	v14 =	vor.u32 $0x8, v1;
	v10 =	vld.idx.msk [tilespmem:v10+s12+$0x0], $0xffff  }
0xf3: {  	v3 =	vadd.f32 v5, v3;
	v5 =	vmul.f32 v8, v9;
	v9 =	vor.u32 $0x9, v2;
	v8 =	vld.idx.msk [tilespmem:v15+s14+$0x0], $0xffff  }
0xf4: {  	v15 =	vor.u32 $0x9, v1;
	v12 =	vld.idx.msk [tilespmem:v12+s12+$0x0], $0xffff  }
0xf5: {  	v3 =	vadd.f32 v5, v3;
	v4 =	vmul.f32 v4, v11;
	v11 =	vor.u32 $0xA, v2;
	v5 =	vld.idx.msk [tilespmem:v16+s14+$0x0], $0xffff  }
0xf6: {  	v16 =	vor.u32 $0xA, v1;
	v7 =	vld.idx.msk [tilespmem:v7+s12+$0x0], $0xffff  }
0xf7: {  	v3 =	vadd.f32 v4, v3;
	v4 =	vmul.f32 v6, v13;
	v13 =	vor.u32 $0xB, v2;
	v6 =	vld.idx.msk [tilespmem:v14+s14+$0x0], $0xffff  }
0xf8: {  	v14 =	vor.u32 $0xB, v1;
	v9 =	vld.idx.msk [tilespmem:v9+s12+$0x0], $0xffff  }
0xf9: {  	v3 =	vadd.f32 v4, v3;
	v4 =	vmul.f32 v8, v10;
	v10 =	vor.u32 $0xC, v2;
	v8 =	vld.idx.msk [tilespmem:v15+s14+$0x0], $0xffff  }
0xfa: {  	v15 =	vor.u32 $0xC, v1;
	v11 =	vld.idx.msk [tilespmem:v11+s12+$0x0], $0xffff  }
0xfb: {  	v3 =	vadd.f32 v4, v3;
	v4 =	vmul.f32 v5, v12;
	v12 =	vor.u32 $0xD, v2;
	v5 =	vld.idx.msk [tilespmem:v16+s14+$0x0], $0xffff  }
0xfc: {  	v16 =	vor.u32 $0xD, v1;
	v13 =	vld.idx.msk [tilespmem:v13+s12+$0x0], $0xffff  }
0xfd: {  	v3 =	vadd.f32 v4, v3;
	v4 =	vmul.f32 v6, v7;
	v7 =	vor.u32 $0xE, v2;
	v6 =	vld.idx.msk [tilespmem:v14+s14+$0x0], $0xffff  }
0xfe: {  	v14 =	vor.u32 $0xE, v1;
	v10 =	vld.idx.msk [tilespmem:v10+s12+$0x0], $0xffff  }
0xff: {  	v3 =	vadd.f32 v4, v3;
	v4 =	vmul.f32 v8, v9;
	v9 =	vor.u32 $0xF, v2;
	v8 =	vld.idx.msk [tilespmem:v15+s14+$0x0], $0xffff  }
0x100: {  	v15 =	vor.u32 $0xF, v1;
	v12 =	vld.idx.msk [tilespmem:v12+s12+$0x0], $0xffff  }
0x101: {  	v3 =	vadd.f32 v4, v3;
	v4 =	vmul.f32 v5, v11;
	v11 =	vor.u32 $0x10, v2;
	v5 =	vld.idx.msk [tilespmem:v16+s14+$0x0], $0xffff  }
0x102: {  	v16 =	vor.u32 $0x10, v1;
	v7 =	vld.idx.msk [tilespmem:v7+s12+$0x0], $0xffff  }
0x103: {  	v3 =	vadd.f32 v4, v3;
	v4 =	vmul.f32 v6, v13;
	v13 =	vor.u32 $0x11, v2;
	v6 =	vld.idx.msk [tilespmem:v14+s14+$0x0], $0xffff  }
0x104: {  	v14 =	vor.u32 $0x11, v1;
	v9 =	vld.idx.msk [tilespmem:v9+s12+$0x0], $0xffff  }
0x105: {  	v3 =	vadd.f32 v4, v3;
	v4 =	vmul.f32 v8, v10;
	v10 =	vor.u32 $0x12, v2;
	v8 =	vld.idx.msk [tilespmem:v15+s14+$0x0], $0xffff  }
0x106: {  	v15 =	vor.u32 $0x12, v1;
	v11 =	vld.idx.msk [tilespmem:v11+s12+$0x0], $0xffff  }
0x107: {  	v3 =	vadd.f32 v4, v3;
	v4 =	vmul.f32 v5, v12;
	v12 =	vor.u32 $0x13, v2;
	v5 =	vld.idx.msk [tilespmem:v16+s14+$0x0], $0xffff  }
0x108: {  	v16 =	vor.u32 $0x13, v1;
	v13 =	vld.idx.msk [tilespmem:v13+s12+$0x0], $0xffff  }
0x109: {  	v3 =	vadd.f32 v4, v3;
	v4 =	vmul.f32 v6, v7;
	v7 =	vor.u32 $0x14, v2;
	v6 =	vld.idx.msk [tilespmem:v14+s14+$0x0], $0xffff  }
0x10a: {  	v14 =	vor.u32 $0x14, v1;
	v10 =	vld.idx.msk [tilespmem:v10+s12+$0x0], $0xffff  }
0x10b: {  	v3 =	vadd.f32 v4, v3;
	v4 =	vmul.f32 v8, v9;
	v9 =	vor.u32 $0x15, v2;
	v8 =	vld.idx.msk [tilespmem:v15+s14+$0x0], $0xffff  }
0x10c: {  	v15 =	vor.u32 $0x15, v1;
	v12 =	vld.idx.msk [tilespmem:v12+s12+$0x0], $0xffff  }
0x10d: {  	v3 =	vadd.f32 v4, v3;
	v4 =	vmul.f32 v5, v11;
	v11 =	vor.u32 $0x16, v2;
	v5 =	vld.idx.msk [tilespmem:v16+s14+$0x0], $0xffff  }
0x10e: {  	v16 =	vor.u32 $0x16, v1;
	v7 =	vld.idx.msk [tilespmem:v7+s12+$0x0], $0xffff  }
0x10f: {  	v3 =	vadd.f32 v4, v3;
	v4 =	vmul.f32 v6, v13;
	v13 =	vor.u32 $0x17, v2;
	v6 =	vld.idx.msk [tilespmem:v14+s14+$0x0], $0xffff  }
0x110: {  	v14 =	vor.u32 $0x17, v1;
	v9 =	vld.idx.msk [tilespmem:v9+s12+$0x0], $0xffff  }
0x111: {  	v3 =	vadd.f32 v4, v3;
	v4 =	vmul.f32 v8, v10;
	v10 =	vor.u32 $0x18, v2;
	v8 =	vld.idx.msk [tilespmem:v15+s14+$0x0], $0xffff  }
0x112: {  	v15 =	vor.u32 $0x18, v1;
	v11 =	vld.idx.msk [tilespmem:v11+s12+$0x0], $0xffff  }
0x113: {  	v3 =	vadd.f32 v4, v3;
	v4 =	vmul.f32 v5, v12;
	v12 =	vor.u32 $0x19, v2;
	v5 =	vld.idx.msk [tilespmem:v16+s14+$0x0], $0xffff  }
0x114: {  	v16 =	vor.u32 $0x19, v1;
	v13 =	vld.idx.msk [tilespmem:v13+s12+$0x0], $0xffff  }
0x115: {  	v3 =	vadd.f32 v4, v3;
	v4 =	vmul.f32 v6, v7;
	v7 =	vor.u32 $0x1A, v2;
	v6 =	vld.idx.msk [tilespmem:v14+s14+$0x0], $0xffff  }
0x116: {  	v14 =	vor.u32 $0x1A, v1;
	v10 =	vld.idx.msk [tilespmem:v10+s12+$0x0], $0xffff  }
0x117: {  	v3 =	vadd.f32 v4, v3;
	v4 =	vmul.f32 v8, v9;
	v9 =	vor.u32 $0x1B, v2;
	v8 =	vld.idx.msk [tilespmem:v15+s14+$0x0], $0xffff  }
0x118: {  	v15 =	vor.u32 $0x1B, v1;
	v12 =	vld.idx.msk [tilespmem:v12+s12+$0x0], $0xffff  }
0x119: {  	v3 =	vadd.f32 v4, v3;
	v4 =	vmul.f32 v5, v11;
	v11 =	vor.u32 $0x1C, v2;
	v5 =	vld.idx.msk [tilespmem:v16+s14+$0x0], $0xffff  }
0x11a: {  	v16 =	vor.u32 $0x1C, v1;
	v7 =	vld.idx.msk [tilespmem:v7+s12+$0x0], $0xffff  }
0x11b: {  	v3 =	vadd.f32 v4, v3;
	v4 =	vmul.f32 v6, v13;
	v13 =	vor.u32 $0x1D, v2;
	v6 =	vld.idx.msk [tilespmem:v14+s14+$0x0], $0xffff  }
0x11c: {  	v14 =	vor.u32 $0x1D, v1;
	v9 =	vld.idx.msk [tilespmem:v9+s12+$0x0], $0xffff  }
0x11d: {  	v3 =	vadd.f32 v4, v3;
	v4 =	vmul.f32 v8, v10;
	v10 =	vor.u32 $0x1E, v2;
	v8 =	vld.idx.msk [tilespmem:v15+s14+$0x0], $0xffff  }
0x11e: {  	v15 =	vor.u32 $0x1E, v1;
	v11 =	vld.idx.msk [tilespmem:v11+s12+$0x0], $0xffff  }
0x11f: {  	v2 =	vor.u32 $0x1F, v2;
	v3 =	vadd.f32 v4, v3;
	v4 =	vmul.f32 v5, v12;
	v5 =	vld.idx.msk [tilespmem:v16+s14+$0x0], $0xffff  }
0x120: {  	v1 =	vor.u32 $0x1F, v1;
	v12 =	vld.idx.msk [tilespmem:v13+s12+$0x0], $0xffff  }
0x121: {  	v3 =	vadd.f32 v4, v3;
	v4 =	vmul.f32 v6, v7;
	v6 =	vld.idx.msk [tilespmem:v14+s14+$0x0], $0xffff  }
0x122: {  	v7 =	vld.idx.msk [tilespmem:v10+s12+$0x0], $0xffff  }
0x123: {  	v3 =	vadd.f32 v4, v3;
	v4 =	vmul.f32 v8, v9;
	v8 =	vld.idx.msk [tilespmem:v15+s14+$0x0], $0xffff  }
0x124: {  	v2 =	vld.idx.msk [tilespmem:v2+s12+$0x0], $0xffff  }
0x125: {  	v3 =	vadd.f32 v4, v3;
	v4 =	vmul.f32 v5, v11;
	v1 =	vld.idx.msk [tilespmem:v1+s14+$0x0], $0xffff;
	_ =	sdelay $0x1  }
0x126: {  	v3 =	vadd.f32 v4, v3;
	v4 =	vmul.f32 v6, v12;
	_ =	sdelay $0x1  }
0x127: {  	v3 =	vadd.f32 v4, v3;
	v4 =	vmul.f32 v8, v7;
	_ =	sdelay $0x1  }
0x128: {  	v3 =	vadd.f32 v4, v3;
	v1 =	vmul.f32 v1, v2;
	_ =	sdelay $0x1  }
.Ltmp0:
0x129: {  	v1 =	vadd.f32 v1, v3;
	(pc) =	sbr.rel @p0 .LBB2_2-.Ltmp0, $4  }
0x12a: {  	s26 =	sadd.s32 $0x10, s26  }
0x12b: {  	s31 =	sadd.s32 $0x10, s31;
	[tilespmem:s26+$0x0] =	vst v1  }
0x12c: {  	s29 =	sadd.s32 $0x10, s29;
	v2 =	vld [tilespmem:s31+$0x0]  }
0x12d: {  	s30 =	sadd.s32 $0x10, s30;
	v1 =	vld [tilespmem:s29+$0x0]  }
0x12e: {  	_ =	sdelay $0x1  }
0x12f: {  	v3 =	vmov s28  }
0x130: {  	v3 =	vshll.u32 v3, $0x7;
	v2 =	vshrl.u32 v2, $0x9  }
0x131: {  	v3 =	vor.u32 v0, v3;
	v2 =	vand.u32 $0x60, v2;
	v1 =	vshrl.u32 v1, $0x9  }
0x132: {  	v1 =	vand.u32 $0x60, v1;
	v2 =	vor.u32 v3, v2  }
0x133: {  	v1 =	vor.u32 v3, v1  }
0x134: {  	v3 =	vor.u32 $0x1, v2  }
0x135: {  	v4 =	vor.u32 $0x1, v1  }
0x136: {  	v5 =	vor.u32 $0x2, v2  }
0x137: {  	v7 =	vor.u32 $0x2, v1;
	v6 =	vld.idx.msk [tilespmem:v2+s12+$0x0], $0xffff  }
0x138: {  	v9 =	vor.u32 $0x3, v2;
	v8 =	vld.idx.msk [tilespmem:v1+s14+$0x0], $0xffff  }
0x139: {  	v10 =	vor.u32 $0x3, v1;
	v3 =	vld.idx.msk [tilespmem:v3+s12+$0x0], $0xffff  }
0x13a: {  	v11 =	vor.u32 $0x4, v2;
	v4 =	vld.idx.msk [tilespmem:v4+s14+$0x0], $0xffff  }
0x13b: {  	v12 =	vor.u32 $0x4, v1;
	v5 =	vld.idx.msk [tilespmem:v5+s12+$0x0], $0xffff  }
0x13c: {  	v13 =	vor.u32 $0x5, v2;
	v7 =	vld.idx.msk [tilespmem:v7+s14+$0x0], $0xffff  }
0x13d: {  	v14 =	vor.u32 $0x5, v1;
	v9 =	vld.idx.msk [tilespmem:v9+s12+$0x0], $0xffff;
	v6 =	vmul.f32 v8, v6  }
0x13e: {  	v21 =	vor.u32 $0x6, v2;
	v20 =	vld.idx.msk [tilespmem:v10+s14+$0x0], $0xffff  }
0x13f: {  	v15 =	vor.u32 $0x6, v1;
	v11 =	vld.idx.msk [tilespmem:v11+s12+$0x0], $0xffff;
	v3 =	vmul.f32 v4, v3;
	v6 =	vadd.f32 $0.0e+00, v6  }
0x140: {  	v23 =	vor.u32 $0x7, v2;
	v22 =	vld.idx.msk [tilespmem:v12+s14+$0x0], $0xffff  }
0x141: {  	v16 =	vor.u32 $0x7, v1;
	v13 =	vld.idx.msk [tilespmem:v13+s12+$0x0], $0xffff;
	v5 =	vmul.f32 v7, v5;
	v3 =	vadd.f32 v3, v6  }
0x142: {  	v26 =	vor.u32 $0x8, v1;
	v24 =	vld.idx.msk [tilespmem:v14+s14+$0x0], $0xffff  }
0x143: {  	v25 =	vor.u32 $0x8, v2;
	v10 =	vld.idx.msk [tilespmem:v21+s12+$0x0], $0xffff;
	v27 =	vmul.f32 v20, v9;
	v3 =	vadd.f32 v5, v3  }
0x144: {  	v30 =	vor.u32 $0x9, v1;
	v28 =	vld.idx.msk [tilespmem:v15+s14+$0x0], $0xffff  }
0x145: {  	v29 =	vor.u32 $0x9, v2;
	v12 =	vld.idx.msk [tilespmem:v23+s12+$0x0], $0xffff;
	v4 =	vmul.f32 v22, v11;
	v3 =	vadd.f32 v27, v3  }
0x146: {  	v33 =	vor.u32 $0xA, v1;
	v31 =	vld.idx.msk [tilespmem:v16+s14+$0x0], $0xffff  }
0x147: {  	v32 =	vor.u32 $0xA, v2;
	v35 =	vld.idx.msk [tilespmem:v26+s14+$0x0], $0xffff;
	v34 =	vmul.f32 v24, v13;
	v3 =	vadd.f32 v4, v3  }
0x148: {  	v37 =	vor.u32 $0xB, v1;
	v7 =	vld.idx.msk [tilespmem:v25+s12+$0x0], $0xffff  }
0x149: {  	v36 =	vor.u32 $0xB, v2;
	v39 =	vld.idx.msk [tilespmem:v30+s14+$0x0], $0xffff;
	v38 =	vmul.f32 v28, v10;
	v3 =	vadd.f32 v34, v3  }
0x14a: {  	v41 =	vor.u32 $0xC, v1;
	v9 =	vld.idx.msk [tilespmem:v29+s12+$0x0], $0xffff  }
0x14b: {  	v40 =	vor.u32 $0xC, v2;
	v43 =	vld.idx.msk [tilespmem:v33+s14+$0x0], $0xffff;
	v42 =	vmul.f32 v31, v12;
	v3 =	vadd.f32 v38, v3  }
0x14c: {  	v45 =	vor.u32 $0xD, v1;
	v11 =	vld.idx.msk [tilespmem:v32+s12+$0x0], $0xffff  }
0x14d: {  	v44 =	vor.u32 $0xD, v2;
	v47 =	vld.idx.msk [tilespmem:v37+s14+$0x0], $0xffff;
	v46 =	vmul.f32 v35, v7;
	v3 =	vadd.f32 v42, v3  }
0x14e: {  	v49 =	vor.u32 $0xE, v1;
	v13 =	vld.idx.msk [tilespmem:v36+s12+$0x0], $0xffff  }
0x14f: {  	v48 =	vor.u32 $0xE, v2;
	v51 =	vld.idx.msk [tilespmem:v41+s14+$0x0], $0xffff;
	v50 =	vmul.f32 v39, v9;
	v3 =	vadd.f32 v46, v3  }
0x150: {  	v53 =	vor.u32 $0xF, v1;
	v10 =	vld.idx.msk [tilespmem:v40+s12+$0x0], $0xffff  }
0x151: {  	v52 =	vor.u32 $0xF, v2;
	v55 =	vld.idx.msk [tilespmem:v45+s14+$0x0], $0xffff;
	v54 =	vmul.f32 v43, v11;
	v3 =	vadd.f32 v50, v3  }
0x152: {  	v57 =	vor.u32 $0x10, v1;
	v12 =	vld.idx.msk [tilespmem:v44+s12+$0x0], $0xffff  }
0x153: {  	v56 =	vor.u32 $0x10, v2;
	v59 =	vld.idx.msk [tilespmem:v49+s14+$0x0], $0xffff;
	v58 =	vmul.f32 v47, v13;
	v3 =	vadd.f32 v54, v3  }
0x154: {  	v60 =	vor.u32 $0x11, v2;
	v7 =	vld.idx.msk [tilespmem:v48+s12+$0x0], $0xffff  }
0x155: {  	v61 =	vor.u32 $0x11, v1;
	v63 =	vld.idx.msk [tilespmem:v53+s14+$0x0], $0xffff;
	v62 =	vmul.f32 v51, v10;
	v3 =	vadd.f32 v58, v3  }
0x156: {  	v21 =	vor.u32 $0x12, v1;
	v9 =	vld.idx.msk [tilespmem:v52+s12+$0x0], $0xffff  }
0x157: {  	v23 =	vld.idx.msk [tilespmem:v57+s14+$0x0], $0xffff;
	v20 =	vor.u32 $0x12, v2;
	v22 =	vmul.f32 v55, v12;
	v3 =	vadd.f32 v62, v3  }
0x158: {  	v24 =	vor.u32 $0x13, v2;
	v11 =	vld.idx.msk [tilespmem:v56+s12+$0x0], $0xffff  }
0x159: {  	v25 =	vor.u32 $0x13, v1;
	v13 =	vld.idx.msk [tilespmem:v60+s12+$0x0], $0xffff;
	v26 =	vmul.f32 v59, v7;
	v3 =	vadd.f32 v22, v3  }
0x15a: {  	v29 =	vor.u32 $0x14, v1;
	v27 =	vld.idx.msk [tilespmem:v61+s14+$0x0], $0xffff  }
0x15b: {  	v28 =	vor.u32 $0x14, v2;
	v31 =	vld.idx.msk [tilespmem:v21+s14+$0x0], $0xffff;
	v30 =	vmul.f32 v63, v9;
	v3 =	vadd.f32 v26, v3  }
0x15c: {  	v33 =	vor.u32 $0x15, v1;
	v10 =	vld.idx.msk [tilespmem:v20+s12+$0x0], $0xffff  }
0x15d: {  	v32 =	vor.u32 $0x15, v2;
	v12 =	vld.idx.msk [tilespmem:v24+s12+$0x0], $0xffff;
	v34 =	vmul.f32 v23, v11;
	v3 =	vadd.f32 v30, v3  }
0x15e: {  	v37 =	vor.u32 $0x16, v1;
	v35 =	vld.idx.msk [tilespmem:v25+s14+$0x0], $0xffff  }
0x15f: {  	v36 =	vor.u32 $0x16, v2;
	v39 =	vld.idx.msk [tilespmem:v29+s14+$0x0], $0xffff;
	v38 =	vmul.f32 v27, v13;
	v3 =	vadd.f32 v34, v3  }
0x160: {  	v41 =	vor.u32 $0x17, v1;
	v7 =	vld.idx.msk [tilespmem:v28+s12+$0x0], $0xffff  }
0x161: {  	v40 =	vor.u32 $0x17, v2;
	v43 =	vld.idx.msk [tilespmem:v33+s14+$0x0], $0xffff;
	v42 =	vmul.f32 v31, v10;
	v3 =	vadd.f32 v38, v3  }
0x162: {  	v45 =	vor.u32 $0x18, v1;
	v9 =	vld.idx.msk [tilespmem:v32+s12+$0x0], $0xffff  }
0x163: {  	v44 =	vor.u32 $0x18, v2;
	v47 =	vld.idx.msk [tilespmem:v37+s14+$0x0], $0xffff;
	v46 =	vmul.f32 v35, v12;
	v3 =	vadd.f32 v42, v3  }
0x164: {  	v49 =	vor.u32 $0x19, v1;
	v11 =	vld.idx.msk [tilespmem:v36+s12+$0x0], $0xffff  }
0x165: {  	v48 =	vor.u32 $0x19, v2;
	v51 =	vld.idx.msk [tilespmem:v41+s14+$0x0], $0xffff;
	v50 =	vmul.f32 v39, v7;
	v3 =	vadd.f32 v46, v3  }
0x166: {  	v53 =	vor.u32 $0x1A, v1;
	v13 =	vld.idx.msk [tilespmem:v40+s12+$0x0], $0xffff  }
0x167: {  	v52 =	vor.u32 $0x1A, v2;
	v55 =	vld.idx.msk [tilespmem:v45+s14+$0x0], $0xffff;
	v54 =	vmul.f32 v43, v9;
	v3 =	vadd.f32 v50, v3  }
0x168: {  	v57 =	vor.u32 $0x1B, v1;
	v10 =	vld.idx.msk [tilespmem:v44+s12+$0x0], $0xffff  }
0x169: {  	v56 =	vor.u32 $0x1B, v2;
	v59 =	vld.idx.msk [tilespmem:v49+s14+$0x0], $0xffff;
	v58 =	vmul.f32 v47, v11;
	v3 =	vadd.f32 v54, v3  }
0x16a: {  	v61 =	vor.u32 $0x1C, v1;
	v12 =	vld.idx.msk [tilespmem:v48+s12+$0x0], $0xffff  }
0x16b: {  	v60 =	vor.u32 $0x1C, v2;
	v63 =	vld.idx.msk [tilespmem:v53+s14+$0x0], $0xffff;
	v62 =	vmul.f32 v51, v13;
	v3 =	vadd.f32 v58, v3  }
0x16c: {  	v19 =	vor.u32 $0x1D, v1;
	v7 =	vld.idx.msk [tilespmem:v52+s12+$0x0], $0xffff  }
0x16d: {  	v18 =	vor.u32 $0x1D, v2;
	v21 =	vld.idx.msk [tilespmem:v57+s14+$0x0], $0xffff;
	v20 =	vmul.f32 v55, v10;
	v3 =	vadd.f32 v62, v3  }
0x16e: {  	v23 =	vor.u32 $0x1E, v1;
	v9 =	vld.idx.msk [tilespmem:v56+s12+$0x0], $0xffff  }
0x16f: {  	v25 =	vld.idx.msk [tilespmem:v61+s14+$0x0], $0xffff;
	v24 =	vmul.f32 v59, v12;
	v22 =	vor.u32 $0x1E, v2;
	v3 =	vadd.f32 v20, v3  }
0x170: {  	v1 =	vor.u32 $0x1F, v1;
	v11 =	vld.idx.msk [tilespmem:v60+s12+$0x0], $0xffff  }
0x171: {  	v28 =	vld.idx.msk [tilespmem:v19+s14+$0x0], $0xffff;
	v27 =	vmul.f32 v63, v7;
	v2 =	vor.u32 $0x1F, v2;
	v3 =	vadd.f32 v24, v3  }
0x172: {  	v26 =	vld.idx.msk [tilespmem:v18+s12+$0x0], $0xffff  }
0x173: {  	v31 =	vld.idx.msk [tilespmem:v23+s14+$0x0], $0xffff;
	v30 =	vmul.f32 v21, v9;
	v3 =	vadd.f32 v27, v3  }
0x174: {  	v29 =	vld.idx.msk [tilespmem:v22+s12+$0x0], $0xffff  }
0x175: {  	v1 =	vld.idx.msk [tilespmem:v1+s14+$0x0], $0xffff;
	v32 =	vmul.f32 v25, v11;
	v3 =	vadd.f32 v30, v3  }
0x176: {  	v2 =	vld.idx.msk [tilespmem:v2+s12+$0x0], $0xffff  }
0x177: {  	v33 =	vmul.f32 v28, v26;
	v3 =	vadd.f32 v32, v3;
	_ =	sdelay $0x1  }
0x178: {  	v34 =	vmul.f32 v31, v29;
	v3 =	vadd.f32 v33, v3;
	_ =	sdelay $0x1  }
0x179: {  	v1 =	vmul.f32 v1, v2;
	v3 =	vadd.f32 v34, v3;
	_ =	sdelay $0x1  }
0x17a: {  	v1 =	vadd.f32 v1, v3  }
0x17b: {  	s26 =	sadd.s32 $0x10, s26  }
0x17c: {  	[tilespmem:s26+$0x0] =	vst v1;
	s26 =	simm.s32 $0x80  }
0x17d: {  	[tilespmem:s12], [sflag:$0x1] =	stream.indirect.gather [hbm4b:s3+s26], $0x80, s20, s26, $0xb8;
	[tilespmem:$0x10A00] =	vst v63  }
0x17e: {  	_ = 	snop  }
0x17f: {  	[tilespmem:s14], [sflag:$0x1] =	stream.indirect.gather [hbm4b:s4+s26], $0x80, s21, s26, $0xb8;
	[tilespmem:$0x10A00] =	vst v63  }
0x180: {  	_ =	swait.ge [sflag:s19], $0x4000  }
0x181: {  	[sflag:s19] =	ssyncset.done $0x0  }
0x182: {  	[sflag:s19] =	ssyncadd.s32 $0xFFFFC000  }
0x183: {  	_ =	swait.ge [sflag:s19], $0x4000  }
0x184: {  	[sflag:s19] =	ssyncset.done $0x0  }
0x185: {  	[sflag:s19] =	ssyncadd.s32 $0xFFFFC000  }
0x186: {  	s28 =	simm.s32 $0x280;
	v1 =	vld [tilespmem:s26+$0x0]  }
0x187: {  	v2 =	vld [tilespmem:s28+$0x0];
	_ =	sdelay $0x1  }
0x188: {  	s26 =	simm.s32 $0x0  }
0x189: {  	v3 =	vmov s26  }
0x18a: {  	v3 =	vshll.u32 v3, $0x7;
	v1 =	vshrl.u32 v1, $0x9  }
0x18b: {  	v3 =	vor.u32 v0, v3;
	v2 =	vshrl.u32 v2, $0x9;
	v1 =	vand.u32 $0x60, v1  }
0x18c: {  	v35 =	vand.u32 $0x60, v2;
	v2 =	vor.u32 v3, v1  }
0x18d: {  	v1 =	vor.u32 v3, v35  }
0x18e: {  	v3 =	vor.u32 $0x1, v2  }
0x18f: {  	v4 =	vor.u32 $0x1, v1  }
0x190: {  	v36 =	vor.u32 $0x2, v2  }
0x191: {  	v38 =	vor.u32 $0x2, v1;
	v37 =	vld.idx.msk [tilespmem:v2+s16+$0x0], $0xffff  }
0x192: {  	v40 =	vor.u32 $0x3, v2;
	v39 =	vld.idx.msk [tilespmem:v1+s18+$0x0], $0xffff  }
0x193: {  	v41 =	vor.u32 $0x3, v1;
	v3 =	vld.idx.msk [tilespmem:v3+s16+$0x0], $0xffff  }
0x194: {  	v42 =	vor.u32 $0x4, v2;
	v4 =	vld.idx.msk [tilespmem:v4+s18+$0x0], $0xffff  }
0x195: {  	v43 =	vor.u32 $0x4, v1;
	v5 =	vld.idx.msk [tilespmem:v36+s16+$0x0], $0xffff  }
0x196: {  	v44 =	vor.u32 $0x5, v2;
	v7 =	vld.idx.msk [tilespmem:v38+s18+$0x0], $0xffff  }
0x197: {  	v45 =	vor.u32 $0x5, v1;
	v9 =	vld.idx.msk [tilespmem:v40+s16+$0x0], $0xffff;
	v6 =	vmul.f32 v39, v37  }
0x198: {  	v47 =	vor.u32 $0x6, v2;
	v46 =	vld.idx.msk [tilespmem:v41+s18+$0x0], $0xffff  }
0x199: {  	v48 =	vor.u32 $0x6, v1;
	v11 =	vld.idx.msk [tilespmem:v42+s16+$0x0], $0xffff;
	v3 =	vmul.f32 v4, v3;
	v6 =	vadd.f32 $0.0e+00, v6  }
0x19a: {  	v50 =	vor.u32 $0x7, v2;
	v49 =	vld.idx.msk [tilespmem:v43+s18+$0x0], $0xffff  }
0x19b: {  	v51 =	vor.u32 $0x7, v1;
	v13 =	vld.idx.msk [tilespmem:v44+s16+$0x0], $0xffff;
	v5 =	vmul.f32 v7, v5;
	v3 =	vadd.f32 v3, v6  }
0x19c: {  	v54 =	vor.u32 $0x8, v1;
	v52 =	vld.idx.msk [tilespmem:v45+s18+$0x0], $0xffff  }
0x19d: {  	v53 =	vor.u32 $0x8, v2;
	v10 =	vld.idx.msk [tilespmem:v47+s16+$0x0], $0xffff;
	v55 =	vmul.f32 v46, v9;
	v3 =	vadd.f32 v5, v3  }
0x19e: {  	v58 =	vor.u32 $0x9, v1;
	v56 =	vld.idx.msk [tilespmem:v48+s18+$0x0], $0xffff  }
0x19f: {  	v57 =	vor.u32 $0x9, v2;
	v12 =	vld.idx.msk [tilespmem:v50+s16+$0x0], $0xffff;
	v4 =	vmul.f32 v49, v11;
	v3 =	vadd.f32 v55, v3  }
0x1a0: {  	v61 =	vor.u32 $0xA, v1;
	v59 =	vld.idx.msk [tilespmem:v51+s18+$0x0], $0xffff  }
0x1a1: {  	v60 =	vor.u32 $0xA, v2;
	v63 =	vld.idx.msk [tilespmem:v54+s18+$0x0], $0xffff;
	v62 =	vmul.f32 v52, v13;
	v3 =	vadd.f32 v4, v3  }
0x1a2: {  	v20 =	vor.u32 $0xB, v1;
	v7 =	vld.idx.msk [tilespmem:v53+s16+$0x0], $0xffff  }
0x1a3: {  	v19 =	vor.u32 $0xB, v2;
	v22 =	vld.idx.msk [tilespmem:v58+s18+$0x0], $0xffff;
	v21 =	vmul.f32 v56, v10;
	v3 =	vadd.f32 v62, v3  }
0x1a4: {  	v24 =	vor.u32 $0xC, v1;
	v9 =	vld.idx.msk [tilespmem:v57+s16+$0x0], $0xffff  }
0x1a5: {  	v23 =	vor.u32 $0xC, v2;
	v26 =	vld.idx.msk [tilespmem:v61+s18+$0x0], $0xffff;
	v25 =	vmul.f32 v59, v12;
	v3 =	vadd.f32 v21, v3  }
0x1a6: {  	v28 =	vor.u32 $0xD, v1;
	v11 =	vld.idx.msk [tilespmem:v60+s16+$0x0], $0xffff  }
0x1a7: {  	v27 =	vor.u32 $0xD, v2;
	v30 =	vld.idx.msk [tilespmem:v20+s18+$0x0], $0xffff;
	v29 =	vmul.f32 v63, v7;
	v3 =	vadd.f32 v25, v3  }
0x1a8: {  	v32 =	vor.u32 $0xE, v1;
	v13 =	vld.idx.msk [tilespmem:v19+s16+$0x0], $0xffff  }
0x1a9: {  	v31 =	vor.u32 $0xE, v2;
	v34 =	vld.idx.msk [tilespmem:v24+s18+$0x0], $0xffff;
	v33 =	vmul.f32 v22, v9;
	v3 =	vadd.f32 v29, v3  }
0x1aa: {  	v36 =	vor.u32 $0xF, v1;
	v10 =	vld.idx.msk [tilespmem:v23+s16+$0x0], $0xffff  }
0x1ab: {  	v35 =	vor.u32 $0xF, v2;
	v38 =	vld.idx.msk [tilespmem:v28+s18+$0x0], $0xffff;
	v37 =	vmul.f32 v26, v11;
	v3 =	vadd.f32 v33, v3  }
0x1ac: {  	v40 =	vor.u32 $0x10, v1;
	v12 =	vld.idx.msk [tilespmem:v27+s16+$0x0], $0xffff  }
0x1ad: {  	v42 =	vld.idx.msk [tilespmem:v32+s18+$0x0], $0xffff;
	v39 =	vor.u32 $0x10, v2;
	v41 =	vmul.f32 v30, v13;
	v3 =	vadd.f32 v37, v3  }
0x1ae: {  	v44 =	vor.u32 $0x11, v1;
	v7 =	vld.idx.msk [tilespmem:v31+s16+$0x0], $0xffff  }
0x1af: {  	v43 =	vor.u32 $0x11, v2;
	v46 =	vld.idx.msk [tilespmem:v36+s18+$0x0], $0xffff;
	v45 =	vmul.f32 v34, v10;
	v3 =	vadd.f32 v41, v3  }
0x1b0: {  	v48 =	vor.u32 $0x12, v1;
	v9 =	vld.idx.msk [tilespmem:v35+s16+$0x0], $0xffff  }
0x1b1: {  	v47 =	vor.u32 $0x12, v2;
	v50 =	vld.idx.msk [tilespmem:v40+s18+$0x0], $0xffff;
	v49 =	vmul.f32 v38, v12;
	v3 =	vadd.f32 v45, v3  }
0x1b2: {  	v51 =	vor.u32 $0x13, v2;
	v11 =	vld.idx.msk [tilespmem:v39+s16+$0x0], $0xffff  }
0x1b3: {  	v52 =	vor.u32 $0x13, v1;
	v54 =	vld.idx.msk [tilespmem:v44+s18+$0x0], $0xffff;
	v53 =	vmul.f32 v42, v7;
	v3 =	vadd.f32 v49, v3  }
0x1b4: {  	v56 =	vor.u32 $0x14, v1;
	v13 =	vld.idx.msk [tilespmem:v43+s16+$0x0], $0xffff  }
0x1b5: {  	v58 =	vld.idx.msk [tilespmem:v48+s18+$0x0], $0xffff;
	v55 =	vor.u32 $0x14, v2;
	v57 =	vmul.f32 v46, v9;
	v3 =	vadd.f32 v53, v3  }
0x1b6: {  	v60 =	vor.u32 $0x15, v1;
	v10 =	vld.idx.msk [tilespmem:v47+s16+$0x0], $0xffff  }
0x1b7: {  	v59 =	vor.u32 $0x15, v2;
	v12 =	vld.idx.msk [tilespmem:v51+s16+$0x0], $0xffff;
	v61 =	vmul.f32 v50, v11;
	v3 =	vadd.f32 v57, v3  }
0x1b8: {  	v20 =	vor.u32 $0x16, v1;
	v62 =	vld.idx.msk [tilespmem:v52+s18+$0x0], $0xffff  }
0x1b9: {  	v63 =	vor.u32 $0x16, v2;
	v22 =	vld.idx.msk [tilespmem:v56+s18+$0x0], $0xffff;
	v21 =	vmul.f32 v54, v13;
	v3 =	vadd.f32 v61, v3  }
0x1ba: {  	v24 =	vor.u32 $0x17, v1;
	v7 =	vld.idx.msk [tilespmem:v55+s16+$0x0], $0xffff  }
0x1bb: {  	v23 =	vor.u32 $0x17, v2;
	v26 =	vld.idx.msk [tilespmem:v60+s18+$0x0], $0xffff;
	v25 =	vmul.f32 v58, v10;
	v3 =	vadd.f32 v21, v3  }
0x1bc: {  	v28 =	vor.u32 $0x18, v1;
	v9 =	vld.idx.msk [tilespmem:v59+s16+$0x0], $0xffff  }
0x1bd: {  	v27 =	vor.u32 $0x18, v2;
	v30 =	vld.idx.msk [tilespmem:v20+s18+$0x0], $0xffff;
	v29 =	vmul.f32 v62, v12;
	v3 =	vadd.f32 v25, v3  }
0x1be: {  	v32 =	vor.u32 $0x19, v1;
	v11 =	vld.idx.msk [tilespmem:v63+s16+$0x0], $0xffff  }
0x1bf: {  	v31 =	vor.u32 $0x19, v2;
	v34 =	vld.idx.msk [tilespmem:v24+s18+$0x0], $0xffff;
	v33 =	vmul.f32 v22, v7;
	v3 =	vadd.f32 v29, v3  }
0x1c0: {  	v36 =	vor.u32 $0x1A, v1;
	v13 =	vld.idx.msk [tilespmem:v23+s16+$0x0], $0xffff  }
0x1c1: {  	v35 =	vor.u32 $0x1A, v2;
	v38 =	vld.idx.msk [tilespmem:v28+s18+$0x0], $0xffff;
	v37 =	vmul.f32 v26, v9;
	v3 =	vadd.f32 v33, v3  }
0x1c2: {  	v40 =	vor.u32 $0x1B, v1;
	v10 =	vld.idx.msk [tilespmem:v27+s16+$0x0], $0xffff  }
0x1c3: {  	v39 =	vor.u32 $0x1B, v2;
	v42 =	vld.idx.msk [tilespmem:v32+s18+$0x0], $0xffff;
	v41 =	vmul.f32 v30, v11;
	v3 =	vadd.f32 v37, v3  }
0x1c4: {  	v44 =	vor.u32 $0x1C, v1;
	v12 =	vld.idx.msk [tilespmem:v31+s16+$0x0], $0xffff  }
0x1c5: {  	v43 =	vor.u32 $0x1C, v2;
	v46 =	vld.idx.msk [tilespmem:v36+s18+$0x0], $0xffff;
	v45 =	vmul.f32 v34, v13;
	v3 =	vadd.f32 v41, v3  }
0x1c6: {  	v47 =	vor.u32 $0x1D, v2;
	v7 =	vld.idx.msk [tilespmem:v35+s16+$0x0], $0xffff  }
0x1c7: {  	v48 =	vor.u32 $0x1D, v1;
	v50 =	vld.idx.msk [tilespmem:v40+s18+$0x0], $0xffff;
	v49 =	vmul.f32 v38, v10;
	v3 =	vadd.f32 v45, v3  }
0x1c8: {  	v51 =	vor.u32 $0x1E, v2;
	v9 =	vld.idx.msk [tilespmem:v39+s16+$0x0], $0xffff  }
0x1c9: {  	v52 =	vor.u32 $0x1E, v1;
	v54 =	vld.idx.msk [tilespmem:v44+s18+$0x0], $0xffff;
	v53 =	vmul.f32 v42, v12;
	v3 =	vadd.f32 v49, v3  }
0x1ca: {  	v2 =	vor.u32 $0x1F, v2;
	v11 =	vld.idx.msk [tilespmem:v43+s16+$0x0], $0xffff  }
0x1cb: {  	v1 =	vor.u32 $0x1F, v1;
	v55 =	vld.idx.msk [tilespmem:v47+s16+$0x0], $0xffff;
	v56 =	vmul.f32 v46, v7;
	v3 =	vadd.f32 v53, v3  }
0x1cc: {  	v57 =	vld.idx.msk [tilespmem:v48+s18+$0x0], $0xffff  }
0x1cd: {  	v58 =	vld.idx.msk [tilespmem:v51+s16+$0x0], $0xffff;
	v59 =	vmul.f32 v50, v9;
	v3 =	vadd.f32 v56, v3  }
0x1ce: {  	v60 =	vld.idx.msk [tilespmem:v52+s18+$0x0], $0xffff  }
0x1cf: {  	v2 =	vld.idx.msk [tilespmem:v2+s16+$0x0], $0xffff;
	v61 =	vmul.f32 v54, v11;
	v3 =	vadd.f32 v59, v3  }
0x1d0: {  	v1 =	vld.idx.msk [tilespmem:v1+s18+$0x0], $0xffff  }
0x1d1: {  	v62 =	vmul.f32 v57, v55;
	v3 =	vadd.f32 v61, v3;
	_ =	sdelay $0x1  }
0x1d2: {  	v63 =	vmul.f32 v60, v58;
	v3 =	vadd.f32 v62, v3;
	_ =	sdelay $0x1  }
0x1d3: {  	v1 =	vmul.f32 v1, v2;
	v3 =	vadd.f32 v63, v3;
	_ =	sdelay $0x1  }
0x1d4: {  	v1 =	vadd.f32 v1, v3  }
0x1d5: {  	s26 =	simm.s32 $0x10880  }
0x1d6: {  	s28 =	simm.s32 $0x90;
	[tilespmem:s26+$0x0] =	vst v1  }
0x1d7: {  	s29 =	simm.s32 $0x290;
	v2 =	vld [tilespmem:s28+$0x0]  }
0x1d8: {  	s30 =	simm.s32 $0x10;
	s31 =	simm.s32 $0x20;
	v1 =	vld [tilespmem:s29+$0x0]  }
.LBB2_4:
0x1d9: {  	p0 =	sne.s32 s31, $0x70;
	_ =	sdelay $0x1  }
0x1da: {  	v3 =	vmov s30;
	s30 =	smov.u32 s31  }
0x1db: {  	v3 =	vshll.u32 v3, $0x7;
	v2 =	vshrl.u32 v2, $0x9  }
0x1dc: {  	v3 =	vor.u32 v0, v3;
	v2 =	vand.u32 $0x60, v2;
	v1 =	vshrl.u32 v1, $0x9  }
0x1dd: {  	v1 =	vand.u32 $0x60, v1;
	v2 =	vor.u32 v3, v2  }
0x1de: {  	v1 =	vor.u32 v3, v1  }
0x1df: {  	v3 =	vor.u32 $0x1, v2  }
0x1e0: {  	v4 =	vor.u32 $0x1, v1  }
0x1e1: {  	v5 =	vor.u32 $0x2, v2  }
0x1e2: {  	v7 =	vor.u32 $0x2, v1;
	v6 =	vld.idx.msk [tilespmem:v2+s16+$0x0], $0xffff  }
0x1e3: {  	v9 =	vor.u32 $0x3, v2;
	v8 =	vld.idx.msk [tilespmem:v1+s18+$0x0], $0xffff  }
0x1e4: {  	v10 =	vor.u32 $0x3, v1;
	v3 =	vld.idx.msk [tilespmem:v3+s16+$0x0], $0xffff  }
0x1e5: {  	v11 =	vor.u32 $0x4, v2;
	v4 =	vld.idx.msk [tilespmem:v4+s18+$0x0], $0xffff  }
0x1e6: {  	v12 =	vor.u32 $0x4, v1;
	v5 =	vld.idx.msk [tilespmem:v5+s16+$0x0], $0xffff  }
0x1e7: {  	v13 =	vor.u32 $0x5, v2;
	v7 =	vld.idx.msk [tilespmem:v7+s18+$0x0], $0xffff  }
0x1e8: {  	v14 =	vor.u32 $0x5, v1;
	v9 =	vld.idx.msk [tilespmem:v9+s16+$0x0], $0xffff  }
0x1e9: {  	v6 =	vmul.f32 v8, v6;
	v8 =	vld.idx.msk [tilespmem:v10+s18+$0x0], $0xffff;
	v10 =	vor.u32 $0x6, v2  }
0x1ea: {  	v15 =	vor.u32 $0x6, v1;
	v11 =	vld.idx.msk [tilespmem:v11+s16+$0x0], $0xffff  }
0x1eb: {  	v6 =	vadd.f32 $0.0e+00, v6;
	v3 =	vmul.f32 v4, v3;
	v4 =	vld.idx.msk [tilespmem:v12+s18+$0x0], $0xffff;
	v12 =	vor.u32 $0x7, v2  }
0x1ec: {  	v16 =	vor.u32 $0x7, v1;
	v13 =	vld.idx.msk [tilespmem:v13+s16+$0x0], $0xffff  }
0x1ed: {  	v3 =	vadd.f32 v3, v6;
	v5 =	vmul.f32 v7, v5;
	v7 =	vor.u32 $0x8, v2;
	v6 =	vld.idx.msk [tilespmem:v14+s18+$0x0], $0xffff  }
0x1ee: {  	v14 =	vor.u32 $0x8, v1;
	v10 =	vld.idx.msk [tilespmem:v10+s16+$0x0], $0xffff  }
0x1ef: {  	v3 =	vadd.f32 v5, v3;
	v5 =	vmul.f32 v8, v9;
	v9 =	vor.u32 $0x9, v2;
	v8 =	vld.idx.msk [tilespmem:v15+s18+$0x0], $0xffff  }
0x1f0: {  	v15 =	vor.u32 $0x9, v1;
	v12 =	vld.idx.msk [tilespmem:v12+s16+$0x0], $0xffff  }
0x1f1: {  	v3 =	vadd.f32 v5, v3;
	v4 =	vmul.f32 v4, v11;
	v11 =	vor.u32 $0xA, v2;
	v5 =	vld.idx.msk [tilespmem:v16+s18+$0x0], $0xffff  }
0x1f2: {  	v16 =	vor.u32 $0xA, v1;
	v7 =	vld.idx.msk [tilespmem:v7+s16+$0x0], $0xffff  }
0x1f3: {  	v3 =	vadd.f32 v4, v3;
	v4 =	vmul.f32 v6, v13;
	v13 =	vor.u32 $0xB, v2;
	v6 =	vld.idx.msk [tilespmem:v14+s18+$0x0], $0xffff  }
0x1f4: {  	v14 =	vor.u32 $0xB, v1;
	v9 =	vld.idx.msk [tilespmem:v9+s16+$0x0], $0xffff  }
0x1f5: {  	v3 =	vadd.f32 v4, v3;
	v4 =	vmul.f32 v8, v10;
	v10 =	vor.u32 $0xC, v2;
	v8 =	vld.idx.msk [tilespmem:v15+s18+$0x0], $0xffff  }
0x1f6: {  	v15 =	vor.u32 $0xC, v1;
	v11 =	vld.idx.msk [tilespmem:v11+s16+$0x0], $0xffff  }
0x1f7: {  	v3 =	vadd.f32 v4, v3;
	v4 =	vmul.f32 v5, v12;
	v12 =	vor.u32 $0xD, v2;
	v5 =	vld.idx.msk [tilespmem:v16+s18+$0x0], $0xffff  }
0x1f8: {  	v16 =	vor.u32 $0xD, v1;
	v13 =	vld.idx.msk [tilespmem:v13+s16+$0x0], $0xffff  }
0x1f9: {  	v3 =	vadd.f32 v4, v3;
	v4 =	vmul.f32 v6, v7;
	v7 =	vor.u32 $0xE, v2;
	v6 =	vld.idx.msk [tilespmem:v14+s18+$0x0], $0xffff  }
0x1fa: {  	v14 =	vor.u32 $0xE, v1;
	v10 =	vld.idx.msk [tilespmem:v10+s16+$0x0], $0xffff  }
0x1fb: {  	v3 =	vadd.f32 v4, v3;
	v4 =	vmul.f32 v8, v9;
	v9 =	vor.u32 $0xF, v2;
	v8 =	vld.idx.msk [tilespmem:v15+s18+$0x0], $0xffff  }
0x1fc: {  	v15 =	vor.u32 $0xF, v1;
	v12 =	vld.idx.msk [tilespmem:v12+s16+$0x0], $0xffff  }
0x1fd: {  	v3 =	vadd.f32 v4, v3;
	v4 =	vmul.f32 v5, v11;
	v11 =	vor.u32 $0x10, v2;
	v5 =	vld.idx.msk [tilespmem:v16+s18+$0x0], $0xffff  }
0x1fe: {  	v16 =	vor.u32 $0x10, v1;
	v7 =	vld.idx.msk [tilespmem:v7+s16+$0x0], $0xffff  }
0x1ff: {  	v3 =	vadd.f32 v4, v3;
	v4 =	vmul.f32 v6, v13;
	v13 =	vor.u32 $0x11, v2;
	v6 =	vld.idx.msk [tilespmem:v14+s18+$0x0], $0xffff  }
0x200: {  	v14 =	vor.u32 $0x11, v1;
	v9 =	vld.idx.msk [tilespmem:v9+s16+$0x0], $0xffff  }
0x201: {  	v3 =	vadd.f32 v4, v3;
	v4 =	vmul.f32 v8, v10;
	v10 =	vor.u32 $0x12, v2;
	v8 =	vld.idx.msk [tilespmem:v15+s18+$0x0], $0xffff  }
0x202: {  	v15 =	vor.u32 $0x12, v1;
	v11 =	vld.idx.msk [tilespmem:v11+s16+$0x0], $0xffff  }
0x203: {  	v3 =	vadd.f32 v4, v3;
	v4 =	vmul.f32 v5, v12;
	v12 =	vor.u32 $0x13, v2;
	v5 =	vld.idx.msk [tilespmem:v16+s18+$0x0], $0xffff  }
0x204: {  	v16 =	vor.u32 $0x13, v1;
	v13 =	vld.idx.msk [tilespmem:v13+s16+$0x0], $0xffff  }
0x205: {  	v3 =	vadd.f32 v4, v3;
	v4 =	vmul.f32 v6, v7;
	v7 =	vor.u32 $0x14, v2;
	v6 =	vld.idx.msk [tilespmem:v14+s18+$0x0], $0xffff  }
0x206: {  	v14 =	vor.u32 $0x14, v1;
	v10 =	vld.idx.msk [tilespmem:v10+s16+$0x0], $0xffff  }
0x207: {  	v3 =	vadd.f32 v4, v3;
	v4 =	vmul.f32 v8, v9;
	v9 =	vor.u32 $0x15, v2;
	v8 =	vld.idx.msk [tilespmem:v15+s18+$0x0], $0xffff  }
0x208: {  	v15 =	vor.u32 $0x15, v1;
	v12 =	vld.idx.msk [tilespmem:v12+s16+$0x0], $0xffff  }
0x209: {  	v3 =	vadd.f32 v4, v3;
	v4 =	vmul.f32 v5, v11;
	v11 =	vor.u32 $0x16, v2;
	v5 =	vld.idx.msk [tilespmem:v16+s18+$0x0], $0xffff  }
0x20a: {  	v16 =	vor.u32 $0x16, v1;
	v7 =	vld.idx.msk [tilespmem:v7+s16+$0x0], $0xffff  }
0x20b: {  	v3 =	vadd.f32 v4, v3;
	v4 =	vmul.f32 v6, v13;
	v13 =	vor.u32 $0x17, v2;
	v6 =	vld.idx.msk [tilespmem:v14+s18+$0x0], $0xffff  }
0x20c: {  	v14 =	vor.u32 $0x17, v1;
	v9 =	vld.idx.msk [tilespmem:v9+s16+$0x0], $0xffff  }
0x20d: {  	v3 =	vadd.f32 v4, v3;
	v4 =	vmul.f32 v8, v10;
	v10 =	vor.u32 $0x18, v2;
	v8 =	vld.idx.msk [tilespmem:v15+s18+$0x0], $0xffff  }
0x20e: {  	v15 =	vor.u32 $0x18, v1;
	v11 =	vld.idx.msk [tilespmem:v11+s16+$0x0], $0xffff  }
0x20f: {  	v3 =	vadd.f32 v4, v3;
	v4 =	vmul.f32 v5, v12;
	v12 =	vor.u32 $0x19, v2;
	v5 =	vld.idx.msk [tilespmem:v16+s18+$0x0], $0xffff  }
0x210: {  	v16 =	vor.u32 $0x19, v1;
	v13 =	vld.idx.msk [tilespmem:v13+s16+$0x0], $0xffff  }
0x211: {  	v3 =	vadd.f32 v4, v3;
	v4 =	vmul.f32 v6, v7;
	v7 =	vor.u32 $0x1A, v2;
	v6 =	vld.idx.msk [tilespmem:v14+s18+$0x0], $0xffff  }
0x212: {  	v14 =	vor.u32 $0x1A, v1;
	v10 =	vld.idx.msk [tilespmem:v10+s16+$0x0], $0xffff  }
0x213: {  	v3 =	vadd.f32 v4, v3;
	v4 =	vmul.f32 v8, v9;
	v9 =	vor.u32 $0x1B, v2;
	v8 =	vld.idx.msk [tilespmem:v15+s18+$0x0], $0xffff  }
0x214: {  	v15 =	vor.u32 $0x1B, v1;
	v12 =	vld.idx.msk [tilespmem:v12+s16+$0x0], $0xffff  }
0x215: {  	v3 =	vadd.f32 v4, v3;
	v4 =	vmul.f32 v5, v11;
	v11 =	vor.u32 $0x1C, v2;
	v5 =	vld.idx.msk [tilespmem:v16+s18+$0x0], $0xffff  }
0x216: {  	v16 =	vor.u32 $0x1C, v1;
	v7 =	vld.idx.msk [tilespmem:v7+s16+$0x0], $0xffff  }
0x217: {  	v3 =	vadd.f32 v4, v3;
	v4 =	vmul.f32 v6, v13;
	v13 =	vor.u32 $0x1D, v2;
	v6 =	vld.idx.msk [tilespmem:v14+s18+$0x0], $0xffff  }
0x218: {  	v14 =	vor.u32 $0x1D, v1;
	v9 =	vld.idx.msk [tilespmem:v9+s16+$0x0], $0xffff  }
0x219: {  	v3 =	vadd.f32 v4, v3;
	v4 =	vmul.f32 v8, v10;
	v10 =	vor.u32 $0x1E, v2;
	v8 =	vld.idx.msk [tilespmem:v15+s18+$0x0], $0xffff  }
0x21a: {  	v15 =	vor.u32 $0x1E, v1;
	v11 =	vld.idx.msk [tilespmem:v11+s16+$0x0], $0xffff  }
0x21b: {  	v2 =	vor.u32 $0x1F, v2;
	v3 =	vadd.f32 v4, v3;
	v4 =	vmul.f32 v5, v12;
	v5 =	vld.idx.msk [tilespmem:v16+s18+$0x0], $0xffff  }
0x21c: {  	v1 =	vor.u32 $0x1F, v1;
	v12 =	vld.idx.msk [tilespmem:v13+s16+$0x0], $0xffff  }
0x21d: {  	v3 =	vadd.f32 v4, v3;
	v4 =	vmul.f32 v6, v7;
	v6 =	vld.idx.msk [tilespmem:v14+s18+$0x0], $0xffff  }
0x21e: {  	v7 =	vld.idx.msk [tilespmem:v10+s16+$0x0], $0xffff  }
0x21f: {  	v3 =	vadd.f32 v4, v3;
	v4 =	vmul.f32 v8, v9;
	v8 =	vld.idx.msk [tilespmem:v15+s18+$0x0], $0xffff  }
0x220: {  	v2 =	vld.idx.msk [tilespmem:v2+s16+$0x0], $0xffff  }
0x221: {  	v3 =	vadd.f32 v4, v3;
	v4 =	vmul.f32 v5, v11;
	v1 =	vld.idx.msk [tilespmem:v1+s18+$0x0], $0xffff;
	_ =	sdelay $0x1  }
0x222: {  	v3 =	vadd.f32 v4, v3;
	v4 =	vmul.f32 v6, v12;
	_ =	sdelay $0x1  }
0x223: {  	v3 =	vadd.f32 v4, v3;
	v4 =	vmul.f32 v8, v7;
	_ =	sdelay $0x1  }
0x224: {  	v3 =	vadd.f32 v4, v3;
	v1 =	vmul.f32 v1, v2;
	_ =	sdelay $0x1  }
.Ltmp1:
0x225: {  	v1 =	vadd.f32 v1, v3;
	(pc) =	sbr.rel @p0 .LBB2_4-.Ltmp1, $4  }
0x226: {  	s26 =	sadd.s32 $0x10, s26  }
0x227: {  	s28 =	sadd.s32 $0x10, s28;
	[tilespmem:s26+$0x0] =	vst v1  }
0x228: {  	s29 =	sadd.s32 $0x10, s29;
	v2 =	vld [tilespmem:s28+$0x0]  }
0x229: {  	s31 =	sadd.s32 $0x10, s31;
	v1 =	vld [tilespmem:s29+$0x0]  }
0x22a: {  	_ =	sdelay $0x1  }
0x22b: {  	v3 =	vmov s30  }
0x22c: {  	v3 =	vshll.u32 v3, $0x7;
	v2 =	vshrl.u32 v2, $0x9  }
0x22d: {  	v3 =	vor.u32 v0, v3;
	v2 =	vand.u32 $0x60, v2;
	v1 =	vshrl.u32 v1, $0x9  }
0x22e: {  	v1 =	vand.u32 $0x60, v1;
	v2 =	vor.u32 v3, v2  }
0x22f: {  	v1 =	vor.u32 v3, v1  }
0x230: {  	v3 =	vor.u32 $0x1, v2  }
0x231: {  	v4 =	vor.u32 $0x1, v1  }
0x232: {  	v5 =	vor.u32 $0x2, v2  }
0x233: {  	v7 =	vor.u32 $0x2, v1;
	v6 =	vld.idx.msk [tilespmem:v2+s16+$0x0], $0xffff  }
0x234: {  	v9 =	vor.u32 $0x3, v2;
	v8 =	vld.idx.msk [tilespmem:v1+s18+$0x0], $0xffff  }
0x235: {  	v10 =	vor.u32 $0x3, v1;
	v3 =	vld.idx.msk [tilespmem:v3+s16+$0x0], $0xffff  }
0x236: {  	v11 =	vor.u32 $0x4, v2;
	v4 =	vld.idx.msk [tilespmem:v4+s18+$0x0], $0xffff  }
0x237: {  	v12 =	vor.u32 $0x4, v1;
	v5 =	vld.idx.msk [tilespmem:v5+s16+$0x0], $0xffff  }
0x238: {  	v13 =	vor.u32 $0x5, v2;
	v7 =	vld.idx.msk [tilespmem:v7+s18+$0x0], $0xffff  }
0x239: {  	v14 =	vor.u32 $0x5, v1;
	v9 =	vld.idx.msk [tilespmem:v9+s16+$0x0], $0xffff;
	v6 =	vmul.f32 v8, v6  }
0x23a: {  	v21 =	vor.u32 $0x6, v2;
	v20 =	vld.idx.msk [tilespmem:v10+s18+$0x0], $0xffff  }
0x23b: {  	v15 =	vor.u32 $0x6, v1;
	v11 =	vld.idx.msk [tilespmem:v11+s16+$0x0], $0xffff;
	v3 =	vmul.f32 v4, v3;
	v6 =	vadd.f32 $0.0e+00, v6  }
0x23c: {  	v23 =	vor.u32 $0x7, v2;
	v22 =	vld.idx.msk [tilespmem:v12+s18+$0x0], $0xffff  }
0x23d: {  	v16 =	vor.u32 $0x7, v1;
	v13 =	vld.idx.msk [tilespmem:v13+s16+$0x0], $0xffff;
	v5 =	vmul.f32 v7, v5;
	v3 =	vadd.f32 v3, v6  }
0x23e: {  	v26 =	vor.u32 $0x8, v1;
	v24 =	vld.idx.msk [tilespmem:v14+s18+$0x0], $0xffff  }
0x23f: {  	v25 =	vor.u32 $0x8, v2;
	v10 =	vld.idx.msk [tilespmem:v21+s16+$0x0], $0xffff;
	v27 =	vmul.f32 v20, v9;
	v3 =	vadd.f32 v5, v3  }
0x240: {  	v30 =	vor.u32 $0x9, v1;
	v28 =	vld.idx.msk [tilespmem:v15+s18+$0x0], $0xffff  }
0x241: {  	v29 =	vor.u32 $0x9, v2;
	v12 =	vld.idx.msk [tilespmem:v23+s16+$0x0], $0xffff;
	v4 =	vmul.f32 v22, v11;
	v3 =	vadd.f32 v27, v3  }
0x242: {  	v33 =	vor.u32 $0xA, v1;
	v31 =	vld.idx.msk [tilespmem:v16+s18+$0x0], $0xffff  }
0x243: {  	v32 =	vor.u32 $0xA, v2;
	v35 =	vld.idx.msk [tilespmem:v26+s18+$0x0], $0xffff;
	v34 =	vmul.f32 v24, v13;
	v3 =	vadd.f32 v4, v3  }
0x244: {  	v37 =	vor.u32 $0xB, v1;
	v7 =	vld.idx.msk [tilespmem:v25+s16+$0x0], $0xffff  }
0x245: {  	v36 =	vor.u32 $0xB, v2;
	v39 =	vld.idx.msk [tilespmem:v30+s18+$0x0], $0xffff;
	v38 =	vmul.f32 v28, v10;
	v3 =	vadd.f32 v34, v3  }
0x246: {  	v41 =	vor.u32 $0xC, v1;
	v9 =	vld.idx.msk [tilespmem:v29+s16+$0x0], $0xffff  }
0x247: {  	v40 =	vor.u32 $0xC, v2;
	v43 =	vld.idx.msk [tilespmem:v33+s18+$0x0], $0xffff;
	v42 =	vmul.f32 v31, v12;
	v3 =	vadd.f32 v38, v3  }
0x248: {  	v45 =	vor.u32 $0xD, v1;
	v11 =	vld.idx.msk [tilespmem:v32+s16+$0x0], $0xffff  }
0x249: {  	v44 =	vor.u32 $0xD, v2;
	v47 =	vld.idx.msk [tilespmem:v37+s18+$0x0], $0xffff;
	v46 =	vmul.f32 v35, v7;
	v3 =	vadd.f32 v42, v3  }
0x24a: {  	v49 =	vor.u32 $0xE, v1;
	v13 =	vld.idx.msk [tilespmem:v36+s16+$0x0], $0xffff  }
0x24b: {  	v48 =	vor.u32 $0xE, v2;
	v51 =	vld.idx.msk [tilespmem:v41+s18+$0x0], $0xffff;
	v50 =	vmul.f32 v39, v9;
	v3 =	vadd.f32 v46, v3  }
0x24c: {  	v53 =	vor.u32 $0xF, v1;
	v10 =	vld.idx.msk [tilespmem:v40+s16+$0x0], $0xffff  }
0x24d: {  	v52 =	vor.u32 $0xF, v2;
	v55 =	vld.idx.msk [tilespmem:v45+s18+$0x0], $0xffff;
	v54 =	vmul.f32 v43, v11;
	v3 =	vadd.f32 v50, v3  }
0x24e: {  	v57 =	vor.u32 $0x10, v1;
	v12 =	vld.idx.msk [tilespmem:v44+s16+$0x0], $0xffff  }
0x24f: {  	v56 =	vor.u32 $0x10, v2;
	v59 =	vld.idx.msk [tilespmem:v49+s18+$0x0], $0xffff;
	v58 =	vmul.f32 v47, v13;
	v3 =	vadd.f32 v54, v3  }
0x250: {  	v60 =	vor.u32 $0x11, v2;
	v7 =	vld.idx.msk [tilespmem:v48+s16+$0x0], $0xffff  }
0x251: {  	v61 =	vor.u32 $0x11, v1;
	v63 =	vld.idx.msk [tilespmem:v53+s18+$0x0], $0xffff;
	v62 =	vmul.f32 v51, v10;
	v3 =	vadd.f32 v58, v3  }
0x252: {  	v21 =	vor.u32 $0x12, v1;
	v9 =	vld.idx.msk [tilespmem:v52+s16+$0x0], $0xffff  }
0x253: {  	v23 =	vld.idx.msk [tilespmem:v57+s18+$0x0], $0xffff;
	v20 =	vor.u32 $0x12, v2;
	v22 =	vmul.f32 v55, v12;
	v3 =	vadd.f32 v62, v3  }
0x254: {  	v24 =	vor.u32 $0x13, v2;
	v11 =	vld.idx.msk [tilespmem:v56+s16+$0x0], $0xffff  }
0x255: {  	v25 =	vor.u32 $0x13, v1;
	v13 =	vld.idx.msk [tilespmem:v60+s16+$0x0], $0xffff;
	v26 =	vmul.f32 v59, v7;
	v3 =	vadd.f32 v22, v3  }
0x256: {  	v29 =	vor.u32 $0x14, v1;
	v27 =	vld.idx.msk [tilespmem:v61+s18+$0x0], $0xffff  }
0x257: {  	v28 =	vor.u32 $0x14, v2;
	v31 =	vld.idx.msk [tilespmem:v21+s18+$0x0], $0xffff;
	v30 =	vmul.f32 v63, v9;
	v3 =	vadd.f32 v26, v3  }
0x258: {  	v33 =	vor.u32 $0x15, v1;
	v10 =	vld.idx.msk [tilespmem:v20+s16+$0x0], $0xffff  }
0x259: {  	v32 =	vor.u32 $0x15, v2;
	v12 =	vld.idx.msk [tilespmem:v24+s16+$0x0], $0xffff;
	v34 =	vmul.f32 v23, v11;
	v3 =	vadd.f32 v30, v3  }
0x25a: {  	v37 =	vor.u32 $0x16, v1;
	v35 =	vld.idx.msk [tilespmem:v25+s18+$0x0], $0xffff  }
0x25b: {  	v36 =	vor.u32 $0x16, v2;
	v39 =	vld.idx.msk [tilespmem:v29+s18+$0x0], $0xffff;
	v38 =	vmul.f32 v27, v13;
	v3 =	vadd.f32 v34, v3  }
0x25c: {  	v41 =	vor.u32 $0x17, v1;
	v7 =	vld.idx.msk [tilespmem:v28+s16+$0x0], $0xffff  }
0x25d: {  	v40 =	vor.u32 $0x17, v2;
	v43 =	vld.idx.msk [tilespmem:v33+s18+$0x0], $0xffff;
	v42 =	vmul.f32 v31, v10;
	v3 =	vadd.f32 v38, v3  }
0x25e: {  	v45 =	vor.u32 $0x18, v1;
	v9 =	vld.idx.msk [tilespmem:v32+s16+$0x0], $0xffff  }
0x25f: {  	v44 =	vor.u32 $0x18, v2;
	v47 =	vld.idx.msk [tilespmem:v37+s18+$0x0], $0xffff;
	v46 =	vmul.f32 v35, v12;
	v3 =	vadd.f32 v42, v3  }
0x260: {  	v49 =	vor.u32 $0x19, v1;
	v11 =	vld.idx.msk [tilespmem:v36+s16+$0x0], $0xffff  }
0x261: {  	v48 =	vor.u32 $0x19, v2;
	v51 =	vld.idx.msk [tilespmem:v41+s18+$0x0], $0xffff;
	v50 =	vmul.f32 v39, v7;
	v3 =	vadd.f32 v46, v3  }
0x262: {  	v53 =	vor.u32 $0x1A, v1;
	v13 =	vld.idx.msk [tilespmem:v40+s16+$0x0], $0xffff  }
0x263: {  	v52 =	vor.u32 $0x1A, v2;
	v55 =	vld.idx.msk [tilespmem:v45+s18+$0x0], $0xffff;
	v54 =	vmul.f32 v43, v9;
	v3 =	vadd.f32 v50, v3  }
0x264: {  	v57 =	vor.u32 $0x1B, v1;
	v10 =	vld.idx.msk [tilespmem:v44+s16+$0x0], $0xffff  }
0x265: {  	v56 =	vor.u32 $0x1B, v2;
	v59 =	vld.idx.msk [tilespmem:v49+s18+$0x0], $0xffff;
	v58 =	vmul.f32 v47, v11;
	v3 =	vadd.f32 v54, v3  }
0x266: {  	v61 =	vor.u32 $0x1C, v1;
	v12 =	vld.idx.msk [tilespmem:v48+s16+$0x0], $0xffff  }
0x267: {  	v60 =	vor.u32 $0x1C, v2;
	v63 =	vld.idx.msk [tilespmem:v53+s18+$0x0], $0xffff;
	v62 =	vmul.f32 v51, v13;
	v3 =	vadd.f32 v58, v3  }
0x268: {  	v19 =	vor.u32 $0x1D, v1;
	v7 =	vld.idx.msk [tilespmem:v52+s16+$0x0], $0xffff  }
0x269: {  	v18 =	vor.u32 $0x1D, v2;
	v21 =	vld.idx.msk [tilespmem:v57+s18+$0x0], $0xffff;
	v20 =	vmul.f32 v55, v10;
	v3 =	vadd.f32 v62, v3  }
0x26a: {  	v23 =	vor.u32 $0x1E, v1;
	v9 =	vld.idx.msk [tilespmem:v56+s16+$0x0], $0xffff  }
0x26b: {  	v25 =	vld.idx.msk [tilespmem:v61+s18+$0x0], $0xffff;
	v24 =	vmul.f32 v59, v12;
	v22 =	vor.u32 $0x1E, v2;
	v3 =	vadd.f32 v20, v3  }
0x26c: {  	v1 =	vor.u32 $0x1F, v1;
	v11 =	vld.idx.msk [tilespmem:v60+s16+$0x0], $0xffff  }
0x26d: {  	v28 =	vld.idx.msk [tilespmem:v19+s18+$0x0], $0xffff;
	v27 =	vmul.f32 v63, v7;
	v2 =	vor.u32 $0x1F, v2;
	v3 =	vadd.f32 v24, v3  }
0x26e: {  	v26 =	vld.idx.msk [tilespmem:v18+s16+$0x0], $0xffff  }
0x26f: {  	v31 =	vld.idx.msk [tilespmem:v23+s18+$0x0], $0xffff;
	v30 =	vmul.f32 v21, v9;
	v3 =	vadd.f32 v27, v3  }
0x270: {  	v29 =	vld.idx.msk [tilespmem:v22+s16+$0x0], $0xffff  }
0x271: {  	v1 =	vld.idx.msk [tilespmem:v1+s18+$0x0], $0xffff;
	v32 =	vmul.f32 v25, v11;
	v3 =	vadd.f32 v30, v3  }
0x272: {  	v2 =	vld.idx.msk [tilespmem:v2+s16+$0x0], $0xffff  }
0x273: {  	v33 =	vmul.f32 v28, v26;
	v3 =	vadd.f32 v32, v3;
	_ =	sdelay $0x1  }
0x274: {  	v34 =	vmul.f32 v31, v29;
	v3 =	vadd.f32 v33, v3;
	_ =	sdelay $0x1  }
0x275: {  	v1 =	vmul.f32 v1, v2;
	v3 =	vadd.f32 v34, v3;
	_ =	sdelay $0x1  }
0x276: {  	v1 =	vadd.f32 v1, v3  }
0x277: {  	s26 =	sadd.s32 $0x10, s26  }
0x278: {  	[tilespmem:s26+$0x0] =	vst v1  }
0x279: {  	[tilespmem:s16], [sflag:$0x1] =	stream.indirect.gather [hbm4b:s3+s10], $0x80, s22, s10, $0xb8;
	[tilespmem:$0x10A00] =	vst v63  }
0x27a: {  	_ = 	snop  }
0x27b: {  	[tilespmem:s18], [sflag:$0x1] =	stream.indirect.gather [hbm4b:s4+s10], $0x80, s23, s10, $0xb8;
	[tilespmem:$0x10A00] =	vst v63  }
0x27c: {  	_ =	swait.ge [sflag:s19], $0x4000  }
0x27d: {  	[sflag:s19] =	ssyncset.done $0x0  }
0x27e: {  	[sflag:s19] =	ssyncadd.s32 $0xFFFFC000  }
0x27f: {  	_ =	swait.ge [sflag:s19], $0x4000  }
0x280: {  	[sflag:s19] =	ssyncset.done $0x0  }
0x281: {  	s26 =	simm.s32 $0x100;
	[sflag:s19] =	ssyncadd.s32 $0xFFFFC000  }
0x282: {  	s28 =	simm.s32 $0x300;
	v1 =	vld [tilespmem:s26+$0x0]  }
0x283: {  	v2 =	vld [tilespmem:s28+$0x0];
	_ =	sdelay $0x1  }
0x284: {  	s26 =	simm.s32 $0x0  }
0x285: {  	v3 =	vmov s26  }
0x286: {  	v3 =	vshll.u32 v3, $0x7;
	v1 =	vshrl.u32 v1, $0x9  }
0x287: {  	v3 =	vor.u32 v0, v3;
	v2 =	vshrl.u32 v2, $0x9;
	v1 =	vand.u32 $0x60, v1  }
0x288: {  	v35 =	vand.u32 $0x60, v2;
	v2 =	vor.u32 v3, v1  }
0x289: {  	v1 =	vor.u32 v3, v35  }
0x28a: {  	v3 =	vor.u32 $0x1, v2  }
0x28b: {  	v4 =	vor.u32 $0x1, v1  }
0x28c: {  	v36 =	vor.u32 $0x2, v2  }
0x28d: {  	v38 =	vor.u32 $0x2, v1;
	v37 =	vld.idx.msk [tilespmem:v2+s12+$0x0], $0xffff  }
0x28e: {  	v40 =	vor.u32 $0x3, v2;
	v39 =	vld.idx.msk [tilespmem:v1+s14+$0x0], $0xffff  }
0x28f: {  	v41 =	vor.u32 $0x3, v1;
	v3 =	vld.idx.msk [tilespmem:v3+s12+$0x0], $0xffff  }
0x290: {  	v42 =	vor.u32 $0x4, v2;
	v4 =	vld.idx.msk [tilespmem:v4+s14+$0x0], $0xffff  }
0x291: {  	v43 =	vor.u32 $0x4, v1;
	v5 =	vld.idx.msk [tilespmem:v36+s12+$0x0], $0xffff  }
0x292: {  	v44 =	vor.u32 $0x5, v2;
	v7 =	vld.idx.msk [tilespmem:v38+s14+$0x0], $0xffff  }
0x293: {  	v45 =	vor.u32 $0x5, v1;
	v9 =	vld.idx.msk [tilespmem:v40+s12+$0x0], $0xffff;
	v6 =	vmul.f32 v39, v37  }
0x294: {  	v47 =	vor.u32 $0x6, v2;
	v46 =	vld.idx.msk [tilespmem:v41+s14+$0x0], $0xffff  }
0x295: {  	v48 =	vor.u32 $0x6, v1;
	v11 =	vld.idx.msk [tilespmem:v42+s12+$0x0], $0xffff;
	v3 =	vmul.f32 v4, v3;
	v6 =	vadd.f32 $0.0e+00, v6  }
0x296: {  	v50 =	vor.u32 $0x7, v2;
	v49 =	vld.idx.msk [tilespmem:v43+s14+$0x0], $0xffff  }
0x297: {  	v51 =	vor.u32 $0x7, v1;
	v13 =	vld.idx.msk [tilespmem:v44+s12+$0x0], $0xffff;
	v5 =	vmul.f32 v7, v5;
	v3 =	vadd.f32 v3, v6  }
0x298: {  	v54 =	vor.u32 $0x8, v1;
	v52 =	vld.idx.msk [tilespmem:v45+s14+$0x0], $0xffff  }
0x299: {  	v53 =	vor.u32 $0x8, v2;
	v10 =	vld.idx.msk [tilespmem:v47+s12+$0x0], $0xffff;
	v55 =	vmul.f32 v46, v9;
	v3 =	vadd.f32 v5, v3  }
0x29a: {  	v58 =	vor.u32 $0x9, v1;
	v56 =	vld.idx.msk [tilespmem:v48+s14+$0x0], $0xffff  }
0x29b: {  	v57 =	vor.u32 $0x9, v2;
	v12 =	vld.idx.msk [tilespmem:v50+s12+$0x0], $0xffff;
	v4 =	vmul.f32 v49, v11;
	v3 =	vadd.f32 v55, v3  }
0x29c: {  	v61 =	vor.u32 $0xA, v1;
	v59 =	vld.idx.msk [tilespmem:v51+s14+$0x0], $0xffff  }
0x29d: {  	v60 =	vor.u32 $0xA, v2;
	v63 =	vld.idx.msk [tilespmem:v54+s14+$0x0], $0xffff;
	v62 =	vmul.f32 v52, v13;
	v3 =	vadd.f32 v4, v3  }
0x29e: {  	v20 =	vor.u32 $0xB, v1;
	v7 =	vld.idx.msk [tilespmem:v53+s12+$0x0], $0xffff  }
0x29f: {  	v19 =	vor.u32 $0xB, v2;
	v22 =	vld.idx.msk [tilespmem:v58+s14+$0x0], $0xffff;
	v21 =	vmul.f32 v56, v10;
	v3 =	vadd.f32 v62, v3  }
0x2a0: {  	v24 =	vor.u32 $0xC, v1;
	v9 =	vld.idx.msk [tilespmem:v57+s12+$0x0], $0xffff  }
0x2a1: {  	v23 =	vor.u32 $0xC, v2;
	v26 =	vld.idx.msk [tilespmem:v61+s14+$0x0], $0xffff;
	v25 =	vmul.f32 v59, v12;
	v3 =	vadd.f32 v21, v3  }
0x2a2: {  	v28 =	vor.u32 $0xD, v1;
	v11 =	vld.idx.msk [tilespmem:v60+s12+$0x0], $0xffff  }
0x2a3: {  	v27 =	vor.u32 $0xD, v2;
	v30 =	vld.idx.msk [tilespmem:v20+s14+$0x0], $0xffff;
	v29 =	vmul.f32 v63, v7;
	v3 =	vadd.f32 v25, v3  }
0x2a4: {  	v32 =	vor.u32 $0xE, v1;
	v13 =	vld.idx.msk [tilespmem:v19+s12+$0x0], $0xffff  }
0x2a5: {  	v31 =	vor.u32 $0xE, v2;
	v34 =	vld.idx.msk [tilespmem:v24+s14+$0x0], $0xffff;
	v33 =	vmul.f32 v22, v9;
	v3 =	vadd.f32 v29, v3  }
0x2a6: {  	v36 =	vor.u32 $0xF, v1;
	v10 =	vld.idx.msk [tilespmem:v23+s12+$0x0], $0xffff  }
0x2a7: {  	v35 =	vor.u32 $0xF, v2;
	v38 =	vld.idx.msk [tilespmem:v28+s14+$0x0], $0xffff;
	v37 =	vmul.f32 v26, v11;
	v3 =	vadd.f32 v33, v3  }
0x2a8: {  	v40 =	vor.u32 $0x10, v1;
	v12 =	vld.idx.msk [tilespmem:v27+s12+$0x0], $0xffff  }
0x2a9: {  	v42 =	vld.idx.msk [tilespmem:v32+s14+$0x0], $0xffff;
	v39 =	vor.u32 $0x10, v2;
	v41 =	vmul.f32 v30, v13;
	v3 =	vadd.f32 v37, v3  }
0x2aa: {  	v44 =	vor.u32 $0x11, v1;
	v7 =	vld.idx.msk [tilespmem:v31+s12+$0x0], $0xffff  }
0x2ab: {  	v43 =	vor.u32 $0x11, v2;
	v46 =	vld.idx.msk [tilespmem:v36+s14+$0x0], $0xffff;
	v45 =	vmul.f32 v34, v10;
	v3 =	vadd.f32 v41, v3  }
0x2ac: {  	v48 =	vor.u32 $0x12, v1;
	v9 =	vld.idx.msk [tilespmem:v35+s12+$0x0], $0xffff  }
0x2ad: {  	v47 =	vor.u32 $0x12, v2;
	v50 =	vld.idx.msk [tilespmem:v40+s14+$0x0], $0xffff;
	v49 =	vmul.f32 v38, v12;
	v3 =	vadd.f32 v45, v3  }
0x2ae: {  	v51 =	vor.u32 $0x13, v2;
	v11 =	vld.idx.msk [tilespmem:v39+s12+$0x0], $0xffff  }
0x2af: {  	v52 =	vor.u32 $0x13, v1;
	v54 =	vld.idx.msk [tilespmem:v44+s14+$0x0], $0xffff;
	v53 =	vmul.f32 v42, v7;
	v3 =	vadd.f32 v49, v3  }
0x2b0: {  	v56 =	vor.u32 $0x14, v1;
	v13 =	vld.idx.msk [tilespmem:v43+s12+$0x0], $0xffff  }
0x2b1: {  	v58 =	vld.idx.msk [tilespmem:v48+s14+$0x0], $0xffff;
	v55 =	vor.u32 $0x14, v2;
	v57 =	vmul.f32 v46, v9;
	v3 =	vadd.f32 v53, v3  }
0x2b2: {  	v60 =	vor.u32 $0x15, v1;
	v10 =	vld.idx.msk [tilespmem:v47+s12+$0x0], $0xffff  }
0x2b3: {  	v59 =	vor.u32 $0x15, v2;
	v12 =	vld.idx.msk [tilespmem:v51+s12+$0x0], $0xffff;
	v61 =	vmul.f32 v50, v11;
	v3 =	vadd.f32 v57, v3  }
0x2b4: {  	v20 =	vor.u32 $0x16, v1;
	v62 =	vld.idx.msk [tilespmem:v52+s14+$0x0], $0xffff  }
0x2b5: {  	v63 =	vor.u32 $0x16, v2;
	v22 =	vld.idx.msk [tilespmem:v56+s14+$0x0], $0xffff;
	v21 =	vmul.f32 v54, v13;
	v3 =	vadd.f32 v61, v3  }
0x2b6: {  	v24 =	vor.u32 $0x17, v1;
	v7 =	vld.idx.msk [tilespmem:v55+s12+$0x0], $0xffff  }
0x2b7: {  	v23 =	vor.u32 $0x17, v2;
	v26 =	vld.idx.msk [tilespmem:v60+s14+$0x0], $0xffff;
	v25 =	vmul.f32 v58, v10;
	v3 =	vadd.f32 v21, v3  }
0x2b8: {  	v28 =	vor.u32 $0x18, v1;
	v9 =	vld.idx.msk [tilespmem:v59+s12+$0x0], $0xffff  }
0x2b9: {  	v27 =	vor.u32 $0x18, v2;
	v30 =	vld.idx.msk [tilespmem:v20+s14+$0x0], $0xffff;
	v29 =	vmul.f32 v62, v12;
	v3 =	vadd.f32 v25, v3  }
0x2ba: {  	v32 =	vor.u32 $0x19, v1;
	v11 =	vld.idx.msk [tilespmem:v63+s12+$0x0], $0xffff  }
0x2bb: {  	v31 =	vor.u32 $0x19, v2;
	v34 =	vld.idx.msk [tilespmem:v24+s14+$0x0], $0xffff;
	v33 =	vmul.f32 v22, v7;
	v3 =	vadd.f32 v29, v3  }
0x2bc: {  	v36 =	vor.u32 $0x1A, v1;
	v13 =	vld.idx.msk [tilespmem:v23+s12+$0x0], $0xffff  }
0x2bd: {  	v35 =	vor.u32 $0x1A, v2;
	v38 =	vld.idx.msk [tilespmem:v28+s14+$0x0], $0xffff;
	v37 =	vmul.f32 v26, v9;
	v3 =	vadd.f32 v33, v3  }
0x2be: {  	v40 =	vor.u32 $0x1B, v1;
	v10 =	vld.idx.msk [tilespmem:v27+s12+$0x0], $0xffff  }
0x2bf: {  	v39 =	vor.u32 $0x1B, v2;
	v42 =	vld.idx.msk [tilespmem:v32+s14+$0x0], $0xffff;
	v41 =	vmul.f32 v30, v11;
	v3 =	vadd.f32 v37, v3  }
0x2c0: {  	v44 =	vor.u32 $0x1C, v1;
	v12 =	vld.idx.msk [tilespmem:v31+s12+$0x0], $0xffff  }
0x2c1: {  	v43 =	vor.u32 $0x1C, v2;
	v46 =	vld.idx.msk [tilespmem:v36+s14+$0x0], $0xffff;
	v45 =	vmul.f32 v34, v13;
	v3 =	vadd.f32 v41, v3  }
0x2c2: {  	v47 =	vor.u32 $0x1D, v2;
	v7 =	vld.idx.msk [tilespmem:v35+s12+$0x0], $0xffff  }
0x2c3: {  	v48 =	vor.u32 $0x1D, v1;
	v50 =	vld.idx.msk [tilespmem:v40+s14+$0x0], $0xffff;
	v49 =	vmul.f32 v38, v10;
	v3 =	vadd.f32 v45, v3  }
0x2c4: {  	v51 =	vor.u32 $0x1E, v2;
	v9 =	vld.idx.msk [tilespmem:v39+s12+$0x0], $0xffff  }
0x2c5: {  	v52 =	vor.u32 $0x1E, v1;
	v54 =	vld.idx.msk [tilespmem:v44+s14+$0x0], $0xffff;
	v53 =	vmul.f32 v42, v12;
	v3 =	vadd.f32 v49, v3  }
0x2c6: {  	v2 =	vor.u32 $0x1F, v2;
	v11 =	vld.idx.msk [tilespmem:v43+s12+$0x0], $0xffff  }
0x2c7: {  	v1 =	vor.u32 $0x1F, v1;
	v55 =	vld.idx.msk [tilespmem:v47+s12+$0x0], $0xffff;
	v56 =	vmul.f32 v46, v7;
	v3 =	vadd.f32 v53, v3  }
0x2c8: {  	v57 =	vld.idx.msk [tilespmem:v48+s14+$0x0], $0xffff  }
0x2c9: {  	v58 =	vld.idx.msk [tilespmem:v51+s12+$0x0], $0xffff;
	v59 =	vmul.f32 v50, v9;
	v3 =	vadd.f32 v56, v3  }
0x2ca: {  	v60 =	vld.idx.msk [tilespmem:v52+s14+$0x0], $0xffff  }
0x2cb: {  	v2 =	vld.idx.msk [tilespmem:v2+s12+$0x0], $0xffff;
	v61 =	vmul.f32 v54, v11;
	v3 =	vadd.f32 v59, v3  }
0x2cc: {  	v1 =	vld.idx.msk [tilespmem:v1+s14+$0x0], $0xffff  }
0x2cd: {  	v62 =	vmul.f32 v57, v55;
	v3 =	vadd.f32 v61, v3;
	_ =	sdelay $0x1  }
0x2ce: {  	v63 =	vmul.f32 v60, v58;
	v3 =	vadd.f32 v62, v3;
	_ =	sdelay $0x1  }
0x2cf: {  	v1 =	vmul.f32 v1, v2;
	v3 =	vadd.f32 v63, v3;
	_ =	sdelay $0x1  }
0x2d0: {  	v1 =	vadd.f32 v1, v3  }
0x2d1: {  	s26 =	simm.s32 $0x10900  }
0x2d2: {  	s28 =	simm.s32 $0x110;
	[tilespmem:s26+$0x0] =	vst v1  }
0x2d3: {  	s29 =	simm.s32 $0x310;
	v2 =	vld [tilespmem:s28+$0x0]  }
0x2d4: {  	s30 =	simm.s32 $0x10;
	s31 =	simm.s32 $0x20;
	v1 =	vld [tilespmem:s29+$0x0]  }
.LBB2_6:
0x2d5: {  	p0 =	sne.s32 s31, $0x70;
	_ =	sdelay $0x1  }
0x2d6: {  	v3 =	vmov s30;
	s30 =	smov.u32 s31  }
0x2d7: {  	v3 =	vshll.u32 v3, $0x7;
	v2 =	vshrl.u32 v2, $0x9  }
0x2d8: {  	v3 =	vor.u32 v0, v3;
	v2 =	vand.u32 $0x60, v2;
	v1 =	vshrl.u32 v1, $0x9  }
0x2d9: {  	v1 =	vand.u32 $0x60, v1;
	v2 =	vor.u32 v3, v2  }
0x2da: {  	v1 =	vor.u32 v3, v1  }
0x2db: {  	v3 =	vor.u32 $0x1, v2  }
0x2dc: {  	v4 =	vor.u32 $0x1, v1  }
0x2dd: {  	v5 =	vor.u32 $0x2, v2  }
0x2de: {  	v7 =	vor.u32 $0x2, v1;
	v6 =	vld.idx.msk [tilespmem:v2+s12+$0x0], $0xffff  }
0x2df: {  	v9 =	vor.u32 $0x3, v2;
	v8 =	vld.idx.msk [tilespmem:v1+s14+$0x0], $0xffff  }
0x2e0: {  	v10 =	vor.u32 $0x3, v1;
	v3 =	vld.idx.msk [tilespmem:v3+s12+$0x0], $0xffff  }
0x2e1: {  	v11 =	vor.u32 $0x4, v2;
	v4 =	vld.idx.msk [tilespmem:v4+s14+$0x0], $0xffff  }
0x2e2: {  	v12 =	vor.u32 $0x4, v1;
	v5 =	vld.idx.msk [tilespmem:v5+s12+$0x0], $0xffff  }
0x2e3: {  	v13 =	vor.u32 $0x5, v2;
	v7 =	vld.idx.msk [tilespmem:v7+s14+$0x0], $0xffff  }
0x2e4: {  	v14 =	vor.u32 $0x5, v1;
	v9 =	vld.idx.msk [tilespmem:v9+s12+$0x0], $0xffff  }
0x2e5: {  	v6 =	vmul.f32 v8, v6;
	v8 =	vld.idx.msk [tilespmem:v10+s14+$0x0], $0xffff;
	v10 =	vor.u32 $0x6, v2  }
0x2e6: {  	v15 =	vor.u32 $0x6, v1;
	v11 =	vld.idx.msk [tilespmem:v11+s12+$0x0], $0xffff  }
0x2e7: {  	v6 =	vadd.f32 $0.0e+00, v6;
	v3 =	vmul.f32 v4, v3;
	v4 =	vld.idx.msk [tilespmem:v12+s14+$0x0], $0xffff;
	v12 =	vor.u32 $0x7, v2  }
0x2e8: {  	v16 =	vor.u32 $0x7, v1;
	v13 =	vld.idx.msk [tilespmem:v13+s12+$0x0], $0xffff  }
0x2e9: {  	v3 =	vadd.f32 v3, v6;
	v5 =	vmul.f32 v7, v5;
	v7 =	vor.u32 $0x8, v2;
	v6 =	vld.idx.msk [tilespmem:v14+s14+$0x0], $0xffff  }
0x2ea: {  	v14 =	vor.u32 $0x8, v1;
	v10 =	vld.idx.msk [tilespmem:v10+s12+$0x0], $0xffff  }
0x2eb: {  	v3 =	vadd.f32 v5, v3;
	v5 =	vmul.f32 v8, v9;
	v9 =	vor.u32 $0x9, v2;
	v8 =	vld.idx.msk [tilespmem:v15+s14+$0x0], $0xffff  }
0x2ec: {  	v15 =	vor.u32 $0x9, v1;
	v12 =	vld.idx.msk [tilespmem:v12+s12+$0x0], $0xffff  }
0x2ed: {  	v3 =	vadd.f32 v5, v3;
	v4 =	vmul.f32 v4, v11;
	v11 =	vor.u32 $0xA, v2;
	v5 =	vld.idx.msk [tilespmem:v16+s14+$0x0], $0xffff  }
0x2ee: {  	v16 =	vor.u32 $0xA, v1;
	v7 =	vld.idx.msk [tilespmem:v7+s12+$0x0], $0xffff  }
0x2ef: {  	v3 =	vadd.f32 v4, v3;
	v4 =	vmul.f32 v6, v13;
	v13 =	vor.u32 $0xB, v2;
	v6 =	vld.idx.msk [tilespmem:v14+s14+$0x0], $0xffff  }
0x2f0: {  	v14 =	vor.u32 $0xB, v1;
	v9 =	vld.idx.msk [tilespmem:v9+s12+$0x0], $0xffff  }
0x2f1: {  	v3 =	vadd.f32 v4, v3;
	v4 =	vmul.f32 v8, v10;
	v10 =	vor.u32 $0xC, v2;
	v8 =	vld.idx.msk [tilespmem:v15+s14+$0x0], $0xffff  }
0x2f2: {  	v15 =	vor.u32 $0xC, v1;
	v11 =	vld.idx.msk [tilespmem:v11+s12+$0x0], $0xffff  }
0x2f3: {  	v3 =	vadd.f32 v4, v3;
	v4 =	vmul.f32 v5, v12;
	v12 =	vor.u32 $0xD, v2;
	v5 =	vld.idx.msk [tilespmem:v16+s14+$0x0], $0xffff  }
0x2f4: {  	v16 =	vor.u32 $0xD, v1;
	v13 =	vld.idx.msk [tilespmem:v13+s12+$0x0], $0xffff  }
0x2f5: {  	v3 =	vadd.f32 v4, v3;
	v4 =	vmul.f32 v6, v7;
	v7 =	vor.u32 $0xE, v2;
	v6 =	vld.idx.msk [tilespmem:v14+s14+$0x0], $0xffff  }
0x2f6: {  	v14 =	vor.u32 $0xE, v1;
	v10 =	vld.idx.msk [tilespmem:v10+s12+$0x0], $0xffff  }
0x2f7: {  	v3 =	vadd.f32 v4, v3;
	v4 =	vmul.f32 v8, v9;
	v9 =	vor.u32 $0xF, v2;
	v8 =	vld.idx.msk [tilespmem:v15+s14+$0x0], $0xffff  }
0x2f8: {  	v15 =	vor.u32 $0xF, v1;
	v12 =	vld.idx.msk [tilespmem:v12+s12+$0x0], $0xffff  }
0x2f9: {  	v3 =	vadd.f32 v4, v3;
	v4 =	vmul.f32 v5, v11;
	v11 =	vor.u32 $0x10, v2;
	v5 =	vld.idx.msk [tilespmem:v16+s14+$0x0], $0xffff  }
0x2fa: {  	v16 =	vor.u32 $0x10, v1;
	v7 =	vld.idx.msk [tilespmem:v7+s12+$0x0], $0xffff  }
0x2fb: {  	v3 =	vadd.f32 v4, v3;
	v4 =	vmul.f32 v6, v13;
	v13 =	vor.u32 $0x11, v2;
	v6 =	vld.idx.msk [tilespmem:v14+s14+$0x0], $0xffff  }
0x2fc: {  	v14 =	vor.u32 $0x11, v1;
	v9 =	vld.idx.msk [tilespmem:v9+s12+$0x0], $0xffff  }
0x2fd: {  	v3 =	vadd.f32 v4, v3;
	v4 =	vmul.f32 v8, v10;
	v10 =	vor.u32 $0x12, v2;
	v8 =	vld.idx.msk [tilespmem:v15+s14+$0x0], $0xffff  }
0x2fe: {  	v15 =	vor.u32 $0x12, v1;
	v11 =	vld.idx.msk [tilespmem:v11+s12+$0x0], $0xffff  }
0x2ff: {  	v3 =	vadd.f32 v4, v3;
	v4 =	vmul.f32 v5, v12;
	v12 =	vor.u32 $0x13, v2;
	v5 =	vld.idx.msk [tilespmem:v16+s14+$0x0], $0xffff  }
0x300: {  	v16 =	vor.u32 $0x13, v1;
	v13 =	vld.idx.msk [tilespmem:v13+s12+$0x0], $0xffff  }
0x301: {  	v3 =	vadd.f32 v4, v3;
	v4 =	vmul.f32 v6, v7;
	v7 =	vor.u32 $0x14, v2;
	v6 =	vld.idx.msk [tilespmem:v14+s14+$0x0], $0xffff  }
0x302: {  	v14 =	vor.u32 $0x14, v1;
	v10 =	vld.idx.msk [tilespmem:v10+s12+$0x0], $0xffff  }
0x303: {  	v3 =	vadd.f32 v4, v3;
	v4 =	vmul.f32 v8, v9;
	v9 =	vor.u32 $0x15, v2;
	v8 =	vld.idx.msk [tilespmem:v15+s14+$0x0], $0xffff  }
0x304: {  	v15 =	vor.u32 $0x15, v1;
	v12 =	vld.idx.msk [tilespmem:v12+s12+$0x0], $0xffff  }
0x305: {  	v3 =	vadd.f32 v4, v3;
	v4 =	vmul.f32 v5, v11;
	v11 =	vor.u32 $0x16, v2;
	v5 =	vld.idx.msk [tilespmem:v16+s14+$0x0], $0xffff  }
0x306: {  	v16 =	vor.u32 $0x16, v1;
	v7 =	vld.idx.msk [tilespmem:v7+s12+$0x0], $0xffff  }
0x307: {  	v3 =	vadd.f32 v4, v3;
	v4 =	vmul.f32 v6, v13;
	v13 =	vor.u32 $0x17, v2;
	v6 =	vld.idx.msk [tilespmem:v14+s14+$0x0], $0xffff  }
0x308: {  	v14 =	vor.u32 $0x17, v1;
	v9 =	vld.idx.msk [tilespmem:v9+s12+$0x0], $0xffff  }
0x309: {  	v3 =	vadd.f32 v4, v3;
	v4 =	vmul.f32 v8, v10;
	v10 =	vor.u32 $0x18, v2;
	v8 =	vld.idx.msk [tilespmem:v15+s14+$0x0], $0xffff  }
0x30a: {  	v15 =	vor.u32 $0x18, v1;
	v11 =	vld.idx.msk [tilespmem:v11+s12+$0x0], $0xffff  }
0x30b: {  	v3 =	vadd.f32 v4, v3;
	v4 =	vmul.f32 v5, v12;
	v12 =	vor.u32 $0x19, v2;
	v5 =	vld.idx.msk [tilespmem:v16+s14+$0x0], $0xffff  }
0x30c: {  	v16 =	vor.u32 $0x19, v1;
	v13 =	vld.idx.msk [tilespmem:v13+s12+$0x0], $0xffff  }
0x30d: {  	v3 =	vadd.f32 v4, v3;
	v4 =	vmul.f32 v6, v7;
	v7 =	vor.u32 $0x1A, v2;
	v6 =	vld.idx.msk [tilespmem:v14+s14+$0x0], $0xffff  }
0x30e: {  	v14 =	vor.u32 $0x1A, v1;
	v10 =	vld.idx.msk [tilespmem:v10+s12+$0x0], $0xffff  }
0x30f: {  	v3 =	vadd.f32 v4, v3;
	v4 =	vmul.f32 v8, v9;
	v9 =	vor.u32 $0x1B, v2;
	v8 =	vld.idx.msk [tilespmem:v15+s14+$0x0], $0xffff  }
0x310: {  	v15 =	vor.u32 $0x1B, v1;
	v12 =	vld.idx.msk [tilespmem:v12+s12+$0x0], $0xffff  }
0x311: {  	v3 =	vadd.f32 v4, v3;
	v4 =	vmul.f32 v5, v11;
	v11 =	vor.u32 $0x1C, v2;
	v5 =	vld.idx.msk [tilespmem:v16+s14+$0x0], $0xffff  }
0x312: {  	v16 =	vor.u32 $0x1C, v1;
	v7 =	vld.idx.msk [tilespmem:v7+s12+$0x0], $0xffff  }
0x313: {  	v3 =	vadd.f32 v4, v3;
	v4 =	vmul.f32 v6, v13;
	v13 =	vor.u32 $0x1D, v2;
	v6 =	vld.idx.msk [tilespmem:v14+s14+$0x0], $0xffff  }
0x314: {  	v14 =	vor.u32 $0x1D, v1;
	v9 =	vld.idx.msk [tilespmem:v9+s12+$0x0], $0xffff  }
0x315: {  	v3 =	vadd.f32 v4, v3;
	v4 =	vmul.f32 v8, v10;
	v10 =	vor.u32 $0x1E, v2;
	v8 =	vld.idx.msk [tilespmem:v15+s14+$0x0], $0xffff  }
0x316: {  	v15 =	vor.u32 $0x1E, v1;
	v11 =	vld.idx.msk [tilespmem:v11+s12+$0x0], $0xffff  }
0x317: {  	v2 =	vor.u32 $0x1F, v2;
	v3 =	vadd.f32 v4, v3;
	v4 =	vmul.f32 v5, v12;
	v5 =	vld.idx.msk [tilespmem:v16+s14+$0x0], $0xffff  }
0x318: {  	v1 =	vor.u32 $0x1F, v1;
	v12 =	vld.idx.msk [tilespmem:v13+s12+$0x0], $0xffff  }
0x319: {  	v3 =	vadd.f32 v4, v3;
	v4 =	vmul.f32 v6, v7;
	v6 =	vld.idx.msk [tilespmem:v14+s14+$0x0], $0xffff  }
0x31a: {  	v7 =	vld.idx.msk [tilespmem:v10+s12+$0x0], $0xffff  }
0x31b: {  	v3 =	vadd.f32 v4, v3;
	v4 =	vmul.f32 v8, v9;
	v8 =	vld.idx.msk [tilespmem:v15+s14+$0x0], $0xffff  }
0x31c: {  	v2 =	vld.idx.msk [tilespmem:v2+s12+$0x0], $0xffff  }
0x31d: {  	v3 =	vadd.f32 v4, v3;
	v4 =	vmul.f32 v5, v11;
	v1 =	vld.idx.msk [tilespmem:v1+s14+$0x0], $0xffff;
	_ =	sdelay $0x1  }
0x31e: {  	v3 =	vadd.f32 v4, v3;
	v4 =	vmul.f32 v6, v12;
	_ =	sdelay $0x1  }
0x31f: {  	v3 =	vadd.f32 v4, v3;
	v4 =	vmul.f32 v8, v7;
	_ =	sdelay $0x1  }
0x320: {  	v3 =	vadd.f32 v4, v3;
	v1 =	vmul.f32 v1, v2;
	_ =	sdelay $0x1  }
.Ltmp2:
0x321: {  	v1 =	vadd.f32 v1, v3;
	(pc) =	sbr.rel @p0 .LBB2_6-.Ltmp2, $4  }
0x322: {  	s26 =	sadd.s32 $0x10, s26  }
0x323: {  	s28 =	sadd.s32 $0x10, s28;
	[tilespmem:s26+$0x0] =	vst v1  }
0x324: {  	s29 =	sadd.s32 $0x10, s29;
	v2 =	vld [tilespmem:s28+$0x0]  }
0x325: {  	s31 =	sadd.s32 $0x10, s31;
	v1 =	vld [tilespmem:s29+$0x0]  }
0x326: {  	_ =	sdelay $0x1  }
0x327: {  	v3 =	vmov s30  }
0x328: {  	v3 =	vshll.u32 v3, $0x7;
	v2 =	vshrl.u32 v2, $0x9  }
0x329: {  	v3 =	vor.u32 v0, v3;
	v2 =	vand.u32 $0x60, v2;
	v1 =	vshrl.u32 v1, $0x9  }
0x32a: {  	v1 =	vand.u32 $0x60, v1;
	v2 =	vor.u32 v3, v2  }
0x32b: {  	v1 =	vor.u32 v3, v1  }
0x32c: {  	v3 =	vor.u32 $0x1, v2  }
0x32d: {  	v4 =	vor.u32 $0x1, v1  }
0x32e: {  	v5 =	vor.u32 $0x2, v2  }
0x32f: {  	v7 =	vor.u32 $0x2, v1;
	v6 =	vld.idx.msk [tilespmem:v2+s12+$0x0], $0xffff  }
0x330: {  	v9 =	vor.u32 $0x3, v2;
	v8 =	vld.idx.msk [tilespmem:v1+s14+$0x0], $0xffff  }
0x331: {  	v10 =	vor.u32 $0x3, v1;
	v3 =	vld.idx.msk [tilespmem:v3+s12+$0x0], $0xffff  }
0x332: {  	v11 =	vor.u32 $0x4, v2;
	v4 =	vld.idx.msk [tilespmem:v4+s14+$0x0], $0xffff  }
0x333: {  	v12 =	vor.u32 $0x4, v1;
	v5 =	vld.idx.msk [tilespmem:v5+s12+$0x0], $0xffff  }
0x334: {  	v13 =	vor.u32 $0x5, v2;
	v7 =	vld.idx.msk [tilespmem:v7+s14+$0x0], $0xffff  }
0x335: {  	v14 =	vor.u32 $0x5, v1;
	v9 =	vld.idx.msk [tilespmem:v9+s12+$0x0], $0xffff;
	v6 =	vmul.f32 v8, v6  }
0x336: {  	v21 =	vor.u32 $0x6, v2;
	v20 =	vld.idx.msk [tilespmem:v10+s14+$0x0], $0xffff  }
0x337: {  	v15 =	vor.u32 $0x6, v1;
	v11 =	vld.idx.msk [tilespmem:v11+s12+$0x0], $0xffff;
	v3 =	vmul.f32 v4, v3;
	v6 =	vadd.f32 $0.0e+00, v6  }
0x338: {  	v23 =	vor.u32 $0x7, v2;
	v22 =	vld.idx.msk [tilespmem:v12+s14+$0x0], $0xffff  }
0x339: {  	v16 =	vor.u32 $0x7, v1;
	v13 =	vld.idx.msk [tilespmem:v13+s12+$0x0], $0xffff;
	v5 =	vmul.f32 v7, v5;
	v3 =	vadd.f32 v3, v6  }
0x33a: {  	v26 =	vor.u32 $0x8, v1;
	v24 =	vld.idx.msk [tilespmem:v14+s14+$0x0], $0xffff  }
0x33b: {  	v25 =	vor.u32 $0x8, v2;
	v10 =	vld.idx.msk [tilespmem:v21+s12+$0x0], $0xffff;
	v27 =	vmul.f32 v20, v9;
	v3 =	vadd.f32 v5, v3  }
0x33c: {  	v30 =	vor.u32 $0x9, v1;
	v28 =	vld.idx.msk [tilespmem:v15+s14+$0x0], $0xffff  }
0x33d: {  	v29 =	vor.u32 $0x9, v2;
	v12 =	vld.idx.msk [tilespmem:v23+s12+$0x0], $0xffff;
	v4 =	vmul.f32 v22, v11;
	v3 =	vadd.f32 v27, v3  }
0x33e: {  	v33 =	vor.u32 $0xA, v1;
	v31 =	vld.idx.msk [tilespmem:v16+s14+$0x0], $0xffff  }
0x33f: {  	v32 =	vor.u32 $0xA, v2;
	v35 =	vld.idx.msk [tilespmem:v26+s14+$0x0], $0xffff;
	v34 =	vmul.f32 v24, v13;
	v3 =	vadd.f32 v4, v3  }
0x340: {  	v37 =	vor.u32 $0xB, v1;
	v7 =	vld.idx.msk [tilespmem:v25+s12+$0x0], $0xffff  }
0x341: {  	v36 =	vor.u32 $0xB, v2;
	v39 =	vld.idx.msk [tilespmem:v30+s14+$0x0], $0xffff;
	v38 =	vmul.f32 v28, v10;
	v3 =	vadd.f32 v34, v3  }
0x342: {  	v41 =	vor.u32 $0xC, v1;
	v9 =	vld.idx.msk [tilespmem:v29+s12+$0x0], $0xffff  }
0x343: {  	v40 =	vor.u32 $0xC, v2;
	v43 =	vld.idx.msk [tilespmem:v33+s14+$0x0], $0xffff;
	v42 =	vmul.f32 v31, v12;
	v3 =	vadd.f32 v38, v3  }
0x344: {  	v45 =	vor.u32 $0xD, v1;
	v11 =	vld.idx.msk [tilespmem:v32+s12+$0x0], $0xffff  }
0x345: {  	v44 =	vor.u32 $0xD, v2;
	v47 =	vld.idx.msk [tilespmem:v37+s14+$0x0], $0xffff;
	v46 =	vmul.f32 v35, v7;
	v3 =	vadd.f32 v42, v3  }
0x346: {  	v49 =	vor.u32 $0xE, v1;
	v13 =	vld.idx.msk [tilespmem:v36+s12+$0x0], $0xffff  }
0x347: {  	v48 =	vor.u32 $0xE, v2;
	v51 =	vld.idx.msk [tilespmem:v41+s14+$0x0], $0xffff;
	v50 =	vmul.f32 v39, v9;
	v3 =	vadd.f32 v46, v3  }
0x348: {  	v53 =	vor.u32 $0xF, v1;
	v10 =	vld.idx.msk [tilespmem:v40+s12+$0x0], $0xffff  }
0x349: {  	v52 =	vor.u32 $0xF, v2;
	v55 =	vld.idx.msk [tilespmem:v45+s14+$0x0], $0xffff;
	v54 =	vmul.f32 v43, v11;
	v3 =	vadd.f32 v50, v3  }
0x34a: {  	v57 =	vor.u32 $0x10, v1;
	v12 =	vld.idx.msk [tilespmem:v44+s12+$0x0], $0xffff  }
0x34b: {  	v56 =	vor.u32 $0x10, v2;
	v59 =	vld.idx.msk [tilespmem:v49+s14+$0x0], $0xffff;
	v58 =	vmul.f32 v47, v13;
	v3 =	vadd.f32 v54, v3  }
0x34c: {  	v60 =	vor.u32 $0x11, v2;
	v7 =	vld.idx.msk [tilespmem:v48+s12+$0x0], $0xffff  }
0x34d: {  	v61 =	vor.u32 $0x11, v1;
	v63 =	vld.idx.msk [tilespmem:v53+s14+$0x0], $0xffff;
	v62 =	vmul.f32 v51, v10;
	v3 =	vadd.f32 v58, v3  }
0x34e: {  	v21 =	vor.u32 $0x12, v1;
	v9 =	vld.idx.msk [tilespmem:v52+s12+$0x0], $0xffff  }
0x34f: {  	v23 =	vld.idx.msk [tilespmem:v57+s14+$0x0], $0xffff;
	v20 =	vor.u32 $0x12, v2;
	v22 =	vmul.f32 v55, v12;
	v3 =	vadd.f32 v62, v3  }
0x350: {  	v24 =	vor.u32 $0x13, v2;
	v11 =	vld.idx.msk [tilespmem:v56+s12+$0x0], $0xffff  }
0x351: {  	v25 =	vor.u32 $0x13, v1;
	v13 =	vld.idx.msk [tilespmem:v60+s12+$0x0], $0xffff;
	v26 =	vmul.f32 v59, v7;
	v3 =	vadd.f32 v22, v3  }
0x352: {  	v29 =	vor.u32 $0x14, v1;
	v27 =	vld.idx.msk [tilespmem:v61+s14+$0x0], $0xffff  }
0x353: {  	v28 =	vor.u32 $0x14, v2;
	v31 =	vld.idx.msk [tilespmem:v21+s14+$0x0], $0xffff;
	v30 =	vmul.f32 v63, v9;
	v3 =	vadd.f32 v26, v3  }
0x354: {  	v33 =	vor.u32 $0x15, v1;
	v10 =	vld.idx.msk [tilespmem:v20+s12+$0x0], $0xffff  }
0x355: {  	v32 =	vor.u32 $0x15, v2;
	v12 =	vld.idx.msk [tilespmem:v24+s12+$0x0], $0xffff;
	v34 =	vmul.f32 v23, v11;
	v3 =	vadd.f32 v30, v3  }
0x356: {  	v37 =	vor.u32 $0x16, v1;
	v35 =	vld.idx.msk [tilespmem:v25+s14+$0x0], $0xffff  }
0x357: {  	v36 =	vor.u32 $0x16, v2;
	v39 =	vld.idx.msk [tilespmem:v29+s14+$0x0], $0xffff;
	v38 =	vmul.f32 v27, v13;
	v3 =	vadd.f32 v34, v3  }
0x358: {  	v41 =	vor.u32 $0x17, v1;
	v7 =	vld.idx.msk [tilespmem:v28+s12+$0x0], $0xffff  }
0x359: {  	v40 =	vor.u32 $0x17, v2;
	v43 =	vld.idx.msk [tilespmem:v33+s14+$0x0], $0xffff;
	v42 =	vmul.f32 v31, v10;
	v3 =	vadd.f32 v38, v3  }
0x35a: {  	v45 =	vor.u32 $0x18, v1;
	v9 =	vld.idx.msk [tilespmem:v32+s12+$0x0], $0xffff  }
0x35b: {  	v44 =	vor.u32 $0x18, v2;
	v47 =	vld.idx.msk [tilespmem:v37+s14+$0x0], $0xffff;
	v46 =	vmul.f32 v35, v12;
	v3 =	vadd.f32 v42, v3  }
0x35c: {  	v49 =	vor.u32 $0x19, v1;
	v11 =	vld.idx.msk [tilespmem:v36+s12+$0x0], $0xffff  }
0x35d: {  	v48 =	vor.u32 $0x19, v2;
	v51 =	vld.idx.msk [tilespmem:v41+s14+$0x0], $0xffff;
	v50 =	vmul.f32 v39, v7;
	v3 =	vadd.f32 v46, v3  }
0x35e: {  	v53 =	vor.u32 $0x1A, v1;
	v13 =	vld.idx.msk [tilespmem:v40+s12+$0x0], $0xffff  }
0x35f: {  	v52 =	vor.u32 $0x1A, v2;
	v55 =	vld.idx.msk [tilespmem:v45+s14+$0x0], $0xffff;
	v54 =	vmul.f32 v43, v9;
	v3 =	vadd.f32 v50, v3  }
0x360: {  	v57 =	vor.u32 $0x1B, v1;
	v10 =	vld.idx.msk [tilespmem:v44+s12+$0x0], $0xffff  }
0x361: {  	v56 =	vor.u32 $0x1B, v2;
	v59 =	vld.idx.msk [tilespmem:v49+s14+$0x0], $0xffff;
	v58 =	vmul.f32 v47, v11;
	v3 =	vadd.f32 v54, v3  }
0x362: {  	v61 =	vor.u32 $0x1C, v1;
	v12 =	vld.idx.msk [tilespmem:v48+s12+$0x0], $0xffff  }
0x363: {  	v60 =	vor.u32 $0x1C, v2;
	v63 =	vld.idx.msk [tilespmem:v53+s14+$0x0], $0xffff;
	v62 =	vmul.f32 v51, v13;
	v3 =	vadd.f32 v58, v3  }
0x364: {  	v19 =	vor.u32 $0x1D, v1;
	v7 =	vld.idx.msk [tilespmem:v52+s12+$0x0], $0xffff  }
0x365: {  	v18 =	vor.u32 $0x1D, v2;
	v21 =	vld.idx.msk [tilespmem:v57+s14+$0x0], $0xffff;
	v20 =	vmul.f32 v55, v10;
	v3 =	vadd.f32 v62, v3  }
0x366: {  	v23 =	vor.u32 $0x1E, v1;
	v9 =	vld.idx.msk [tilespmem:v56+s12+$0x0], $0xffff  }
0x367: {  	v25 =	vld.idx.msk [tilespmem:v61+s14+$0x0], $0xffff;
	v24 =	vmul.f32 v59, v12;
	v22 =	vor.u32 $0x1E, v2;
	v3 =	vadd.f32 v20, v3  }
0x368: {  	v1 =	vor.u32 $0x1F, v1;
	v11 =	vld.idx.msk [tilespmem:v60+s12+$0x0], $0xffff  }
0x369: {  	v28 =	vld.idx.msk [tilespmem:v19+s14+$0x0], $0xffff;
	v27 =	vmul.f32 v63, v7;
	v2 =	vor.u32 $0x1F, v2;
	v3 =	vadd.f32 v24, v3  }
0x36a: {  	v26 =	vld.idx.msk [tilespmem:v18+s12+$0x0], $0xffff  }
0x36b: {  	v31 =	vld.idx.msk [tilespmem:v23+s14+$0x0], $0xffff;
	v30 =	vmul.f32 v21, v9;
	v3 =	vadd.f32 v27, v3  }
0x36c: {  	v29 =	vld.idx.msk [tilespmem:v22+s12+$0x0], $0xffff  }
0x36d: {  	v1 =	vld.idx.msk [tilespmem:v1+s14+$0x0], $0xffff;
	v32 =	vmul.f32 v25, v11;
	v3 =	vadd.f32 v30, v3  }
0x36e: {  	v2 =	vld.idx.msk [tilespmem:v2+s12+$0x0], $0xffff  }
0x36f: {  	v33 =	vmul.f32 v28, v26;
	v3 =	vadd.f32 v32, v3;
	_ =	sdelay $0x1  }
0x370: {  	v34 =	vmul.f32 v31, v29;
	v3 =	vadd.f32 v33, v3;
	_ =	sdelay $0x1  }
0x371: {  	v1 =	vmul.f32 v1, v2;
	v3 =	vadd.f32 v34, v3;
	_ =	sdelay $0x1  }
0x372: {  	v1 =	vadd.f32 v1, v3  }
0x373: {  	s26 =	sadd.s32 $0x10, s26  }
0x374: {  	[tilespmem:s26+$0x0] =	vst v1  }
0x375: {  	_ =	swait.ge [sflag:s19], $0x4000  }
0x376: {  	[sflag:s19] =	ssyncset.done $0x0  }
0x377: {  	[sflag:s19] =	ssyncadd.s32 $0xFFFFC000  }
0x378: {  	_ =	swait.ge [sflag:s19], $0x4000  }
0x379: {  	[sflag:s19] =	ssyncset.done $0x0  }
0x37a: {  	s26 =	simm.s32 $0x180;
	[sflag:s19] =	ssyncadd.s32 $0xFFFFC000  }
0x37b: {  	s28 =	simm.s32 $0x380;
	v1 =	vld [tilespmem:s26+$0x0]  }
0x37c: {  	v2 =	vld [tilespmem:s28+$0x0];
	_ =	sdelay $0x1  }
0x37d: {  	s26 =	simm.s32 $0x0  }
0x37e: {  	v3 =	vmov s26  }
0x37f: {  	v3 =	vshll.u32 v3, $0x7;
	v1 =	vshrl.u32 v1, $0x9  }
0x380: {  	v3 =	vor.u32 v0, v3;
	v2 =	vshrl.u32 v2, $0x9;
	v1 =	vand.u32 $0x60, v1  }
0x381: {  	v35 =	vand.u32 $0x60, v2;
	v2 =	vor.u32 v3, v1  }
0x382: {  	v1 =	vor.u32 v3, v35  }
0x383: {  	v3 =	vor.u32 $0x1, v2  }
0x384: {  	v4 =	vor.u32 $0x1, v1  }
0x385: {  	v36 =	vor.u32 $0x2, v2  }
0x386: {  	v38 =	vor.u32 $0x2, v1;
	v37 =	vld.idx.msk [tilespmem:v2+s16+$0x0], $0xffff  }
0x387: {  	v40 =	vor.u32 $0x3, v2;
	v39 =	vld.idx.msk [tilespmem:v1+s18+$0x0], $0xffff  }
0x388: {  	v41 =	vor.u32 $0x3, v1;
	v3 =	vld.idx.msk [tilespmem:v3+s16+$0x0], $0xffff  }
0x389: {  	v42 =	vor.u32 $0x4, v2;
	v4 =	vld.idx.msk [tilespmem:v4+s18+$0x0], $0xffff  }
0x38a: {  	v43 =	vor.u32 $0x4, v1;
	v5 =	vld.idx.msk [tilespmem:v36+s16+$0x0], $0xffff  }
0x38b: {  	v44 =	vor.u32 $0x5, v2;
	v7 =	vld.idx.msk [tilespmem:v38+s18+$0x0], $0xffff  }
0x38c: {  	v45 =	vor.u32 $0x5, v1;
	v9 =	vld.idx.msk [tilespmem:v40+s16+$0x0], $0xffff;
	v6 =	vmul.f32 v39, v37  }
0x38d: {  	v47 =	vor.u32 $0x6, v2;
	v46 =	vld.idx.msk [tilespmem:v41+s18+$0x0], $0xffff  }
0x38e: {  	v48 =	vor.u32 $0x6, v1;
	v11 =	vld.idx.msk [tilespmem:v42+s16+$0x0], $0xffff;
	v3 =	vmul.f32 v4, v3;
	v6 =	vadd.f32 $0.0e+00, v6  }
0x38f: {  	v50 =	vor.u32 $0x7, v2;
	v49 =	vld.idx.msk [tilespmem:v43+s18+$0x0], $0xffff  }
0x390: {  	v51 =	vor.u32 $0x7, v1;
	v13 =	vld.idx.msk [tilespmem:v44+s16+$0x0], $0xffff;
	v5 =	vmul.f32 v7, v5;
	v3 =	vadd.f32 v3, v6  }
0x391: {  	v54 =	vor.u32 $0x8, v1;
	v52 =	vld.idx.msk [tilespmem:v45+s18+$0x0], $0xffff  }
0x392: {  	v53 =	vor.u32 $0x8, v2;
	v10 =	vld.idx.msk [tilespmem:v47+s16+$0x0], $0xffff;
	v55 =	vmul.f32 v46, v9;
	v3 =	vadd.f32 v5, v3  }
0x393: {  	v58 =	vor.u32 $0x9, v1;
	v56 =	vld.idx.msk [tilespmem:v48+s18+$0x0], $0xffff  }
0x394: {  	v57 =	vor.u32 $0x9, v2;
	v12 =	vld.idx.msk [tilespmem:v50+s16+$0x0], $0xffff;
	v4 =	vmul.f32 v49, v11;
	v3 =	vadd.f32 v55, v3  }
0x395: {  	v61 =	vor.u32 $0xA, v1;
	v59 =	vld.idx.msk [tilespmem:v51+s18+$0x0], $0xffff  }
0x396: {  	v60 =	vor.u32 $0xA, v2;
	v63 =	vld.idx.msk [tilespmem:v54+s18+$0x0], $0xffff;
	v62 =	vmul.f32 v52, v13;
	v3 =	vadd.f32 v4, v3  }
0x397: {  	v20 =	vor.u32 $0xB, v1;
	v7 =	vld.idx.msk [tilespmem:v53+s16+$0x0], $0xffff  }
0x398: {  	v19 =	vor.u32 $0xB, v2;
	v22 =	vld.idx.msk [tilespmem:v58+s18+$0x0], $0xffff;
	v21 =	vmul.f32 v56, v10;
	v3 =	vadd.f32 v62, v3  }
0x399: {  	v24 =	vor.u32 $0xC, v1;
	v9 =	vld.idx.msk [tilespmem:v57+s16+$0x0], $0xffff  }
0x39a: {  	v23 =	vor.u32 $0xC, v2;
	v26 =	vld.idx.msk [tilespmem:v61+s18+$0x0], $0xffff;
	v25 =	vmul.f32 v59, v12;
	v3 =	vadd.f32 v21, v3  }
0x39b: {  	v28 =	vor.u32 $0xD, v1;
	v11 =	vld.idx.msk [tilespmem:v60+s16+$0x0], $0xffff  }
0x39c: {  	v27 =	vor.u32 $0xD, v2;
	v30 =	vld.idx.msk [tilespmem:v20+s18+$0x0], $0xffff;
	v29 =	vmul.f32 v63, v7;
	v3 =	vadd.f32 v25, v3  }
0x39d: {  	v32 =	vor.u32 $0xE, v1;
	v13 =	vld.idx.msk [tilespmem:v19+s16+$0x0], $0xffff  }
0x39e: {  	v31 =	vor.u32 $0xE, v2;
	v34 =	vld.idx.msk [tilespmem:v24+s18+$0x0], $0xffff;
	v33 =	vmul.f32 v22, v9;
	v3 =	vadd.f32 v29, v3  }
0x39f: {  	v36 =	vor.u32 $0xF, v1;
	v10 =	vld.idx.msk [tilespmem:v23+s16+$0x0], $0xffff  }
0x3a0: {  	v35 =	vor.u32 $0xF, v2;
	v38 =	vld.idx.msk [tilespmem:v28+s18+$0x0], $0xffff;
	v37 =	vmul.f32 v26, v11;
	v3 =	vadd.f32 v33, v3  }
0x3a1: {  	v40 =	vor.u32 $0x10, v1;
	v12 =	vld.idx.msk [tilespmem:v27+s16+$0x0], $0xffff  }
0x3a2: {  	v42 =	vld.idx.msk [tilespmem:v32+s18+$0x0], $0xffff;
	v39 =	vor.u32 $0x10, v2;
	v41 =	vmul.f32 v30, v13;
	v3 =	vadd.f32 v37, v3  }
0x3a3: {  	v44 =	vor.u32 $0x11, v1;
	v7 =	vld.idx.msk [tilespmem:v31+s16+$0x0], $0xffff  }
0x3a4: {  	v43 =	vor.u32 $0x11, v2;
	v46 =	vld.idx.msk [tilespmem:v36+s18+$0x0], $0xffff;
	v45 =	vmul.f32 v34, v10;
	v3 =	vadd.f32 v41, v3  }
0x3a5: {  	v48 =	vor.u32 $0x12, v1;
	v9 =	vld.idx.msk [tilespmem:v35+s16+$0x0], $0xffff  }
0x3a6: {  	v47 =	vor.u32 $0x12, v2;
	v50 =	vld.idx.msk [tilespmem:v40+s18+$0x0], $0xffff;
	v49 =	vmul.f32 v38, v12;
	v3 =	vadd.f32 v45, v3  }
0x3a7: {  	v51 =	vor.u32 $0x13, v2;
	v11 =	vld.idx.msk [tilespmem:v39+s16+$0x0], $0xffff  }
0x3a8: {  	v52 =	vor.u32 $0x13, v1;
	v54 =	vld.idx.msk [tilespmem:v44+s18+$0x0], $0xffff;
	v53 =	vmul.f32 v42, v7;
	v3 =	vadd.f32 v49, v3  }
0x3a9: {  	v56 =	vor.u32 $0x14, v1;
	v13 =	vld.idx.msk [tilespmem:v43+s16+$0x0], $0xffff  }
0x3aa: {  	v58 =	vld.idx.msk [tilespmem:v48+s18+$0x0], $0xffff;
	v55 =	vor.u32 $0x14, v2;
	v57 =	vmul.f32 v46, v9;
	v3 =	vadd.f32 v53, v3  }
0x3ab: {  	v60 =	vor.u32 $0x15, v1;
	v10 =	vld.idx.msk [tilespmem:v47+s16+$0x0], $0xffff  }
0x3ac: {  	v59 =	vor.u32 $0x15, v2;
	v12 =	vld.idx.msk [tilespmem:v51+s16+$0x0], $0xffff;
	v61 =	vmul.f32 v50, v11;
	v3 =	vadd.f32 v57, v3  }
0x3ad: {  	v20 =	vor.u32 $0x16, v1;
	v62 =	vld.idx.msk [tilespmem:v52+s18+$0x0], $0xffff  }
0x3ae: {  	v63 =	vor.u32 $0x16, v2;
	v22 =	vld.idx.msk [tilespmem:v56+s18+$0x0], $0xffff;
	v21 =	vmul.f32 v54, v13;
	v3 =	vadd.f32 v61, v3  }
0x3af: {  	v24 =	vor.u32 $0x17, v1;
	v7 =	vld.idx.msk [tilespmem:v55+s16+$0x0], $0xffff  }
0x3b0: {  	v23 =	vor.u32 $0x17, v2;
	v26 =	vld.idx.msk [tilespmem:v60+s18+$0x0], $0xffff;
	v25 =	vmul.f32 v58, v10;
	v3 =	vadd.f32 v21, v3  }
0x3b1: {  	v28 =	vor.u32 $0x18, v1;
	v9 =	vld.idx.msk [tilespmem:v59+s16+$0x0], $0xffff  }
0x3b2: {  	v27 =	vor.u32 $0x18, v2;
	v30 =	vld.idx.msk [tilespmem:v20+s18+$0x0], $0xffff;
	v29 =	vmul.f32 v62, v12;
	v3 =	vadd.f32 v25, v3  }
0x3b3: {  	v32 =	vor.u32 $0x19, v1;
	v11 =	vld.idx.msk [tilespmem:v63+s16+$0x0], $0xffff  }
0x3b4: {  	v31 =	vor.u32 $0x19, v2;
	v34 =	vld.idx.msk [tilespmem:v24+s18+$0x0], $0xffff;
	v33 =	vmul.f32 v22, v7;
	v3 =	vadd.f32 v29, v3  }
0x3b5: {  	v36 =	vor.u32 $0x1A, v1;
	v13 =	vld.idx.msk [tilespmem:v23+s16+$0x0], $0xffff  }
0x3b6: {  	v35 =	vor.u32 $0x1A, v2;
	v38 =	vld.idx.msk [tilespmem:v28+s18+$0x0], $0xffff;
	v37 =	vmul.f32 v26, v9;
	v3 =	vadd.f32 v33, v3  }
0x3b7: {  	v40 =	vor.u32 $0x1B, v1;
	v10 =	vld.idx.msk [tilespmem:v27+s16+$0x0], $0xffff  }
0x3b8: {  	v39 =	vor.u32 $0x1B, v2;
	v42 =	vld.idx.msk [tilespmem:v32+s18+$0x0], $0xffff;
	v41 =	vmul.f32 v30, v11;
	v3 =	vadd.f32 v37, v3  }
0x3b9: {  	v44 =	vor.u32 $0x1C, v1;
	v12 =	vld.idx.msk [tilespmem:v31+s16+$0x0], $0xffff  }
0x3ba: {  	v43 =	vor.u32 $0x1C, v2;
	v46 =	vld.idx.msk [tilespmem:v36+s18+$0x0], $0xffff;
	v45 =	vmul.f32 v34, v13;
	v3 =	vadd.f32 v41, v3  }
0x3bb: {  	v47 =	vor.u32 $0x1D, v2;
	v7 =	vld.idx.msk [tilespmem:v35+s16+$0x0], $0xffff  }
0x3bc: {  	v48 =	vor.u32 $0x1D, v1;
	v50 =	vld.idx.msk [tilespmem:v40+s18+$0x0], $0xffff;
	v49 =	vmul.f32 v38, v10;
	v3 =	vadd.f32 v45, v3  }
0x3bd: {  	v51 =	vor.u32 $0x1E, v2;
	v9 =	vld.idx.msk [tilespmem:v39+s16+$0x0], $0xffff  }
0x3be: {  	v52 =	vor.u32 $0x1E, v1;
	v54 =	vld.idx.msk [tilespmem:v44+s18+$0x0], $0xffff;
	v53 =	vmul.f32 v42, v12;
	v3 =	vadd.f32 v49, v3  }
0x3bf: {  	v2 =	vor.u32 $0x1F, v2;
	v11 =	vld.idx.msk [tilespmem:v43+s16+$0x0], $0xffff  }
0x3c0: {  	v1 =	vor.u32 $0x1F, v1;
	v55 =	vld.idx.msk [tilespmem:v47+s16+$0x0], $0xffff;
	v56 =	vmul.f32 v46, v7;
	v3 =	vadd.f32 v53, v3  }
0x3c1: {  	v57 =	vld.idx.msk [tilespmem:v48+s18+$0x0], $0xffff  }
0x3c2: {  	v58 =	vld.idx.msk [tilespmem:v51+s16+$0x0], $0xffff;
	v59 =	vmul.f32 v50, v9;
	v3 =	vadd.f32 v56, v3  }
0x3c3: {  	v60 =	vld.idx.msk [tilespmem:v52+s18+$0x0], $0xffff  }
0x3c4: {  	v2 =	vld.idx.msk [tilespmem:v2+s16+$0x0], $0xffff;
	v61 =	vmul.f32 v54, v11;
	v3 =	vadd.f32 v59, v3  }
0x3c5: {  	v1 =	vld.idx.msk [tilespmem:v1+s18+$0x0], $0xffff  }
0x3c6: {  	v62 =	vmul.f32 v57, v55;
	v3 =	vadd.f32 v61, v3;
	_ =	sdelay $0x1  }
0x3c7: {  	v63 =	vmul.f32 v60, v58;
	v3 =	vadd.f32 v62, v3;
	_ =	sdelay $0x1  }
0x3c8: {  	v1 =	vmul.f32 v1, v2;
	v3 =	vadd.f32 v63, v3;
	_ =	sdelay $0x1  }
0x3c9: {  	v1 =	vadd.f32 v1, v3  }
0x3ca: {  	s26 =	simm.s32 $0x10980  }
0x3cb: {  	s28 =	simm.s32 $0x190;
	[tilespmem:s26+$0x0] =	vst v1  }
0x3cc: {  	s29 =	simm.s32 $0x390;
	v2 =	vld [tilespmem:s28+$0x0]  }
0x3cd: {  	s30 =	simm.s32 $0x10;
	s31 =	simm.s32 $0x20;
	v1 =	vld [tilespmem:s29+$0x0]  }
.LBB2_8:
0x3ce: {  	p0 =	sne.s32 s31, $0x70;
	_ =	sdelay $0x1  }
0x3cf: {  	v3 =	vmov s30;
	s30 =	smov.u32 s31  }
0x3d0: {  	v3 =	vshll.u32 v3, $0x7;
	v2 =	vshrl.u32 v2, $0x9  }
0x3d1: {  	v3 =	vor.u32 v0, v3;
	v2 =	vand.u32 $0x60, v2;
	v1 =	vshrl.u32 v1, $0x9  }
0x3d2: {  	v1 =	vand.u32 $0x60, v1;
	v2 =	vor.u32 v3, v2  }
0x3d3: {  	v1 =	vor.u32 v3, v1  }
0x3d4: {  	v3 =	vor.u32 $0x1, v2  }
0x3d5: {  	v4 =	vor.u32 $0x1, v1  }
0x3d6: {  	v5 =	vor.u32 $0x2, v2  }
0x3d7: {  	v7 =	vor.u32 $0x2, v1;
	v6 =	vld.idx.msk [tilespmem:v2+s16+$0x0], $0xffff  }
0x3d8: {  	v9 =	vor.u32 $0x3, v2;
	v8 =	vld.idx.msk [tilespmem:v1+s18+$0x0], $0xffff  }
0x3d9: {  	v10 =	vor.u32 $0x3, v1;
	v3 =	vld.idx.msk [tilespmem:v3+s16+$0x0], $0xffff  }
0x3da: {  	v11 =	vor.u32 $0x4, v2;
	v4 =	vld.idx.msk [tilespmem:v4+s18+$0x0], $0xffff  }
0x3db: {  	v12 =	vor.u32 $0x4, v1;
	v5 =	vld.idx.msk [tilespmem:v5+s16+$0x0], $0xffff  }
0x3dc: {  	v13 =	vor.u32 $0x5, v2;
	v7 =	vld.idx.msk [tilespmem:v7+s18+$0x0], $0xffff  }
0x3dd: {  	v14 =	vor.u32 $0x5, v1;
	v9 =	vld.idx.msk [tilespmem:v9+s16+$0x0], $0xffff  }
0x3de: {  	v6 =	vmul.f32 v8, v6;
	v8 =	vld.idx.msk [tilespmem:v10+s18+$0x0], $0xffff;
	v10 =	vor.u32 $0x6, v2  }
0x3df: {  	v15 =	vor.u32 $0x6, v1;
	v11 =	vld.idx.msk [tilespmem:v11+s16+$0x0], $0xffff  }
0x3e0: {  	v6 =	vadd.f32 $0.0e+00, v6;
	v3 =	vmul.f32 v4, v3;
	v4 =	vld.idx.msk [tilespmem:v12+s18+$0x0], $0xffff;
	v12 =	vor.u32 $0x7, v2  }
0x3e1: {  	v16 =	vor.u32 $0x7, v1;
	v13 =	vld.idx.msk [tilespmem:v13+s16+$0x0], $0xffff  }
0x3e2: {  	v3 =	vadd.f32 v3, v6;
	v5 =	vmul.f32 v7, v5;
	v7 =	vor.u32 $0x8, v2;
	v6 =	vld.idx.msk [tilespmem:v14+s18+$0x0], $0xffff  }
0x3e3: {  	v14 =	vor.u32 $0x8, v1;
	v10 =	vld.idx.msk [tilespmem:v10+s16+$0x0], $0xffff  }
0x3e4: {  	v3 =	vadd.f32 v5, v3;
	v5 =	vmul.f32 v8, v9;
	v9 =	vor.u32 $0x9, v2;
	v8 =	vld.idx.msk [tilespmem:v15+s18+$0x0], $0xffff  }
0x3e5: {  	v15 =	vor.u32 $0x9, v1;
	v12 =	vld.idx.msk [tilespmem:v12+s16+$0x0], $0xffff  }
0x3e6: {  	v3 =	vadd.f32 v5, v3;
	v4 =	vmul.f32 v4, v11;
	v11 =	vor.u32 $0xA, v2;
	v5 =	vld.idx.msk [tilespmem:v16+s18+$0x0], $0xffff  }
0x3e7: {  	v16 =	vor.u32 $0xA, v1;
	v7 =	vld.idx.msk [tilespmem:v7+s16+$0x0], $0xffff  }
0x3e8: {  	v3 =	vadd.f32 v4, v3;
	v4 =	vmul.f32 v6, v13;
	v13 =	vor.u32 $0xB, v2;
	v6 =	vld.idx.msk [tilespmem:v14+s18+$0x0], $0xffff  }
0x3e9: {  	v14 =	vor.u32 $0xB, v1;
	v9 =	vld.idx.msk [tilespmem:v9+s16+$0x0], $0xffff  }
0x3ea: {  	v3 =	vadd.f32 v4, v3;
	v4 =	vmul.f32 v8, v10;
	v10 =	vor.u32 $0xC, v2;
	v8 =	vld.idx.msk [tilespmem:v15+s18+$0x0], $0xffff  }
0x3eb: {  	v15 =	vor.u32 $0xC, v1;
	v11 =	vld.idx.msk [tilespmem:v11+s16+$0x0], $0xffff  }
0x3ec: {  	v3 =	vadd.f32 v4, v3;
	v4 =	vmul.f32 v5, v12;
	v12 =	vor.u32 $0xD, v2;
	v5 =	vld.idx.msk [tilespmem:v16+s18+$0x0], $0xffff  }
0x3ed: {  	v16 =	vor.u32 $0xD, v1;
	v13 =	vld.idx.msk [tilespmem:v13+s16+$0x0], $0xffff  }
0x3ee: {  	v3 =	vadd.f32 v4, v3;
	v4 =	vmul.f32 v6, v7;
	v7 =	vor.u32 $0xE, v2;
	v6 =	vld.idx.msk [tilespmem:v14+s18+$0x0], $0xffff  }
0x3ef: {  	v14 =	vor.u32 $0xE, v1;
	v10 =	vld.idx.msk [tilespmem:v10+s16+$0x0], $0xffff  }
0x3f0: {  	v3 =	vadd.f32 v4, v3;
	v4 =	vmul.f32 v8, v9;
	v9 =	vor.u32 $0xF, v2;
	v8 =	vld.idx.msk [tilespmem:v15+s18+$0x0], $0xffff  }
0x3f1: {  	v15 =	vor.u32 $0xF, v1;
	v12 =	vld.idx.msk [tilespmem:v12+s16+$0x0], $0xffff  }
0x3f2: {  	v3 =	vadd.f32 v4, v3;
	v4 =	vmul.f32 v5, v11;
	v11 =	vor.u32 $0x10, v2;
	v5 =	vld.idx.msk [tilespmem:v16+s18+$0x0], $0xffff  }
0x3f3: {  	v16 =	vor.u32 $0x10, v1;
	v7 =	vld.idx.msk [tilespmem:v7+s16+$0x0], $0xffff  }
0x3f4: {  	v3 =	vadd.f32 v4, v3;
	v4 =	vmul.f32 v6, v13;
	v13 =	vor.u32 $0x11, v2;
	v6 =	vld.idx.msk [tilespmem:v14+s18+$0x0], $0xffff  }
0x3f5: {  	v14 =	vor.u32 $0x11, v1;
	v9 =	vld.idx.msk [tilespmem:v9+s16+$0x0], $0xffff  }
0x3f6: {  	v3 =	vadd.f32 v4, v3;
	v4 =	vmul.f32 v8, v10;
	v10 =	vor.u32 $0x12, v2;
	v8 =	vld.idx.msk [tilespmem:v15+s18+$0x0], $0xffff  }
0x3f7: {  	v15 =	vor.u32 $0x12, v1;
	v11 =	vld.idx.msk [tilespmem:v11+s16+$0x0], $0xffff  }
0x3f8: {  	v3 =	vadd.f32 v4, v3;
	v4 =	vmul.f32 v5, v12;
	v12 =	vor.u32 $0x13, v2;
	v5 =	vld.idx.msk [tilespmem:v16+s18+$0x0], $0xffff  }
0x3f9: {  	v16 =	vor.u32 $0x13, v1;
	v13 =	vld.idx.msk [tilespmem:v13+s16+$0x0], $0xffff  }
0x3fa: {  	v3 =	vadd.f32 v4, v3;
	v4 =	vmul.f32 v6, v7;
	v7 =	vor.u32 $0x14, v2;
	v6 =	vld.idx.msk [tilespmem:v14+s18+$0x0], $0xffff  }
0x3fb: {  	v14 =	vor.u32 $0x14, v1;
	v10 =	vld.idx.msk [tilespmem:v10+s16+$0x0], $0xffff  }
0x3fc: {  	v3 =	vadd.f32 v4, v3;
	v4 =	vmul.f32 v8, v9;
	v9 =	vor.u32 $0x15, v2;
	v8 =	vld.idx.msk [tilespmem:v15+s18+$0x0], $0xffff  }
0x3fd: {  	v15 =	vor.u32 $0x15, v1;
	v12 =	vld.idx.msk [tilespmem:v12+s16+$0x0], $0xffff  }
0x3fe: {  	v3 =	vadd.f32 v4, v3;
	v4 =	vmul.f32 v5, v11;
	v11 =	vor.u32 $0x16, v2;
	v5 =	vld.idx.msk [tilespmem:v16+s18+$0x0], $0xffff  }
0x3ff: {  	v16 =	vor.u32 $0x16, v1;
	v7 =	vld.idx.msk [tilespmem:v7+s16+$0x0], $0xffff  }
0x400: {  	v3 =	vadd.f32 v4, v3;
	v4 =	vmul.f32 v6, v13;
	v13 =	vor.u32 $0x17, v2;
	v6 =	vld.idx.msk [tilespmem:v14+s18+$0x0], $0xffff  }
0x401: {  	v14 =	vor.u32 $0x17, v1;
	v9 =	vld.idx.msk [tilespmem:v9+s16+$0x0], $0xffff  }
0x402: {  	v3 =	vadd.f32 v4, v3;
	v4 =	vmul.f32 v8, v10;
	v10 =	vor.u32 $0x18, v2;
	v8 =	vld.idx.msk [tilespmem:v15+s18+$0x0], $0xffff  }
0x403: {  	v15 =	vor.u32 $0x18, v1;
	v11 =	vld.idx.msk [tilespmem:v11+s16+$0x0], $0xffff  }
0x404: {  	v3 =	vadd.f32 v4, v3;
	v4 =	vmul.f32 v5, v12;
	v12 =	vor.u32 $0x19, v2;
	v5 =	vld.idx.msk [tilespmem:v16+s18+$0x0], $0xffff  }
0x405: {  	v16 =	vor.u32 $0x19, v1;
	v13 =	vld.idx.msk [tilespmem:v13+s16+$0x0], $0xffff  }
0x406: {  	v3 =	vadd.f32 v4, v3;
	v4 =	vmul.f32 v6, v7;
	v7 =	vor.u32 $0x1A, v2;
	v6 =	vld.idx.msk [tilespmem:v14+s18+$0x0], $0xffff  }
0x407: {  	v14 =	vor.u32 $0x1A, v1;
	v10 =	vld.idx.msk [tilespmem:v10+s16+$0x0], $0xffff  }
0x408: {  	v3 =	vadd.f32 v4, v3;
	v4 =	vmul.f32 v8, v9;
	v9 =	vor.u32 $0x1B, v2;
	v8 =	vld.idx.msk [tilespmem:v15+s18+$0x0], $0xffff  }
0x409: {  	v15 =	vor.u32 $0x1B, v1;
	v12 =	vld.idx.msk [tilespmem:v12+s16+$0x0], $0xffff  }
0x40a: {  	v3 =	vadd.f32 v4, v3;
	v4 =	vmul.f32 v5, v11;
	v11 =	vor.u32 $0x1C, v2;
	v5 =	vld.idx.msk [tilespmem:v16+s18+$0x0], $0xffff  }
0x40b: {  	v16 =	vor.u32 $0x1C, v1;
	v7 =	vld.idx.msk [tilespmem:v7+s16+$0x0], $0xffff  }
0x40c: {  	v3 =	vadd.f32 v4, v3;
	v4 =	vmul.f32 v6, v13;
	v13 =	vor.u32 $0x1D, v2;
	v6 =	vld.idx.msk [tilespmem:v14+s18+$0x0], $0xffff  }
0x40d: {  	v14 =	vor.u32 $0x1D, v1;
	v9 =	vld.idx.msk [tilespmem:v9+s16+$0x0], $0xffff  }
0x40e: {  	v3 =	vadd.f32 v4, v3;
	v4 =	vmul.f32 v8, v10;
	v10 =	vor.u32 $0x1E, v2;
	v8 =	vld.idx.msk [tilespmem:v15+s18+$0x0], $0xffff  }
0x40f: {  	v15 =	vor.u32 $0x1E, v1;
	v11 =	vld.idx.msk [tilespmem:v11+s16+$0x0], $0xffff  }
0x410: {  	v2 =	vor.u32 $0x1F, v2;
	v3 =	vadd.f32 v4, v3;
	v4 =	vmul.f32 v5, v12;
	v5 =	vld.idx.msk [tilespmem:v16+s18+$0x0], $0xffff  }
0x411: {  	v1 =	vor.u32 $0x1F, v1;
	v12 =	vld.idx.msk [tilespmem:v13+s16+$0x0], $0xffff  }
0x412: {  	v3 =	vadd.f32 v4, v3;
	v4 =	vmul.f32 v6, v7;
	v6 =	vld.idx.msk [tilespmem:v14+s18+$0x0], $0xffff  }
0x413: {  	v7 =	vld.idx.msk [tilespmem:v10+s16+$0x0], $0xffff  }
0x414: {  	v3 =	vadd.f32 v4, v3;
	v4 =	vmul.f32 v8, v9;
	v8 =	vld.idx.msk [tilespmem:v15+s18+$0x0], $0xffff  }
0x415: {  	v2 =	vld.idx.msk [tilespmem:v2+s16+$0x0], $0xffff  }
0x416: {  	v3 =	vadd.f32 v4, v3;
	v4 =	vmul.f32 v5, v11;
	v1 =	vld.idx.msk [tilespmem:v1+s18+$0x0], $0xffff;
	_ =	sdelay $0x1  }
0x417: {  	v3 =	vadd.f32 v4, v3;
	v4 =	vmul.f32 v6, v12;
	_ =	sdelay $0x1  }
0x418: {  	v3 =	vadd.f32 v4, v3;
	v4 =	vmul.f32 v8, v7;
	_ =	sdelay $0x1  }
0x419: {  	v3 =	vadd.f32 v4, v3;
	v1 =	vmul.f32 v1, v2;
	_ =	sdelay $0x1  }
.Ltmp3:
0x41a: {  	v1 =	vadd.f32 v1, v3;
	(pc) =	sbr.rel @p0 .LBB2_8-.Ltmp3, $4  }
0x41b: {  	s26 =	sadd.s32 $0x10, s26  }
0x41c: {  	s28 =	sadd.s32 $0x10, s28;
	[tilespmem:s26+$0x0] =	vst v1  }
0x41d: {  	s29 =	sadd.s32 $0x10, s29;
	v2 =	vld [tilespmem:s28+$0x0]  }
0x41e: {  	s31 =	sadd.s32 $0x10, s31;
	v1 =	vld [tilespmem:s29+$0x0]  }
0x41f: {  	_ =	sdelay $0x1  }
0x420: {  	v3 =	vmov s30  }
0x421: {  	v3 =	vshll.u32 v3, $0x7;
	v2 =	vshrl.u32 v2, $0x9  }
0x422: {  	v3 =	vor.u32 v0, v3;
	v2 =	vand.u32 $0x60, v2;
	v1 =	vshrl.u32 v1, $0x9  }
0x423: {  	v1 =	vand.u32 $0x60, v1;
	v2 =	vor.u32 v3, v2  }
0x424: {  	v1 =	vor.u32 v3, v1  }
0x425: {  	v3 =	vor.u32 $0x1, v2  }
0x426: {  	v4 =	vor.u32 $0x1, v1  }
0x427: {  	v5 =	vor.u32 $0x2, v2  }
0x428: {  	v7 =	vor.u32 $0x2, v1;
	v6 =	vld.idx.msk [tilespmem:v2+s16+$0x0], $0xffff  }
0x429: {  	v9 =	vor.u32 $0x3, v2;
	v8 =	vld.idx.msk [tilespmem:v1+s18+$0x0], $0xffff  }
0x42a: {  	v10 =	vor.u32 $0x3, v1;
	v3 =	vld.idx.msk [tilespmem:v3+s16+$0x0], $0xffff  }
0x42b: {  	v11 =	vor.u32 $0x4, v2;
	v4 =	vld.idx.msk [tilespmem:v4+s18+$0x0], $0xffff  }
0x42c: {  	v12 =	vor.u32 $0x4, v1;
	v5 =	vld.idx.msk [tilespmem:v5+s16+$0x0], $0xffff  }
0x42d: {  	v13 =	vor.u32 $0x5, v2;
	v7 =	vld.idx.msk [tilespmem:v7+s18+$0x0], $0xffff  }
0x42e: {  	v14 =	vor.u32 $0x5, v1;
	v9 =	vld.idx.msk [tilespmem:v9+s16+$0x0], $0xffff;
	v6 =	vmul.f32 v8, v6  }
0x42f: {  	v49 =	vor.u32 $0x6, v2;
	v48 =	vld.idx.msk [tilespmem:v10+s18+$0x0], $0xffff  }
0x430: {  	v15 =	vor.u32 $0x6, v1;
	v11 =	vld.idx.msk [tilespmem:v11+s16+$0x0], $0xffff;
	v3 =	vmul.f32 v4, v3;
	v6 =	vadd.f32 $0.0e+00, v6  }
0x431: {  	v51 =	vor.u32 $0x7, v2;
	v50 =	vld.idx.msk [tilespmem:v12+s18+$0x0], $0xffff  }
0x432: {  	v16 =	vor.u32 $0x7, v1;
	v13 =	vld.idx.msk [tilespmem:v13+s16+$0x0], $0xffff;
	v5 =	vmul.f32 v7, v5;
	v3 =	vadd.f32 v3, v6  }
0x433: {  	v54 =	vor.u32 $0x8, v1;
	v52 =	vld.idx.msk [tilespmem:v14+s18+$0x0], $0xffff  }
0x434: {  	v53 =	vor.u32 $0x8, v2;
	v10 =	vld.idx.msk [tilespmem:v49+s16+$0x0], $0xffff;
	v55 =	vmul.f32 v48, v9;
	v3 =	vadd.f32 v5, v3  }
0x435: {  	v58 =	vor.u32 $0x9, v1;
	v56 =	vld.idx.msk [tilespmem:v15+s18+$0x0], $0xffff  }
0x436: {  	v57 =	vor.u32 $0x9, v2;
	v12 =	vld.idx.msk [tilespmem:v51+s16+$0x0], $0xffff;
	v4 =	vmul.f32 v50, v11;
	v3 =	vadd.f32 v55, v3  }
0x437: {  	v61 =	vor.u32 $0xA, v1;
	v59 =	vld.idx.msk [tilespmem:v16+s18+$0x0], $0xffff  }
0x438: {  	v60 =	vor.u32 $0xA, v2;
	v63 =	vld.idx.msk [tilespmem:v54+s18+$0x0], $0xffff;
	v62 =	vmul.f32 v52, v13;
	v3 =	vadd.f32 v4, v3  }
0x439: {  	v20 =	vor.u32 $0xB, v1;
	v7 =	vld.idx.msk [tilespmem:v53+s16+$0x0], $0xffff  }
0x43a: {  	v19 =	vor.u32 $0xB, v2;
	v22 =	vld.idx.msk [tilespmem:v58+s18+$0x0], $0xffff;
	v21 =	vmul.f32 v56, v10;
	v3 =	vadd.f32 v62, v3  }
0x43b: {  	v24 =	vor.u32 $0xC, v1;
	v9 =	vld.idx.msk [tilespmem:v57+s16+$0x0], $0xffff  }
0x43c: {  	v23 =	vor.u32 $0xC, v2;
	v26 =	vld.idx.msk [tilespmem:v61+s18+$0x0], $0xffff;
	v25 =	vmul.f32 v59, v12;
	v3 =	vadd.f32 v21, v3  }
0x43d: {  	v28 =	vor.u32 $0xD, v1;
	v11 =	vld.idx.msk [tilespmem:v60+s16+$0x0], $0xffff  }
0x43e: {  	v27 =	vor.u32 $0xD, v2;
	v30 =	vld.idx.msk [tilespmem:v20+s18+$0x0], $0xffff;
	v29 =	vmul.f32 v63, v7;
	v3 =	vadd.f32 v25, v3  }
0x43f: {  	v32 =	vor.u32 $0xE, v1;
	v13 =	vld.idx.msk [tilespmem:v19+s16+$0x0], $0xffff  }
0x440: {  	v31 =	vor.u32 $0xE, v2;
	v34 =	vld.idx.msk [tilespmem:v24+s18+$0x0], $0xffff;
	v33 =	vmul.f32 v22, v9;
	v3 =	vadd.f32 v29, v3  }
0x441: {  	v36 =	vor.u32 $0xF, v1;
	v10 =	vld.idx.msk [tilespmem:v23+s16+$0x0], $0xffff  }
0x442: {  	v35 =	vor.u32 $0xF, v2;
	v38 =	vld.idx.msk [tilespmem:v28+s18+$0x0], $0xffff;
	v37 =	vmul.f32 v26, v11;
	v3 =	vadd.f32 v33, v3  }
0x443: {  	v40 =	vor.u32 $0x10, v1;
	v12 =	vld.idx.msk [tilespmem:v27+s16+$0x0], $0xffff  }
0x444: {  	v39 =	vor.u32 $0x10, v2;
	v42 =	vld.idx.msk [tilespmem:v32+s18+$0x0], $0xffff;
	v41 =	vmul.f32 v30, v13;
	v3 =	vadd.f32 v37, v3  }
0x445: {  	v44 =	vor.u32 $0x11, v1;
	v7 =	vld.idx.msk [tilespmem:v31+s16+$0x0], $0xffff  }
0x446: {  	v43 =	vor.u32 $0x11, v2;
	v46 =	vld.idx.msk [tilespmem:v36+s18+$0x0], $0xffff;
	v45 =	vmul.f32 v34, v10;
	v3 =	vadd.f32 v41, v3  }
0x447: {  	v47 =	vor.u32 $0x12, v2;
	v9 =	vld.idx.msk [tilespmem:v35+s16+$0x0], $0xffff  }
0x448: {  	v48 =	vor.u32 $0x12, v1;
	v50 =	vld.idx.msk [tilespmem:v40+s18+$0x0], $0xffff;
	v49 =	vmul.f32 v38, v12;
	v3 =	vadd.f32 v45, v3  }
0x449: {  	v51 =	vor.u32 $0x13, v2;
	v11 =	vld.idx.msk [tilespmem:v39+s16+$0x0], $0xffff  }
0x44a: {  	v54 =	vld.idx.msk [tilespmem:v44+s18+$0x0], $0xffff;
	v52 =	vor.u32 $0x13, v1;
	v53 =	vmul.f32 v42, v7;
	v3 =	vadd.f32 v49, v3  }
0x44b: {  	v56 =	vor.u32 $0x14, v1;
	v13 =	vld.idx.msk [tilespmem:v43+s16+$0x0], $0xffff  }
0x44c: {  	v10 =	vld.idx.msk [tilespmem:v47+s16+$0x0], $0xffff;
	v55 =	vor.u32 $0x14, v2;
	v57 =	vmul.f32 v46, v9;
	v3 =	vadd.f32 v53, v3  }
0x44d: {  	v60 =	vor.u32 $0x15, v1;
	v58 =	vld.idx.msk [tilespmem:v48+s18+$0x0], $0xffff  }
0x44e: {  	v59 =	vor.u32 $0x15, v2;
	v12 =	vld.idx.msk [tilespmem:v51+s16+$0x0], $0xffff;
	v61 =	vmul.f32 v50, v11;
	v3 =	vadd.f32 v57, v3  }
0x44f: {  	v20 =	vor.u32 $0x16, v1;
	v62 =	vld.idx.msk [tilespmem:v52+s18+$0x0], $0xffff  }
0x450: {  	v63 =	vor.u32 $0x16, v2;
	v22 =	vld.idx.msk [tilespmem:v56+s18+$0x0], $0xffff;
	v21 =	vmul.f32 v54, v13;
	v3 =	vadd.f32 v61, v3  }
0x451: {  	v24 =	vor.u32 $0x17, v1;
	v7 =	vld.idx.msk [tilespmem:v55+s16+$0x0], $0xffff  }
0x452: {  	v23 =	vor.u32 $0x17, v2;
	v26 =	vld.idx.msk [tilespmem:v60+s18+$0x0], $0xffff;
	v25 =	vmul.f32 v58, v10;
	v3 =	vadd.f32 v21, v3  }
0x453: {  	v28 =	vor.u32 $0x18, v1;
	v9 =	vld.idx.msk [tilespmem:v59+s16+$0x0], $0xffff  }
0x454: {  	v27 =	vor.u32 $0x18, v2;
	v30 =	vld.idx.msk [tilespmem:v20+s18+$0x0], $0xffff;
	v29 =	vmul.f32 v62, v12;
	v3 =	vadd.f32 v25, v3  }
0x455: {  	v32 =	vor.u32 $0x19, v1;
	v11 =	vld.idx.msk [tilespmem:v63+s16+$0x0], $0xffff  }
0x456: {  	v31 =	vor.u32 $0x19, v2;
	v34 =	vld.idx.msk [tilespmem:v24+s18+$0x0], $0xffff;
	v33 =	vmul.f32 v22, v7;
	v3 =	vadd.f32 v29, v3  }
0x457: {  	v36 =	vor.u32 $0x1A, v1;
	v13 =	vld.idx.msk [tilespmem:v23+s16+$0x0], $0xffff  }
0x458: {  	v35 =	vor.u32 $0x1A, v2;
	v38 =	vld.idx.msk [tilespmem:v28+s18+$0x0], $0xffff;
	v37 =	vmul.f32 v26, v9;
	v3 =	vadd.f32 v33, v3  }
0x459: {  	v40 =	vor.u32 $0x1B, v1;
	v10 =	vld.idx.msk [tilespmem:v27+s16+$0x0], $0xffff  }
0x45a: {  	v39 =	vor.u32 $0x1B, v2;
	v42 =	vld.idx.msk [tilespmem:v32+s18+$0x0], $0xffff;
	v41 =	vmul.f32 v30, v11;
	v3 =	vadd.f32 v37, v3  }
0x45b: {  	v44 =	vor.u32 $0x1C, v1;
	v12 =	vld.idx.msk [tilespmem:v31+s16+$0x0], $0xffff  }
0x45c: {  	v43 =	vor.u32 $0x1C, v2;
	v46 =	vld.idx.msk [tilespmem:v36+s18+$0x0], $0xffff;
	v45 =	vmul.f32 v34, v13;
	v3 =	vadd.f32 v41, v3  }
0x45d: {  	v47 =	vor.u32 $0x1D, v2;
	v7 =	vld.idx.msk [tilespmem:v35+s16+$0x0], $0xffff  }
0x45e: {  	v48 =	vor.u32 $0x1D, v1;
	v50 =	vld.idx.msk [tilespmem:v40+s18+$0x0], $0xffff;
	v49 =	vmul.f32 v38, v10;
	v3 =	vadd.f32 v45, v3  }
0x45f: {  	v51 =	vor.u32 $0x1E, v2;
	v9 =	vld.idx.msk [tilespmem:v39+s16+$0x0], $0xffff  }
0x460: {  	v52 =	vor.u32 $0x1E, v1;
	v54 =	vld.idx.msk [tilespmem:v44+s18+$0x0], $0xffff;
	v53 =	vmul.f32 v42, v12;
	v3 =	vadd.f32 v49, v3  }
0x461: {  	v2 =	vor.u32 $0x1F, v2;
	v11 =	vld.idx.msk [tilespmem:v43+s16+$0x0], $0xffff  }
0x462: {  	v1 =	vor.u32 $0x1F, v1;
	v55 =	vld.idx.msk [tilespmem:v47+s16+$0x0], $0xffff;
	v56 =	vmul.f32 v46, v7;
	v3 =	vadd.f32 v53, v3  }
0x463: {  	v57 =	vld.idx.msk [tilespmem:v48+s18+$0x0], $0xffff  }
0x464: {  	v58 =	vld.idx.msk [tilespmem:v51+s16+$0x0], $0xffff;
	v59 =	vmul.f32 v50, v9;
	v3 =	vadd.f32 v56, v3  }
0x465: {  	v60 =	vld.idx.msk [tilespmem:v52+s18+$0x0], $0xffff  }
0x466: {  	v2 =	vld.idx.msk [tilespmem:v2+s16+$0x0], $0xffff;
	v61 =	vmul.f32 v54, v11;
	v3 =	vadd.f32 v59, v3  }
0x467: {  	v1 =	vld.idx.msk [tilespmem:v1+s18+$0x0], $0xffff  }
0x468: {  	v62 =	vmul.f32 v57, v55;
	v3 =	vadd.f32 v61, v3;
	_ =	sdelay $0x1  }
0x469: {  	v63 =	vmul.f32 v60, v58;
	v3 =	vadd.f32 v62, v3;
	_ =	sdelay $0x1  }
0x46a: {  	v1 =	vmul.f32 v1, v2;
	v3 =	vadd.f32 v63, v3;
	_ =	sdelay $0x1  }
0x46b: {  	s25 =	sadd.s32 $0x1, s25;
	v1 =	vadd.f32 v1, v3  }
0x46c: {  	s26 =	sadd.s32 $0x10, s26;
	p0 =	sne.s32 s25, s8  }
.Ltmp4:
0x46d: {  	[tilespmem:s26+$0x0] =	vst v1;
	(pc) =	sbr.rel @p0 .LBB2_1-.Ltmp4, $4  }
0x46e: {  	[hbm4b:s7+s1] =	stream.linear.scatter [tilespmem:s24], [sflag:$0x2], $0x200, $0x38;
	[tilespmem:$0x10A00] =	vst v63  }
0x46f: {  	_ =	swait.ge [sflag:s9], $0x200  }
0x470: {  	[sflag:s9] =	ssyncset.done $0x0  }
0x471: {  	[sflag:s9] =	ssyncadd.s32 $0xFFFFFE00  }
0x472: {  	_ =	sfence.sel $0x180000  }
0x473: {  	[bflag:$0x0] =	sbarrier.arrive $0xFFFF  }
0x474: {  	p0 =	sne.s32 s2, $0x0;
	_ =	strace $0x90000047  }
0x475: {  	s0 =	sadd.s32 @!p0 $0x100000, s0;
	[bflag:$0x2] =	sbarrier.arrive $0xFFFF  }
0x476: {  	[sflag:s0] =	ssyncadd.tile.s32 @!p0 $0x1;
	_ =	shalt  }
.Lfunc_end2:
_tile_overlayer_lowered:
.L_overlay_start_2:
0x477: {  	(tag) =	ssettag $0x2  }
0x478: {  	s0 =	rddreg [dreg:$0x0];
	s2 =	stileid.u32  }
0x479: {  	s1 =	rddreg [dreg:$0x1];
	p0 =	sne.s32 s2, $0x0  }
0x47a: {  	s3 =	rddreg [dreg:$0x2];
	[bflag:$0x3] =	sbarrier.arrive $0xFFFF;
	s2 =	simm.s32 @!p0 $0x1C02  }
0x47b: {  	[timem:s3], [sflag:s2] =	dma.local @!p0 [hbm:s0], s1  }
0x47c: {  	s0 =	simm.s32 @!p0 $0x2  }
0x47d: {  	_ =	swait.ge @!p0 [sflag:s0], s1  }
0x47e: {  	s1 =	ssub.s32 @!p0 $0x0, s1;
	[sflag:s0] =	ssyncset.done @!p0 $0x0  }
0x47f: {  	[sflag:s0] =	ssyncadd.s32 @!p0 s1  }
0x480: {  	[bflag:$0x3] =	sbarrier.arrive $0xFFFF  }
0x481: {  	_ =	shalt  }

</sc_bundles>
